<compile_context>
chip_gen: v7x
topology: tpu7x:2x2x1
jax: 0.10.2.dev20260603
libtpu: 0.0.44.dev20260713+nightly
codegen_flags: <defaults>
</compile_context>

<pallas_src>
import jax
import jax.numpy as jnp
import numpy as np
from jax import lax
from jax.experimental import pallas as pl
from jax.experimental.pallas import tpu as pltpu
from jax.experimental.pallas import tpu_sc as plsc

N = 10000
G = 64
EPS = 1e-5
NP = 10240
LN = 128
TILES = 32
EPT = 5120
NB = EPT // LN
E_PAD = TILES * EPT
ROWS_PT = NP // 16
CPT = G * NP // 16

_mesh = plsc.VectorSubcoreMesh(core_axis_name="c", subcore_axis_name="s")


def _sc_hist_body(srcr, dstr, eor, batchr, z1dr,
                  deg_o, c_o,
                  src_v, dst_v, eo_v, cidx_v, gk_v, z1d_v,
                  hsem0, hsem1, cS, degS):
    c = lax.axis_index("c")
    s = lax.axis_index("s")
    t = c * 16 + s

    pltpu.sync_copy(srcr.at[pl.ds(t * NB, NB)], src_v)
    pltpu.sync_copy(dstr.at[pl.ds(t * NB, NB)], dst_v)
    pltpu.sync_copy(eor.at[pl.ds(t * NB, NB)], eo_v)
    pltpu.sync_copy(z1dr, z1d_v)

    def gk_fire(j, _):
        pltpu.async_copy(batchr.at[dst_v.at[j]], gk_v.at[j], hsem0)
        return 0

    lax.fori_loop(0, NB, gk_fire, 0)

    def gk_drain(j, _):
        pltpu.make_async_copy(batchr.at[dst_v.at[j]], gk_v.at[j],
                              hsem0).wait()
        return 0

    lax.fori_loop(0, NB, gk_drain, 0)

    def cidx_body(i, _):
        j = i // 8
        k = (i % 8) * 16
        cidx_v[j, pl.ds(k, 16)] = (gk_v[j, pl.ds(k, 16)] * NP
                                   + src_v[j, pl.ds(k, 16)])
        return 0

    lax.fori_loop(0, NB * 8, cidx_body, 0)

    pltpu.sync_copy(z1d_v.at[pl.ds(0, ROWS_PT)],
                    degS.at[pl.ds(s * ROWS_PT, ROWS_PT)])

    def zc(i, _):
        pltpu.sync_copy(z1d_v, cS.at[pl.ds(s * CPT + i * 4096, 4096)])
        return 0

    lax.fori_loop(0, CPT // 4096, zc, 0)
    plsc.subcore_barrier()

    def dc_fire(j, _):
        pltpu.async_copy(eo_v.at[j], degS.at[dst_v.at[j]], hsem0, add=True)
        pltpu.async_copy(eo_v.at[j], cS.at[cidx_v.at[j]], hsem1, add=True)
        return 0

    lax.fori_loop(0, NB, dc_fire, 0)

    def dc_drain(j, _):
        pltpu.make_async_copy(eo_v.at[j], degS.at[dst_v.at[j]],
                              hsem0).wait()
        pltpu.make_async_copy(eo_v.at[j], cS.at[cidx_v.at[j]],
                              hsem1).wait()
        return 0

    lax.fori_loop(0, NB, dc_drain, 0)
    plsc.subcore_barrier()
    pltpu.sync_copy(degS.at[pl.ds(s * ROWS_PT, ROWS_PT)],
                    deg_o.at[c, pl.ds(s * ROWS_PT, ROWS_PT)])

    def wc(i, _):
        off = s * CPT + i * 4096
        pltpu.sync_copy(cS.at[pl.ds(off, 4096)], c_o.at[c, pl.ds(off, 4096)])
        return 0

    lax.fori_loop(0, CPT // 4096, wc, 0)


def _sc_hist(src_p, dst_p, eones, batchp, z1d):
    f = pl.kernel(
        _sc_hist_body,
        out_type=(
            jax.ShapeDtypeStruct((2, NP), jnp.float32),
            jax.ShapeDtypeStruct((2, G * NP), jnp.float32),
        ),
        mesh=_mesh,
        scratch_types=[
            pltpu.VMEM((NB, LN), jnp.int32),
            pltpu.VMEM((NB, LN), jnp.int32),
            pltpu.VMEM((NB, LN), jnp.float32),
            pltpu.VMEM((NB, LN), jnp.int32),
            pltpu.VMEM((NB, LN), jnp.int32),
            pltpu.VMEM((4096,), jnp.float32),
            pltpu.SemaphoreType.DMA,
            pltpu.SemaphoreType.DMA,
            pltpu.VMEM_SHARED((G * NP,), jnp.float32),
            pltpu.VMEM_SHARED((NP,), jnp.float32),
        ],
    )
    return f(src_p, dst_p, eones, batchp, z1d)


def _make_sc_agg(nch, dtype=jnp.float32, W=LN):
    def body(table, srcr, dstr, z2dr, agg_o,
             src_v, dst_v, gidx_v, rows0, rows1, gsem0, gsem1, accS):
        c = lax.axis_index("c")
        s = lax.axis_index("s")
        t = c * 16 + s

        pltpu.sync_copy(srcr.at[pl.ds(t * NB, NB)], src_v)
        pltpu.sync_copy(dstr.at[pl.ds(t * NB, NB)], dst_v)

        for ch in range(nch):
            def gidx_body(i, _):
                j = i // 8
                k = (i % 8) * 16
                gidx_v[j, pl.ds(k, 16)] = src_v[j, pl.ds(k, 16)] * nch + ch
                return 0

            lax.fori_loop(0, NB * 8, gidx_body, 0)

            def zacc(i, _):
                pltpu.sync_copy(z2dr,
                                accS.at[pl.ds(s * ROWS_PT + i * 64, 64), :])
                return 0

            lax.fori_loop(0, ROWS_PT // 64, zacc, 0)
            plsc.subcore_barrier()

            pltpu.async_copy(table.at[gidx_v.at[0]], rows0, gsem0)

            def grp(g, _):
                j0 = 2 * g
                j1 = 2 * g + 1
                pltpu.async_copy(table.at[gidx_v.at[j1]], rows1, gsem1)
                pltpu.make_async_copy(table.at[gidx_v.at[j0]], rows0,
                                      gsem0).wait()
                pltpu.sync_copy(rows0, accS.at[dst_v.at[j0]], add=True)

                @pl.when(j1 + 1 < NB)
                def _():
                    pltpu.async_copy(table.at[gidx_v.at[j1 + 1]], rows0,
                                     gsem0)

                pltpu.make_async_copy(table.at[gidx_v.at[j1]], rows1,
                                      gsem1).wait()
                pltpu.sync_copy(rows1, accS.at[dst_v.at[j1]], add=True)
                return 0

            lax.fori_loop(0, NB // 2, grp, 0)
            plsc.subcore_barrier()
            pltpu.sync_copy(accS.at[pl.ds(s * ROWS_PT, ROWS_PT), :],
                            agg_o.at[c, ch, pl.ds(s * ROWS_PT, ROWS_PT), :])

    def run(table, src_p, dst_p, z2d):
        f = pl.kernel(
            body,
            out_type=jax.ShapeDtypeStruct((2, nch, NP, W), dtype),
            mesh=_mesh,
            scratch_types=[
                pltpu.VMEM((NB, LN), jnp.int32),
                pltpu.VMEM((NB, LN), jnp.int32),
                pltpu.VMEM((NB, LN), jnp.int32),
                pltpu.VMEM((LN, W), dtype),
                pltpu.VMEM((LN, W), dtype),
                pltpu.SemaphoreType.DMA,
                pltpu.SemaphoreType.DMA,
                pltpu.VMEM_SHARED((NP, W), dtype),
            ],
        )
        return f(table, src_p, dst_p, z2d)

    return run


_sc_agg2 = _make_sc_agg(2)
_sc_agg4 = _make_sc_agg(4)


def _tc1_body(agg_ref, xp_ref, deg_ref, L0_ref, R0_ref, cbd_ref, cbc_ref,
              s0_ref, b0_ref, h1_ref):
    i = pl.program_id(0)
    a0 = agg_ref[0] + agg_ref[2]
    a1 = agg_ref[1] + agg_ref[3]
    z = jnp.dot(a0, L0_ref[0], preferred_element_type=jnp.float32)
    z += jnp.dot(a1, L0_ref[1], preferred_element_type=jnp.float32)
    z += jnp.dot(xp_ref[...], R0_ref[...], preferred_element_type=jnp.float32)
    deg = deg_ref[0] + deg_ref[1]
    z += deg[:, None] * cbd_ref[...][None, :] + cbc_ref[...][None, :]
    h = jax.nn.relu(z * s0_ref[...][None, :] + b0_ref[...][None, :])
    rid = i * 256 + lax.broadcasted_iota(jnp.int32, (256, 1), 0)
    h1_ref[...] = jnp.where(rid < N, h, 0.0)


def _tc1(aggx_p, xp, deg_p, L0, R0, cbd, cbc, s0, b0):
    return pl.pallas_call(
        _tc1_body,
        grid=(NP // 256,),
        in_specs=[
            pl.BlockSpec((4, 256, LN), lambda i: (0, i, 0)),
            pl.BlockSpec((256, 256), lambda i: (i, 0)),
            pl.BlockSpec((2, 256), lambda i: (0, i)),
            pl.BlockSpec((2, LN, 512), lambda i: (0, 0, 0)),
            pl.BlockSpec((256, 512), lambda i: (0, 0)),
            pl.BlockSpec((512,), lambda i: (0,)),
            pl.BlockSpec((512,), lambda i: (0,)),
            pl.BlockSpec((512,), lambda i: (0,)),
            pl.BlockSpec((512,), lambda i: (0,)),
        ],
        out_specs=pl.BlockSpec((256, 512), lambda i: (i, 0)),
        out_shape=jax.ShapeDtypeStruct((NP, 512), jnp.float32),
    )(aggx_p, xp, deg_p, L0, R0, cbd, cbc, s0, b0)


def _tc23_body(agg_ref, h1_ref, deg_ref, L1_ref, R1_ref, l1b_ref,
               s1_ref, b1_ref, batch_ref, c_ref, wl_ref, wr_ref, bb_ref,
               cb_ref, out_ref, acc1, acc2, accn):
    i = pl.program_id(0)

    @pl.when(i == 0)
    def _():
        acc1[...] = jnp.zeros_like(acc1)
        acc2[...] = jnp.zeros_like(acc2)
        accn[...] = jnp.zeros_like(accn)

    deg = deg_ref[0] + deg_ref[1]
    idg = 1.0 / jnp.maximum(deg, 1.0)
    z = jnp.dot(h1_ref[...], R1_ref[...], preferred_element_type=jnp.float32)
    for ch in range(4):
        a = (agg_ref[ch] + agg_ref[ch + 4]) * idg[:, None]
        z += jnp.dot(a, L1_ref[ch], preferred_element_type=jnp.float32)
    z += l1b_ref[...][None, :]
    h = jax.nn.relu(z * s1_ref[...][None, :] + b1_ref[...][None, :])
    rid = i * 256 + lax.broadcasted_iota(jnp.int32, (256, 1), 0)
    h2 = jnp.where(rid < N, h, 0.0)

    bb = batch_ref[...]
    gi = lax.broadcasted_iota(jnp.int32, (256, G), 1)
    oh = (bb[:, None] == gi).astype(jnp.float32)
    acc2[...] += lax.dot_general(oh, h2, (((0,), (0,)), ((), ())),
                                 preferred_element_type=jnp.float32)
    cb = c_ref[0] + c_ref[1]
    acc1[...] += lax.dot_general(cb, h2, (((1,), (0,)), ((), ())),
                                 preferred_element_type=jnp.float32)
    accn[...] += jnp.sum(oh, axis=0, keepdims=True)

    @pl.when(i == NP // 256 - 1)
    def _():
        cnt = accn[0]
        icnt = 1.0 / jnp.maximum(cnt, 1.0)
        nz = (cnt > 0).astype(jnp.float32)
        p1 = acc1[...] * icnt[:, None]
        p2 = acc2[...] * icnt[:, None]
        o = jnp.dot(p1, wl_ref[...], preferred_element_type=jnp.float32)
        o += jnp.dot(p2, wr_ref[...], preferred_element_type=jnp.float32)
        o += nz[:, None] * bb_ref[...][None, :] + cb_ref[...][None, :]
        out_ref[...] = o


def _tc23(agg1_p, h1, deg_p, L1, R1, l1b, s1, b1, batchp, C_p,
          WlT, WrT, bb2, clsb):
    return pl.pallas_call(
        _tc23_body,
        grid=(NP // 256,),
        in_specs=[
            pl.BlockSpec((8, 256, LN), lambda i: (0, i, 0)),
            pl.BlockSpec((256, 512), lambda i: (i, 0)),
            pl.BlockSpec((2, 256), lambda i: (0, i)),
            pl.BlockSpec((4, LN, 512), lambda i: (0, 0, 0)),
            pl.BlockSpec((512, 512), lambda i: (0, 0)),
            pl.BlockSpec((512,), lambda i: (0,)),
            pl.BlockSpec((512,), lambda i: (0,)),
            pl.BlockSpec((512,), lambda i: (0,)),
            pl.BlockSpec((256,), lambda i: (i,)),
            pl.BlockSpec((2, G, 256), lambda i: (0, 0, i)),
            pl.BlockSpec((512, 16), lambda i: (0, 0)),
            pl.BlockSpec((512, 16), lambda i: (0, 0)),
            pl.BlockSpec((16,), lambda i: (0,)),
            pl.BlockSpec((16,), lambda i: (0,)),
        ],
        out_specs=pl.BlockSpec((G, 16), lambda i: (0, 0)),
        out_shape=jax.ShapeDtypeStruct((G, 16), jnp.float32),
        scratch_shapes=[
            pltpu.VMEM((G, 512), jnp.float32),
            pltpu.VMEM((G, 512), jnp.float32),
            pltpu.VMEM((1, G), jnp.float32),
        ],
    )(agg1_p, h1, deg_p, L1, R1, l1b, s1, b1, batchp, C_p,
      WlT, WrT, bb2, clsb)


def kernel(x, edge_index, edge_attr, batch, w_emb, b_emb,
           conv0_l_w, conv0_l_b, conv0_r_w,
           conv1_l_w, conv1_l_b, conv1_r_w,
           conv2_l_w, conv2_l_b, conv2_r_w,
           bn0_g, bn0_b, bn1_g, bn1_b, cls_w, cls_b):
    E = edge_index.shape[1]
    src = edge_index[0].astype(jnp.int32)
    dst = edge_index[1].astype(jnp.int32)
    npad = E_PAD - E
    src_p = jnp.concatenate(
        [src, N + (jnp.arange(npad, dtype=jnp.int32) % 16)]
    ).reshape(TILES * NB, LN)
    dst_p = jnp.concatenate(
        [dst, jnp.zeros((npad,), jnp.int32)]).reshape(TILES * NB, LN)
    eones = jnp.concatenate(
        [jnp.ones((E,), jnp.float32), jnp.zeros((npad,), jnp.float32)]
    ).reshape(TILES * NB, LN)
    xp = jnp.pad(x, ((0, NP - N), (0, 0)))
    xp2 = xp.reshape(2 * NP, LN)
    batchp = jnp.pad(batch.astype(jnp.int32), (0, NP - N), constant_values=G)
    z2d = jnp.zeros((64, LN), jnp.float32)
    z1d = jnp.zeros((4096,), jnp.float32)

    inv = 1.0 / np.sqrt(1.0 + EPS)
    L0 = jnp.concatenate([conv0_l_w[:, :10] @ w_emb, conv0_l_w[:, 10:]], axis=1)
    R0 = jnp.concatenate([conv0_r_w[:, :10] @ w_emb, conv0_r_w[:, 10:]], axis=1)
    cbd = conv0_l_w[:, :10] @ b_emb
    cbc = conv0_r_w[:, :10] @ b_emb + conv0_l_b
    s0 = bn0_g * inv
    s1 = bn1_g * inv
    WlT = (cls_w @ conv2_l_w).T
    WrT = (cls_w @ conv2_r_w).T
    bb2 = cls_w @ conv2_l_b

    deg_p, C_p = _sc_hist(src_p, dst_p, eones, batchp, z1d)
    aggx_p = _sc_agg2(xp2, src_p, dst_p, z2d)
    h1 = _tc1(aggx_p.reshape(4, NP, LN), xp, deg_p,
              L0.T.reshape(2, LN, 512), R0.T, cbd, cbc, s0, bn0_b)
    agg1_p = _sc_agg4(h1.reshape(4 * NP, LN), src_p, dst_p, z2d)
    out = _tc23(agg1_p.reshape(8, NP, LN), h1, deg_p,
                conv1_l_w.T.reshape(4, LN, 512), conv1_r_w.T, conv1_l_b,
                s1, bn1_b, batchp, C_p.reshape(2, G, NP),
                WlT, WrT, bb2, cls_b)
    return out

# --- scband reference (transcript-rebuilt; emitter-appended) ---
"""Pipeline reference for scband-gnn-910533067471 (READ-ONLY COPY).

The authoritative reference and input builder live on the scoring server;
editing this copy changes nothing except your own understanding.
"""

import jax, jax.numpy as jnp
import numpy as np

N = 10000
E = 160000
G = 64
EPS = 1e-5

def setup_inputs(seed: int = 0) -> dict:
    key = jax.random.key(seed)
    ks = jax.random.split(key, 24)
    inp = {}
    inp["x"] = jax.random.normal(ks[0], (N, 256), dtype=jnp.float32)
    inp["edge_index"] = jax.random.randint(ks[1], (2, E), 0, N)
    inp["edge_attr"] = jax.random.normal(ks[2], (E, 2), dtype=jnp.float32)
    inp["batch"] = jnp.sort(jax.random.randint(ks[3], (N,), 0, G))
    def lin(k, o, i):
        return jax.random.normal(k, (o, i), dtype=jnp.float32) * (1.0 / np.sqrt(i))
    inp["w_emb"] = lin(ks[4], 10, 20)
    inp["b_emb"] = jnp.zeros((10,), jnp.float32)
    # SAGEConv 0: 246 -> 512 (aggr=add)
    inp["conv0_l_w"] = lin(ks[5], 512, 246)
    inp["conv0_l_b"] = jnp.zeros((512,), jnp.float32)
    inp["conv0_r_w"] = lin(ks[6], 512, 246)
    # SAGEConv 1: 512 -> 512 (aggr=mean)
    inp["conv1_l_w"] = lin(ks[7], 512, 512)
    inp["conv1_l_b"] = jnp.zeros((512,), jnp.float32)
    inp["conv1_r_w"] = lin(ks[8], 512, 512)
    # SAGEConv 2: 512 -> 256 (aggr=add)
    inp["conv2_l_w"] = lin(ks[9], 256, 512)
    inp["conv2_l_b"] = jnp.zeros((256,), jnp.float32)
    inp["conv2_r_w"] = lin(ks[10], 256, 512)
    inp["bn0_g"] = jnp.ones((512,), jnp.float32)
    inp["bn0_b"] = jnp.zeros((512,), jnp.float32)
    inp["bn1_g"] = jnp.ones((512,), jnp.float32)
    inp["bn1_b"] = jnp.zeros((512,), jnp.float32)
    inp["cls_w"] = lin(ks[11], 16, 256)
    inp["cls_b"] = jnp.zeros((16,), jnp.float32)
    return inp


def reference(x, edge_index, edge_attr, batch, w_emb, b_emb,
              conv0_l_w, conv0_l_b, conv0_r_w,
              conv1_l_w, conv1_l_b, conv1_r_w,
              conv2_l_w, conv2_l_b, conv2_r_w,
              bn0_g, bn0_b, bn1_g, bn1_b, cls_w, cls_b):
    n = x.shape[0]
    src = edge_index[0]
    dst = edge_index[1]
    # embedding of first 20 features, concat with rest
    emb = x[:, :20] @ w_emb.T + b_emb
    out = jnp.concatenate([emb, x[:, 20:]], axis=1)  # [N, 246]

    def sage(h, lw, lb, rw, aggr):
        msg = h[src]
        agg = jax.ops.segment_sum(msg, dst, num_segments=n)
        if aggr == 'mean':
            deg = jax.ops.segment_sum(jnp.ones((src.shape[0],), h.dtype), dst, num_segments=n)
            agg = agg / jnp.maximum(deg, 1.0)[:, None]
        return agg @ lw.T + lb + h @ rw.T

    def bn_eval(h, g, b):
        # eval-mode BatchNorm with running_mean=0, running_var=1
        return (h / jnp.sqrt(1.0 + EPS)) * g + b

    out = sage(out, conv0_l_w, conv0_l_b, conv0_r_w, 'add')
    out = bn_eval(out, bn0_g, bn0_b)
    out = jax.nn.relu(out)
    # dropout in eval mode: identity
    out = sage(out, conv1_l_w, conv1_l_b, conv1_r_w, 'mean')
    out = bn_eval(out, bn1_g, bn1_b)
    out = jax.nn.relu(out)
    out = sage(out, conv2_l_w, conv2_l_b, conv2_r_w, 'add')
    # global mean pool over graphs
    sums = jax.ops.segment_sum(out, batch, num_segments=G)
    cnt = jax.ops.segment_sum(jnp.ones((n,), out.dtype), batch, num_segments=G)
    pooled = sums / jnp.maximum(cnt, 1.0)[:, None]
    return pooled @ cls_w.T + cls_b

if __name__ == "__main__":
    import jax
    _d = setup_inputs()
    print(jax.jit(kernel)(*tuple(_d.values())))

</pallas_src>

<mosaic_0001>
#map = affine_map<(d0, d1) -> (0, 0)>
#map1 = affine_map<(d0, d1) -> (0, 0, 0, 0)>
module attributes {stable_mosaic.version = 14 : i64} {
  func.func @body(%arg0: i32, %arg1: i32, %arg2: memref<20480x128xf32, #tpu.memory_space<hbm>>, %arg3: memref<1280x128xi32, #tpu.memory_space<hbm>>, %arg4: memref<1280x128xi32, #tpu.memory_space<hbm>>, %arg5: memref<64x128xf32, #tpu.memory_space<hbm>>, %arg6: memref<2x2x10240x128xf32, #tpu.memory_space<hbm>>, %arg7: memref<40x128xi32, #tpu.memory_space<vmem>>, %arg8: memref<40x128xi32, #tpu.memory_space<vmem>>, %arg9: memref<40x128xi32, #tpu.memory_space<vmem>>, %arg10: memref<128x128xf32, #tpu.memory_space<vmem>>, %arg11: memref<128x128xf32, #tpu.memory_space<vmem>>, %arg12: memref<!tpu.dma_semaphore, #tpu.memory_space<semaphore_mem>>, %arg13: memref<!tpu.dma_semaphore, #tpu.memory_space<semaphore_mem>>, %arg14: memref<10240x128xf32, #tpu.memory_space<vmem_shared>>) attributes {dimension_semantics = [#tpu.dimension_semantics<core_parallel>, #tpu.dimension_semantics<subcore_parallel>], iteration_bounds = array<i64: 2, 16>, scalar_prefetch = 0 : i64, scratch_operands = 8 : i64, tpu.core_type = #tpu.core_type<sc_vector_subcore>, window_params = [{transform_indices = #map}, {transform_indices = #map}, {transform_indices = #map}, {transform_indices = #map}, {transform_indices = #map1}]} {
    %mul3A = arith.constant 16 : i32
    %mul3A_0 = arith.muli %arg0, %mul3A : i32
    %add3A = arith.addi %mul3A_0, %arg1 : i32
    %mul3A_1 = arith.constant 40 : i32
    %mul3A_2 = arith.muli %add3A, %mul3A_1 : i32
    "tpu.region"() ({
      %run_scoped3A_71 = tpu.sem_alloc : memref<!tpu.dma_semaphore, #tpu.memory_space<semaphore_mem>>
      %dma_start3A_72 = arith.constant 0 : i32
      %dma_start3A_73 = tpu.memref_slice %arg3[%mul3A_2, %dma_start3A_72] : memref<1280x128xi32, #tpu.memory_space<hbm>> -> memref<40x128xi32, #tpu.memory_space<hbm>>
      %dma_start3A_74 = arith.constant 0 : i32
      %dma_start3A_75 = tpu.memref_slice %arg3[%mul3A_2, %dma_start3A_74] : memref<1280x128xi32, #tpu.memory_space<hbm>> -> memref<40x128xi32, #tpu.memory_space<hbm>>
      tpu.enqueue_dma source(%dma_start3A_75 : memref<40x128xi32, #tpu.memory_space<hbm>>) target(%arg7 : memref<40x128xi32, #tpu.memory_space<vmem>>) target_semaphore(%run_scoped3A_71 : memref<!tpu.dma_semaphore, #tpu.memory_space<semaphore_mem>>)
      %dma_wait3A = arith.constant 0 : i32
      %dma_wait3A_76 = tpu.memref_slice %arg3[%mul3A_2, %dma_wait3A] : memref<1280x128xi32, #tpu.memory_space<hbm>> -> memref<40x128xi32, #tpu.memory_space<hbm>>
      %dma_wait3A_77 = arith.constant 0 : i32
      %dma_wait3A_78 = tpu.memref_slice %arg3[%mul3A_2, %dma_wait3A_77] : memref<1280x128xi32, #tpu.memory_space<hbm>> -> memref<40x128xi32, #tpu.memory_space<hbm>>
      tpu.wait_dma2 semaphore(%run_scoped3A_71 : memref<!tpu.dma_semaphore, #tpu.memory_space<semaphore_mem>>) src(%dma_wait3A_78 : memref<40x128xi32, #tpu.memory_space<hbm>>) dst(%arg7 : memref<40x128xi32, #tpu.memory_space<vmem>>)
      tpu.yield
    }) : () -> ()
    %mul3A_3 = arith.constant 40 : i32
    %mul3A_4 = arith.muli %add3A, %mul3A_3 : i32
    "tpu.region"() ({
      %run_scoped3A_71 = tpu.sem_alloc : memref<!tpu.dma_semaphore, #tpu.memory_space<semaphore_mem>>
      %dma_start3A_72 = arith.constant 0 : i32
      %dma_start3A_73 = tpu.memref_slice %arg4[%mul3A_4, %dma_start3A_72] : memref<1280x128xi32, #tpu.memory_space<hbm>> -> memref<40x128xi32, #tpu.memory_space<hbm>>
      %dma_start3A_74 = arith.constant 0 : i32
      %dma_start3A_75 = tpu.memref_slice %arg4[%mul3A_4, %dma_start3A_74] : memref<1280x128xi32, #tpu.memory_space<hbm>> -> memref<40x128xi32, #tpu.memory_space<hbm>>
      tpu.enqueue_dma source(%dma_start3A_75 : memref<40x128xi32, #tpu.memory_space<hbm>>) target(%arg8 : memref<40x128xi32, #tpu.memory_space<vmem>>) target_semaphore(%run_scoped3A_71 : memref<!tpu.dma_semaphore, #tpu.memory_space<semaphore_mem>>)
      %dma_wait3A = arith.constant 0 : i32
      %dma_wait3A_76 = tpu.memref_slice %arg4[%mul3A_4, %dma_wait3A] : memref<1280x128xi32, #tpu.memory_space<hbm>> -> memref<40x128xi32, #tpu.memory_space<hbm>>
      %dma_wait3A_77 = arith.constant 0 : i32
      %dma_wait3A_78 = tpu.memref_slice %arg4[%mul3A_4, %dma_wait3A_77] : memref<1280x128xi32, #tpu.memory_space<hbm>> -> memref<40x128xi32, #tpu.memory_space<hbm>>
      tpu.wait_dma2 semaphore(%run_scoped3A_71 : memref<!tpu.dma_semaphore, #tpu.memory_space<semaphore_mem>>) src(%dma_wait3A_78 : memref<40x128xi32, #tpu.memory_space<hbm>>) dst(%arg8 : memref<40x128xi32, #tpu.memory_space<vmem>>)
      tpu.yield
    }) : () -> ()
    %scan3A = arith.constant 0 : i32
    %scan3A_5 = arith.constant 0 : i32
    %scan3A_6 = arith.constant 320 : i32
    %scan3A_7 = arith.addi %scan3A_5, %scan3A_6 : i32
    %scan3A_8 = arith.constant 1 : i32
    %scan3A_9 = scf.for %scan3A_71 = %scan3A_5 to %scan3A_7 step %scan3A_8 iter_args(%scan3A_72 = %scan3A) -> (i32)  : i32 {
      %jit3A = arith.constant 8 : i32
      %div3A = arith.divsi %scan3A_71, %jit3A : i32
      %sign3A = arith.constant 0 : i32
      %sign3A_73 = arith.cmpi sgt, %scan3A_71, %sign3A : i32
      %sign3A_74 = arith.extui %sign3A_73 : i1 to i32
      %sign3A_75 = arith.constant 0 : i32
      %sign3A_76 = arith.cmpi slt, %scan3A_71, %sign3A_75 : i32
      %sign3A_77 = arith.extui %sign3A_76 : i1 to i32
      %sign3A_78 = arith.subi %sign3A_74, %sign3A_77 : i32
      %sign3A_79 = arith.constant 0 : i32
      %sign3A_80 = arith.cmpi sgt, %jit3A, %sign3A_79 : i32
      %sign3A_81 = arith.extui %sign3A_80 : i1 to i32
      %sign3A_82 = arith.constant 0 : i32
      %sign3A_83 = arith.cmpi slt, %jit3A, %sign3A_82 : i32
      %sign3A_84 = arith.extui %sign3A_83 : i1 to i32
      %sign3A_85 = arith.subi %sign3A_81, %sign3A_84 : i32
      %ne3A = arith.cmpi ne, %sign3A_78, %sign3A_85 : i32
      %rem3A = arith.remsi %scan3A_71, %jit3A : i32
      %ne3A_86 = arith.constant 0 : i32
      %ne3A_87 = arith.cmpi ne, %rem3A, %ne3A_86 : i32
      %and3A = arith.andi %ne3A, %ne3A_87 : i1
      %sub3A = arith.constant 1 : i32
      %sub3A_88 = arith.subi %div3A, %sub3A : i32
      %select_n3A = arith.select %and3A, %sub3A_88, %div3A : i32
      %jit3A_89 = arith.constant 8 : i32
      %eq3A = arith.constant 0 : i32
      %eq3A_90 = arith.cmpi eq, %jit3A_89, %eq3A : i32
      %jit3A_91 = arith.constant 1 : i32
      %select_n3A_92 = arith.select %eq3A_90, %jit3A_91, %jit3A_89 : i32
      %rem3A_93 = arith.remsi %scan3A_71, %select_n3A_92 : i32
      %ne3A_94 = arith.constant 0 : i32
      %ne3A_95 = arith.cmpi ne, %rem3A_93, %ne3A_94 : i32
      %lt3A = arith.constant 0 : i32
      %lt3A_96 = arith.cmpi slt, %rem3A_93, %lt3A : i32
      %lt3A_97 = arith.constant 0 : i32
      %lt3A_98 = arith.cmpi slt, %select_n3A_92, %lt3A_97 : i32
      %ne3A_99 = arith.xori %lt3A_96, %lt3A_98 : i1
      %and3A_100 = arith.andi %ne3A_99, %ne3A_95 : i1
      %add3A_101 = arith.addi %rem3A_93, %select_n3A_92 : i32
      %select_n3A_102 = arith.select %and3A_100, %add3A_101, %rem3A_93 : i32
      %mul3A_103 = arith.constant 16 : i32
      %mul3A_104 = arith.muli %select_n3A_102, %mul3A_103 : i32
      %get3A = arith.index_cast %select_n3A : i32 to index
      %get3A_105 = arith.index_cast %mul3A_104 : i32 to index
      %get3A_106 = tpu.vector_load %arg7[%get3A, %get3A_105] {strides = array<i32>} : memref<40x128xi32, #tpu.memory_space<vmem>>, vector<1x16xi32>,
      %get3A_107 = vector.shape_cast %get3A_106 : vector<1x16xi32> to vector<16xi32>
      %mul3A_108 = arith.constant 2 : i32
      %mul3A_109 = vector.broadcast %mul3A_108 : i32 to vector<16xi32>
      %mul3A_110 = arith.muli %get3A_107, %mul3A_109 : vector<16xi32>
      %add3A_111 = arith.constant 0 : i32
      %add3A_112 = vector.broadcast %add3A_111 : i32 to vector<16xi32>
      %add3A_113 = arith.addi %mul3A_110, %add3A_112 : vector<16xi32>
      %swap3A = arith.index_cast %select_n3A : i32 to index
      %swap3A_114 = arith.index_cast %mul3A_104 : i32 to index
      %swap3A_115 = tpu.vector_load %arg9[%swap3A, %swap3A_114] {strides = array<i32>} : memref<40x128xi32, #tpu.memory_space<vmem>>, vector<1x16xi32>,
      %swap3A_116 = vector.shape_cast %swap3A_115 : vector<1x16xi32> to vector<16xi32>
      %swap3A_117 = vector.shape_cast %add3A_113 : vector<16xi32> to vector<1x16xi32>
      tpu.vector_store %arg9[%swap3A, %swap3A_114], %swap3A_117 {strides = array<i32>} : memref<40x128xi32, #tpu.memory_space<vmem>>, vector<1x16xi32>,
      %scan3A_118 = arith.constant 0 : i32
      scf.yield %scan3A_118 : i32
    }
    %scan3A_10 = arith.constant 320 : i32
    %scan3A_11 = arith.constant 0 : i32
    %scan3A_12 = arith.constant 0 : i32
    %scan3A_13 = arith.constant 10 : i32
    %scan3A_14 = arith.addi %scan3A_12, %scan3A_13 : i32
    %scan3A_15 = arith.constant 1 : i32
    %scan3A_16 = scf.for %scan3A_71 = %scan3A_12 to %scan3A_14 step %scan3A_15 iter_args(%scan3A_72 = %scan3A_11) -> (i32)  : i32 {
      %mul3A_73 = arith.constant 640 : i32
      %mul3A_74 = arith.muli %arg1, %mul3A_73 : i32
      %mul3A_75 = arith.constant 64 : i32
      %mul3A_76 = arith.muli %scan3A_71, %mul3A_75 : i32
      %add3A_77 = arith.addi %mul3A_74, %mul3A_76 : i32
      "tpu.region"() ({
        %run_scoped3A_79 = tpu.sem_alloc : memref<!tpu.dma_semaphore, #tpu.memory_space<semaphore_mem>>
        %dma_start3A_80 = arith.constant 0 : i32
        %dma_start3A_81 = tpu.memref_slice %arg14[%add3A_77, %dma_start3A_80] : memref<10240x128xf32, #tpu.memory_space<vmem_shared>> -> memref<64x128xf32, #tpu.memory_space<vmem_shared>>
        tpu.enqueue_dma source(%arg5 : memref<64x128xf32, #tpu.memory_space<hbm>>) target(%dma_start3A_81 : memref<64x128xf32, #tpu.memory_space<vmem_shared>>) target_semaphore(%run_scoped3A_79 : memref<!tpu.dma_semaphore, #tpu.memory_space<semaphore_mem>>)
        %dma_wait3A = arith.constant 0 : i32
        %dma_wait3A_82 = tpu.memref_slice %arg14[%add3A_77, %dma_wait3A] : memref<10240x128xf32, #tpu.memory_space<vmem_shared>> -> memref<64x128xf32, #tpu.memory_space<vmem_shared>>
        tpu.wait_dma2 semaphore(%run_scoped3A_79 : memref<!tpu.dma_semaphore, #tpu.memory_space<semaphore_mem>>) src(%arg5 : memref<64x128xf32, #tpu.memory_space<hbm>>) dst(%dma_wait3A_82 : memref<64x128xf32, #tpu.memory_space<vmem_shared>>)
        tpu.yield
      }) : () -> ()
      %scan3A_78 = arith.constant 0 : i32
      scf.yield %scan3A_78 : i32
    }
    %scan3A_17 = arith.constant 10 : i32
    %barrier3A = arith.constant 0 : index
    tpu.barrier barrier_id(%barrier3A)
    %dma_start3A = arith.constant 0 : i32
    %dma_start3A_18 = arith.constant 0 : i32
    %dma_start3A_19 = tpu.memref_slice %arg9[%dma_start3A, %dma_start3A_18] : memref<40x128xi32, #tpu.memory_space<vmem>> -> memref<1x128xi32, #tpu.memory_space<vmem>>
    %dma_start3A_20 = tpu.memref_squeeze %dma_start3A_19 : memref<1x128xi32, #tpu.memory_space<vmem>> -> memref<128xi32, #tpu.memory_space<vmem>>
    %dma_start3A_21 = arith.constant 0 : i32
    %dma_start3A_22 = arith.constant 0 : i32
    %dma_start3A_23 = tpu.memref_slice %arg2[%dma_start3A_21, %dma_start3A_22] : memref<20480x128xf32, #tpu.memory_space<hbm>> -> memref<20480x128xf32, #tpu.memory_space<hbm>>
    tpu.enqueue_indirect_dma source(%dma_start3A_23 : memref<20480x128xf32, #tpu.memory_space<hbm>>) target(%arg10 : memref<128x128xf32, #tpu.memory_space<vmem>>) offsets(%dma_start3A_20 : memref<128xi32, #tpu.memory_space<vmem>>) semaphore(%arg12 : memref<!tpu.dma_semaphore, #tpu.memory_space<semaphore_mem>>)
    %scan3A_24 = arith.constant 0 : i32
    %scan3A_25 = arith.constant 0 : i32
    %scan3A_26 = arith.constant 20 : i32
    %scan3A_27 = arith.addi %scan3A_25, %scan3A_26 : i32
    %scan3A_28 = arith.constant 1 : i32
    %scan3A_29 = scf.for %scan3A_71 = %scan3A_25 to %scan3A_27 step %scan3A_28 iter_args(%scan3A_72 = %scan3A_24) -> (i32)  : i32 {
      %mul3A_73 = arith.constant 2 : i32
      %mul3A_74 = arith.muli %mul3A_73, %scan3A_71 : i32
      %mul3A_75 = arith.constant 2 : i32
      %mul3A_76 = arith.muli %mul3A_75, %scan3A_71 : i32
      %add3A_77 = arith.constant 1 : i32
      %add3A_78 = arith.addi %mul3A_76, %add3A_77 : i32
      %dma_start3A_79 = arith.constant 0 : i32
      %dma_start3A_80 = tpu.memref_slice %arg9[%add3A_78, %dma_start3A_79] : memref<40x128xi32, #tpu.memory_space<vmem>> -> memref<1x128xi32, #tpu.memory_space<vmem>>
      %dma_start3A_81 = tpu.memref_squeeze %dma_start3A_80 : memref<1x128xi32, #tpu.memory_space<vmem>> -> memref<128xi32, #tpu.memory_space<vmem>>
      %dma_start3A_82 = arith.constant 0 : i32
      %dma_start3A_83 = arith.constant 0 : i32
      %dma_start3A_84 = tpu.memref_slice %arg2[%dma_start3A_82, %dma_start3A_83] : memref<20480x128xf32, #tpu.memory_space<hbm>> -> memref<20480x128xf32, #tpu.memory_space<hbm>>
      tpu.enqueue_indirect_dma source(%dma_start3A_84 : memref<20480x128xf32, #tpu.memory_space<hbm>>) target(%arg11 : memref<128x128xf32, #tpu.memory_space<vmem>>) offsets(%dma_start3A_81 : memref<128xi32, #tpu.memory_space<vmem>>) semaphore(%arg13 : memref<!tpu.dma_semaphore, #tpu.memory_space<semaphore_mem>>)
      %dma_wait3A = arith.constant 0 : i32
      %dma_wait3A_85 = tpu.memref_slice %arg9[%mul3A_74, %dma_wait3A] : memref<40x128xi32, #tpu.memory_space<vmem>> -> memref<1x128xi32, #tpu.memory_space<vmem>>
      %dma_wait3A_86 = tpu.memref_squeeze %dma_wait3A_85 : memref<1x128xi32, #tpu.memory_space<vmem>> -> memref<128xi32, #tpu.memory_space<vmem>>
      %dma_wait3A_87 = arith.constant 0 : i32
      %dma_wait3A_88 = arith.constant 0 : i32
      %dma_wait3A_89 = tpu.memref_slice %arg2[%dma_wait3A_87, %dma_wait3A_88] : memref<20480x128xf32, #tpu.memory_space<hbm>> -> memref<20480x128xf32, #tpu.memory_space<hbm>>
      tpu.wait_indirect_dma semaphore(%arg12 : memref<!tpu.dma_semaphore, #tpu.memory_space<semaphore_mem>>) src(%dma_wait3A_89 : memref<20480x128xf32, #tpu.memory_space<hbm>>) dst(%arg10 : memref<128x128xf32, #tpu.memory_space<vmem>>)
      "tpu.region"() ({
        %run_scoped3A_101 = tpu.sem_alloc : memref<!tpu.dma_semaphore, #tpu.memory_space<semaphore_mem>>
        %dma_start3A_102 = arith.constant 0 : i32
        %dma_start3A_103 = tpu.memref_slice %arg8[%mul3A_74, %dma_start3A_102] : memref<40x128xi32, #tpu.memory_space<vmem>> -> memref<1x128xi32, #tpu.memory_space<vmem>>
        %dma_start3A_104 = tpu.memref_squeeze %dma_start3A_103 : memref<1x128xi32, #tpu.memory_space<vmem>> -> memref<128xi32, #tpu.memory_space<vmem>>
        %dma_start3A_105 = arith.constant 0 : i32
        %dma_start3A_106 = arith.constant 0 : i32
        %dma_start3A_107 = tpu.memref_slice %arg14[%dma_start3A_105, %dma_start3A_106] : memref<10240x128xf32, #tpu.memory_space<vmem_shared>> -> memref<10240x128xf32, #tpu.memory_space<vmem_shared>>
        tpu.enqueue_indirect_dma source(%arg10 : memref<128x128xf32, #tpu.memory_space<vmem>>) target(%dma_start3A_107 : memref<10240x128xf32, #tpu.memory_space<vmem_shared>>) offsets(%dma_start3A_104 : memref<128xi32, #tpu.memory_space<vmem>>) semaphore(%run_scoped3A_101 : memref<!tpu.dma_semaphore, #tpu.memory_space<semaphore_mem>>) {add = true}
        %dma_wait3A_108 = arith.constant 0 : i32
        %dma_wait3A_109 = tpu.memref_slice %arg8[%mul3A_74, %dma_wait3A_108] : memref<40x128xi32, #tpu.memory_space<vmem>> -> memref<1x128xi32, #tpu.memory_space<vmem>>
        %dma_wait3A_110 = tpu.memref_squeeze %dma_wait3A_109 : memref<1x128xi32, #tpu.memory_space<vmem>> -> memref<128xi32, #tpu.memory_space<vmem>>
        %dma_wait3A_111 = arith.constant 0 : i32
        %dma_wait3A_112 = arith.constant 0 : i32
        %dma_wait3A_113 = tpu.memref_slice %arg14[%dma_wait3A_111, %dma_wait3A_112] : memref<10240x128xf32, #tpu.memory_space<vmem_shared>> -> memref<10240x128xf32, #tpu.memory_space<vmem_shared>>
        tpu.wait_indirect_dma semaphore(%run_scoped3A_101 : memref<!tpu.dma_semaphore, #tpu.memory_space<semaphore_mem>>) src(%arg10 : memref<128x128xf32, #tpu.memory_space<vmem>>) dst(%dma_wait3A_113 : memref<10240x128xf32, #tpu.memory_space<vmem_shared>>)
        tpu.yield
      }) : () -> ()
      %add3A_90 = arith.constant 1 : i32
      %add3A_91 = arith.addi %add3A_78, %add3A_90 : i32
      %lt3A = arith.constant 40 : i32
      %lt3A_92 = arith.cmpi slt, %add3A_91, %lt3A : i32
      %convert_element_type3A = arith.extui %lt3A_92 : i1 to i32
      %cond3A = arith.constant 0 : i32
      %cond3A_93 = arith.cmpi ne, %convert_element_type3A, %cond3A : i32
      scf.if %cond3A_93 {
        %add3A_101 = arith.constant 1 : i32
        %add3A_102 = arith.addi %add3A_78, %add3A_101 : i32
        %dma_start3A_103 = arith.constant 0 : i32
        %dma_start3A_104 = tpu.memref_slice %arg9[%add3A_102, %dma_start3A_103] : memref<40x128xi32, #tpu.memory_space<vmem>> -> memref<1x128xi32, #tpu.memory_space<vmem>>
        %dma_start3A_105 = tpu.memref_squeeze %dma_start3A_104 : memref<1x128xi32, #tpu.memory_space<vmem>> -> memref<128xi32, #tpu.memory_space<vmem>>
        %dma_start3A_106 = arith.constant 0 : i32
        %dma_start3A_107 = arith.constant 0 : i32
        %dma_start3A_108 = tpu.memref_slice %arg2[%dma_start3A_106, %dma_start3A_107] : memref<20480x128xf32, #tpu.memory_space<hbm>> -> memref<20480x128xf32, #tpu.memory_space<hbm>>
        tpu.enqueue_indirect_dma source(%dma_start3A_108 : memref<20480x128xf32, #tpu.memory_space<hbm>>) target(%arg10 : memref<128x128xf32, #tpu.memory_space<vmem>>) offsets(%dma_start3A_105 : memref<128xi32, #tpu.memory_space<vmem>>) semaphore(%arg12 : memref<!tpu.dma_semaphore, #tpu.memory_space<semaphore_mem>>)
      } else {
      }
      %dma_wait3A_94 = arith.constant 0 : i32
      %dma_wait3A_95 = tpu.memref_slice %arg9[%add3A_78, %dma_wait3A_94] : memref<40x128xi32, #tpu.memory_space<vmem>> -> memref<1x128xi32, #tpu.memory_space<vmem>>
      %dma_wait3A_96 = tpu.memref_squeeze %dma_wait3A_95 : memref<1x128xi32, #tpu.memory_space<vmem>> -> memref<128xi32, #tpu.memory_space<vmem>>
      %dma_wait3A_97 = arith.constant 0 : i32
      %dma_wait3A_98 = arith.constant 0 : i32
      %dma_wait3A_99 = tpu.memref_slice %arg2[%dma_wait3A_97, %dma_wait3A_98] : memref<20480x128xf32, #tpu.memory_space<hbm>> -> memref<20480x128xf32, #tpu.memory_space<hbm>>
      tpu.wait_indirect_dma semaphore(%arg13 : memref<!tpu.dma_semaphore, #tpu.memory_space<semaphore_mem>>) src(%dma_wait3A_99 : memref<20480x128xf32, #tpu.memory_space<hbm>>) dst(%arg11 : memref<128x128xf32, #tpu.memory_space<vmem>>)
      "tpu.region"() ({
        %run_scoped3A_101 = tpu.sem_alloc : memref<!tpu.dma_semaphore, #tpu.memory_space<semaphore_mem>>
        %dma_start3A_102 = arith.constant 0 : i32
        %dma_start3A_103 = tpu.memref_slice %arg8[%add3A_78, %dma_start3A_102] : memref<40x128xi32, #tpu.memory_space<vmem>> -> memref<1x128xi32, #tpu.memory_space<vmem>>
        %dma_start3A_104 = tpu.memref_squeeze %dma_start3A_103 : memref<1x128xi32, #tpu.memory_space<vmem>> -> memref<128xi32, #tpu.memory_space<vmem>>
        %dma_start3A_105 = arith.constant 0 : i32
        %dma_start3A_106 = arith.constant 0 : i32
        %dma_start3A_107 = tpu.memref_slice %arg14[%dma_start3A_105, %dma_start3A_106] : memref<10240x128xf32, #tpu.memory_space<vmem_shared>> -> memref<10240x128xf32, #tpu.memory_space<vmem_shared>>
        tpu.enqueue_indirect_dma source(%arg11 : memref<128x128xf32, #tpu.memory_space<vmem>>) target(%dma_start3A_107 : memref<10240x128xf32, #tpu.memory_space<vmem_shared>>) offsets(%dma_start3A_104 : memref<128xi32, #tpu.memory_space<vmem>>) semaphore(%run_scoped3A_101 : memref<!tpu.dma_semaphore, #tpu.memory_space<semaphore_mem>>) {add = true}
        %dma_wait3A_108 = arith.constant 0 : i32
        %dma_wait3A_109 = tpu.memref_slice %arg8[%add3A_78, %dma_wait3A_108] : memref<40x128xi32, #tpu.memory_space<vmem>> -> memref<1x128xi32, #tpu.memory_space<vmem>>
        %dma_wait3A_110 = tpu.memref_squeeze %dma_wait3A_109 : memref<1x128xi32, #tpu.memory_space<vmem>> -> memref<128xi32, #tpu.memory_space<vmem>>
        %dma_wait3A_111 = arith.constant 0 : i32
        %dma_wait3A_112 = arith.constant 0 : i32
        %dma_wait3A_113 = tpu.memref_slice %arg14[%dma_wait3A_111, %dma_wait3A_112] : memref<10240x128xf32, #tpu.memory_space<vmem_shared>> -> memref<10240x128xf32, #tpu.memory_space<vmem_shared>>
        tpu.wait_indirect_dma semaphore(%run_scoped3A_101 : memref<!tpu.dma_semaphore, #tpu.memory_space<semaphore_mem>>) src(%arg11 : memref<128x128xf32, #tpu.memory_space<vmem>>) dst(%dma_wait3A_113 : memref<10240x128xf32, #tpu.memory_space<vmem_shared>>)
        tpu.yield
      }) : () -> ()
      %scan3A_100 = arith.constant 0 : i32
      scf.yield %scan3A_100 : i32
    }
    %scan3A_30 = arith.constant 20 : i32
    %barrier3A_31 = arith.constant 0 : index
    tpu.barrier barrier_id(%barrier3A_31)
    %mul3A_32 = arith.constant 640 : i32
    %mul3A_33 = arith.muli %arg1, %mul3A_32 : i32
    %mul3A_34 = arith.constant 640 : i32
    %mul3A_35 = arith.muli %arg1, %mul3A_34 : i32
    %run_scoped3A = arith.constant 0 : i32
    "tpu.region"() ({
      %run_scoped3A_71 = tpu.sem_alloc : memref<!tpu.dma_semaphore, #tpu.memory_space<semaphore_mem>>
      %dma_start3A_72 = arith.constant 0 : i32
      %dma_start3A_73 = tpu.memref_slice %arg6[%arg0, %run_scoped3A, %mul3A_35, %dma_start3A_72] : memref<2x2x10240x128xf32, #tpu.memory_space<hbm>> -> memref<1x1x640x128xf32, #tpu.memory_space<hbm>>
      %dma_start3A_74 = tpu.memref_squeeze %dma_start3A_73 : memref<1x1x640x128xf32, #tpu.memory_space<hbm>> -> memref<640x128xf32, #tpu.memory_space<hbm>>
      %dma_start3A_75 = arith.constant 0 : i32
      %dma_start3A_76 = tpu.memref_slice %arg14[%mul3A_33, %dma_start3A_75] : memref<10240x128xf32, #tpu.memory_space<vmem_shared>> -> memref<640x128xf32, #tpu.memory_space<vmem_shared>>
      tpu.enqueue_dma source(%dma_start3A_76 : memref<640x128xf32, #tpu.memory_space<vmem_shared>>) target(%dma_start3A_74 : memref<640x128xf32, #tpu.memory_space<hbm>>) target_semaphore(%run_scoped3A_71 : memref<!tpu.dma_semaphore, #tpu.memory_space<semaphore_mem>>)
      %dma_wait3A = arith.constant 0 : i32
      %dma_wait3A_77 = tpu.memref_slice %arg6[%arg0, %run_scoped3A, %mul3A_35, %dma_wait3A] : memref<2x2x10240x128xf32, #tpu.memory_space<hbm>> -> memref<1x1x640x128xf32, #tpu.memory_space<hbm>>
      %dma_wait3A_78 = tpu.memref_squeeze %dma_wait3A_77 : memref<1x1x640x128xf32, #tpu.memory_space<hbm>> -> memref<640x128xf32, #tpu.memory_space<hbm>>
      %dma_wait3A_79 = arith.constant 0 : i32
      %dma_wait3A_80 = tpu.memref_slice %arg14[%mul3A_33, %dma_wait3A_79] : memref<10240x128xf32, #tpu.memory_space<vmem_shared>> -> memref<640x128xf32, #tpu.memory_space<vmem_shared>>
      tpu.wait_dma2 semaphore(%run_scoped3A_71 : memref<!tpu.dma_semaphore, #tpu.memory_space<semaphore_mem>>) src(%dma_wait3A_80 : memref<640x128xf32, #tpu.memory_space<vmem_shared>>) dst(%dma_wait3A_78 : memref<640x128xf32, #tpu.memory_space<hbm>>)
      tpu.yield
    }) : () -> ()
    %scan3A_36 = arith.constant 0 : i32
    %scan3A_37 = arith.constant 0 : i32
    %scan3A_38 = arith.constant 320 : i32
    %scan3A_39 = arith.addi %scan3A_37, %scan3A_38 : i32
    %scan3A_40 = arith.constant 1 : i32
    %scan3A_41 = scf.for %scan3A_71 = %scan3A_37 to %scan3A_39 step %scan3A_40 iter_args(%scan3A_72 = %scan3A_36) -> (i32)  : i32 {
      %jit3A = arith.constant 8 : i32
      %div3A = arith.divsi %scan3A_71, %jit3A : i32
      %sign3A = arith.constant 0 : i32
      %sign3A_73 = arith.cmpi sgt, %scan3A_71, %sign3A : i32
      %sign3A_74 = arith.extui %sign3A_73 : i1 to i32
      %sign3A_75 = arith.constant 0 : i32
      %sign3A_76 = arith.cmpi slt, %scan3A_71, %sign3A_75 : i32
      %sign3A_77 = arith.extui %sign3A_76 : i1 to i32
      %sign3A_78 = arith.subi %sign3A_74, %sign3A_77 : i32
      %sign3A_79 = arith.constant 0 : i32
      %sign3A_80 = arith.cmpi sgt, %jit3A, %sign3A_79 : i32
      %sign3A_81 = arith.extui %sign3A_80 : i1 to i32
      %sign3A_82 = arith.constant 0 : i32
      %sign3A_83 = arith.cmpi slt, %jit3A, %sign3A_82 : i32
      %sign3A_84 = arith.extui %sign3A_83 : i1 to i32
      %sign3A_85 = arith.subi %sign3A_81, %sign3A_84 : i32
      %ne3A = arith.cmpi ne, %sign3A_78, %sign3A_85 : i32
      %rem3A = arith.remsi %scan3A_71, %jit3A : i32
      %ne3A_86 = arith.constant 0 : i32
      %ne3A_87 = arith.cmpi ne, %rem3A, %ne3A_86 : i32
      %and3A = arith.andi %ne3A, %ne3A_87 : i1
      %sub3A = arith.constant 1 : i32
      %sub3A_88 = arith.subi %div3A, %sub3A : i32
      %select_n3A = arith.select %and3A, %sub3A_88, %div3A : i32
      %jit3A_89 = arith.constant 8 : i32
      %eq3A = arith.constant 0 : i32
      %eq3A_90 = arith.cmpi eq, %jit3A_89, %eq3A : i32
      %jit3A_91 = arith.constant 1 : i32
      %select_n3A_92 = arith.select %eq3A_90, %jit3A_91, %jit3A_89 : i32
      %rem3A_93 = arith.remsi %scan3A_71, %select_n3A_92 : i32
      %ne3A_94 = arith.constant 0 : i32
      %ne3A_95 = arith.cmpi ne, %rem3A_93, %ne3A_94 : i32
      %lt3A = arith.constant 0 : i32
      %lt3A_96 = arith.cmpi slt, %rem3A_93, %lt3A : i32
      %lt3A_97 = arith.constant 0 : i32
      %lt3A_98 = arith.cmpi slt, %select_n3A_92, %lt3A_97 : i32
      %ne3A_99 = arith.xori %lt3A_96, %lt3A_98 : i1
      %and3A_100 = arith.andi %ne3A_99, %ne3A_95 : i1
      %add3A_101 = arith.addi %rem3A_93, %select_n3A_92 : i32
      %select_n3A_102 = arith.select %and3A_100, %add3A_101, %rem3A_93 : i32
      %mul3A_103 = arith.constant 16 : i32
      %mul3A_104 = arith.muli %select_n3A_102, %mul3A_103 : i32
      %get3A = arith.index_cast %select_n3A : i32 to index
      %get3A_105 = arith.index_cast %mul3A_104 : i32 to index
      %get3A_106 = tpu.vector_load %arg7[%get3A, %get3A_105] {strides = array<i32>} : memref<40x128xi32, #tpu.memory_space<vmem>>, vector<1x16xi32>,
      %get3A_107 = vector.shape_cast %get3A_106 : vector<1x16xi32> to vector<16xi32>
      %mul3A_108 = arith.constant 2 : i32
      %mul3A_109 = vector.broadcast %mul3A_108 : i32 to vector<16xi32>
      %mul3A_110 = arith.muli %get3A_107, %mul3A_109 : vector<16xi32>
      %add3A_111 = arith.constant 1 : i32
      %add3A_112 = vector.broadcast %add3A_111 : i32 to vector<16xi32>
      %add3A_113 = arith.addi %mul3A_110, %add3A_112 : vector<16xi32>
      %swap3A = arith.index_cast %select_n3A : i32 to index
      %swap3A_114 = arith.index_cast %mul3A_104 : i32 to index
      %swap3A_115 = tpu.vector_load %arg9[%swap3A, %swap3A_114] {strides = array<i32>} : memref<40x128xi32, #tpu.memory_space<vmem>>, vector<1x16xi32>,
      %swap3A_116 = vector.shape_cast %swap3A_115 : vector<1x16xi32> to vector<16xi32>
      %swap3A_117 = vector.shape_cast %add3A_113 : vector<16xi32> to vector<1x16xi32>
      tpu.vector_store %arg9[%swap3A, %swap3A_114], %swap3A_117 {strides = array<i32>} : memref<40x128xi32, #tpu.memory_space<vmem>>, vector<1x16xi32>,
      %scan3A_118 = arith.constant 0 : i32
      scf.yield %scan3A_118 : i32
    }
    %scan3A_42 = arith.constant 320 : i32
    %scan3A_43 = arith.constant 0 : i32
    %scan3A_44 = arith.constant 0 : i32
    %scan3A_45 = arith.constant 10 : i32
    %scan3A_46 = arith.addi %scan3A_44, %scan3A_45 : i32
    %scan3A_47 = arith.constant 1 : i32
    %scan3A_48 = scf.for %scan3A_71 = %scan3A_44 to %scan3A_46 step %scan3A_47 iter_args(%scan3A_72 = %scan3A_43) -> (i32)  : i32 {
      %mul3A_73 = arith.constant 640 : i32
      %mul3A_74 = arith.muli %arg1, %mul3A_73 : i32
      %mul3A_75 = arith.constant 64 : i32
      %mul3A_76 = arith.muli %scan3A_71, %mul3A_75 : i32
      %add3A_77 = arith.addi %mul3A_74, %mul3A_76 : i32
      "tpu.region"() ({
        %run_scoped3A_79 = tpu.sem_alloc : memref<!tpu.dma_semaphore, #tpu.memory_space<semaphore_mem>>
        %dma_start3A_80 = arith.constant 0 : i32
        %dma_start3A_81 = tpu.memref_slice %arg14[%add3A_77, %dma_start3A_80] : memref<10240x128xf32, #tpu.memory_space<vmem_shared>> -> memref<64x128xf32, #tpu.memory_space<vmem_shared>>
        tpu.enqueue_dma source(%arg5 : memref<64x128xf32, #tpu.memory_space<hbm>>) target(%dma_start3A_81 : memref<64x128xf32, #tpu.memory_space<vmem_shared>>) target_semaphore(%run_scoped3A_79 : memref<!tpu.dma_semaphore, #tpu.memory_space<semaphore_mem>>)
        %dma_wait3A = arith.constant 0 : i32
        %dma_wait3A_82 = tpu.memref_slice %arg14[%add3A_77, %dma_wait3A] : memref<10240x128xf32, #tpu.memory_space<vmem_shared>> -> memref<64x128xf32, #tpu.memory_space<vmem_shared>>
        tpu.wait_dma2 semaphore(%run_scoped3A_79 : memref<!tpu.dma_semaphore, #tpu.memory_space<semaphore_mem>>) src(%arg5 : memref<64x128xf32, #tpu.memory_space<hbm>>) dst(%dma_wait3A_82 : memref<64x128xf32, #tpu.memory_space<vmem_shared>>)
        tpu.yield
      }) : () -> ()
      %scan3A_78 = arith.constant 0 : i32
      scf.yield %scan3A_78 : i32
    }
    %scan3A_49 = arith.constant 10 : i32
    %barrier3A_50 = arith.constant 0 : index
    tpu.barrier barrier_id(%barrier3A_50)
    %dma_start3A_51 = arith.constant 0 : i32
    %dma_start3A_52 = arith.constant 0 : i32
    %dma_start3A_53 = tpu.memref_slice %arg9[%dma_start3A_51, %dma_start3A_52] : memref<40x128xi32, #tpu.memory_space<vmem>> -> memref<1x128xi32, #tpu.memory_space<vmem>>
    %dma_start3A_54 = tpu.memref_squeeze %dma_start3A_53 : memref<1x128xi32, #tpu.memory_space<vmem>> -> memref<128xi32, #tpu.memory_space<vmem>>
    %dma_start3A_55 = arith.constant 0 : i32
    %dma_start3A_56 = arith.constant 0 : i32
    %dma_start3A_57 = tpu.memref_slice %arg2[%dma_start3A_55, %dma_start3A_56] : memref<20480x128xf32, #tpu.memory_space<hbm>> -> memref<20480x128xf32, #tpu.memory_space<hbm>>
    tpu.enqueue_indirect_dma source(%dma_start3A_57 : memref<20480x128xf32, #tpu.memory_space<hbm>>) target(%arg10 : memref<128x128xf32, #tpu.memory_space<vmem>>) offsets(%dma_start3A_54 : memref<128xi32, #tpu.memory_space<vmem>>) semaphore(%arg12 : memref<!tpu.dma_semaphore, #tpu.memory_space<semaphore_mem>>)
    %scan3A_58 = arith.constant 0 : i32
    %scan3A_59 = arith.constant 0 : i32
    %scan3A_60 = arith.constant 20 : i32
    %scan3A_61 = arith.addi %scan3A_59, %scan3A_60 : i32
    %scan3A_62 = arith.constant 1 : i32
    %scan3A_63 = scf.for %scan3A_71 = %scan3A_59 to %scan3A_61 step %scan3A_62 iter_args(%scan3A_72 = %scan3A_58) -> (i32)  : i32 {
      %mul3A_73 = arith.constant 2 : i32
      %mul3A_74 = arith.muli %mul3A_73, %scan3A_71 : i32
      %mul3A_75 = arith.constant 2 : i32
      %mul3A_76 = arith.muli %mul3A_75, %scan3A_71 : i32
      %add3A_77 = arith.constant 1 : i32
      %add3A_78 = arith.addi %mul3A_76, %add3A_77 : i32
      %dma_start3A_79 = arith.constant 0 : i32
      %dma_start3A_80 = tpu.memref_slice %arg9[%add3A_78, %dma_start3A_79] : memref<40x128xi32, #tpu.memory_space<vmem>> -> memref<1x128xi32, #tpu.memory_space<vmem>>
      %dma_start3A_81 = tpu.memref_squeeze %dma_start3A_80 : memref<1x128xi32, #tpu.memory_space<vmem>> -> memref<128xi32, #tpu.memory_space<vmem>>
      %dma_start3A_82 = arith.constant 0 : i32
      %dma_start3A_83 = arith.constant 0 : i32
      %dma_start3A_84 = tpu.memref_slice %arg2[%dma_start3A_82, %dma_start3A_83] : memref<20480x128xf32, #tpu.memory_space<hbm>> -> memref<20480x128xf32, #tpu.memory_space<hbm>>
      tpu.enqueue_indirect_dma source(%dma_start3A_84 : memref<20480x128xf32, #tpu.memory_space<hbm>>) target(%arg11 : memref<128x128xf32, #tpu.memory_space<vmem>>) offsets(%dma_start3A_81 : memref<128xi32, #tpu.memory_space<vmem>>) semaphore(%arg13 : memref<!tpu.dma_semaphore, #tpu.memory_space<semaphore_mem>>)
      %dma_wait3A = arith.constant 0 : i32
      %dma_wait3A_85 = tpu.memref_slice %arg9[%mul3A_74, %dma_wait3A] : memref<40x128xi32, #tpu.memory_space<vmem>> -> memref<1x128xi32, #tpu.memory_space<vmem>>
      %dma_wait3A_86 = tpu.memref_squeeze %dma_wait3A_85 : memref<1x128xi32, #tpu.memory_space<vmem>> -> memref<128xi32, #tpu.memory_space<vmem>>
      %dma_wait3A_87 = arith.constant 0 : i32
      %dma_wait3A_88 = arith.constant 0 : i32
      %dma_wait3A_89 = tpu.memref_slice %arg2[%dma_wait3A_87, %dma_wait3A_88] : memref<20480x128xf32, #tpu.memory_space<hbm>> -> memref<20480x128xf32, #tpu.memory_space<hbm>>
      tpu.wait_indirect_dma semaphore(%arg12 : memref<!tpu.dma_semaphore, #tpu.memory_space<semaphore_mem>>) src(%dma_wait3A_89 : memref<20480x128xf32, #tpu.memory_space<hbm>>) dst(%arg10 : memref<128x128xf32, #tpu.memory_space<vmem>>)
      "tpu.region"() ({
        %run_scoped3A_101 = tpu.sem_alloc : memref<!tpu.dma_semaphore, #tpu.memory_space<semaphore_mem>>
        %dma_start3A_102 = arith.constant 0 : i32
        %dma_start3A_103 = tpu.memref_slice %arg8[%mul3A_74, %dma_start3A_102] : memref<40x128xi32, #tpu.memory_space<vmem>> -> memref<1x128xi32, #tpu.memory_space<vmem>>
        %dma_start3A_104 = tpu.memref_squeeze %dma_start3A_103 : memref<1x128xi32, #tpu.memory_space<vmem>> -> memref<128xi32, #tpu.memory_space<vmem>>
        %dma_start3A_105 = arith.constant 0 : i32
        %dma_start3A_106 = arith.constant 0 : i32
        %dma_start3A_107 = tpu.memref_slice %arg14[%dma_start3A_105, %dma_start3A_106] : memref<10240x128xf32, #tpu.memory_space<vmem_shared>> -> memref<10240x128xf32, #tpu.memory_space<vmem_shared>>
        tpu.enqueue_indirect_dma source(%arg10 : memref<128x128xf32, #tpu.memory_space<vmem>>) target(%dma_start3A_107 : memref<10240x128xf32, #tpu.memory_space<vmem_shared>>) offsets(%dma_start3A_104 : memref<128xi32, #tpu.memory_space<vmem>>) semaphore(%run_scoped3A_101 : memref<!tpu.dma_semaphore, #tpu.memory_space<semaphore_mem>>) {add = true}
        %dma_wait3A_108 = arith.constant 0 : i32
        %dma_wait3A_109 = tpu.memref_slice %arg8[%mul3A_74, %dma_wait3A_108] : memref<40x128xi32, #tpu.memory_space<vmem>> -> memref<1x128xi32, #tpu.memory_space<vmem>>
        %dma_wait3A_110 = tpu.memref_squeeze %dma_wait3A_109 : memref<1x128xi32, #tpu.memory_space<vmem>> -> memref<128xi32, #tpu.memory_space<vmem>>
        %dma_wait3A_111 = arith.constant 0 : i32
        %dma_wait3A_112 = arith.constant 0 : i32
        %dma_wait3A_113 = tpu.memref_slice %arg14[%dma_wait3A_111, %dma_wait3A_112] : memref<10240x128xf32, #tpu.memory_space<vmem_shared>> -> memref<10240x128xf32, #tpu.memory_space<vmem_shared>>
        tpu.wait_indirect_dma semaphore(%run_scoped3A_101 : memref<!tpu.dma_semaphore, #tpu.memory_space<semaphore_mem>>) src(%arg10 : memref<128x128xf32, #tpu.memory_space<vmem>>) dst(%dma_wait3A_113 : memref<10240x128xf32, #tpu.memory_space<vmem_shared>>)
        tpu.yield
      }) : () -> ()
      %add3A_90 = arith.constant 1 : i32
      %add3A_91 = arith.addi %add3A_78, %add3A_90 : i32
      %lt3A = arith.constant 40 : i32
      %lt3A_92 = arith.cmpi slt, %add3A_91, %lt3A : i32
      %convert_element_type3A = arith.extui %lt3A_92 : i1 to i32
      %cond3A = arith.constant 0 : i32
      %cond3A_93 = arith.cmpi ne, %convert_element_type3A, %cond3A : i32
      scf.if %cond3A_93 {
        %add3A_101 = arith.constant 1 : i32
        %add3A_102 = arith.addi %add3A_78, %add3A_101 : i32
        %dma_start3A_103 = arith.constant 0 : i32
        %dma_start3A_104 = tpu.memref_slice %arg9[%add3A_102, %dma_start3A_103] : memref<40x128xi32, #tpu.memory_space<vmem>> -> memref<1x128xi32, #tpu.memory_space<vmem>>
        %dma_start3A_105 = tpu.memref_squeeze %dma_start3A_104 : memref<1x128xi32, #tpu.memory_space<vmem>> -> memref<128xi32, #tpu.memory_space<vmem>>
        %dma_start3A_106 = arith.constant 0 : i32
        %dma_start3A_107 = arith.constant 0 : i32
        %dma_start3A_108 = tpu.memref_slice %arg2[%dma_start3A_106, %dma_start3A_107] : memref<20480x128xf32, #tpu.memory_space<hbm>> -> memref<20480x128xf32, #tpu.memory_space<hbm>>
        tpu.enqueue_indirect_dma source(%dma_start3A_108 : memref<20480x128xf32, #tpu.memory_space<hbm>>) target(%arg10 : memref<128x128xf32, #tpu.memory_space<vmem>>) offsets(%dma_start3A_105 : memref<128xi32, #tpu.memory_space<vmem>>) semaphore(%arg12 : memref<!tpu.dma_semaphore, #tpu.memory_space<semaphore_mem>>)
      } else {
      }
      %dma_wait3A_94 = arith.constant 0 : i32
      %dma_wait3A_95 = tpu.memref_slice %arg9[%add3A_78, %dma_wait3A_94] : memref<40x128xi32, #tpu.memory_space<vmem>> -> memref<1x128xi32, #tpu.memory_space<vmem>>
      %dma_wait3A_96 = tpu.memref_squeeze %dma_wait3A_95 : memref<1x128xi32, #tpu.memory_space<vmem>> -> memref<128xi32, #tpu.memory_space<vmem>>
      %dma_wait3A_97 = arith.constant 0 : i32
      %dma_wait3A_98 = arith.constant 0 : i32
      %dma_wait3A_99 = tpu.memref_slice %arg2[%dma_wait3A_97, %dma_wait3A_98] : memref<20480x128xf32, #tpu.memory_space<hbm>> -> memref<20480x128xf32, #tpu.memory_space<hbm>>
      tpu.wait_indirect_dma semaphore(%arg13 : memref<!tpu.dma_semaphore, #tpu.memory_space<semaphore_mem>>) src(%dma_wait3A_99 : memref<20480x128xf32, #tpu.memory_space<hbm>>) dst(%arg11 : memref<128x128xf32, #tpu.memory_space<vmem>>)
      "tpu.region"() ({
        %run_scoped3A_101 = tpu.sem_alloc : memref<!tpu.dma_semaphore, #tpu.memory_space<semaphore_mem>>
        %dma_start3A_102 = arith.constant 0 : i32
        %dma_start3A_103 = tpu.memref_slice %arg8[%add3A_78, %dma_start3A_102] : memref<40x128xi32, #tpu.memory_space<vmem>> -> memref<1x128xi32, #tpu.memory_space<vmem>>
        %dma_start3A_104 = tpu.memref_squeeze %dma_start3A_103 : memref<1x128xi32, #tpu.memory_space<vmem>> -> memref<128xi32, #tpu.memory_space<vmem>>
        %dma_start3A_105 = arith.constant 0 : i32
        %dma_start3A_106 = arith.constant 0 : i32
        %dma_start3A_107 = tpu.memref_slice %arg14[%dma_start3A_105, %dma_start3A_106] : memref<10240x128xf32, #tpu.memory_space<vmem_shared>> -> memref<10240x128xf32, #tpu.memory_space<vmem_shared>>
        tpu.enqueue_indirect_dma source(%arg11 : memref<128x128xf32, #tpu.memory_space<vmem>>) target(%dma_start3A_107 : memref<10240x128xf32, #tpu.memory_space<vmem_shared>>) offsets(%dma_start3A_104 : memref<128xi32, #tpu.memory_space<vmem>>) semaphore(%run_scoped3A_101 : memref<!tpu.dma_semaphore, #tpu.memory_space<semaphore_mem>>) {add = true}
        %dma_wait3A_108 = arith.constant 0 : i32
        %dma_wait3A_109 = tpu.memref_slice %arg8[%add3A_78, %dma_wait3A_108] : memref<40x128xi32, #tpu.memory_space<vmem>> -> memref<1x128xi32, #tpu.memory_space<vmem>>
        %dma_wait3A_110 = tpu.memref_squeeze %dma_wait3A_109 : memref<1x128xi32, #tpu.memory_space<vmem>> -> memref<128xi32, #tpu.memory_space<vmem>>
        %dma_wait3A_111 = arith.constant 0 : i32
        %dma_wait3A_112 = arith.constant 0 : i32
        %dma_wait3A_113 = tpu.memref_slice %arg14[%dma_wait3A_111, %dma_wait3A_112] : memref<10240x128xf32, #tpu.memory_space<vmem_shared>> -> memref<10240x128xf32, #tpu.memory_space<vmem_shared>>
        tpu.wait_indirect_dma semaphore(%run_scoped3A_101 : memref<!tpu.dma_semaphore, #tpu.memory_space<semaphore_mem>>) src(%arg11 : memref<128x128xf32, #tpu.memory_space<vmem>>) dst(%dma_wait3A_113 : memref<10240x128xf32, #tpu.memory_space<vmem_shared>>)
        tpu.yield
      }) : () -> ()
      %scan3A_100 = arith.constant 0 : i32
      scf.yield %scan3A_100 : i32
    }
    %scan3A_64 = arith.constant 20 : i32
    %barrier3A_65 = arith.constant 0 : index
    tpu.barrier barrier_id(%barrier3A_65)
    %mul3A_66 = arith.constant 640 : i32
    %mul3A_67 = arith.muli %arg1, %mul3A_66 : i32
    %mul3A_68 = arith.constant 640 : i32
    %mul3A_69 = arith.muli %arg1, %mul3A_68 : i32
    %run_scoped3A_70 = arith.constant 1 : i32
    "tpu.region"() ({
      %run_scoped3A_71 = tpu.sem_alloc : memref<!tpu.dma_semaphore, #tpu.memory_space<semaphore_mem>>
      %dma_start3A_72 = arith.constant 0 : i32
      %dma_start3A_73 = tpu.memref_slice %arg6[%arg0, %run_scoped3A_70, %mul3A_69, %dma_start3A_72] : memref<2x2x10240x128xf32, #tpu.memory_space<hbm>> -> memref<1x1x640x128xf32, #tpu.memory_space<hbm>>
      %dma_start3A_74 = tpu.memref_squeeze %dma_start3A_73 : memref<1x1x640x128xf32, #tpu.memory_space<hbm>> -> memref<640x128xf32, #tpu.memory_space<hbm>>
      %dma_start3A_75 = arith.constant 0 : i32
      %dma_start3A_76 = tpu.memref_slice %arg14[%mul3A_67, %dma_start3A_75] : memref<10240x128xf32, #tpu.memory_space<vmem_shared>> -> memref<640x128xf32, #tpu.memory_space<vmem_shared>>
      tpu.enqueue_dma source(%dma_start3A_76 : memref<640x128xf32, #tpu.memory_space<vmem_shared>>) target(%dma_start3A_74 : memref<640x128xf32, #tpu.memory_space<hbm>>) target_semaphore(%run_scoped3A_71 : memref<!tpu.dma_semaphore, #tpu.memory_space<semaphore_mem>>)
      %dma_wait3A = arith.constant 0 : i32
      %dma_wait3A_77 = tpu.memref_slice %arg6[%arg0, %run_scoped3A_70, %mul3A_69, %dma_wait3A] : memref<2x2x10240x128xf32, #tpu.memory_space<hbm>> -> memref<1x1x640x128xf32, #tpu.memory_space<hbm>>
      %dma_wait3A_78 = tpu.memref_squeeze %dma_wait3A_77 : memref<1x1x640x128xf32, #tpu.memory_space<hbm>> -> memref<640x128xf32, #tpu.memory_space<hbm>>
      %dma_wait3A_79 = arith.constant 0 : i32
      %dma_wait3A_80 = tpu.memref_slice %arg14[%mul3A_67, %dma_wait3A_79] : memref<10240x128xf32, #tpu.memory_space<vmem_shared>> -> memref<640x128xf32, #tpu.memory_space<vmem_shared>>
      tpu.wait_dma2 semaphore(%run_scoped3A_71 : memref<!tpu.dma_semaphore, #tpu.memory_space<semaphore_mem>>) src(%dma_wait3A_80 : memref<640x128xf32, #tpu.memory_space<vmem_shared>>) dst(%dma_wait3A_78 : memref<640x128xf32, #tpu.memory_space<hbm>>)
      tpu.yield
    }) : () -> ()
    return
  }
}

#map = affine_map<(d0, d1) -> (0, 0)>
#map1 = affine_map<(d0, d1) -> (0)>
module attributes {stable_mosaic.version = 14 : i64} {
  func.func @_sc_hist_body(%arg0: i32, %arg1: i32, %arg2: memref<1280x128xi32, #tpu.memory_space<hbm>>, %arg3: memref<1280x128xi32, #tpu.memory_space<hbm>>, %arg4: memref<1280x128xf32, #tpu.memory_space<hbm>>, %arg5: memref<10240xi32, #tpu.memory_space<hbm>>, %arg6: memref<4096xf32, #tpu.memory_space<hbm>>, %arg7: memref<2x10240xf32, #tpu.memory_space<hbm>>, %arg8: memref<2x655360xf32, #tpu.memory_space<hbm>>, %arg9: memref<40x128xi32, #tpu.memory_space<vmem>>, %arg10: memref<40x128xi32, #tpu.memory_space<vmem>>, %arg11: memref<40x128xf32, #tpu.memory_space<vmem>>, %arg12: memref<40x128xi32, #tpu.memory_space<vmem>>, %arg13: memref<40x128xi32, #tpu.memory_space<vmem>>, %arg14: memref<4096xf32, #tpu.memory_space<vmem>>, %arg15: memref<!tpu.dma_semaphore, #tpu.memory_space<semaphore_mem>>, %arg16: memref<!tpu.dma_semaphore, #tpu.memory_space<semaphore_mem>>, %arg17: memref<655360xf32, #tpu.memory_space<vmem_shared>>, %arg18: memref<10240xf32, #tpu.memory_space<vmem_shared>>) attributes {dimension_semantics = [#tpu.dimension_semantics<core_parallel>, #tpu.dimension_semantics<subcore_parallel>], iteration_bounds = array<i64: 2, 16>, scalar_prefetch = 0 : i64, scratch_operands = 10 : i64, tpu.core_type = #tpu.core_type<sc_vector_subcore>, window_params = [{transform_indices = #map}, {transform_indices = #map}, {transform_indices = #map}, {transform_indices = #map1}, {transform_indices = #map1}, {transform_indices = #map}, {transform_indices = #map}]} {
    %mul3A = arith.constant 16 : i32
    %mul3A_0 = arith.muli %arg0, %mul3A : i32
    %add3A = arith.addi %mul3A_0, %arg1 : i32
    %mul3A_1 = arith.constant 40 : i32
    %mul3A_2 = arith.muli %add3A, %mul3A_1 : i32
    "tpu.region"() ({
      %run_scoped3A = tpu.sem_alloc : memref<!tpu.dma_semaphore, #tpu.memory_space<semaphore_mem>>
      %dma_start3A = arith.constant 0 : i32
      %dma_start3A_62 = tpu.memref_slice %arg2[%mul3A_2, %dma_start3A] : memref<1280x128xi32, #tpu.memory_space<hbm>> -> memref<40x128xi32, #tpu.memory_space<hbm>>
      %dma_start3A_63 = arith.constant 0 : i32
      %dma_start3A_64 = tpu.memref_slice %arg2[%mul3A_2, %dma_start3A_63] : memref<1280x128xi32, #tpu.memory_space<hbm>> -> memref<40x128xi32, #tpu.memory_space<hbm>>
      tpu.enqueue_dma source(%dma_start3A_64 : memref<40x128xi32, #tpu.memory_space<hbm>>) target(%arg9 : memref<40x128xi32, #tpu.memory_space<vmem>>) target_semaphore(%run_scoped3A : memref<!tpu.dma_semaphore, #tpu.memory_space<semaphore_mem>>)
      %dma_wait3A = arith.constant 0 : i32
      %dma_wait3A_65 = tpu.memref_slice %arg2[%mul3A_2, %dma_wait3A] : memref<1280x128xi32, #tpu.memory_space<hbm>> -> memref<40x128xi32, #tpu.memory_space<hbm>>
      %dma_wait3A_66 = arith.constant 0 : i32
      %dma_wait3A_67 = tpu.memref_slice %arg2[%mul3A_2, %dma_wait3A_66] : memref<1280x128xi32, #tpu.memory_space<hbm>> -> memref<40x128xi32, #tpu.memory_space<hbm>>
      tpu.wait_dma2 semaphore(%run_scoped3A : memref<!tpu.dma_semaphore, #tpu.memory_space<semaphore_mem>>) src(%dma_wait3A_67 : memref<40x128xi32, #tpu.memory_space<hbm>>) dst(%arg9 : memref<40x128xi32, #tpu.memory_space<vmem>>)
      tpu.yield
    }) : () -> ()
    %mul3A_3 = arith.constant 40 : i32
    %mul3A_4 = arith.muli %add3A, %mul3A_3 : i32
    "tpu.region"() ({
      %run_scoped3A = tpu.sem_alloc : memref<!tpu.dma_semaphore, #tpu.memory_space<semaphore_mem>>
      %dma_start3A = arith.constant 0 : i32
      %dma_start3A_62 = tpu.memref_slice %arg3[%mul3A_4, %dma_start3A] : memref<1280x128xi32, #tpu.memory_space<hbm>> -> memref<40x128xi32, #tpu.memory_space<hbm>>
      %dma_start3A_63 = arith.constant 0 : i32
      %dma_start3A_64 = tpu.memref_slice %arg3[%mul3A_4, %dma_start3A_63] : memref<1280x128xi32, #tpu.memory_space<hbm>> -> memref<40x128xi32, #tpu.memory_space<hbm>>
      tpu.enqueue_dma source(%dma_start3A_64 : memref<40x128xi32, #tpu.memory_space<hbm>>) target(%arg10 : memref<40x128xi32, #tpu.memory_space<vmem>>) target_semaphore(%run_scoped3A : memref<!tpu.dma_semaphore, #tpu.memory_space<semaphore_mem>>)
      %dma_wait3A = arith.constant 0 : i32
      %dma_wait3A_65 = tpu.memref_slice %arg3[%mul3A_4, %dma_wait3A] : memref<1280x128xi32, #tpu.memory_space<hbm>> -> memref<40x128xi32, #tpu.memory_space<hbm>>
      %dma_wait3A_66 = arith.constant 0 : i32
      %dma_wait3A_67 = tpu.memref_slice %arg3[%mul3A_4, %dma_wait3A_66] : memref<1280x128xi32, #tpu.memory_space<hbm>> -> memref<40x128xi32, #tpu.memory_space<hbm>>
      tpu.wait_dma2 semaphore(%run_scoped3A : memref<!tpu.dma_semaphore, #tpu.memory_space<semaphore_mem>>) src(%dma_wait3A_67 : memref<40x128xi32, #tpu.memory_space<hbm>>) dst(%arg10 : memref<40x128xi32, #tpu.memory_space<vmem>>)
      tpu.yield
    }) : () -> ()
    %mul3A_5 = arith.constant 40 : i32
    %mul3A_6 = arith.muli %add3A, %mul3A_5 : i32
    "tpu.region"() ({
      %run_scoped3A = tpu.sem_alloc : memref<!tpu.dma_semaphore, #tpu.memory_space<semaphore_mem>>
      %dma_start3A = arith.constant 0 : i32
      %dma_start3A_62 = tpu.memref_slice %arg4[%mul3A_6, %dma_start3A] : memref<1280x128xf32, #tpu.memory_space<hbm>> -> memref<40x128xf32, #tpu.memory_space<hbm>>
      %dma_start3A_63 = arith.constant 0 : i32
      %dma_start3A_64 = tpu.memref_slice %arg4[%mul3A_6, %dma_start3A_63] : memref<1280x128xf32, #tpu.memory_space<hbm>> -> memref<40x128xf32, #tpu.memory_space<hbm>>
      tpu.enqueue_dma source(%dma_start3A_64 : memref<40x128xf32, #tpu.memory_space<hbm>>) target(%arg11 : memref<40x128xf32, #tpu.memory_space<vmem>>) target_semaphore(%run_scoped3A : memref<!tpu.dma_semaphore, #tpu.memory_space<semaphore_mem>>)
      %dma_wait3A = arith.constant 0 : i32
      %dma_wait3A_65 = tpu.memref_slice %arg4[%mul3A_6, %dma_wait3A] : memref<1280x128xf32, #tpu.memory_space<hbm>> -> memref<40x128xf32, #tpu.memory_space<hbm>>
      %dma_wait3A_66 = arith.constant 0 : i32
      %dma_wait3A_67 = tpu.memref_slice %arg4[%mul3A_6, %dma_wait3A_66] : memref<1280x128xf32, #tpu.memory_space<hbm>> -> memref<40x128xf32, #tpu.memory_space<hbm>>
      tpu.wait_dma2 semaphore(%run_scoped3A : memref<!tpu.dma_semaphore, #tpu.memory_space<semaphore_mem>>) src(%dma_wait3A_67 : memref<40x128xf32, #tpu.memory_space<hbm>>) dst(%arg11 : memref<40x128xf32, #tpu.memory_space<vmem>>)
      tpu.yield
    }) : () -> ()
    "tpu.region"() ({
      %run_scoped3A = tpu.sem_alloc : memref<!tpu.dma_semaphore, #tpu.memory_space<semaphore_mem>>
      tpu.enqueue_dma source(%arg6 : memref<4096xf32, #tpu.memory_space<hbm>>) target(%arg14 : memref<4096xf32, #tpu.memory_space<vmem>>) target_semaphore(%run_scoped3A : memref<!tpu.dma_semaphore, #tpu.memory_space<semaphore_mem>>)
      tpu.wait_dma2 semaphore(%run_scoped3A : memref<!tpu.dma_semaphore, #tpu.memory_space<semaphore_mem>>) src(%arg6 : memref<4096xf32, #tpu.memory_space<hbm>>) dst(%arg14 : memref<4096xf32, #tpu.memory_space<vmem>>)
      tpu.yield
    }) : () -> ()
    %scan3A = arith.constant 0 : i32
    %scan3A_7 = arith.constant 0 : i32
    %scan3A_8 = arith.constant 40 : i32
    %scan3A_9 = arith.addi %scan3A_7, %scan3A_8 : i32
    %scan3A_10 = arith.constant 1 : i32
    %scan3A_11 = scf.for %scan3A_62 = %scan3A_7 to %scan3A_9 step %scan3A_10 iter_args(%scan3A_63 = %scan3A) -> (i32)  : i32 {
      %dma_start3A = arith.constant 0 : i32
      %dma_start3A_64 = tpu.memref_slice %arg13[%scan3A_62, %dma_start3A] : memref<40x128xi32, #tpu.memory_space<vmem>> -> memref<1x128xi32, #tpu.memory_space<vmem>>
      %dma_start3A_65 = tpu.memref_squeeze %dma_start3A_64 : memref<1x128xi32, #tpu.memory_space<vmem>> -> memref<128xi32, #tpu.memory_space<vmem>>
      %dma_start3A_66 = arith.constant 0 : i32
      %dma_start3A_67 = tpu.memref_slice %arg10[%scan3A_62, %dma_start3A_66] : memref<40x128xi32, #tpu.memory_space<vmem>> -> memref<1x128xi32, #tpu.memory_space<vmem>>
      %dma_start3A_68 = tpu.memref_squeeze %dma_start3A_67 : memref<1x128xi32, #tpu.memory_space<vmem>> -> memref<128xi32, #tpu.memory_space<vmem>>
      %dma_start3A_69 = arith.constant 0 : i32
      %dma_start3A_70 = tpu.memref_slice %arg5[%dma_start3A_69] : memref<10240xi32, #tpu.memory_space<hbm>> -> memref<10240xi32, #tpu.memory_space<hbm>>
      tpu.enqueue_indirect_dma source(%dma_start3A_70 : memref<10240xi32, #tpu.memory_space<hbm>>) target(%dma_start3A_65 : memref<128xi32, #tpu.memory_space<vmem>>) offsets(%dma_start3A_68 : memref<128xi32, #tpu.memory_space<vmem>>) semaphore(%arg15 : memref<!tpu.dma_semaphore, #tpu.memory_space<semaphore_mem>>)
      %scan3A_71 = arith.constant 0 : i32
      scf.yield %scan3A_71 : i32
    }
    %scan3A_12 = arith.constant 40 : i32
    %scan3A_13 = arith.constant 0 : i32
    %scan3A_14 = arith.constant 0 : i32
    %scan3A_15 = arith.constant 40 : i32
    %scan3A_16 = arith.addi %scan3A_14, %scan3A_15 : i32
    %scan3A_17 = arith.constant 1 : i32
    %scan3A_18 = scf.for %scan3A_62 = %scan3A_14 to %scan3A_16 step %scan3A_17 iter_args(%scan3A_63 = %scan3A_13) -> (i32)  : i32 {
      %dma_wait3A = arith.constant 0 : i32
      %dma_wait3A_64 = tpu.memref_slice %arg13[%scan3A_62, %dma_wait3A] : memref<40x128xi32, #tpu.memory_space<vmem>> -> memref<1x128xi32, #tpu.memory_space<vmem>>
      %dma_wait3A_65 = tpu.memref_squeeze %dma_wait3A_64 : memref<1x128xi32, #tpu.memory_space<vmem>> -> memref<128xi32, #tpu.memory_space<vmem>>
      %dma_wait3A_66 = arith.constant 0 : i32
      %dma_wait3A_67 = tpu.memref_slice %arg10[%scan3A_62, %dma_wait3A_66] : memref<40x128xi32, #tpu.memory_space<vmem>> -> memref<1x128xi32, #tpu.memory_space<vmem>>
      %dma_wait3A_68 = tpu.memref_squeeze %dma_wait3A_67 : memref<1x128xi32, #tpu.memory_space<vmem>> -> memref<128xi32, #tpu.memory_space<vmem>>
      %dma_wait3A_69 = arith.constant 0 : i32
      %dma_wait3A_70 = tpu.memref_slice %arg5[%dma_wait3A_69] : memref<10240xi32, #tpu.memory_space<hbm>> -> memref<10240xi32, #tpu.memory_space<hbm>>
      tpu.wait_indirect_dma semaphore(%arg15 : memref<!tpu.dma_semaphore, #tpu.memory_space<semaphore_mem>>) src(%dma_wait3A_70 : memref<10240xi32, #tpu.memory_space<hbm>>) dst(%dma_wait3A_65 : memref<128xi32, #tpu.memory_space<vmem>>)
      %scan3A_71 = arith.constant 0 : i32
      scf.yield %scan3A_71 : i32
    }
    %scan3A_19 = arith.constant 40 : i32
    %scan3A_20 = arith.constant 0 : i32
    %scan3A_21 = arith.constant 0 : i32
    %scan3A_22 = arith.constant 320 : i32
    %scan3A_23 = arith.addi %scan3A_21, %scan3A_22 : i32
    %scan3A_24 = arith.constant 1 : i32
    %scan3A_25 = scf.for %scan3A_62 = %scan3A_21 to %scan3A_23 step %scan3A_24 iter_args(%scan3A_63 = %scan3A_20) -> (i32)  : i32 {
      %jit3A = arith.constant 8 : i32
      %div3A = arith.divsi %scan3A_62, %jit3A : i32
      %sign3A = arith.constant 0 : i32
      %sign3A_64 = arith.cmpi sgt, %scan3A_62, %sign3A : i32
      %sign3A_65 = arith.extui %sign3A_64 : i1 to i32
      %sign3A_66 = arith.constant 0 : i32
      %sign3A_67 = arith.cmpi slt, %scan3A_62, %sign3A_66 : i32
      %sign3A_68 = arith.extui %sign3A_67 : i1 to i32
      %sign3A_69 = arith.subi %sign3A_65, %sign3A_68 : i32
      %sign3A_70 = arith.constant 0 : i32
      %sign3A_71 = arith.cmpi sgt, %jit3A, %sign3A_70 : i32
      %sign3A_72 = arith.extui %sign3A_71 : i1 to i32
      %sign3A_73 = arith.constant 0 : i32
      %sign3A_74 = arith.cmpi slt, %jit3A, %sign3A_73 : i32
      %sign3A_75 = arith.extui %sign3A_74 : i1 to i32
      %sign3A_76 = arith.subi %sign3A_72, %sign3A_75 : i32
      %ne3A = arith.cmpi ne, %sign3A_69, %sign3A_76 : i32
      %rem3A = arith.remsi %scan3A_62, %jit3A : i32
      %ne3A_77 = arith.constant 0 : i32
      %ne3A_78 = arith.cmpi ne, %rem3A, %ne3A_77 : i32
      %and3A = arith.andi %ne3A, %ne3A_78 : i1
      %sub3A = arith.constant 1 : i32
      %sub3A_79 = arith.subi %div3A, %sub3A : i32
      %select_n3A = arith.select %and3A, %sub3A_79, %div3A : i32
      %jit3A_80 = arith.constant 8 : i32
      %eq3A = arith.constant 0 : i32
      %eq3A_81 = arith.cmpi eq, %jit3A_80, %eq3A : i32
      %jit3A_82 = arith.constant 1 : i32
      %select_n3A_83 = arith.select %eq3A_81, %jit3A_82, %jit3A_80 : i32
      %rem3A_84 = arith.remsi %scan3A_62, %select_n3A_83 : i32
      %ne3A_85 = arith.constant 0 : i32
      %ne3A_86 = arith.cmpi ne, %rem3A_84, %ne3A_85 : i32
      %lt3A = arith.constant 0 : i32
      %lt3A_87 = arith.cmpi slt, %rem3A_84, %lt3A : i32
      %lt3A_88 = arith.constant 0 : i32
      %lt3A_89 = arith.cmpi slt, %select_n3A_83, %lt3A_88 : i32
      %ne3A_90 = arith.xori %lt3A_87, %lt3A_89 : i1
      %and3A_91 = arith.andi %ne3A_90, %ne3A_86 : i1
      %add3A_92 = arith.addi %rem3A_84, %select_n3A_83 : i32
      %select_n3A_93 = arith.select %and3A_91, %add3A_92, %rem3A_84 : i32
      %mul3A_94 = arith.constant 16 : i32
      %mul3A_95 = arith.muli %select_n3A_93, %mul3A_94 : i32
      %get3A = arith.index_cast %select_n3A : i32 to index
      %get3A_96 = arith.index_cast %mul3A_95 : i32 to index
      %get3A_97 = tpu.vector_load %arg13[%get3A, %get3A_96] {strides = array<i32>} : memref<40x128xi32, #tpu.memory_space<vmem>>, vector<1x16xi32>,
      %get3A_98 = vector.shape_cast %get3A_97 : vector<1x16xi32> to vector<16xi32>
      %mul3A_99 = arith.constant 10240 : i32
      %mul3A_100 = vector.broadcast %mul3A_99 : i32 to vector<16xi32>
      %mul3A_101 = arith.muli %get3A_98, %mul3A_100 : vector<16xi32>
      %get3A_102 = arith.index_cast %select_n3A : i32 to index
      %get3A_103 = arith.index_cast %mul3A_95 : i32 to index
      %get3A_104 = tpu.vector_load %arg9[%get3A_102, %get3A_103] {strides = array<i32>} : memref<40x128xi32, #tpu.memory_space<vmem>>, vector<1x16xi32>,
      %get3A_105 = vector.shape_cast %get3A_104 : vector<1x16xi32> to vector<16xi32>
      %add3A_106 = arith.addi %mul3A_101, %get3A_105 : vector<16xi32>
      %swap3A = arith.index_cast %select_n3A : i32 to index
      %swap3A_107 = arith.index_cast %mul3A_95 : i32 to index
      %swap3A_108 = tpu.vector_load %arg12[%swap3A, %swap3A_107] {strides = array<i32>} : memref<40x128xi32, #tpu.memory_space<vmem>>, vector<1x16xi32>,
      %swap3A_109 = vector.shape_cast %swap3A_108 : vector<1x16xi32> to vector<16xi32>
      %swap3A_110 = vector.shape_cast %add3A_106 : vector<16xi32> to vector<1x16xi32>
      tpu.vector_store %arg12[%swap3A, %swap3A_107], %swap3A_110 {strides = array<i32>} : memref<40x128xi32, #tpu.memory_space<vmem>>, vector<1x16xi32>,
      %scan3A_111 = arith.constant 0 : i32
      scf.yield %scan3A_111 : i32
    }
    %scan3A_26 = arith.constant 320 : i32
    %mul3A_27 = arith.constant 640 : i32
    %mul3A_28 = arith.muli %arg1, %mul3A_27 : i32
    "tpu.region"() ({
      %run_scoped3A = tpu.sem_alloc : memref<!tpu.dma_semaphore, #tpu.memory_space<semaphore_mem>>
      %dma_start3A = arith.constant 0 : i32
      %dma_start3A_62 = tpu.memref_slice %arg14[%dma_start3A] : memref<4096xf32, #tpu.memory_space<vmem>> -> memref<640xf32, #tpu.memory_space<vmem>>
      %dma_start3A_63 = tpu.memref_slice %arg18[%mul3A_28] : memref<10240xf32, #tpu.memory_space<vmem_shared>> -> memref<640xf32, #tpu.memory_space<vmem_shared>>
      %dma_start3A_64 = tpu.memref_slice %arg18[%mul3A_28] : memref<10240xf32, #tpu.memory_space<vmem_shared>> -> memref<640xf32, #tpu.memory_space<vmem_shared>>
      %dma_start3A_65 = arith.constant 0 : i32
      %dma_start3A_66 = tpu.memref_slice %arg14[%dma_start3A_65] : memref<4096xf32, #tpu.memory_space<vmem>> -> memref<640xf32, #tpu.memory_space<vmem>>
      tpu.enqueue_dma source(%dma_start3A_66 : memref<640xf32, #tpu.memory_space<vmem>>) target(%dma_start3A_64 : memref<640xf32, #tpu.memory_space<vmem_shared>>) target_semaphore(%run_scoped3A : memref<!tpu.dma_semaphore, #tpu.memory_space<semaphore_mem>>)
      %dma_wait3A = arith.constant 0 : i32
      %dma_wait3A_67 = tpu.memref_slice %arg14[%dma_wait3A] : memref<4096xf32, #tpu.memory_space<vmem>> -> memref<640xf32, #tpu.memory_space<vmem>>
      %dma_wait3A_68 = tpu.memref_slice %arg18[%mul3A_28] : memref<10240xf32, #tpu.memory_space<vmem_shared>> -> memref<640xf32, #tpu.memory_space<vmem_shared>>
      %dma_wait3A_69 = tpu.memref_slice %arg18[%mul3A_28] : memref<10240xf32, #tpu.memory_space<vmem_shared>> -> memref<640xf32, #tpu.memory_space<vmem_shared>>
      %dma_wait3A_70 = arith.constant 0 : i32
      %dma_wait3A_71 = tpu.memref_slice %arg14[%dma_wait3A_70] : memref<4096xf32, #tpu.memory_space<vmem>> -> memref<640xf32, #tpu.memory_space<vmem>>
      tpu.wait_dma2 semaphore(%run_scoped3A : memref<!tpu.dma_semaphore, #tpu.memory_space<semaphore_mem>>) src(%dma_wait3A_71 : memref<640xf32, #tpu.memory_space<vmem>>) dst(%dma_wait3A_69 : memref<640xf32, #tpu.memory_space<vmem_shared>>)
      tpu.yield
    }) : () -> ()
    %scan3A_29 = arith.constant 0 : i32
    %scan3A_30 = arith.constant 0 : i32
    %scan3A_31 = arith.constant 10 : i32
    %scan3A_32 = arith.addi %scan3A_30, %scan3A_31 : i32
    %scan3A_33 = arith.constant 1 : i32
    %scan3A_34 = scf.for %scan3A_62 = %scan3A_30 to %scan3A_32 step %scan3A_33 iter_args(%scan3A_63 = %scan3A_29) -> (i32)  : i32 {
      %mul3A_64 = arith.constant 40960 : i32
      %mul3A_65 = arith.muli %arg1, %mul3A_64 : i32
      %mul3A_66 = arith.constant 4096 : i32
      %mul3A_67 = arith.muli %scan3A_62, %mul3A_66 : i32
      %add3A_68 = arith.addi %mul3A_65, %mul3A_67 : i32
      "tpu.region"() ({
        %run_scoped3A = tpu.sem_alloc : memref<!tpu.dma_semaphore, #tpu.memory_space<semaphore_mem>>
        %dma_start3A = tpu.memref_slice %arg17[%add3A_68] : memref<655360xf32, #tpu.memory_space<vmem_shared>> -> memref<4096xf32, #tpu.memory_space<vmem_shared>>
        %dma_start3A_70 = tpu.memref_slice %arg17[%add3A_68] : memref<655360xf32, #tpu.memory_space<vmem_shared>> -> memref<4096xf32, #tpu.memory_space<vmem_shared>>
        tpu.enqueue_dma source(%arg14 : memref<4096xf32, #tpu.memory_space<vmem>>) target(%dma_start3A_70 : memref<4096xf32, #tpu.memory_space<vmem_shared>>) target_semaphore(%run_scoped3A : memref<!tpu.dma_semaphore, #tpu.memory_space<semaphore_mem>>)
        %dma_wait3A = tpu.memref_slice %arg17[%add3A_68] : memref<655360xf32, #tpu.memory_space<vmem_shared>> -> memref<4096xf32, #tpu.memory_space<vmem_shared>>
        %dma_wait3A_71 = tpu.memref_slice %arg17[%add3A_68] : memref<655360xf32, #tpu.memory_space<vmem_shared>> -> memref<4096xf32, #tpu.memory_space<vmem_shared>>
        tpu.wait_dma2 semaphore(%run_scoped3A : memref<!tpu.dma_semaphore, #tpu.memory_space<semaphore_mem>>) src(%arg14 : memref<4096xf32, #tpu.memory_space<vmem>>) dst(%dma_wait3A_71 : memref<4096xf32, #tpu.memory_space<vmem_shared>>)
        tpu.yield
      }) : () -> ()
      %scan3A_69 = arith.constant 0 : i32
      scf.yield %scan3A_69 : i32
    }
    %scan3A_35 = arith.constant 10 : i32
    %barrier3A = arith.constant 0 : index
    tpu.barrier barrier_id(%barrier3A)
    %scan3A_36 = arith.constant 0 : i32
    %scan3A_37 = arith.constant 0 : i32
    %scan3A_38 = arith.constant 40 : i32
    %scan3A_39 = arith.addi %scan3A_37, %scan3A_38 : i32
    %scan3A_40 = arith.constant 1 : i32
    %scan3A_41 = scf.for %scan3A_62 = %scan3A_37 to %scan3A_39 step %scan3A_40 iter_args(%scan3A_63 = %scan3A_36) -> (i32)  : i32 {
      %dma_start3A = arith.constant 0 : i32
      %dma_start3A_64 = tpu.memref_slice %arg11[%scan3A_62, %dma_start3A] : memref<40x128xf32, #tpu.memory_space<vmem>> -> memref<1x128xf32, #tpu.memory_space<vmem>>
      %dma_start3A_65 = tpu.memref_squeeze %dma_start3A_64 : memref<1x128xf32, #tpu.memory_space<vmem>> -> memref<128xf32, #tpu.memory_space<vmem>>
      %dma_start3A_66 = arith.constant 0 : i32
      %dma_start3A_67 = tpu.memref_slice %arg10[%scan3A_62, %dma_start3A_66] : memref<40x128xi32, #tpu.memory_space<vmem>> -> memref<1x128xi32, #tpu.memory_space<vmem>>
      %dma_start3A_68 = tpu.memref_squeeze %dma_start3A_67 : memref<1x128xi32, #tpu.memory_space<vmem>> -> memref<128xi32, #tpu.memory_space<vmem>>
      %dma_start3A_69 = arith.constant 0 : i32
      %dma_start3A_70 = tpu.memref_slice %arg18[%dma_start3A_69] : memref<10240xf32, #tpu.memory_space<vmem_shared>> -> memref<10240xf32, #tpu.memory_space<vmem_shared>>
      tpu.enqueue_indirect_dma source(%dma_start3A_65 : memref<128xf32, #tpu.memory_space<vmem>>) target(%dma_start3A_70 : memref<10240xf32, #tpu.memory_space<vmem_shared>>) offsets(%dma_start3A_68 : memref<128xi32, #tpu.memory_space<vmem>>) semaphore(%arg15 : memref<!tpu.dma_semaphore, #tpu.memory_space<semaphore_mem>>) {add = true}
      %dma_start3A_71 = arith.constant 0 : i32
      %dma_start3A_72 = tpu.memref_slice %arg11[%scan3A_62, %dma_start3A_71] : memref<40x128xf32, #tpu.memory_space<vmem>> -> memref<1x128xf32, #tpu.memory_space<vmem>>
      %dma_start3A_73 = tpu.memref_squeeze %dma_start3A_72 : memref<1x128xf32, #tpu.memory_space<vmem>> -> memref<128xf32, #tpu.memory_space<vmem>>
      %dma_start3A_74 = arith.constant 0 : i32
      %dma_start3A_75 = tpu.memref_slice %arg12[%scan3A_62, %dma_start3A_74] : memref<40x128xi32, #tpu.memory_space<vmem>> -> memref<1x128xi32, #tpu.memory_space<vmem>>
      %dma_start3A_76 = tpu.memref_squeeze %dma_start3A_75 : memref<1x128xi32, #tpu.memory_space<vmem>> -> memref<128xi32, #tpu.memory_space<vmem>>
      %dma_start3A_77 = arith.constant 0 : i32
      %dma_start3A_78 = tpu.memref_slice %arg17[%dma_start3A_77] : memref<655360xf32, #tpu.memory_space<vmem_shared>> -> memref<655360xf32, #tpu.memory_space<vmem_shared>>
      tpu.enqueue_indirect_dma source(%dma_start3A_73 : memref<128xf32, #tpu.memory_space<vmem>>) target(%dma_start3A_78 : memref<655360xf32, #tpu.memory_space<vmem_shared>>) offsets(%dma_start3A_76 : memref<128xi32, #tpu.memory_space<vmem>>) semaphore(%arg16 : memref<!tpu.dma_semaphore, #tpu.memory_space<semaphore_mem>>) {add = true}
      %scan3A_79 = arith.constant 0 : i32
      scf.yield %scan3A_79 : i32
    }
    %scan3A_42 = arith.constant 40 : i32
    %scan3A_43 = arith.constant 0 : i32
    %scan3A_44 = arith.constant 0 : i32
    %scan3A_45 = arith.constant 40 : i32
    %scan3A_46 = arith.addi %scan3A_44, %scan3A_45 : i32
    %scan3A_47 = arith.constant 1 : i32
    %scan3A_48 = scf.for %scan3A_62 = %scan3A_44 to %scan3A_46 step %scan3A_47 iter_args(%scan3A_63 = %scan3A_43) -> (i32)  : i32 {
      %dma_wait3A = arith.constant 0 : i32
      %dma_wait3A_64 = tpu.memref_slice %arg11[%scan3A_62, %dma_wait3A] : memref<40x128xf32, #tpu.memory_space<vmem>> -> memref<1x128xf32, #tpu.memory_space<vmem>>
      %dma_wait3A_65 = tpu.memref_squeeze %dma_wait3A_64 : memref<1x128xf32, #tpu.memory_space<vmem>> -> memref<128xf32, #tpu.memory_space<vmem>>
      %dma_wait3A_66 = arith.constant 0 : i32
      %dma_wait3A_67 = tpu.memref_slice %arg10[%scan3A_62, %dma_wait3A_66] : memref<40x128xi32, #tpu.memory_space<vmem>> -> memref<1x128xi32, #tpu.memory_space<vmem>>
      %dma_wait3A_68 = tpu.memref_squeeze %dma_wait3A_67 : memref<1x128xi32, #tpu.memory_space<vmem>> -> memref<128xi32, #tpu.memory_space<vmem>>
      %dma_wait3A_69 = arith.constant 0 : i32
      %dma_wait3A_70 = tpu.memref_slice %arg18[%dma_wait3A_69] : memref<10240xf32, #tpu.memory_space<vmem_shared>> -> memref<10240xf32, #tpu.memory_space<vmem_shared>>
      tpu.wait_indirect_dma semaphore(%arg15 : memref<!tpu.dma_semaphore, #tpu.memory_space<semaphore_mem>>) src(%dma_wait3A_65 : memref<128xf32, #tpu.memory_space<vmem>>) dst(%dma_wait3A_70 : memref<10240xf32, #tpu.memory_space<vmem_shared>>)
      %dma_wait3A_71 = arith.constant 0 : i32
      %dma_wait3A_72 = tpu.memref_slice %arg11[%scan3A_62, %dma_wait3A_71] : memref<40x128xf32, #tpu.memory_space<vmem>> -> memref<1x128xf32, #tpu.memory_space<vmem>>
      %dma_wait3A_73 = tpu.memref_squeeze %dma_wait3A_72 : memref<1x128xf32, #tpu.memory_space<vmem>> -> memref<128xf32, #tpu.memory_space<vmem>>
      %dma_wait3A_74 = arith.constant 0 : i32
      %dma_wait3A_75 = tpu.memref_slice %arg12[%scan3A_62, %dma_wait3A_74] : memref<40x128xi32, #tpu.memory_space<vmem>> -> memref<1x128xi32, #tpu.memory_space<vmem>>
      %dma_wait3A_76 = tpu.memref_squeeze %dma_wait3A_75 : memref<1x128xi32, #tpu.memory_space<vmem>> -> memref<128xi32, #tpu.memory_space<vmem>>
      %dma_wait3A_77 = arith.constant 0 : i32
      %dma_wait3A_78 = tpu.memref_slice %arg17[%dma_wait3A_77] : memref<655360xf32, #tpu.memory_space<vmem_shared>> -> memref<655360xf32, #tpu.memory_space<vmem_shared>>
      tpu.wait_indirect_dma semaphore(%arg16 : memref<!tpu.dma_semaphore, #tpu.memory_space<semaphore_mem>>) src(%dma_wait3A_73 : memref<128xf32, #tpu.memory_space<vmem>>) dst(%dma_wait3A_78 : memref<655360xf32, #tpu.memory_space<vmem_shared>>)
      %scan3A_79 = arith.constant 0 : i32
      scf.yield %scan3A_79 : i32
    }
    %scan3A_49 = arith.constant 40 : i32
    %barrier3A_50 = arith.constant 0 : index
    tpu.barrier barrier_id(%barrier3A_50)
    %mul3A_51 = arith.constant 640 : i32
    %mul3A_52 = arith.muli %arg1, %mul3A_51 : i32
    %mul3A_53 = arith.constant 640 : i32
    %mul3A_54 = arith.muli %arg1, %mul3A_53 : i32
    "tpu.region"() ({
      %run_scoped3A = tpu.sem_alloc : memref<!tpu.dma_semaphore, #tpu.memory_space<semaphore_mem>>
      %dma_start3A = tpu.memref_slice %arg7[%arg0, %mul3A_54] : memref<2x10240xf32, #tpu.memory_space<hbm>> -> memref<1x640xf32, #tpu.memory_space<hbm>>
      %dma_start3A_62 = tpu.memref_squeeze %dma_start3A : memref<1x640xf32, #tpu.memory_space<hbm>> -> memref<640xf32, #tpu.memory_space<hbm>>
      %dma_start3A_63 = tpu.memref_slice %arg18[%mul3A_52] : memref<10240xf32, #tpu.memory_space<vmem_shared>> -> memref<640xf32, #tpu.memory_space<vmem_shared>>
      tpu.enqueue_dma source(%dma_start3A_63 : memref<640xf32, #tpu.memory_space<vmem_shared>>) target(%dma_start3A_62 : memref<640xf32, #tpu.memory_space<hbm>>) target_semaphore(%run_scoped3A : memref<!tpu.dma_semaphore, #tpu.memory_space<semaphore_mem>>)
      %dma_wait3A = tpu.memref_slice %arg7[%arg0, %mul3A_54] : memref<2x10240xf32, #tpu.memory_space<hbm>> -> memref<1x640xf32, #tpu.memory_space<hbm>>
      %dma_wait3A_64 = tpu.memref_squeeze %dma_wait3A : memref<1x640xf32, #tpu.memory_space<hbm>> -> memref<640xf32, #tpu.memory_space<hbm>>
      %dma_wait3A_65 = tpu.memref_slice %arg18[%mul3A_52] : memref<10240xf32, #tpu.memory_space<vmem_shared>> -> memref<640xf32, #tpu.memory_space<vmem_shared>>
      tpu.wait_dma2 semaphore(%run_scoped3A : memref<!tpu.dma_semaphore, #tpu.memory_space<semaphore_mem>>) src(%dma_wait3A_65 : memref<640xf32, #tpu.memory_space<vmem_shared>>) dst(%dma_wait3A_64 : memref<640xf32, #tpu.memory_space<hbm>>)
      tpu.yield
    }) : () -> ()
    %scan3A_55 = arith.constant 0 : i32
    %scan3A_56 = arith.constant 0 : i32
    %scan3A_57 = arith.constant 10 : i32
    %scan3A_58 = arith.addi %scan3A_56, %scan3A_57 : i32
    %scan3A_59 = arith.constant 1 : i32
    %scan3A_60 = scf.for %scan3A_62 = %scan3A_56 to %scan3A_58 step %scan3A_59 iter_args(%scan3A_63 = %scan3A_55) -> (i32)  : i32 {
      %mul3A_64 = arith.constant 40960 : i32
      %mul3A_65 = arith.muli %arg1, %mul3A_64 : i32
      %mul3A_66 = arith.constant 4096 : i32
      %mul3A_67 = arith.muli %scan3A_62, %mul3A_66 : i32
      %add3A_68 = arith.addi %mul3A_65, %mul3A_67 : i32
      "tpu.region"() ({
        %run_scoped3A = tpu.sem_alloc : memref<!tpu.dma_semaphore, #tpu.memory_space<semaphore_mem>>
        %dma_start3A = tpu.memref_slice %arg8[%arg0, %add3A_68] : memref<2x655360xf32, #tpu.memory_space<hbm>> -> memref<1x4096xf32, #tpu.memory_space<hbm>>
        %dma_start3A_70 = tpu.memref_squeeze %dma_start3A : memref<1x4096xf32, #tpu.memory_space<hbm>> -> memref<4096xf32, #tpu.memory_space<hbm>>
        %dma_start3A_71 = tpu.memref_slice %arg17[%add3A_68] : memref<655360xf32, #tpu.memory_space<vmem_shared>> -> memref<4096xf32, #tpu.memory_space<vmem_shared>>
        tpu.enqueue_dma source(%dma_start3A_71 : memref<4096xf32, #tpu.memory_space<vmem_shared>>) target(%dma_start3A_70 : memref<4096xf32, #tpu.memory_space<hbm>>) target_semaphore(%run_scoped3A : memref<!tpu.dma_semaphore, #tpu.memory_space<semaphore_mem>>)
        %dma_wait3A = tpu.memref_slice %arg8[%arg0, %add3A_68] : memref<2x655360xf32, #tpu.memory_space<hbm>> -> memref<1x4096xf32, #tpu.memory_space<hbm>>
        %dma_wait3A_72 = tpu.memref_squeeze %dma_wait3A : memref<1x4096xf32, #tpu.memory_space<hbm>> -> memref<4096xf32, #tpu.memory_space<hbm>>
        %dma_wait3A_73 = tpu.memref_slice %arg17[%add3A_68] : memref<655360xf32, #tpu.memory_space<vmem_shared>> -> memref<4096xf32, #tpu.memory_space<vmem_shared>>
        tpu.wait_dma2 semaphore(%run_scoped3A : memref<!tpu.dma_semaphore, #tpu.memory_space<semaphore_mem>>) src(%dma_wait3A_73 : memref<4096xf32, #tpu.memory_space<vmem_shared>>) dst(%dma_wait3A_72 : memref<4096xf32, #tpu.memory_space<hbm>>)
        tpu.yield
      }) : () -> ()
      %scan3A_69 = arith.constant 0 : i32
      scf.yield %scan3A_69 : i32
    }
    %scan3A_61 = arith.constant 10 : i32
    return
  }
}

#map = affine_map<(d0, d1) -> (0, 0)>
#map1 = affine_map<(d0, d1) -> (0, 0, 0, 0)>
module attributes {stable_mosaic.version = 14 : i64} {
  func.func @body(%arg0: i32, %arg1: i32, %arg2: memref<40960x128xf32, #tpu.memory_space<hbm>>, %arg3: memref<1280x128xi32, #tpu.memory_space<hbm>>, %arg4: memref<1280x128xi32, #tpu.memory_space<hbm>>, %arg5: memref<64x128xf32, #tpu.memory_space<hbm>>, %arg6: memref<2x4x10240x128xf32, #tpu.memory_space<hbm>>, %arg7: memref<40x128xi32, #tpu.memory_space<vmem>>, %arg8: memref<40x128xi32, #tpu.memory_space<vmem>>, %arg9: memref<40x128xi32, #tpu.memory_space<vmem>>, %arg10: memref<128x128xf32, #tpu.memory_space<vmem>>, %arg11: memref<128x128xf32, #tpu.memory_space<vmem>>, %arg12: memref<!tpu.dma_semaphore, #tpu.memory_space<semaphore_mem>>, %arg13: memref<!tpu.dma_semaphore, #tpu.memory_space<semaphore_mem>>, %arg14: memref<10240x128xf32, #tpu.memory_space<vmem_shared>>) attributes {dimension_semantics = [#tpu.dimension_semantics<core_parallel>, #tpu.dimension_semantics<subcore_parallel>], iteration_bounds = array<i64: 2, 16>, scalar_prefetch = 0 : i64, scratch_operands = 8 : i64, tpu.core_type = #tpu.core_type<sc_vector_subcore>, window_params = [{transform_indices = #map}, {transform_indices = #map}, {transform_indices = #map}, {transform_indices = #map}, {transform_indices = #map1}]} {
    %mul3A = arith.constant 16 : i32
    %mul3A_0 = arith.muli %arg0, %mul3A : i32
    %add3A = arith.addi %mul3A_0, %arg1 : i32
    %mul3A_1 = arith.constant 40 : i32
    %mul3A_2 = arith.muli %add3A, %mul3A_1 : i32
    "tpu.region"() ({
      %run_scoped3A_141 = tpu.sem_alloc : memref<!tpu.dma_semaphore, #tpu.memory_space<semaphore_mem>>
      %dma_start3A_142 = arith.constant 0 : i32
      %dma_start3A_143 = tpu.memref_slice %arg3[%mul3A_2, %dma_start3A_142] : memref<1280x128xi32, #tpu.memory_space<hbm>> -> memref<40x128xi32, #tpu.memory_space<hbm>>
      %dma_start3A_144 = arith.constant 0 : i32
      %dma_start3A_145 = tpu.memref_slice %arg3[%mul3A_2, %dma_start3A_144] : memref<1280x128xi32, #tpu.memory_space<hbm>> -> memref<40x128xi32, #tpu.memory_space<hbm>>
      tpu.enqueue_dma source(%dma_start3A_145 : memref<40x128xi32, #tpu.memory_space<hbm>>) target(%arg7 : memref<40x128xi32, #tpu.memory_space<vmem>>) target_semaphore(%run_scoped3A_141 : memref<!tpu.dma_semaphore, #tpu.memory_space<semaphore_mem>>)
      %dma_wait3A = arith.constant 0 : i32
      %dma_wait3A_146 = tpu.memref_slice %arg3[%mul3A_2, %dma_wait3A] : memref<1280x128xi32, #tpu.memory_space<hbm>> -> memref<40x128xi32, #tpu.memory_space<hbm>>
      %dma_wait3A_147 = arith.constant 0 : i32
      %dma_wait3A_148 = tpu.memref_slice %arg3[%mul3A_2, %dma_wait3A_147] : memref<1280x128xi32, #tpu.memory_space<hbm>> -> memref<40x128xi32, #tpu.memory_space<hbm>>
      tpu.wait_dma2 semaphore(%run_scoped3A_141 : memref<!tpu.dma_semaphore, #tpu.memory_space<semaphore_mem>>) src(%dma_wait3A_148 : memref<40x128xi32, #tpu.memory_space<hbm>>) dst(%arg7 : memref<40x128xi32, #tpu.memory_space<vmem>>)
      tpu.yield
    }) : () -> ()
    %mul3A_3 = arith.constant 40 : i32
    %mul3A_4 = arith.muli %add3A, %mul3A_3 : i32
    "tpu.region"() ({
      %run_scoped3A_141 = tpu.sem_alloc : memref<!tpu.dma_semaphore, #tpu.memory_space<semaphore_mem>>
      %dma_start3A_142 = arith.constant 0 : i32
      %dma_start3A_143 = tpu.memref_slice %arg4[%mul3A_4, %dma_start3A_142] : memref<1280x128xi32, #tpu.memory_space<hbm>> -> memref<40x128xi32, #tpu.memory_space<hbm>>
      %dma_start3A_144 = arith.constant 0 : i32
      %dma_start3A_145 = tpu.memref_slice %arg4[%mul3A_4, %dma_start3A_144] : memref<1280x128xi32, #tpu.memory_space<hbm>> -> memref<40x128xi32, #tpu.memory_space<hbm>>
      tpu.enqueue_dma source(%dma_start3A_145 : memref<40x128xi32, #tpu.memory_space<hbm>>) target(%arg8 : memref<40x128xi32, #tpu.memory_space<vmem>>) target_semaphore(%run_scoped3A_141 : memref<!tpu.dma_semaphore, #tpu.memory_space<semaphore_mem>>)
      %dma_wait3A = arith.constant 0 : i32
      %dma_wait3A_146 = tpu.memref_slice %arg4[%mul3A_4, %dma_wait3A] : memref<1280x128xi32, #tpu.memory_space<hbm>> -> memref<40x128xi32, #tpu.memory_space<hbm>>
      %dma_wait3A_147 = arith.constant 0 : i32
      %dma_wait3A_148 = tpu.memref_slice %arg4[%mul3A_4, %dma_wait3A_147] : memref<1280x128xi32, #tpu.memory_space<hbm>> -> memref<40x128xi32, #tpu.memory_space<hbm>>
      tpu.wait_dma2 semaphore(%run_scoped3A_141 : memref<!tpu.dma_semaphore, #tpu.memory_space<semaphore_mem>>) src(%dma_wait3A_148 : memref<40x128xi32, #tpu.memory_space<hbm>>) dst(%arg8 : memref<40x128xi32, #tpu.memory_space<vmem>>)
      tpu.yield
    }) : () -> ()
    %scan3A = arith.constant 0 : i32
    %scan3A_5 = arith.constant 0 : i32
    %scan3A_6 = arith.constant 320 : i32
    %scan3A_7 = arith.addi %scan3A_5, %scan3A_6 : i32
    %scan3A_8 = arith.constant 1 : i32
    %scan3A_9 = scf.for %scan3A_141 = %scan3A_5 to %scan3A_7 step %scan3A_8 iter_args(%scan3A_142 = %scan3A) -> (i32)  : i32 {
      %jit3A = arith.constant 8 : i32
      %div3A = arith.divsi %scan3A_141, %jit3A : i32
      %sign3A = arith.constant 0 : i32
      %sign3A_143 = arith.cmpi sgt, %scan3A_141, %sign3A : i32
      %sign3A_144 = arith.extui %sign3A_143 : i1 to i32
      %sign3A_145 = arith.constant 0 : i32
      %sign3A_146 = arith.cmpi slt, %scan3A_141, %sign3A_145 : i32
      %sign3A_147 = arith.extui %sign3A_146 : i1 to i32
      %sign3A_148 = arith.subi %sign3A_144, %sign3A_147 : i32
      %sign3A_149 = arith.constant 0 : i32
      %sign3A_150 = arith.cmpi sgt, %jit3A, %sign3A_149 : i32
      %sign3A_151 = arith.extui %sign3A_150 : i1 to i32
      %sign3A_152 = arith.constant 0 : i32
      %sign3A_153 = arith.cmpi slt, %jit3A, %sign3A_152 : i32
      %sign3A_154 = arith.extui %sign3A_153 : i1 to i32
      %sign3A_155 = arith.subi %sign3A_151, %sign3A_154 : i32
      %ne3A = arith.cmpi ne, %sign3A_148, %sign3A_155 : i32
      %rem3A = arith.remsi %scan3A_141, %jit3A : i32
      %ne3A_156 = arith.constant 0 : i32
      %ne3A_157 = arith.cmpi ne, %rem3A, %ne3A_156 : i32
      %and3A = arith.andi %ne3A, %ne3A_157 : i1
      %sub3A = arith.constant 1 : i32
      %sub3A_158 = arith.subi %div3A, %sub3A : i32
      %select_n3A = arith.select %and3A, %sub3A_158, %div3A : i32
      %jit3A_159 = arith.constant 8 : i32
      %eq3A = arith.constant 0 : i32
      %eq3A_160 = arith.cmpi eq, %jit3A_159, %eq3A : i32
      %jit3A_161 = arith.constant 1 : i32
      %select_n3A_162 = arith.select %eq3A_160, %jit3A_161, %jit3A_159 : i32
      %rem3A_163 = arith.remsi %scan3A_141, %select_n3A_162 : i32
      %ne3A_164 = arith.constant 0 : i32
      %ne3A_165 = arith.cmpi ne, %rem3A_163, %ne3A_164 : i32
      %lt3A = arith.constant 0 : i32
      %lt3A_166 = arith.cmpi slt, %rem3A_163, %lt3A : i32
      %lt3A_167 = arith.constant 0 : i32
      %lt3A_168 = arith.cmpi slt, %select_n3A_162, %lt3A_167 : i32
      %ne3A_169 = arith.xori %lt3A_166, %lt3A_168 : i1
      %and3A_170 = arith.andi %ne3A_169, %ne3A_165 : i1
      %add3A_171 = arith.addi %rem3A_163, %select_n3A_162 : i32
      %select_n3A_172 = arith.select %and3A_170, %add3A_171, %rem3A_163 : i32
      %mul3A_173 = arith.constant 16 : i32
      %mul3A_174 = arith.muli %select_n3A_172, %mul3A_173 : i32
      %get3A = arith.index_cast %select_n3A : i32 to index
      %get3A_175 = arith.index_cast %mul3A_174 : i32 to index
      %get3A_176 = tpu.vector_load %arg7[%get3A, %get3A_175] {strides = array<i32>} : memref<40x128xi32, #tpu.memory_space<vmem>>, vector<1x16xi32>,
      %get3A_177 = vector.shape_cast %get3A_176 : vector<1x16xi32> to vector<16xi32>
      %mul3A_178 = arith.constant 4 : i32
      %mul3A_179 = vector.broadcast %mul3A_178 : i32 to vector<16xi32>
      %mul3A_180 = arith.muli %get3A_177, %mul3A_179 : vector<16xi32>
      %add3A_181 = arith.constant 0 : i32
      %add3A_182 = vector.broadcast %add3A_181 : i32 to vector<16xi32>
      %add3A_183 = arith.addi %mul3A_180, %add3A_182 : vector<16xi32>
      %swap3A = arith.index_cast %select_n3A : i32 to index
      %swap3A_184 = arith.index_cast %mul3A_174 : i32 to index
      %swap3A_185 = tpu.vector_load %arg9[%swap3A, %swap3A_184] {strides = array<i32>} : memref<40x128xi32, #tpu.memory_space<vmem>>, vector<1x16xi32>,
      %swap3A_186 = vector.shape_cast %swap3A_185 : vector<1x16xi32> to vector<16xi32>
      %swap3A_187 = vector.shape_cast %add3A_183 : vector<16xi32> to vector<1x16xi32>
      tpu.vector_store %arg9[%swap3A, %swap3A_184], %swap3A_187 {strides = array<i32>} : memref<40x128xi32, #tpu.memory_space<vmem>>, vector<1x16xi32>,
      %scan3A_188 = arith.constant 0 : i32
      scf.yield %scan3A_188 : i32
    }
    %scan3A_10 = arith.constant 320 : i32
    %scan3A_11 = arith.constant 0 : i32
    %scan3A_12 = arith.constant 0 : i32
    %scan3A_13 = arith.constant 10 : i32
    %scan3A_14 = arith.addi %scan3A_12, %scan3A_13 : i32
    %scan3A_15 = arith.constant 1 : i32
    %scan3A_16 = scf.for %scan3A_141 = %scan3A_12 to %scan3A_14 step %scan3A_15 iter_args(%scan3A_142 = %scan3A_11) -> (i32)  : i32 {
      %mul3A_143 = arith.constant 640 : i32
      %mul3A_144 = arith.muli %arg1, %mul3A_143 : i32
      %mul3A_145 = arith.constant 64 : i32
      %mul3A_146 = arith.muli %scan3A_141, %mul3A_145 : i32
      %add3A_147 = arith.addi %mul3A_144, %mul3A_146 : i32
      "tpu.region"() ({
        %run_scoped3A_149 = tpu.sem_alloc : memref<!tpu.dma_semaphore, #tpu.memory_space<semaphore_mem>>
        %dma_start3A_150 = arith.constant 0 : i32
        %dma_start3A_151 = tpu.memref_slice %arg14[%add3A_147, %dma_start3A_150] : memref<10240x128xf32, #tpu.memory_space<vmem_shared>> -> memref<64x128xf32, #tpu.memory_space<vmem_shared>>
        tpu.enqueue_dma source(%arg5 : memref<64x128xf32, #tpu.memory_space<hbm>>) target(%dma_start3A_151 : memref<64x128xf32, #tpu.memory_space<vmem_shared>>) target_semaphore(%run_scoped3A_149 : memref<!tpu.dma_semaphore, #tpu.memory_space<semaphore_mem>>)
        %dma_wait3A = arith.constant 0 : i32
        %dma_wait3A_152 = tpu.memref_slice %arg14[%add3A_147, %dma_wait3A] : memref<10240x128xf32, #tpu.memory_space<vmem_shared>> -> memref<64x128xf32, #tpu.memory_space<vmem_shared>>
        tpu.wait_dma2 semaphore(%run_scoped3A_149 : memref<!tpu.dma_semaphore, #tpu.memory_space<semaphore_mem>>) src(%arg5 : memref<64x128xf32, #tpu.memory_space<hbm>>) dst(%dma_wait3A_152 : memref<64x128xf32, #tpu.memory_space<vmem_shared>>)
        tpu.yield
      }) : () -> ()
      %scan3A_148 = arith.constant 0 : i32
      scf.yield %scan3A_148 : i32
    }
    %scan3A_17 = arith.constant 10 : i32
    %barrier3A = arith.constant 0 : index
    tpu.barrier barrier_id(%barrier3A)
    %dma_start3A = arith.constant 0 : i32
    %dma_start3A_18 = arith.constant 0 : i32
    %dma_start3A_19 = tpu.memref_slice %arg9[%dma_start3A, %dma_start3A_18] : memref<40x128xi32, #tpu.memory_space<vmem>> -> memref<1x128xi32, #tpu.memory_space<vmem>>
    %dma_start3A_20 = tpu.memref_squeeze %dma_start3A_19 : memref<1x128xi32, #tpu.memory_space<vmem>> -> memref<128xi32, #tpu.memory_space<vmem>>
    %dma_start3A_21 = arith.constant 0 : i32
    %dma_start3A_22 = arith.constant 0 : i32
    %dma_start3A_23 = tpu.memref_slice %arg2[%dma_start3A_21, %dma_start3A_22] : memref<40960x128xf32, #tpu.memory_space<hbm>> -> memref<40960x128xf32, #tpu.memory_space<hbm>>
    tpu.enqueue_indirect_dma source(%dma_start3A_23 : memref<40960x128xf32, #tpu.memory_space<hbm>>) target(%arg10 : memref<128x128xf32, #tpu.memory_space<vmem>>) offsets(%dma_start3A_20 : memref<128xi32, #tpu.memory_space<vmem>>) semaphore(%arg12 : memref<!tpu.dma_semaphore, #tpu.memory_space<semaphore_mem>>)
    %scan3A_24 = arith.constant 0 : i32
    %scan3A_25 = arith.constant 0 : i32
    %scan3A_26 = arith.constant 20 : i32
    %scan3A_27 = arith.addi %scan3A_25, %scan3A_26 : i32
    %scan3A_28 = arith.constant 1 : i32
    %scan3A_29 = scf.for %scan3A_141 = %scan3A_25 to %scan3A_27 step %scan3A_28 iter_args(%scan3A_142 = %scan3A_24) -> (i32)  : i32 {
      %mul3A_143 = arith.constant 2 : i32
      %mul3A_144 = arith.muli %mul3A_143, %scan3A_141 : i32
      %mul3A_145 = arith.constant 2 : i32
      %mul3A_146 = arith.muli %mul3A_145, %scan3A_141 : i32
      %add3A_147 = arith.constant 1 : i32
      %add3A_148 = arith.addi %mul3A_146, %add3A_147 : i32
      %dma_start3A_149 = arith.constant 0 : i32
      %dma_start3A_150 = tpu.memref_slice %arg9[%add3A_148, %dma_start3A_149] : memref<40x128xi32, #tpu.memory_space<vmem>> -> memref<1x128xi32, #tpu.memory_space<vmem>>
      %dma_start3A_151 = tpu.memref_squeeze %dma_start3A_150 : memref<1x128xi32, #tpu.memory_space<vmem>> -> memref<128xi32, #tpu.memory_space<vmem>>
      %dma_start3A_152 = arith.constant 0 : i32
      %dma_start3A_153 = arith.constant 0 : i32
      %dma_start3A_154 = tpu.memref_slice %arg2[%dma_start3A_152, %dma_start3A_153] : memref<40960x128xf32, #tpu.memory_space<hbm>> -> memref<40960x128xf32, #tpu.memory_space<hbm>>
      tpu.enqueue_indirect_dma source(%dma_start3A_154 : memref<40960x128xf32, #tpu.memory_space<hbm>>) target(%arg11 : memref<128x128xf32, #tpu.memory_space<vmem>>) offsets(%dma_start3A_151 : memref<128xi32, #tpu.memory_space<vmem>>) semaphore(%arg13 : memref<!tpu.dma_semaphore, #tpu.memory_space<semaphore_mem>>)
      %dma_wait3A = arith.constant 0 : i32
      %dma_wait3A_155 = tpu.memref_slice %arg9[%mul3A_144, %dma_wait3A] : memref<40x128xi32, #tpu.memory_space<vmem>> -> memref<1x128xi32, #tpu.memory_space<vmem>>
      %dma_wait3A_156 = tpu.memref_squeeze %dma_wait3A_155 : memref<1x128xi32, #tpu.memory_space<vmem>> -> memref<128xi32, #tpu.memory_space<vmem>>
      %dma_wait3A_157 = arith.constant 0 : i32
      %dma_wait3A_158 = arith.constant 0 : i32
      %dma_wait3A_159 = tpu.memref_slice %arg2[%dma_wait3A_157, %dma_wait3A_158] : memref<40960x128xf32, #tpu.memory_space<hbm>> -> memref<40960x128xf32, #tpu.memory_space<hbm>>
      tpu.wait_indirect_dma semaphore(%arg12 : memref<!tpu.dma_semaphore, #tpu.memory_space<semaphore_mem>>) src(%dma_wait3A_159 : memref<40960x128xf32, #tpu.memory_space<hbm>>) dst(%arg10 : memref<128x128xf32, #tpu.memory_space<vmem>>)
      "tpu.region"() ({
        %run_scoped3A_171 = tpu.sem_alloc : memref<!tpu.dma_semaphore, #tpu.memory_space<semaphore_mem>>
        %dma_start3A_172 = arith.constant 0 : i32
        %dma_start3A_173 = tpu.memref_slice %arg8[%mul3A_144, %dma_start3A_172] : memref<40x128xi32, #tpu.memory_space<vmem>> -> memref<1x128xi32, #tpu.memory_space<vmem>>
        %dma_start3A_174 = tpu.memref_squeeze %dma_start3A_173 : memref<1x128xi32, #tpu.memory_space<vmem>> -> memref<128xi32, #tpu.memory_space<vmem>>
        %dma_start3A_175 = arith.constant 0 : i32
        %dma_start3A_176 = arith.constant 0 : i32
        %dma_start3A_177 = tpu.memref_slice %arg14[%dma_start3A_175, %dma_start3A_176] : memref<10240x128xf32, #tpu.memory_space<vmem_shared>> -> memref<10240x128xf32, #tpu.memory_space<vmem_shared>>
        tpu.enqueue_indirect_dma source(%arg10 : memref<128x128xf32, #tpu.memory_space<vmem>>) target(%dma_start3A_177 : memref<10240x128xf32, #tpu.memory_space<vmem_shared>>) offsets(%dma_start3A_174 : memref<128xi32, #tpu.memory_space<vmem>>) semaphore(%run_scoped3A_171 : memref<!tpu.dma_semaphore, #tpu.memory_space<semaphore_mem>>) {add = true}
        %dma_wait3A_178 = arith.constant 0 : i32
        %dma_wait3A_179 = tpu.memref_slice %arg8[%mul3A_144, %dma_wait3A_178] : memref<40x128xi32, #tpu.memory_space<vmem>> -> memref<1x128xi32, #tpu.memory_space<vmem>>
        %dma_wait3A_180 = tpu.memref_squeeze %dma_wait3A_179 : memref<1x128xi32, #tpu.memory_space<vmem>> -> memref<128xi32, #tpu.memory_space<vmem>>
        %dma_wait3A_181 = arith.constant 0 : i32
        %dma_wait3A_182 = arith.constant 0 : i32
        %dma_wait3A_183 = tpu.memref_slice %arg14[%dma_wait3A_181, %dma_wait3A_182] : memref<10240x128xf32, #tpu.memory_space<vmem_shared>> -> memref<10240x128xf32, #tpu.memory_space<vmem_shared>>
        tpu.wait_indirect_dma semaphore(%run_scoped3A_171 : memref<!tpu.dma_semaphore, #tpu.memory_space<semaphore_mem>>) src(%arg10 : memref<128x128xf32, #tpu.memory_space<vmem>>) dst(%dma_wait3A_183 : memref<10240x128xf32, #tpu.memory_space<vmem_shared>>)
        tpu.yield
      }) : () -> ()
      %add3A_160 = arith.constant 1 : i32
      %add3A_161 = arith.addi %add3A_148, %add3A_160 : i32
      %lt3A = arith.constant 40 : i32
      %lt3A_162 = arith.cmpi slt, %add3A_161, %lt3A : i32
      %convert_element_type3A = arith.extui %lt3A_162 : i1 to i32
      %cond3A = arith.constant 0 : i32
      %cond3A_163 = arith.cmpi ne, %convert_element_type3A, %cond3A : i32
      scf.if %cond3A_163 {
        %add3A_171 = arith.constant 1 : i32
        %add3A_172 = arith.addi %add3A_148, %add3A_171 : i32
        %dma_start3A_173 = arith.constant 0 : i32
        %dma_start3A_174 = tpu.memref_slice %arg9[%add3A_172, %dma_start3A_173] : memref<40x128xi32, #tpu.memory_space<vmem>> -> memref<1x128xi32, #tpu.memory_space<vmem>>
        %dma_start3A_175 = tpu.memref_squeeze %dma_start3A_174 : memref<1x128xi32, #tpu.memory_space<vmem>> -> memref<128xi32, #tpu.memory_space<vmem>>
        %dma_start3A_176 = arith.constant 0 : i32
        %dma_start3A_177 = arith.constant 0 : i32
        %dma_start3A_178 = tpu.memref_slice %arg2[%dma_start3A_176, %dma_start3A_177] : memref<40960x128xf32, #tpu.memory_space<hbm>> -> memref<40960x128xf32, #tpu.memory_space<hbm>>
        tpu.enqueue_indirect_dma source(%dma_start3A_178 : memref<40960x128xf32, #tpu.memory_space<hbm>>) target(%arg10 : memref<128x128xf32, #tpu.memory_space<vmem>>) offsets(%dma_start3A_175 : memref<128xi32, #tpu.memory_space<vmem>>) semaphore(%arg12 : memref<!tpu.dma_semaphore, #tpu.memory_space<semaphore_mem>>)
      } else {
      }
      %dma_wait3A_164 = arith.constant 0 : i32
      %dma_wait3A_165 = tpu.memref_slice %arg9[%add3A_148, %dma_wait3A_164] : memref<40x128xi32, #tpu.memory_space<vmem>> -> memref<1x128xi32, #tpu.memory_space<vmem>>
      %dma_wait3A_166 = tpu.memref_squeeze %dma_wait3A_165 : memref<1x128xi32, #tpu.memory_space<vmem>> -> memref<128xi32, #tpu.memory_space<vmem>>
      %dma_wait3A_167 = arith.constant 0 : i32
      %dma_wait3A_168 = arith.constant 0 : i32
      %dma_wait3A_169 = tpu.memref_slice %arg2[%dma_wait3A_167, %dma_wait3A_168] : memref<40960x128xf32, #tpu.memory_space<hbm>> -> memref<40960x128xf32, #tpu.memory_space<hbm>>
      tpu.wait_indirect_dma semaphore(%arg13 : memref<!tpu.dma_semaphore, #tpu.memory_space<semaphore_mem>>) src(%dma_wait3A_169 : memref<40960x128xf32, #tpu.memory_space<hbm>>) dst(%arg11 : memref<128x128xf32, #tpu.memory_space<vmem>>)
      "tpu.region"() ({
        %run_scoped3A_171 = tpu.sem_alloc : memref<!tpu.dma_semaphore, #tpu.memory_space<semaphore_mem>>
        %dma_start3A_172 = arith.constant 0 : i32
        %dma_start3A_173 = tpu.memref_slice %arg8[%add3A_148, %dma_start3A_172] : memref<40x128xi32, #tpu.memory_space<vmem>> -> memref<1x128xi32, #tpu.memory_space<vmem>>
        %dma_start3A_174 = tpu.memref_squeeze %dma_start3A_173 : memref<1x128xi32, #tpu.memory_space<vmem>> -> memref<128xi32, #tpu.memory_space<vmem>>
        %dma_start3A_175 = arith.constant 0 : i32
        %dma_start3A_176 = arith.constant 0 : i32
        %dma_start3A_177 = tpu.memref_slice %arg14[%dma_start3A_175, %dma_start3A_176] : memref<10240x128xf32, #tpu.memory_space<vmem_shared>> -> memref<10240x128xf32, #tpu.memory_space<vmem_shared>>
        tpu.enqueue_indirect_dma source(%arg11 : memref<128x128xf32, #tpu.memory_space<vmem>>) target(%dma_start3A_177 : memref<10240x128xf32, #tpu.memory_space<vmem_shared>>) offsets(%dma_start3A_174 : memref<128xi32, #tpu.memory_space<vmem>>) semaphore(%run_scoped3A_171 : memref<!tpu.dma_semaphore, #tpu.memory_space<semaphore_mem>>) {add = true}
        %dma_wait3A_178 = arith.constant 0 : i32
        %dma_wait3A_179 = tpu.memref_slice %arg8[%add3A_148, %dma_wait3A_178] : memref<40x128xi32, #tpu.memory_space<vmem>> -> memref<1x128xi32, #tpu.memory_space<vmem>>
        %dma_wait3A_180 = tpu.memref_squeeze %dma_wait3A_179 : memref<1x128xi32, #tpu.memory_space<vmem>> -> memref<128xi32, #tpu.memory_space<vmem>>
        %dma_wait3A_181 = arith.constant 0 : i32
        %dma_wait3A_182 = arith.constant 0 : i32
        %dma_wait3A_183 = tpu.memref_slice %arg14[%dma_wait3A_181, %dma_wait3A_182] : memref<10240x128xf32, #tpu.memory_space<vmem_shared>> -> memref<10240x128xf32, #tpu.memory_space<vmem_shared>>
        tpu.wait_indirect_dma semaphore(%run_scoped3A_171 : memref<!tpu.dma_semaphore, #tpu.memory_space<semaphore_mem>>) src(%arg11 : memref<128x128xf32, #tpu.memory_space<vmem>>) dst(%dma_wait3A_183 : memref<10240x128xf32, #tpu.memory_space<vmem_shared>>)
        tpu.yield
      }) : () -> ()
      %scan3A_170 = arith.constant 0 : i32
      scf.yield %scan3A_170 : i32
    }
    %scan3A_30 = arith.constant 20 : i32
    %barrier3A_31 = arith.constant 0 : index
    tpu.barrier barrier_id(%barrier3A_31)
    %mul3A_32 = arith.constant 640 : i32
    %mul3A_33 = arith.muli %arg1, %mul3A_32 : i32
    %mul3A_34 = arith.constant 640 : i32
    %mul3A_35 = arith.muli %arg1, %mul3A_34 : i32
    %run_scoped3A = arith.constant 0 : i32
    "tpu.region"() ({
      %run_scoped3A_141 = tpu.sem_alloc : memref<!tpu.dma_semaphore, #tpu.memory_space<semaphore_mem>>
      %dma_start3A_142 = arith.constant 0 : i32
      %dma_start3A_143 = tpu.memref_slice %arg6[%arg0, %run_scoped3A, %mul3A_35, %dma_start3A_142] : memref<2x4x10240x128xf32, #tpu.memory_space<hbm>> -> memref<1x1x640x128xf32, #tpu.memory_space<hbm>>
      %dma_start3A_144 = tpu.memref_squeeze %dma_start3A_143 : memref<1x1x640x128xf32, #tpu.memory_space<hbm>> -> memref<640x128xf32, #tpu.memory_space<hbm>>
      %dma_start3A_145 = arith.constant 0 : i32
      %dma_start3A_146 = tpu.memref_slice %arg14[%mul3A_33, %dma_start3A_145] : memref<10240x128xf32, #tpu.memory_space<vmem_shared>> -> memref<640x128xf32, #tpu.memory_space<vmem_shared>>
      tpu.enqueue_dma source(%dma_start3A_146 : memref<640x128xf32, #tpu.memory_space<vmem_shared>>) target(%dma_start3A_144 : memref<640x128xf32, #tpu.memory_space<hbm>>) target_semaphore(%run_scoped3A_141 : memref<!tpu.dma_semaphore, #tpu.memory_space<semaphore_mem>>)
      %dma_wait3A = arith.constant 0 : i32
      %dma_wait3A_147 = tpu.memref_slice %arg6[%arg0, %run_scoped3A, %mul3A_35, %dma_wait3A] : memref<2x4x10240x128xf32, #tpu.memory_space<hbm>> -> memref<1x1x640x128xf32, #tpu.memory_space<hbm>>
      %dma_wait3A_148 = tpu.memref_squeeze %dma_wait3A_147 : memref<1x1x640x128xf32, #tpu.memory_space<hbm>> -> memref<640x128xf32, #tpu.memory_space<hbm>>
      %dma_wait3A_149 = arith.constant 0 : i32
      %dma_wait3A_150 = tpu.memref_slice %arg14[%mul3A_33, %dma_wait3A_149] : memref<10240x128xf32, #tpu.memory_space<vmem_shared>> -> memref<640x128xf32, #tpu.memory_space<vmem_shared>>
      tpu.wait_dma2 semaphore(%run_scoped3A_141 : memref<!tpu.dma_semaphore, #tpu.memory_space<semaphore_mem>>) src(%dma_wait3A_150 : memref<640x128xf32, #tpu.memory_space<vmem_shared>>) dst(%dma_wait3A_148 : memref<640x128xf32, #tpu.memory_space<hbm>>)
      tpu.yield
    }) : () -> ()
    %scan3A_36 = arith.constant 0 : i32
    %scan3A_37 = arith.constant 0 : i32
    %scan3A_38 = arith.constant 320 : i32
    %scan3A_39 = arith.addi %scan3A_37, %scan3A_38 : i32
    %scan3A_40 = arith.constant 1 : i32
    %scan3A_41 = scf.for %scan3A_141 = %scan3A_37 to %scan3A_39 step %scan3A_40 iter_args(%scan3A_142 = %scan3A_36) -> (i32)  : i32 {
      %jit3A = arith.constant 8 : i32
      %div3A = arith.divsi %scan3A_141, %jit3A : i32
      %sign3A = arith.constant 0 : i32
      %sign3A_143 = arith.cmpi sgt, %scan3A_141, %sign3A : i32
      %sign3A_144 = arith.extui %sign3A_143 : i1 to i32
      %sign3A_145 = arith.constant 0 : i32
      %sign3A_146 = arith.cmpi slt, %scan3A_141, %sign3A_145 : i32
      %sign3A_147 = arith.extui %sign3A_146 : i1 to i32
      %sign3A_148 = arith.subi %sign3A_144, %sign3A_147 : i32
      %sign3A_149 = arith.constant 0 : i32
      %sign3A_150 = arith.cmpi sgt, %jit3A, %sign3A_149 : i32
      %sign3A_151 = arith.extui %sign3A_150 : i1 to i32
      %sign3A_152 = arith.constant 0 : i32
      %sign3A_153 = arith.cmpi slt, %jit3A, %sign3A_152 : i32
      %sign3A_154 = arith.extui %sign3A_153 : i1 to i32
      %sign3A_155 = arith.subi %sign3A_151, %sign3A_154 : i32
      %ne3A = arith.cmpi ne, %sign3A_148, %sign3A_155 : i32
      %rem3A = arith.remsi %scan3A_141, %jit3A : i32
      %ne3A_156 = arith.constant 0 : i32
      %ne3A_157 = arith.cmpi ne, %rem3A, %ne3A_156 : i32
      %and3A = arith.andi %ne3A, %ne3A_157 : i1
      %sub3A = arith.constant 1 : i32
      %sub3A_158 = arith.subi %div3A, %sub3A : i32
      %select_n3A = arith.select %and3A, %sub3A_158, %div3A : i32
      %jit3A_159 = arith.constant 8 : i32
      %eq3A = arith.constant 0 : i32
      %eq3A_160 = arith.cmpi eq, %jit3A_159, %eq3A : i32
      %jit3A_161 = arith.constant 1 : i32
      %select_n3A_162 = arith.select %eq3A_160, %jit3A_161, %jit3A_159 : i32
      %rem3A_163 = arith.remsi %scan3A_141, %select_n3A_162 : i32
      %ne3A_164 = arith.constant 0 : i32
      %ne3A_165 = arith.cmpi ne, %rem3A_163, %ne3A_164 : i32
      %lt3A = arith.constant 0 : i32
      %lt3A_166 = arith.cmpi slt, %rem3A_163, %lt3A : i32
      %lt3A_167 = arith.constant 0 : i32
      %lt3A_168 = arith.cmpi slt, %select_n3A_162, %lt3A_167 : i32
      %ne3A_169 = arith.xori %lt3A_166, %lt3A_168 : i1
      %and3A_170 = arith.andi %ne3A_169, %ne3A_165 : i1
      %add3A_171 = arith.addi %rem3A_163, %select_n3A_162 : i32
      %select_n3A_172 = arith.select %and3A_170, %add3A_171, %rem3A_163 : i32
      %mul3A_173 = arith.constant 16 : i32
      %mul3A_174 = arith.muli %select_n3A_172, %mul3A_173 : i32
      %get3A = arith.index_cast %select_n3A : i32 to index
      %get3A_175 = arith.index_cast %mul3A_174 : i32 to index
      %get3A_176 = tpu.vector_load %arg7[%get3A, %get3A_175] {strides = array<i32>} : memref<40x128xi32, #tpu.memory_space<vmem>>, vector<1x16xi32>,
      %get3A_177 = vector.shape_cast %get3A_176 : vector<1x16xi32> to vector<16xi32>
      %mul3A_178 = arith.constant 4 : i32
      %mul3A_179 = vector.broadcast %mul3A_178 : i32 to vector<16xi32>
      %mul3A_180 = arith.muli %get3A_177, %mul3A_179 : vector<16xi32>
      %add3A_181 = arith.constant 1 : i32
      %add3A_182 = vector.broadcast %add3A_181 : i32 to vector<16xi32>
      %add3A_183 = arith.addi %mul3A_180, %add3A_182 : vector<16xi32>
      %swap3A = arith.index_cast %select_n3A : i32 to index
      %swap3A_184 = arith.index_cast %mul3A_174 : i32 to index
      %swap3A_185 = tpu.vector_load %arg9[%swap3A, %swap3A_184] {strides = array<i32>} : memref<40x128xi32, #tpu.memory_space<vmem>>, vector<1x16xi32>,
      %swap3A_186 = vector.shape_cast %swap3A_185 : vector<1x16xi32> to vector<16xi32>
      %swap3A_187 = vector.shape_cast %add3A_183 : vector<16xi32> to vector<1x16xi32>
      tpu.vector_store %arg9[%swap3A, %swap3A_184], %swap3A_187 {strides = array<i32>} : memref<40x128xi32, #tpu.memory_space<vmem>>, vector<1x16xi32>,
      %scan3A_188 = arith.constant 0 : i32
      scf.yield %scan3A_188 : i32
    }
    %scan3A_42 = arith.constant 320 : i32
    %scan3A_43 = arith.constant 0 : i32
    %scan3A_44 = arith.constant 0 : i32
    %scan3A_45 = arith.constant 10 : i32
    %scan3A_46 = arith.addi %scan3A_44, %scan3A_45 : i32
    %scan3A_47 = arith.constant 1 : i32
    %scan3A_48 = scf.for %scan3A_141 = %scan3A_44 to %scan3A_46 step %scan3A_47 iter_args(%scan3A_142 = %scan3A_43) -> (i32)  : i32 {
      %mul3A_143 = arith.constant 640 : i32
      %mul3A_144 = arith.muli %arg1, %mul3A_143 : i32
      %mul3A_145 = arith.constant 64 : i32
      %mul3A_146 = arith.muli %scan3A_141, %mul3A_145 : i32
      %add3A_147 = arith.addi %mul3A_144, %mul3A_146 : i32
      "tpu.region"() ({
        %run_scoped3A_149 = tpu.sem_alloc : memref<!tpu.dma_semaphore, #tpu.memory_space<semaphore_mem>>
        %dma_start3A_150 = arith.constant 0 : i32
        %dma_start3A_151 = tpu.memref_slice %arg14[%add3A_147, %dma_start3A_150] : memref<10240x128xf32, #tpu.memory_space<vmem_shared>> -> memref<64x128xf32, #tpu.memory_space<vmem_shared>>
        tpu.enqueue_dma source(%arg5 : memref<64x128xf32, #tpu.memory_space<hbm>>) target(%dma_start3A_151 : memref<64x128xf32, #tpu.memory_space<vmem_shared>>) target_semaphore(%run_scoped3A_149 : memref<!tpu.dma_semaphore, #tpu.memory_space<semaphore_mem>>)
        %dma_wait3A = arith.constant 0 : i32
        %dma_wait3A_152 = tpu.memref_slice %arg14[%add3A_147, %dma_wait3A] : memref<10240x128xf32, #tpu.memory_space<vmem_shared>> -> memref<64x128xf32, #tpu.memory_space<vmem_shared>>
        tpu.wait_dma2 semaphore(%run_scoped3A_149 : memref<!tpu.dma_semaphore, #tpu.memory_space<semaphore_mem>>) src(%arg5 : memref<64x128xf32, #tpu.memory_space<hbm>>) dst(%dma_wait3A_152 : memref<64x128xf32, #tpu.memory_space<vmem_shared>>)
        tpu.yield
      }) : () -> ()
      %scan3A_148 = arith.constant 0 : i32
      scf.yield %scan3A_148 : i32
    }
    %scan3A_49 = arith.constant 10 : i32
    %barrier3A_50 = arith.constant 0 : index
    tpu.barrier barrier_id(%barrier3A_50)
    %dma_start3A_51 = arith.constant 0 : i32
    %dma_start3A_52 = arith.constant 0 : i32
    %dma_start3A_53 = tpu.memref_slice %arg9[%dma_start3A_51, %dma_start3A_52] : memref<40x128xi32, #tpu.memory_space<vmem>> -> memref<1x128xi32, #tpu.memory_space<vmem>>
    %dma_start3A_54 = tpu.memref_squeeze %dma_start3A_53 : memref<1x128xi32, #tpu.memory_space<vmem>> -> memref<128xi32, #tpu.memory_space<vmem>>
    %dma_start3A_55 = arith.constant 0 : i32
    %dma_start3A_56 = arith.constant 0 : i32
    %dma_start3A_57 = tpu.memref_slice %arg2[%dma_start3A_55, %dma_start3A_56] : memref<40960x128xf32, #tpu.memory_space<hbm>> -> memref<40960x128xf32, #tpu.memory_space<hbm>>
    tpu.enqueue_indirect_dma source(%dma_start3A_57 : memref<40960x128xf32, #tpu.memory_space<hbm>>) target(%arg10 : memref<128x128xf32, #tpu.memory_space<vmem>>) offsets(%dma_start3A_54 : memref<128xi32, #tpu.memory_space<vmem>>) semaphore(%arg12 : memref<!tpu.dma_semaphore, #tpu.memory_space<semaphore_mem>>)
    %scan3A_58 = arith.constant 0 : i32
    %scan3A_59 = arith.constant 0 : i32
    %scan3A_60 = arith.constant 20 : i32
    %scan3A_61 = arith.addi %scan3A_59, %scan3A_60 : i32
    %scan3A_62 = arith.constant 1 : i32
    %scan3A_63 = scf.for %scan3A_141 = %scan3A_59 to %scan3A_61 step %scan3A_62 iter_args(%scan3A_142 = %scan3A_58) -> (i32)  : i32 {
      %mul3A_143 = arith.constant 2 : i32
      %mul3A_144 = arith.muli %mul3A_143, %scan3A_141 : i32
      %mul3A_145 = arith.constant 2 : i32
      %mul3A_146 = arith.muli %mul3A_145, %scan3A_141 : i32
      %add3A_147 = arith.constant 1 : i32
      %add3A_148 = arith.addi %mul3A_146, %add3A_147 : i32
      %dma_start3A_149 = arith.constant 0 : i32
      %dma_start3A_150 = tpu.memref_slice %arg9[%add3A_148, %dma_start3A_149] : memref<40x128xi32, #tpu.memory_space<vmem>> -> memref<1x128xi32, #tpu.memory_space<vmem>>
      %dma_start3A_151 = tpu.memref_squeeze %dma_start3A_150 : memref<1x128xi32, #tpu.memory_space<vmem>> -> memref<128xi32, #tpu.memory_space<vmem>>
      %dma_start3A_152 = arith.constant 0 : i32
      %dma_start3A_153 = arith.constant 0 : i32
      %dma_start3A_154 = tpu.memref_slice %arg2[%dma_start3A_152, %dma_start3A_153] : memref<40960x128xf32, #tpu.memory_space<hbm>> -> memref<40960x128xf32, #tpu.memory_space<hbm>>
      tpu.enqueue_indirect_dma source(%dma_start3A_154 : memref<40960x128xf32, #tpu.memory_space<hbm>>) target(%arg11 : memref<128x128xf32, #tpu.memory_space<vmem>>) offsets(%dma_start3A_151 : memref<128xi32, #tpu.memory_space<vmem>>) semaphore(%arg13 : memref<!tpu.dma_semaphore, #tpu.memory_space<semaphore_mem>>)
      %dma_wait3A = arith.constant 0 : i32
      %dma_wait3A_155 = tpu.memref_slice %arg9[%mul3A_144, %dma_wait3A] : memref<40x128xi32, #tpu.memory_space<vmem>> -> memref<1x128xi32, #tpu.memory_space<vmem>>
      %dma_wait3A_156 = tpu.memref_squeeze %dma_wait3A_155 : memref<1x128xi32, #tpu.memory_space<vmem>> -> memref<128xi32, #tpu.memory_space<vmem>>
      %dma_wait3A_157 = arith.constant 0 : i32
      %dma_wait3A_158 = arith.constant 0 : i32
      %dma_wait3A_159 = tpu.memref_slice %arg2[%dma_wait3A_157, %dma_wait3A_158] : memref<40960x128xf32, #tpu.memory_space<hbm>> -> memref<40960x128xf32, #tpu.memory_space<hbm>>
      tpu.wait_indirect_dma semaphore(%arg12 : memref<!tpu.dma_semaphore, #tpu.memory_space<semaphore_mem>>) src(%dma_wait3A_159 : memref<40960x128xf32, #tpu.memory_space<hbm>>) dst(%arg10 : memref<128x128xf32, #tpu.memory_space<vmem>>)
      "tpu.region"() ({
        %run_scoped3A_171 = tpu.sem_alloc : memref<!tpu.dma_semaphore, #tpu.memory_space<semaphore_mem>>
        %dma_start3A_172 = arith.constant 0 : i32
        %dma_start3A_173 = tpu.memref_slice %arg8[%mul3A_144, %dma_start3A_172] : memref<40x128xi32, #tpu.memory_space<vmem>> -> memref<1x128xi32, #tpu.memory_space<vmem>>
        %dma_start3A_174 = tpu.memref_squeeze %dma_start3A_173 : memref<1x128xi32, #tpu.memory_space<vmem>> -> memref<128xi32, #tpu.memory_space<vmem>>
        %dma_start3A_175 = arith.constant 0 : i32
        %dma_start3A_176 = arith.constant 0 : i32
        %dma_start3A_177 = tpu.memref_slice %arg14[%dma_start3A_175, %dma_start3A_176] : memref<10240x128xf32, #tpu.memory_space<vmem_shared>> -> memref<10240x128xf32, #tpu.memory_space<vmem_shared>>
        tpu.enqueue_indirect_dma source(%arg10 : memref<128x128xf32, #tpu.memory_space<vmem>>) target(%dma_start3A_177 : memref<10240x128xf32, #tpu.memory_space<vmem_shared>>) offsets(%dma_start3A_174 : memref<128xi32, #tpu.memory_space<vmem>>) semaphore(%run_scoped3A_171 : memref<!tpu.dma_semaphore, #tpu.memory_space<semaphore_mem>>) {add = true}
        %dma_wait3A_178 = arith.constant 0 : i32
        %dma_wait3A_179 = tpu.memref_slice %arg8[%mul3A_144, %dma_wait3A_178] : memref<40x128xi32, #tpu.memory_space<vmem>> -> memref<1x128xi32, #tpu.memory_space<vmem>>
        %dma_wait3A_180 = tpu.memref_squeeze %dma_wait3A_179 : memref<1x128xi32, #tpu.memory_space<vmem>> -> memref<128xi32, #tpu.memory_space<vmem>>
        %dma_wait3A_181 = arith.constant 0 : i32
        %dma_wait3A_182 = arith.constant 0 : i32
        %dma_wait3A_183 = tpu.memref_slice %arg14[%dma_wait3A_181, %dma_wait3A_182] : memref<10240x128xf32, #tpu.memory_space<vmem_shared>> -> memref<10240x128xf32, #tpu.memory_space<vmem_shared>>
        tpu.wait_indirect_dma semaphore(%run_scoped3A_171 : memref<!tpu.dma_semaphore, #tpu.memory_space<semaphore_mem>>) src(%arg10 : memref<128x128xf32, #tpu.memory_space<vmem>>) dst(%dma_wait3A_183 : memref<10240x128xf32, #tpu.memory_space<vmem_shared>>)
        tpu.yield
      }) : () -> ()
      %add3A_160 = arith.constant 1 : i32
      %add3A_161 = arith.addi %add3A_148, %add3A_160 : i32
      %lt3A = arith.constant 40 : i32
      %lt3A_162 = arith.cmpi slt, %add3A_161, %lt3A : i32
      %convert_element_type3A = arith.extui %lt3A_162 : i1 to i32
      %cond3A = arith.constant 0 : i32
      %cond3A_163 = arith.cmpi ne, %convert_element_type3A, %cond3A : i32
      scf.if %cond3A_163 {
        %add3A_171 = arith.constant 1 : i32
        %add3A_172 = arith.addi %add3A_148, %add3A_171 : i32
        %dma_start3A_173 = arith.constant 0 : i32
        %dma_start3A_174 = tpu.memref_slice %arg9[%add3A_172, %dma_start3A_173] : memref<40x128xi32, #tpu.memory_space<vmem>> -> memref<1x128xi32, #tpu.memory_space<vmem>>
        %dma_start3A_175 = tpu.memref_squeeze %dma_start3A_174 : memref<1x128xi32, #tpu.memory_space<vmem>> -> memref<128xi32, #tpu.memory_space<vmem>>
        %dma_start3A_176 = arith.constant 0 : i32
        %dma_start3A_177 = arith.constant 0 : i32
        %dma_start3A_178 = tpu.memref_slice %arg2[%dma_start3A_176, %dma_start3A_177] : memref<40960x128xf32, #tpu.memory_space<hbm>> -> memref<40960x128xf32, #tpu.memory_space<hbm>>
        tpu.enqueue_indirect_dma source(%dma_start3A_178 : memref<40960x128xf32, #tpu.memory_space<hbm>>) target(%arg10 : memref<128x128xf32, #tpu.memory_space<vmem>>) offsets(%dma_start3A_175 : memref<128xi32, #tpu.memory_space<vmem>>) semaphore(%arg12 : memref<!tpu.dma_semaphore, #tpu.memory_space<semaphore_mem>>)
      } else {
      }
      %dma_wait3A_164 = arith.constant 0 : i32
      %dma_wait3A_165 = tpu.memref_slice %arg9[%add3A_148, %dma_wait3A_164] : memref<40x128xi32, #tpu.memory_space<vmem>> -> memref<1x128xi32, #tpu.memory_space<vmem>>
      %dma_wait3A_166 = tpu.memref_squeeze %dma_wait3A_165 : memref<1x128xi32, #tpu.memory_space<vmem>> -> memref<128xi32, #tpu.memory_space<vmem>>
      %dma_wait3A_167 = arith.constant 0 : i32
      %dma_wait3A_168 = arith.constant 0 : i32
      %dma_wait3A_169 = tpu.memref_slice %arg2[%dma_wait3A_167, %dma_wait3A_168] : memref<40960x128xf32, #tpu.memory_space<hbm>> -> memref<40960x128xf32, #tpu.memory_space<hbm>>
      tpu.wait_indirect_dma semaphore(%arg13 : memref<!tpu.dma_semaphore, #tpu.memory_space<semaphore_mem>>) src(%dma_wait3A_169 : memref<40960x128xf32, #tpu.memory_space<hbm>>) dst(%arg11 : memref<128x128xf32, #tpu.memory_space<vmem>>)
      "tpu.region"() ({
        %run_scoped3A_171 = tpu.sem_alloc : memref<!tpu.dma_semaphore, #tpu.memory_space<semaphore_mem>>
        %dma_start3A_172 = arith.constant 0 : i32
        %dma_start3A_173 = tpu.memref_slice %arg8[%add3A_148, %dma_start3A_172] : memref<40x128xi32, #tpu.memory_space<vmem>> -> memref<1x128xi32, #tpu.memory_space<vmem>>
        %dma_start3A_174 = tpu.memref_squeeze %dma_start3A_173 : memref<1x128xi32, #tpu.memory_space<vmem>> -> memref<128xi32, #tpu.memory_space<vmem>>
        %dma_start3A_175 = arith.constant 0 : i32
        %dma_start3A_176 = arith.constant 0 : i32
        %dma_start3A_177 = tpu.memref_slice %arg14[%dma_start3A_175, %dma_start3A_176] : memref<10240x128xf32, #tpu.memory_space<vmem_shared>> -> memref<10240x128xf32, #tpu.memory_space<vmem_shared>>
        tpu.enqueue_indirect_dma source(%arg11 : memref<128x128xf32, #tpu.memory_space<vmem>>) target(%dma_start3A_177 : memref<10240x128xf32, #tpu.memory_space<vmem_shared>>) offsets(%dma_start3A_174 : memref<128xi32, #tpu.memory_space<vmem>>) semaphore(%run_scoped3A_171 : memref<!tpu.dma_semaphore, #tpu.memory_space<semaphore_mem>>) {add = true}
        %dma_wait3A_178 = arith.constant 0 : i32
        %dma_wait3A_179 = tpu.memref_slice %arg8[%add3A_148, %dma_wait3A_178] : memref<40x128xi32, #tpu.memory_space<vmem>> -> memref<1x128xi32, #tpu.memory_space<vmem>>
        %dma_wait3A_180 = tpu.memref_squeeze %dma_wait3A_179 : memref<1x128xi32, #tpu.memory_space<vmem>> -> memref<128xi32, #tpu.memory_space<vmem>>
        %dma_wait3A_181 = arith.constant 0 : i32
        %dma_wait3A_182 = arith.constant 0 : i32
        %dma_wait3A_183 = tpu.memref_slice %arg14[%dma_wait3A_181, %dma_wait3A_182] : memref<10240x128xf32, #tpu.memory_space<vmem_shared>> -> memref<10240x128xf32, #tpu.memory_space<vmem_shared>>
        tpu.wait_indirect_dma semaphore(%run_scoped3A_171 : memref<!tpu.dma_semaphore, #tpu.memory_space<semaphore_mem>>) src(%arg11 : memref<128x128xf32, #tpu.memory_space<vmem>>) dst(%dma_wait3A_183 : memref<10240x128xf32, #tpu.memory_space<vmem_shared>>)
        tpu.yield
      }) : () -> ()
      %scan3A_170 = arith.constant 0 : i32
      scf.yield %scan3A_170 : i32
    }
    %scan3A_64 = arith.constant 20 : i32
    %barrier3A_65 = arith.constant 0 : index
    tpu.barrier barrier_id(%barrier3A_65)
    %mul3A_66 = arith.constant 640 : i32
    %mul3A_67 = arith.muli %arg1, %mul3A_66 : i32
    %mul3A_68 = arith.constant 640 : i32
    %mul3A_69 = arith.muli %arg1, %mul3A_68 : i32
    %run_scoped3A_70 = arith.constant 1 : i32
    "tpu.region"() ({
      %run_scoped3A_141 = tpu.sem_alloc : memref<!tpu.dma_semaphore, #tpu.memory_space<semaphore_mem>>
      %dma_start3A_142 = arith.constant 0 : i32
      %dma_start3A_143 = tpu.memref_slice %arg6[%arg0, %run_scoped3A_70, %mul3A_69, %dma_start3A_142] : memref<2x4x10240x128xf32, #tpu.memory_space<hbm>> -> memref<1x1x640x128xf32, #tpu.memory_space<hbm>>
      %dma_start3A_144 = tpu.memref_squeeze %dma_start3A_143 : memref<1x1x640x128xf32, #tpu.memory_space<hbm>> -> memref<640x128xf32, #tpu.memory_space<hbm>>
      %dma_start3A_145 = arith.constant 0 : i32
      %dma_start3A_146 = tpu.memref_slice %arg14[%mul3A_67, %dma_start3A_145] : memref<10240x128xf32, #tpu.memory_space<vmem_shared>> -> memref<640x128xf32, #tpu.memory_space<vmem_shared>>
      tpu.enqueue_dma source(%dma_start3A_146 : memref<640x128xf32, #tpu.memory_space<vmem_shared>>) target(%dma_start3A_144 : memref<640x128xf32, #tpu.memory_space<hbm>>) target_semaphore(%run_scoped3A_141 : memref<!tpu.dma_semaphore, #tpu.memory_space<semaphore_mem>>)
      %dma_wait3A = arith.constant 0 : i32
      %dma_wait3A_147 = tpu.memref_slice %arg6[%arg0, %run_scoped3A_70, %mul3A_69, %dma_wait3A] : memref<2x4x10240x128xf32, #tpu.memory_space<hbm>> -> memref<1x1x640x128xf32, #tpu.memory_space<hbm>>
      %dma_wait3A_148 = tpu.memref_squeeze %dma_wait3A_147 : memref<1x1x640x128xf32, #tpu.memory_space<hbm>> -> memref<640x128xf32, #tpu.memory_space<hbm>>
      %dma_wait3A_149 = arith.constant 0 : i32
      %dma_wait3A_150 = tpu.memref_slice %arg14[%mul3A_67, %dma_wait3A_149] : memref<10240x128xf32, #tpu.memory_space<vmem_shared>> -> memref<640x128xf32, #tpu.memory_space<vmem_shared>>
      tpu.wait_dma2 semaphore(%run_scoped3A_141 : memref<!tpu.dma_semaphore, #tpu.memory_space<semaphore_mem>>) src(%dma_wait3A_150 : memref<640x128xf32, #tpu.memory_space<vmem_shared>>) dst(%dma_wait3A_148 : memref<640x128xf32, #tpu.memory_space<hbm>>)
      tpu.yield
    }) : () -> ()
    %scan3A_71 = arith.constant 0 : i32
    %scan3A_72 = arith.constant 0 : i32
    %scan3A_73 = arith.constant 320 : i32
    %scan3A_74 = arith.addi %scan3A_72, %scan3A_73 : i32
    %scan3A_75 = arith.constant 1 : i32
    %scan3A_76 = scf.for %scan3A_141 = %scan3A_72 to %scan3A_74 step %scan3A_75 iter_args(%scan3A_142 = %scan3A_71) -> (i32)  : i32 {
      %jit3A = arith.constant 8 : i32
      %div3A = arith.divsi %scan3A_141, %jit3A : i32
      %sign3A = arith.constant 0 : i32
      %sign3A_143 = arith.cmpi sgt, %scan3A_141, %sign3A : i32
      %sign3A_144 = arith.extui %sign3A_143 : i1 to i32
      %sign3A_145 = arith.constant 0 : i32
      %sign3A_146 = arith.cmpi slt, %scan3A_141, %sign3A_145 : i32
      %sign3A_147 = arith.extui %sign3A_146 : i1 to i32
      %sign3A_148 = arith.subi %sign3A_144, %sign3A_147 : i32
      %sign3A_149 = arith.constant 0 : i32
      %sign3A_150 = arith.cmpi sgt, %jit3A, %sign3A_149 : i32
      %sign3A_151 = arith.extui %sign3A_150 : i1 to i32
      %sign3A_152 = arith.constant 0 : i32
      %sign3A_153 = arith.cmpi slt, %jit3A, %sign3A_152 : i32
      %sign3A_154 = arith.extui %sign3A_153 : i1 to i32
      %sign3A_155 = arith.subi %sign3A_151, %sign3A_154 : i32
      %ne3A = arith.cmpi ne, %sign3A_148, %sign3A_155 : i32
      %rem3A = arith.remsi %scan3A_141, %jit3A : i32
      %ne3A_156 = arith.constant 0 : i32
      %ne3A_157 = arith.cmpi ne, %rem3A, %ne3A_156 : i32
      %and3A = arith.andi %ne3A, %ne3A_157 : i1
      %sub3A = arith.constant 1 : i32
      %sub3A_158 = arith.subi %div3A, %sub3A : i32
      %select_n3A = arith.select %and3A, %sub3A_158, %div3A : i32
      %jit3A_159 = arith.constant 8 : i32
      %eq3A = arith.constant 0 : i32
      %eq3A_160 = arith.cmpi eq, %jit3A_159, %eq3A : i32
      %jit3A_161 = arith.constant 1 : i32
      %select_n3A_162 = arith.select %eq3A_160, %jit3A_161, %jit3A_159 : i32
      %rem3A_163 = arith.remsi %scan3A_141, %select_n3A_162 : i32
      %ne3A_164 = arith.constant 0 : i32
      %ne3A_165 = arith.cmpi ne, %rem3A_163, %ne3A_164 : i32
      %lt3A = arith.constant 0 : i32
      %lt3A_166 = arith.cmpi slt, %rem3A_163, %lt3A : i32
      %lt3A_167 = arith.constant 0 : i32
      %lt3A_168 = arith.cmpi slt, %select_n3A_162, %lt3A_167 : i32
      %ne3A_169 = arith.xori %lt3A_166, %lt3A_168 : i1
      %and3A_170 = arith.andi %ne3A_169, %ne3A_165 : i1
      %add3A_171 = arith.addi %rem3A_163, %select_n3A_162 : i32
      %select_n3A_172 = arith.select %and3A_170, %add3A_171, %rem3A_163 : i32
      %mul3A_173 = arith.constant 16 : i32
      %mul3A_174 = arith.muli %select_n3A_172, %mul3A_173 : i32
      %get3A = arith.index_cast %select_n3A : i32 to index
      %get3A_175 = arith.index_cast %mul3A_174 : i32 to index
      %get3A_176 = tpu.vector_load %arg7[%get3A, %get3A_175] {strides = array<i32>} : memref<40x128xi32, #tpu.memory_space<vmem>>, vector<1x16xi32>,
      %get3A_177 = vector.shape_cast %get3A_176 : vector<1x16xi32> to vector<16xi32>
      %mul3A_178 = arith.constant 4 : i32
      %mul3A_179 = vector.broadcast %mul3A_178 : i32 to vector<16xi32>
      %mul3A_180 = arith.muli %get3A_177, %mul3A_179 : vector<16xi32>
      %add3A_181 = arith.constant 2 : i32
      %add3A_182 = vector.broadcast %add3A_181 : i32 to vector<16xi32>
      %add3A_183 = arith.addi %mul3A_180, %add3A_182 : vector<16xi32>
      %swap3A = arith.index_cast %select_n3A : i32 to index
      %swap3A_184 = arith.index_cast %mul3A_174 : i32 to index
      %swap3A_185 = tpu.vector_load %arg9[%swap3A, %swap3A_184] {strides = array<i32>} : memref<40x128xi32, #tpu.memory_space<vmem>>, vector<1x16xi32>,
      %swap3A_186 = vector.shape_cast %swap3A_185 : vector<1x16xi32> to vector<16xi32>
      %swap3A_187 = vector.shape_cast %add3A_183 : vector<16xi32> to vector<1x16xi32>
      tpu.vector_store %arg9[%swap3A, %swap3A_184], %swap3A_187 {strides = array<i32>} : memref<40x128xi32, #tpu.memory_space<vmem>>, vector<1x16xi32>,
      %scan3A_188 = arith.constant 0 : i32
      scf.yield %scan3A_188 : i32
    }
    %scan3A_77 = arith.constant 320 : i32
    %scan3A_78 = arith.constant 0 : i32
    %scan3A_79 = arith.constant 0 : i32
    %scan3A_80 = arith.constant 10 : i32
    %scan3A_81 = arith.addi %scan3A_79, %scan3A_80 : i32
    %scan3A_82 = arith.constant 1 : i32
    %scan3A_83 = scf.for %scan3A_141 = %scan3A_79 to %scan3A_81 step %scan3A_82 iter_args(%scan3A_142 = %scan3A_78) -> (i32)  : i32 {
      %mul3A_143 = arith.constant 640 : i32
      %mul3A_144 = arith.muli %arg1, %mul3A_143 : i32
      %mul3A_145 = arith.constant 64 : i32
      %mul3A_146 = arith.muli %scan3A_141, %mul3A_145 : i32
      %add3A_147 = arith.addi %mul3A_144, %mul3A_146 : i32
      "tpu.region"() ({
        %run_scoped3A_149 = tpu.sem_alloc : memref<!tpu.dma_semaphore, #tpu.memory_space<semaphore_mem>>
        %dma_start3A_150 = arith.constant 0 : i32
        %dma_start3A_151 = tpu.memref_slice %arg14[%add3A_147, %dma_start3A_150] : memref<10240x128xf32, #tpu.memory_space<vmem_shared>> -> memref<64x128xf32, #tpu.memory_space<vmem_shared>>
        tpu.enqueue_dma source(%arg5 : memref<64x128xf32, #tpu.memory_space<hbm>>) target(%dma_start3A_151 : memref<64x128xf32, #tpu.memory_space<vmem_shared>>) target_semaphore(%run_scoped3A_149 : memref<!tpu.dma_semaphore, #tpu.memory_space<semaphore_mem>>)
        %dma_wait3A = arith.constant 0 : i32
        %dma_wait3A_152 = tpu.memref_slice %arg14[%add3A_147, %dma_wait3A] : memref<10240x128xf32, #tpu.memory_space<vmem_shared>> -> memref<64x128xf32, #tpu.memory_space<vmem_shared>>
        tpu.wait_dma2 semaphore(%run_scoped3A_149 : memref<!tpu.dma_semaphore, #tpu.memory_space<semaphore_mem>>) src(%arg5 : memref<64x128xf32, #tpu.memory_space<hbm>>) dst(%dma_wait3A_152 : memref<64x128xf32, #tpu.memory_space<vmem_shared>>)
        tpu.yield
      }) : () -> ()
      %scan3A_148 = arith.constant 0 : i32
      scf.yield %scan3A_148 : i32
    }
    %scan3A_84 = arith.constant 10 : i32
    %barrier3A_85 = arith.constant 0 : index
    tpu.barrier barrier_id(%barrier3A_85)
    %dma_start3A_86 = arith.constant 0 : i32
    %dma_start3A_87 = arith.constant 0 : i32
    %dma_start3A_88 = tpu.memref_slice %arg9[%dma_start3A_86, %dma_start3A_87] : memref<40x128xi32, #tpu.memory_space<vmem>> -> memref<1x128xi32, #tpu.memory_space<vmem>>
    %dma_start3A_89 = tpu.memref_squeeze %dma_start3A_88 : memref<1x128xi32, #tpu.memory_space<vmem>> -> memref<128xi32, #tpu.memory_space<vmem>>
    %dma_start3A_90 = arith.constant 0 : i32
    %dma_start3A_91 = arith.constant 0 : i32
    %dma_start3A_92 = tpu.memref_slice %arg2[%dma_start3A_90, %dma_start3A_91] : memref<40960x128xf32, #tpu.memory_space<hbm>> -> memref<40960x128xf32, #tpu.memory_space<hbm>>
    tpu.enqueue_indirect_dma source(%dma_start3A_92 : memref<40960x128xf32, #tpu.memory_space<hbm>>) target(%arg10 : memref<128x128xf32, #tpu.memory_space<vmem>>) offsets(%dma_start3A_89 : memref<128xi32, #tpu.memory_space<vmem>>) semaphore(%arg12 : memref<!tpu.dma_semaphore, #tpu.memory_space<semaphore_mem>>)
    %scan3A_93 = arith.constant 0 : i32
    %scan3A_94 = arith.constant 0 : i32
    %scan3A_95 = arith.constant 20 : i32
    %scan3A_96 = arith.addi %scan3A_94, %scan3A_95 : i32
    %scan3A_97 = arith.constant 1 : i32
    %scan3A_98 = scf.for %scan3A_141 = %scan3A_94 to %scan3A_96 step %scan3A_97 iter_args(%scan3A_142 = %scan3A_93) -> (i32)  : i32 {
      %mul3A_143 = arith.constant 2 : i32
      %mul3A_144 = arith.muli %mul3A_143, %scan3A_141 : i32
      %mul3A_145 = arith.constant 2 : i32
      %mul3A_146 = arith.muli %mul3A_145, %scan3A_141 : i32
      %add3A_147 = arith.constant 1 : i32
      %add3A_148 = arith.addi %mul3A_146, %add3A_147 : i32
      %dma_start3A_149 = arith.constant 0 : i32
      %dma_start3A_150 = tpu.memref_slice %arg9[%add3A_148, %dma_start3A_149] : memref<40x128xi32, #tpu.memory_space<vmem>> -> memref<1x128xi32, #tpu.memory_space<vmem>>
      %dma_start3A_151 = tpu.memref_squeeze %dma_start3A_150 : memref<1x128xi32, #tpu.memory_space<vmem>> -> memref<128xi32, #tpu.memory_space<vmem>>
      %dma_start3A_152 = arith.constant 0 : i32
      %dma_start3A_153 = arith.constant 0 : i32
      %dma_start3A_154 = tpu.memref_slice %arg2[%dma_start3A_152, %dma_start3A_153] : memref<40960x128xf32, #tpu.memory_space<hbm>> -> memref<40960x128xf32, #tpu.memory_space<hbm>>
      tpu.enqueue_indirect_dma source(%dma_start3A_154 : memref<40960x128xf32, #tpu.memory_space<hbm>>) target(%arg11 : memref<128x128xf32, #tpu.memory_space<vmem>>) offsets(%dma_start3A_151 : memref<128xi32, #tpu.memory_space<vmem>>) semaphore(%arg13 : memref<!tpu.dma_semaphore, #tpu.memory_space<semaphore_mem>>)
      %dma_wait3A = arith.constant 0 : i32
      %dma_wait3A_155 = tpu.memref_slice %arg9[%mul3A_144, %dma_wait3A] : memref<40x128xi32, #tpu.memory_space<vmem>> -> memref<1x128xi32, #tpu.memory_space<vmem>>
      %dma_wait3A_156 = tpu.memref_squeeze %dma_wait3A_155 : memref<1x128xi32, #tpu.memory_space<vmem>> -> memref<128xi32, #tpu.memory_space<vmem>>
      %dma_wait3A_157 = arith.constant 0 : i32
      %dma_wait3A_158 = arith.constant 0 : i32
      %dma_wait3A_159 = tpu.memref_slice %arg2[%dma_wait3A_157, %dma_wait3A_158] : memref<40960x128xf32, #tpu.memory_space<hbm>> -> memref<40960x128xf32, #tpu.memory_space<hbm>>
      tpu.wait_indirect_dma semaphore(%arg12 : memref<!tpu.dma_semaphore, #tpu.memory_space<semaphore_mem>>) src(%dma_wait3A_159 : memref<40960x128xf32, #tpu.memory_space<hbm>>) dst(%arg10 : memref<128x128xf32, #tpu.memory_space<vmem>>)
      "tpu.region"() ({
        %run_scoped3A_171 = tpu.sem_alloc : memref<!tpu.dma_semaphore, #tpu.memory_space<semaphore_mem>>
        %dma_start3A_172 = arith.constant 0 : i32
        %dma_start3A_173 = tpu.memref_slice %arg8[%mul3A_144, %dma_start3A_172] : memref<40x128xi32, #tpu.memory_space<vmem>> -> memref<1x128xi32, #tpu.memory_space<vmem>>
        %dma_start3A_174 = tpu.memref_squeeze %dma_start3A_173 : memref<1x128xi32, #tpu.memory_space<vmem>> -> memref<128xi32, #tpu.memory_space<vmem>>
        %dma_start3A_175 = arith.constant 0 : i32
        %dma_start3A_176 = arith.constant 0 : i32
        %dma_start3A_177 = tpu.memref_slice %arg14[%dma_start3A_175, %dma_start3A_176] : memref<10240x128xf32, #tpu.memory_space<vmem_shared>> -> memref<10240x128xf32, #tpu.memory_space<vmem_shared>>
        tpu.enqueue_indirect_dma source(%arg10 : memref<128x128xf32, #tpu.memory_space<vmem>>) target(%dma_start3A_177 : memref<10240x128xf32, #tpu.memory_space<vmem_shared>>) offsets(%dma_start3A_174 : memref<128xi32, #tpu.memory_space<vmem>>) semaphore(%run_scoped3A_171 : memref<!tpu.dma_semaphore, #tpu.memory_space<semaphore_mem>>) {add = true}
        %dma_wait3A_178 = arith.constant 0 : i32
        %dma_wait3A_179 = tpu.memref_slice %arg8[%mul3A_144, %dma_wait3A_178] : memref<40x128xi32, #tpu.memory_space<vmem>> -> memref<1x128xi32, #tpu.memory_space<vmem>>
        %dma_wait3A_180 = tpu.memref_squeeze %dma_wait3A_179 : memref<1x128xi32, #tpu.memory_space<vmem>> -> memref<128xi32, #tpu.memory_space<vmem>>
        %dma_wait3A_181 = arith.constant 0 : i32
        %dma_wait3A_182 = arith.constant 0 : i32
        %dma_wait3A_183 = tpu.memref_slice %arg14[%dma_wait3A_181, %dma_wait3A_182] : memref<10240x128xf32, #tpu.memory_space<vmem_shared>> -> memref<10240x128xf32, #tpu.memory_space<vmem_shared>>
        tpu.wait_indirect_dma semaphore(%run_scoped3A_171 : memref<!tpu.dma_semaphore, #tpu.memory_space<semaphore_mem>>) src(%arg10 : memref<128x128xf32, #tpu.memory_space<vmem>>) dst(%dma_wait3A_183 : memref<10240x128xf32, #tpu.memory_space<vmem_shared>>)
        tpu.yield
      }) : () -> ()
      %add3A_160 = arith.constant 1 : i32
      %add3A_161 = arith.addi %add3A_148, %add3A_160 : i32
      %lt3A = arith.constant 40 : i32
      %lt3A_162 = arith.cmpi slt, %add3A_161, %lt3A : i32
      %convert_element_type3A = arith.extui %lt3A_162 : i1 to i32
      %cond3A = arith.constant 0 : i32
      %cond3A_163 = arith.cmpi ne, %convert_element_type3A, %cond3A : i32
      scf.if %cond3A_163 {
        %add3A_171 = arith.constant 1 : i32
        %add3A_172 = arith.addi %add3A_148, %add3A_171 : i32
        %dma_start3A_173 = arith.constant 0 : i32
        %dma_start3A_174 = tpu.memref_slice %arg9[%add3A_172, %dma_start3A_173] : memref<40x128xi32, #tpu.memory_space<vmem>> -> memref<1x128xi32, #tpu.memory_space<vmem>>
        %dma_start3A_175 = tpu.memref_squeeze %dma_start3A_174 : memref<1x128xi32, #tpu.memory_space<vmem>> -> memref<128xi32, #tpu.memory_space<vmem>>
        %dma_start3A_176 = arith.constant 0 : i32
        %dma_start3A_177 = arith.constant 0 : i32
        %dma_start3A_178 = tpu.memref_slice %arg2[%dma_start3A_176, %dma_start3A_177] : memref<40960x128xf32, #tpu.memory_space<hbm>> -> memref<40960x128xf32, #tpu.memory_space<hbm>>
        tpu.enqueue_indirect_dma source(%dma_start3A_178 : memref<40960x128xf32, #tpu.memory_space<hbm>>) target(%arg10 : memref<128x128xf32, #tpu.memory_space<vmem>>) offsets(%dma_start3A_175 : memref<128xi32, #tpu.memory_space<vmem>>) semaphore(%arg12 : memref<!tpu.dma_semaphore, #tpu.memory_space<semaphore_mem>>)
      } else {
      }
      %dma_wait3A_164 = arith.constant 0 : i32
      %dma_wait3A_165 = tpu.memref_slice %arg9[%add3A_148, %dma_wait3A_164] : memref<40x128xi32, #tpu.memory_space<vmem>> -> memref<1x128xi32, #tpu.memory_space<vmem>>
      %dma_wait3A_166 = tpu.memref_squeeze %dma_wait3A_165 : memref<1x128xi32, #tpu.memory_space<vmem>> -> memref<128xi32, #tpu.memory_space<vmem>>
      %dma_wait3A_167 = arith.constant 0 : i32
      %dma_wait3A_168 = arith.constant 0 : i32
      %dma_wait3A_169 = tpu.memref_slice %arg2[%dma_wait3A_167, %dma_wait3A_168] : memref<40960x128xf32, #tpu.memory_space<hbm>> -> memref<40960x128xf32, #tpu.memory_space<hbm>>
      tpu.wait_indirect_dma semaphore(%arg13 : memref<!tpu.dma_semaphore, #tpu.memory_space<semaphore_mem>>) src(%dma_wait3A_169 : memref<40960x128xf32, #tpu.memory_space<hbm>>) dst(%arg11 : memref<128x128xf32, #tpu.memory_space<vmem>>)
      "tpu.region"() ({
        %run_scoped3A_171 = tpu.sem_alloc : memref<!tpu.dma_semaphore, #tpu.memory_space<semaphore_mem>>
        %dma_start3A_172 = arith.constant 0 : i32
        %dma_start3A_173 = tpu.memref_slice %arg8[%add3A_148, %dma_start3A_172] : memref<40x128xi32, #tpu.memory_space<vmem>> -> memref<1x128xi32, #tpu.memory_space<vmem>>
        %dma_start3A_174 = tpu.memref_squeeze %dma_start3A_173 : memref<1x128xi32, #tpu.memory_space<vmem>> -> memref<128xi32, #tpu.memory_space<vmem>>
        %dma_start3A_175 = arith.constant 0 : i32
        %dma_start3A_176 = arith.constant 0 : i32
        %dma_start3A_177 = tpu.memref_slice %arg14[%dma_start3A_175, %dma_start3A_176] : memref<10240x128xf32, #tpu.memory_space<vmem_shared>> -> memref<10240x128xf32, #tpu.memory_space<vmem_shared>>
        tpu.enqueue_indirect_dma source(%arg11 : memref<128x128xf32, #tpu.memory_space<vmem>>) target(%dma_start3A_177 : memref<10240x128xf32, #tpu.memory_space<vmem_shared>>) offsets(%dma_start3A_174 : memref<128xi32, #tpu.memory_space<vmem>>) semaphore(%run_scoped3A_171 : memref<!tpu.dma_semaphore, #tpu.memory_space<semaphore_mem>>) {add = true}
        %dma_wait3A_178 = arith.constant 0 : i32
        %dma_wait3A_179 = tpu.memref_slice %arg8[%add3A_148, %dma_wait3A_178] : memref<40x128xi32, #tpu.memory_space<vmem>> -> memref<1x128xi32, #tpu.memory_space<vmem>>
        %dma_wait3A_180 = tpu.memref_squeeze %dma_wait3A_179 : memref<1x128xi32, #tpu.memory_space<vmem>> -> memref<128xi32, #tpu.memory_space<vmem>>
        %dma_wait3A_181 = arith.constant 0 : i32
        %dma_wait3A_182 = arith.constant 0 : i32
        %dma_wait3A_183 = tpu.memref_slice %arg14[%dma_wait3A_181, %dma_wait3A_182] : memref<10240x128xf32, #tpu.memory_space<vmem_shared>> -> memref<10240x128xf32, #tpu.memory_space<vmem_shared>>
        tpu.wait_indirect_dma semaphore(%run_scoped3A_171 : memref<!tpu.dma_semaphore, #tpu.memory_space<semaphore_mem>>) src(%arg11 : memref<128x128xf32, #tpu.memory_space<vmem>>) dst(%dma_wait3A_183 : memref<10240x128xf32, #tpu.memory_space<vmem_shared>>)
        tpu.yield
      }) : () -> ()
      %scan3A_170 = arith.constant 0 : i32
      scf.yield %scan3A_170 : i32
    }
    %scan3A_99 = arith.constant 20 : i32
    %barrier3A_100 = arith.constant 0 : index
    tpu.barrier barrier_id(%barrier3A_100)
    %mul3A_101 = arith.constant 640 : i32
    %mul3A_102 = arith.muli %arg1, %mul3A_101 : i32
    %mul3A_103 = arith.constant 640 : i32
    %mul3A_104 = arith.muli %arg1, %mul3A_103 : i32
    %run_scoped3A_105 = arith.constant 2 : i32
    "tpu.region"() ({
      %run_scoped3A_141 = tpu.sem_alloc : memref<!tpu.dma_semaphore, #tpu.memory_space<semaphore_mem>>
      %dma_start3A_142 = arith.constant 0 : i32
      %dma_start3A_143 = tpu.memref_slice %arg6[%arg0, %run_scoped3A_105, %mul3A_104, %dma_start3A_142] : memref<2x4x10240x128xf32, #tpu.memory_space<hbm>> -> memref<1x1x640x128xf32, #tpu.memory_space<hbm>>
      %dma_start3A_144 = tpu.memref_squeeze %dma_start3A_143 : memref<1x1x640x128xf32, #tpu.memory_space<hbm>> -> memref<640x128xf32, #tpu.memory_space<hbm>>
      %dma_start3A_145 = arith.constant 0 : i32
      %dma_start3A_146 = tpu.memref_slice %arg14[%mul3A_102, %dma_start3A_145] : memref<10240x128xf32, #tpu.memory_space<vmem_shared>> -> memref<640x128xf32, #tpu.memory_space<vmem_shared>>
      tpu.enqueue_dma source(%dma_start3A_146 : memref<640x128xf32, #tpu.memory_space<vmem_shared>>) target(%dma_start3A_144 : memref<640x128xf32, #tpu.memory_space<hbm>>) target_semaphore(%run_scoped3A_141 : memref<!tpu.dma_semaphore, #tpu.memory_space<semaphore_mem>>)
      %dma_wait3A = arith.constant 0 : i32
      %dma_wait3A_147 = tpu.memref_slice %arg6[%arg0, %run_scoped3A_105, %mul3A_104, %dma_wait3A] : memref<2x4x10240x128xf32, #tpu.memory_space<hbm>> -> memref<1x1x640x128xf32, #tpu.memory_space<hbm>>
      %dma_wait3A_148 = tpu.memref_squeeze %dma_wait3A_147 : memref<1x1x640x128xf32, #tpu.memory_space<hbm>> -> memref<640x128xf32, #tpu.memory_space<hbm>>
      %dma_wait3A_149 = arith.constant 0 : i32
      %dma_wait3A_150 = tpu.memref_slice %arg14[%mul3A_102, %dma_wait3A_149] : memref<10240x128xf32, #tpu.memory_space<vmem_shared>> -> memref<640x128xf32, #tpu.memory_space<vmem_shared>>
      tpu.wait_dma2 semaphore(%run_scoped3A_141 : memref<!tpu.dma_semaphore, #tpu.memory_space<semaphore_mem>>) src(%dma_wait3A_150 : memref<640x128xf32, #tpu.memory_space<vmem_shared>>) dst(%dma_wait3A_148 : memref<640x128xf32, #tpu.memory_space<hbm>>)
      tpu.yield
    }) : () -> ()
    %scan3A_106 = arith.constant 0 : i32
    %scan3A_107 = arith.constant 0 : i32
    %scan3A_108 = arith.constant 320 : i32
    %scan3A_109 = arith.addi %scan3A_107, %scan3A_108 : i32
    %scan3A_110 = arith.constant 1 : i32
    %scan3A_111 = scf.for %scan3A_141 = %scan3A_107 to %scan3A_109 step %scan3A_110 iter_args(%scan3A_142 = %scan3A_106) -> (i32)  : i32 {
      %jit3A = arith.constant 8 : i32
      %div3A = arith.divsi %scan3A_141, %jit3A : i32
      %sign3A = arith.constant 0 : i32
      %sign3A_143 = arith.cmpi sgt, %scan3A_141, %sign3A : i32
      %sign3A_144 = arith.extui %sign3A_143 : i1 to i32
      %sign3A_145 = arith.constant 0 : i32
      %sign3A_146 = arith.cmpi slt, %scan3A_141, %sign3A_145 : i32
      %sign3A_147 = arith.extui %sign3A_146 : i1 to i32
      %sign3A_148 = arith.subi %sign3A_144, %sign3A_147 : i32
      %sign3A_149 = arith.constant 0 : i32
      %sign3A_150 = arith.cmpi sgt, %jit3A, %sign3A_149 : i32
      %sign3A_151 = arith.extui %sign3A_150 : i1 to i32
      %sign3A_152 = arith.constant 0 : i32
      %sign3A_153 = arith.cmpi slt, %jit3A, %sign3A_152 : i32
      %sign3A_154 = arith.extui %sign3A_153 : i1 to i32
      %sign3A_155 = arith.subi %sign3A_151, %sign3A_154 : i32
      %ne3A = arith.cmpi ne, %sign3A_148, %sign3A_155 : i32
      %rem3A = arith.remsi %scan3A_141, %jit3A : i32
      %ne3A_156 = arith.constant 0 : i32
      %ne3A_157 = arith.cmpi ne, %rem3A, %ne3A_156 : i32
      %and3A = arith.andi %ne3A, %ne3A_157 : i1
      %sub3A = arith.constant 1 : i32
      %sub3A_158 = arith.subi %div3A, %sub3A : i32
      %select_n3A = arith.select %and3A, %sub3A_158, %div3A : i32
      %jit3A_159 = arith.constant 8 : i32
      %eq3A = arith.constant 0 : i32
      %eq3A_160 = arith.cmpi eq, %jit3A_159, %eq3A : i32
      %jit3A_161 = arith.constant 1 : i32
      %select_n3A_162 = arith.select %eq3A_160, %jit3A_161, %jit3A_159 : i32
      %rem3A_163 = arith.remsi %scan3A_141, %select_n3A_162 : i32
      %ne3A_164 = arith.constant 0 : i32
      %ne3A_165 = arith.cmpi ne, %rem3A_163, %ne3A_164 : i32
      %lt3A = arith.constant 0 : i32
      %lt3A_166 = arith.cmpi slt, %rem3A_163, %lt3A : i32
      %lt3A_167 = arith.constant 0 : i32
      %lt3A_168 = arith.cmpi slt, %select_n3A_162, %lt3A_167 : i32
      %ne3A_169 = arith.xori %lt3A_166, %lt3A_168 : i1
      %and3A_170 = arith.andi %ne3A_169, %ne3A_165 : i1
      %add3A_171 = arith.addi %rem3A_163, %select_n3A_162 : i32
      %select_n3A_172 = arith.select %and3A_170, %add3A_171, %rem3A_163 : i32
      %mul3A_173 = arith.constant 16 : i32
      %mul3A_174 = arith.muli %select_n3A_172, %mul3A_173 : i32
      %get3A = arith.index_cast %select_n3A : i32 to index
      %get3A_175 = arith.index_cast %mul3A_174 : i32 to index
      %get3A_176 = tpu.vector_load %arg7[%get3A, %get3A_175] {strides = array<i32>} : memref<40x128xi32, #tpu.memory_space<vmem>>, vector<1x16xi32>,
      %get3A_177 = vector.shape_cast %get3A_176 : vector<1x16xi32> to vector<16xi32>
      %mul3A_178 = arith.constant 4 : i32
      %mul3A_179 = vector.broadcast %mul3A_178 : i32 to vector<16xi32>
      %mul3A_180 = arith.muli %get3A_177, %mul3A_179 : vector<16xi32>
      %add3A_181 = arith.constant 3 : i32
      %add3A_182 = vector.broadcast %add3A_181 : i32 to vector<16xi32>
      %add3A_183 = arith.addi %mul3A_180, %add3A_182 : vector<16xi32>
      %swap3A = arith.index_cast %select_n3A : i32 to index
      %swap3A_184 = arith.index_cast %mul3A_174 : i32 to index
      %swap3A_185 = tpu.vector_load %arg9[%swap3A, %swap3A_184] {strides = array<i32>} : memref<40x128xi32, #tpu.memory_space<vmem>>, vector<1x16xi32>,
      %swap3A_186 = vector.shape_cast %swap3A_185 : vector<1x16xi32> to vector<16xi32>
      %swap3A_187 = vector.shape_cast %add3A_183 : vector<16xi32> to vector<1x16xi32>
      tpu.vector_store %arg9[%swap3A, %swap3A_184], %swap3A_187 {strides = array<i32>} : memref<40x128xi32, #tpu.memory_space<vmem>>, vector<1x16xi32>,
      %scan3A_188 = arith.constant 0 : i32
      scf.yield %scan3A_188 : i32
    }
    %scan3A_112 = arith.constant 320 : i32
    %scan3A_113 = arith.constant 0 : i32
    %scan3A_114 = arith.constant 0 : i32
    %scan3A_115 = arith.constant 10 : i32
    %scan3A_116 = arith.addi %scan3A_114, %scan3A_115 : i32
    %scan3A_117 = arith.constant 1 : i32
    %scan3A_118 = scf.for %scan3A_141 = %scan3A_114 to %scan3A_116 step %scan3A_117 iter_args(%scan3A_142 = %scan3A_113) -> (i32)  : i32 {
      %mul3A_143 = arith.constant 640 : i32
      %mul3A_144 = arith.muli %arg1, %mul3A_143 : i32
      %mul3A_145 = arith.constant 64 : i32
      %mul3A_146 = arith.muli %scan3A_141, %mul3A_145 : i32
      %add3A_147 = arith.addi %mul3A_144, %mul3A_146 : i32
      "tpu.region"() ({
        %run_scoped3A_149 = tpu.sem_alloc : memref<!tpu.dma_semaphore, #tpu.memory_space<semaphore_mem>>
        %dma_start3A_150 = arith.constant 0 : i32
        %dma_start3A_151 = tpu.memref_slice %arg14[%add3A_147, %dma_start3A_150] : memref<10240x128xf32, #tpu.memory_space<vmem_shared>> -> memref<64x128xf32, #tpu.memory_space<vmem_shared>>
        tpu.enqueue_dma source(%arg5 : memref<64x128xf32, #tpu.memory_space<hbm>>) target(%dma_start3A_151 : memref<64x128xf32, #tpu.memory_space<vmem_shared>>) target_semaphore(%run_scoped3A_149 : memref<!tpu.dma_semaphore, #tpu.memory_space<semaphore_mem>>)
        %dma_wait3A = arith.constant 0 : i32
        %dma_wait3A_152 = tpu.memref_slice %arg14[%add3A_147, %dma_wait3A] : memref<10240x128xf32, #tpu.memory_space<vmem_shared>> -> memref<64x128xf32, #tpu.memory_space<vmem_shared>>
        tpu.wait_dma2 semaphore(%run_scoped3A_149 : memref<!tpu.dma_semaphore, #tpu.memory_space<semaphore_mem>>) src(%arg5 : memref<64x128xf32, #tpu.memory_space<hbm>>) dst(%dma_wait3A_152 : memref<64x128xf32, #tpu.memory_space<vmem_shared>>)
        tpu.yield
      }) : () -> ()
      %scan3A_148 = arith.constant 0 : i32
      scf.yield %scan3A_148 : i32
    }
    %scan3A_119 = arith.constant 10 : i32
    %barrier3A_120 = arith.constant 0 : index
    tpu.barrier barrier_id(%barrier3A_120)
    %dma_start3A_121 = arith.constant 0 : i32
    %dma_start3A_122 = arith.constant 0 : i32
    %dma_start3A_123 = tpu.memref_slice %arg9[%dma_start3A_121, %dma_start3A_122] : memref<40x128xi32, #tpu.memory_space<vmem>> -> memref<1x128xi32, #tpu.memory_space<vmem>>
    %dma_start3A_124 = tpu.memref_squeeze %dma_start3A_123 : memref<1x128xi32, #tpu.memory_space<vmem>> -> memref<128xi32, #tpu.memory_space<vmem>>
    %dma_start3A_125 = arith.constant 0 : i32
    %dma_start3A_126 = arith.constant 0 : i32
    %dma_start3A_127 = tpu.memref_slice %arg2[%dma_start3A_125, %dma_start3A_126] : memref<40960x128xf32, #tpu.memory_space<hbm>> -> memref<40960x128xf32, #tpu.memory_space<hbm>>
    tpu.enqueue_indirect_dma source(%dma_start3A_127 : memref<40960x128xf32, #tpu.memory_space<hbm>>) target(%arg10 : memref<128x128xf32, #tpu.memory_space<vmem>>) offsets(%dma_start3A_124 : memref<128xi32, #tpu.memory_space<vmem>>) semaphore(%arg12 : memref<!tpu.dma_semaphore, #tpu.memory_space<semaphore_mem>>)
    %scan3A_128 = arith.constant 0 : i32
    %scan3A_129 = arith.constant 0 : i32
    %scan3A_130 = arith.constant 20 : i32
    %scan3A_131 = arith.addi %scan3A_129, %scan3A_130 : i32
    %scan3A_132 = arith.constant 1 : i32
    %scan3A_133 = scf.for %scan3A_141 = %scan3A_129 to %scan3A_131 step %scan3A_132 iter_args(%scan3A_142 = %scan3A_128) -> (i32)  : i32 {
      %mul3A_143 = arith.constant 2 : i32
      %mul3A_144 = arith.muli %mul3A_143, %scan3A_141 : i32
      %mul3A_145 = arith.constant 2 : i32
      %mul3A_146 = arith.muli %mul3A_145, %scan3A_141 : i32
      %add3A_147 = arith.constant 1 : i32
      %add3A_148 = arith.addi %mul3A_146, %add3A_147 : i32
      %dma_start3A_149 = arith.constant 0 : i32
      %dma_start3A_150 = tpu.memref_slice %arg9[%add3A_148, %dma_start3A_149] : memref<40x128xi32, #tpu.memory_space<vmem>> -> memref<1x128xi32, #tpu.memory_space<vmem>>
      %dma_start3A_151 = tpu.memref_squeeze %dma_start3A_150 : memref<1x128xi32, #tpu.memory_space<vmem>> -> memref<128xi32, #tpu.memory_space<vmem>>
      %dma_start3A_152 = arith.constant 0 : i32
      %dma_start3A_153 = arith.constant 0 : i32
      %dma_start3A_154 = tpu.memref_slice %arg2[%dma_start3A_152, %dma_start3A_153] : memref<40960x128xf32, #tpu.memory_space<hbm>> -> memref<40960x128xf32, #tpu.memory_space<hbm>>
      tpu.enqueue_indirect_dma source(%dma_start3A_154 : memref<40960x128xf32, #tpu.memory_space<hbm>>) target(%arg11 : memref<128x128xf32, #tpu.memory_space<vmem>>) offsets(%dma_start3A_151 : memref<128xi32, #tpu.memory_space<vmem>>) semaphore(%arg13 : memref<!tpu.dma_semaphore, #tpu.memory_space<semaphore_mem>>)
      %dma_wait3A = arith.constant 0 : i32
      %dma_wait3A_155 = tpu.memref_slice %arg9[%mul3A_144, %dma_wait3A] : memref<40x128xi32, #tpu.memory_space<vmem>> -> memref<1x128xi32, #tpu.memory_space<vmem>>
      %dma_wait3A_156 = tpu.memref_squeeze %dma_wait3A_155 : memref<1x128xi32, #tpu.memory_space<vmem>> -> memref<128xi32, #tpu.memory_space<vmem>>
      %dma_wait3A_157 = arith.constant 0 : i32
      %dma_wait3A_158 = arith.constant 0 : i32
      %dma_wait3A_159 = tpu.memref_slice %arg2[%dma_wait3A_157, %dma_wait3A_158] : memref<40960x128xf32, #tpu.memory_space<hbm>> -> memref<40960x128xf32, #tpu.memory_space<hbm>>
      tpu.wait_indirect_dma semaphore(%arg12 : memref<!tpu.dma_semaphore, #tpu.memory_space<semaphore_mem>>) src(%dma_wait3A_159 : memref<40960x128xf32, #tpu.memory_space<hbm>>) dst(%arg10 : memref<128x128xf32, #tpu.memory_space<vmem>>)
      "tpu.region"() ({
        %run_scoped3A_171 = tpu.sem_alloc : memref<!tpu.dma_semaphore, #tpu.memory_space<semaphore_mem>>
        %dma_start3A_172 = arith.constant 0 : i32
        %dma_start3A_173 = tpu.memref_slice %arg8[%mul3A_144, %dma_start3A_172] : memref<40x128xi32, #tpu.memory_space<vmem>> -> memref<1x128xi32, #tpu.memory_space<vmem>>
        %dma_start3A_174 = tpu.memref_squeeze %dma_start3A_173 : memref<1x128xi32, #tpu.memory_space<vmem>> -> memref<128xi32, #tpu.memory_space<vmem>>
        %dma_start3A_175 = arith.constant 0 : i32
        %dma_start3A_176 = arith.constant 0 : i32
        %dma_start3A_177 = tpu.memref_slice %arg14[%dma_start3A_175, %dma_start3A_176] : memref<10240x128xf32, #tpu.memory_space<vmem_shared>> -> memref<10240x128xf32, #tpu.memory_space<vmem_shared>>
        tpu.enqueue_indirect_dma source(%arg10 : memref<128x128xf32, #tpu.memory_space<vmem>>) target(%dma_start3A_177 : memref<10240x128xf32, #tpu.memory_space<vmem_shared>>) offsets(%dma_start3A_174 : memref<128xi32, #tpu.memory_space<vmem>>) semaphore(%run_scoped3A_171 : memref<!tpu.dma_semaphore, #tpu.memory_space<semaphore_mem>>) {add = true}
        %dma_wait3A_178 = arith.constant 0 : i32
        %dma_wait3A_179 = tpu.memref_slice %arg8[%mul3A_144, %dma_wait3A_178] : memref<40x128xi32, #tpu.memory_space<vmem>> -> memref<1x128xi32, #tpu.memory_space<vmem>>
        %dma_wait3A_180 = tpu.memref_squeeze %dma_wait3A_179 : memref<1x128xi32, #tpu.memory_space<vmem>> -> memref<128xi32, #tpu.memory_space<vmem>>
        %dma_wait3A_181 = arith.constant 0 : i32
        %dma_wait3A_182 = arith.constant 0 : i32
        %dma_wait3A_183 = tpu.memref_slice %arg14[%dma_wait3A_181, %dma_wait3A_182] : memref<10240x128xf32, #tpu.memory_space<vmem_shared>> -> memref<10240x128xf32, #tpu.memory_space<vmem_shared>>
        tpu.wait_indirect_dma semaphore(%run_scoped3A_171 : memref<!tpu.dma_semaphore, #tpu.memory_space<semaphore_mem>>) src(%arg10 : memref<128x128xf32, #tpu.memory_space<vmem>>) dst(%dma_wait3A_183 : memref<10240x128xf32, #tpu.memory_space<vmem_shared>>)
        tpu.yield
      }) : () -> ()
      %add3A_160 = arith.constant 1 : i32
      %add3A_161 = arith.addi %add3A_148, %add3A_160 : i32
      %lt3A = arith.constant 40 : i32
      %lt3A_162 = arith.cmpi slt, %add3A_161, %lt3A : i32
      %convert_element_type3A = arith.extui %lt3A_162 : i1 to i32
      %cond3A = arith.constant 0 : i32
      %cond3A_163 = arith.cmpi ne, %convert_element_type3A, %cond3A : i32
      scf.if %cond3A_163 {
        %add3A_171 = arith.constant 1 : i32
        %add3A_172 = arith.addi %add3A_148, %add3A_171 : i32
        %dma_start3A_173 = arith.constant 0 : i32
        %dma_start3A_174 = tpu.memref_slice %arg9[%add3A_172, %dma_start3A_173] : memref<40x128xi32, #tpu.memory_space<vmem>> -> memref<1x128xi32, #tpu.memory_space<vmem>>
        %dma_start3A_175 = tpu.memref_squeeze %dma_start3A_174 : memref<1x128xi32, #tpu.memory_space<vmem>> -> memref<128xi32, #tpu.memory_space<vmem>>
        %dma_start3A_176 = arith.constant 0 : i32
        %dma_start3A_177 = arith.constant 0 : i32
        %dma_start3A_178 = tpu.memref_slice %arg2[%dma_start3A_176, %dma_start3A_177] : memref<40960x128xf32, #tpu.memory_space<hbm>> -> memref<40960x128xf32, #tpu.memory_space<hbm>>
        tpu.enqueue_indirect_dma source(%dma_start3A_178 : memref<40960x128xf32, #tpu.memory_space<hbm>>) target(%arg10 : memref<128x128xf32, #tpu.memory_space<vmem>>) offsets(%dma_start3A_175 : memref<128xi32, #tpu.memory_space<vmem>>) semaphore(%arg12 : memref<!tpu.dma_semaphore, #tpu.memory_space<semaphore_mem>>)
      } else {
      }
      %dma_wait3A_164 = arith.constant 0 : i32
      %dma_wait3A_165 = tpu.memref_slice %arg9[%add3A_148, %dma_wait3A_164] : memref<40x128xi32, #tpu.memory_space<vmem>> -> memref<1x128xi32, #tpu.memory_space<vmem>>
      %dma_wait3A_166 = tpu.memref_squeeze %dma_wait3A_165 : memref<1x128xi32, #tpu.memory_space<vmem>> -> memref<128xi32, #tpu.memory_space<vmem>>
      %dma_wait3A_167 = arith.constant 0 : i32
      %dma_wait3A_168 = arith.constant 0 : i32
      %dma_wait3A_169 = tpu.memref_slice %arg2[%dma_wait3A_167, %dma_wait3A_168] : memref<40960x128xf32, #tpu.memory_space<hbm>> -> memref<40960x128xf32, #tpu.memory_space<hbm>>
      tpu.wait_indirect_dma semaphore(%arg13 : memref<!tpu.dma_semaphore, #tpu.memory_space<semaphore_mem>>) src(%dma_wait3A_169 : memref<40960x128xf32, #tpu.memory_space<hbm>>) dst(%arg11 : memref<128x128xf32, #tpu.memory_space<vmem>>)
      "tpu.region"() ({
        %run_scoped3A_171 = tpu.sem_alloc : memref<!tpu.dma_semaphore, #tpu.memory_space<semaphore_mem>>
        %dma_start3A_172 = arith.constant 0 : i32
        %dma_start3A_173 = tpu.memref_slice %arg8[%add3A_148, %dma_start3A_172] : memref<40x128xi32, #tpu.memory_space<vmem>> -> memref<1x128xi32, #tpu.memory_space<vmem>>
        %dma_start3A_174 = tpu.memref_squeeze %dma_start3A_173 : memref<1x128xi32, #tpu.memory_space<vmem>> -> memref<128xi32, #tpu.memory_space<vmem>>
        %dma_start3A_175 = arith.constant 0 : i32
        %dma_start3A_176 = arith.constant 0 : i32
        %dma_start3A_177 = tpu.memref_slice %arg14[%dma_start3A_175, %dma_start3A_176] : memref<10240x128xf32, #tpu.memory_space<vmem_shared>> -> memref<10240x128xf32, #tpu.memory_space<vmem_shared>>
        tpu.enqueue_indirect_dma source(%arg11 : memref<128x128xf32, #tpu.memory_space<vmem>>) target(%dma_start3A_177 : memref<10240x128xf32, #tpu.memory_space<vmem_shared>>) offsets(%dma_start3A_174 : memref<128xi32, #tpu.memory_space<vmem>>) semaphore(%run_scoped3A_171 : memref<!tpu.dma_semaphore, #tpu.memory_space<semaphore_mem>>) {add = true}
        %dma_wait3A_178 = arith.constant 0 : i32
        %dma_wait3A_179 = tpu.memref_slice %arg8[%add3A_148, %dma_wait3A_178] : memref<40x128xi32, #tpu.memory_space<vmem>> -> memref<1x128xi32, #tpu.memory_space<vmem>>
        %dma_wait3A_180 = tpu.memref_squeeze %dma_wait3A_179 : memref<1x128xi32, #tpu.memory_space<vmem>> -> memref<128xi32, #tpu.memory_space<vmem>>
        %dma_wait3A_181 = arith.constant 0 : i32
        %dma_wait3A_182 = arith.constant 0 : i32
        %dma_wait3A_183 = tpu.memref_slice %arg14[%dma_wait3A_181, %dma_wait3A_182] : memref<10240x128xf32, #tpu.memory_space<vmem_shared>> -> memref<10240x128xf32, #tpu.memory_space<vmem_shared>>
        tpu.wait_indirect_dma semaphore(%run_scoped3A_171 : memref<!tpu.dma_semaphore, #tpu.memory_space<semaphore_mem>>) src(%arg11 : memref<128x128xf32, #tpu.memory_space<vmem>>) dst(%dma_wait3A_183 : memref<10240x128xf32, #tpu.memory_space<vmem_shared>>)
        tpu.yield
      }) : () -> ()
      %scan3A_170 = arith.constant 0 : i32
      scf.yield %scan3A_170 : i32
    }
    %scan3A_134 = arith.constant 20 : i32
    %barrier3A_135 = arith.constant 0 : index
    tpu.barrier barrier_id(%barrier3A_135)
    %mul3A_136 = arith.constant 640 : i32
    %mul3A_137 = arith.muli %arg1, %mul3A_136 : i32
    %mul3A_138 = arith.constant 640 : i32
    %mul3A_139 = arith.muli %arg1, %mul3A_138 : i32
    %run_scoped3A_140 = arith.constant 3 : i32
    "tpu.region"() ({
      %run_scoped3A_141 = tpu.sem_alloc : memref<!tpu.dma_semaphore, #tpu.memory_space<semaphore_mem>>
      %dma_start3A_142 = arith.constant 0 : i32
      %dma_start3A_143 = tpu.memref_slice %arg6[%arg0, %run_scoped3A_140, %mul3A_139, %dma_start3A_142] : memref<2x4x10240x128xf32, #tpu.memory_space<hbm>> -> memref<1x1x640x128xf32, #tpu.memory_space<hbm>>
      %dma_start3A_144 = tpu.memref_squeeze %dma_start3A_143 : memref<1x1x640x128xf32, #tpu.memory_space<hbm>> -> memref<640x128xf32, #tpu.memory_space<hbm>>
      %dma_start3A_145 = arith.constant 0 : i32
      %dma_start3A_146 = tpu.memref_slice %arg14[%mul3A_137, %dma_start3A_145] : memref<10240x128xf32, #tpu.memory_space<vmem_shared>> -> memref<640x128xf32, #tpu.memory_space<vmem_shared>>
      tpu.enqueue_dma source(%dma_start3A_146 : memref<640x128xf32, #tpu.memory_space<vmem_shared>>) target(%dma_start3A_144 : memref<640x128xf32, #tpu.memory_space<hbm>>) target_semaphore(%run_scoped3A_141 : memref<!tpu.dma_semaphore, #tpu.memory_space<semaphore_mem>>)
      %dma_wait3A = arith.constant 0 : i32
      %dma_wait3A_147 = tpu.memref_slice %arg6[%arg0, %run_scoped3A_140, %mul3A_139, %dma_wait3A] : memref<2x4x10240x128xf32, #tpu.memory_space<hbm>> -> memref<1x1x640x128xf32, #tpu.memory_space<hbm>>
      %dma_wait3A_148 = tpu.memref_squeeze %dma_wait3A_147 : memref<1x1x640x128xf32, #tpu.memory_space<hbm>> -> memref<640x128xf32, #tpu.memory_space<hbm>>
      %dma_wait3A_149 = arith.constant 0 : i32
      %dma_wait3A_150 = tpu.memref_slice %arg14[%mul3A_137, %dma_wait3A_149] : memref<10240x128xf32, #tpu.memory_space<vmem_shared>> -> memref<640x128xf32, #tpu.memory_space<vmem_shared>>
      tpu.wait_dma2 semaphore(%run_scoped3A_141 : memref<!tpu.dma_semaphore, #tpu.memory_space<semaphore_mem>>) src(%dma_wait3A_150 : memref<640x128xf32, #tpu.memory_space<vmem_shared>>) dst(%dma_wait3A_148 : memref<640x128xf32, #tpu.memory_space<hbm>>)
      tpu.yield
    }) : () -> ()
    return
  }
}

module attributes {stable_mosaic.version = 14 : i64} {
  func.func @_tc1_body(%arg0: i32, %arg1: memref<4x256x128xf32, #tpu.memory_space<vmem>>, %arg2: memref<256x256xf32, #tpu.memory_space<vmem>>, %arg3: memref<2x256xf32, #tpu.memory_space<vmem>>, %arg4: memref<2x128x512xf32, #tpu.memory_space<vmem>>, %arg5: memref<256x512xf32, #tpu.memory_space<vmem>>, %arg6: memref<512xf32, #tpu.memory_space<vmem>>, %arg7: memref<512xf32, #tpu.memory_space<vmem>>, %arg8: memref<512xf32, #tpu.memory_space<vmem>>, %arg9: memref<512xf32, #tpu.memory_space<vmem>>, %arg10: memref<256x512xf32, #tpu.memory_space<vmem>>) attributes {dimension_semantics = [#tpu.dimension_semantics<arbitrary>], iteration_bounds = array<i64: 40>, scalar_prefetch = 0 : i64, scratch_operands = 0 : i64, tpu.core_type = #tpu.core_type<tc>, window_params = [{transform_indices = @transform_0, window_bounds = array<i64: 4, 256, 128>}, {transform_indices = @transform_1, window_bounds = array<i64: 256, 256>}, {transform_indices = @transform_2, window_bounds = array<i64: 2, 256>}, {pipeline_mode = #tpu.pipeline_mode<synchronous>, transform_indices = @transform_3, window_bounds = array<i64: 2, 128, 512>}, {pipeline_mode = #tpu.pipeline_mode<synchronous>, transform_indices = @transform_4, window_bounds = array<i64: 256, 512>}, {pipeline_mode = #tpu.pipeline_mode<synchronous>, transform_indices = @transform_5, window_bounds = array<i64: 512>}, {pipeline_mode = #tpu.pipeline_mode<synchronous>, transform_indices = @transform_6, window_bounds = array<i64: 512>}, {pipeline_mode = #tpu.pipeline_mode<synchronous>, transform_indices = @transform_7, window_bounds = array<i64: 512>}, {pipeline_mode = #tpu.pipeline_mode<synchronous>, transform_indices = @transform_8, window_bounds = array<i64: 512>}, {transform_indices = @transform_9, window_bounds = array<i64: 256, 512>}]} {
    %get3A = arith.constant 0 : index
    %get3A_0 = arith.constant 0 : index
    %get3A_1 = arith.constant 0 : index
    %get3A_2 = vector.load %arg1[%get3A, %get3A_0, %get3A_1] : memref<4x256x128xf32, #tpu.memory_space<vmem>>, vector<1x256x128xf32>
    %get3A_3 = vector.shape_cast %get3A_2 : vector<1x256x128xf32> to vector<256x128xf32>
    %get3A_4 = arith.constant 2 : index
    %get3A_5 = arith.constant 0 : index
    %get3A_6 = arith.constant 0 : index
    %get3A_7 = vector.load %arg1[%get3A_4, %get3A_5, %get3A_6] : memref<4x256x128xf32, #tpu.memory_space<vmem>>, vector<1x256x128xf32>
    %get3A_8 = vector.shape_cast %get3A_7 : vector<1x256x128xf32> to vector<256x128xf32>
    %add3A = arith.addf %get3A_3, %get3A_8 : vector<256x128xf32>
    %get3A_9 = arith.constant 1 : index
    %get3A_10 = arith.constant 0 : index
    %get3A_11 = arith.constant 0 : index
    %get3A_12 = vector.load %arg1[%get3A_9, %get3A_10, %get3A_11] : memref<4x256x128xf32, #tpu.memory_space<vmem>>, vector<1x256x128xf32>
    %get3A_13 = vector.shape_cast %get3A_12 : vector<1x256x128xf32> to vector<256x128xf32>
    %get3A_14 = arith.constant 3 : index
    %get3A_15 = arith.constant 0 : index
    %get3A_16 = arith.constant 0 : index
    %get3A_17 = vector.load %arg1[%get3A_14, %get3A_15, %get3A_16] : memref<4x256x128xf32, #tpu.memory_space<vmem>>, vector<1x256x128xf32>
    %get3A_18 = vector.shape_cast %get3A_17 : vector<1x256x128xf32> to vector<256x128xf32>
    %add3A_19 = arith.addf %get3A_13, %get3A_18 : vector<256x128xf32>
    %get3A_20 = arith.constant 0 : index
    %get3A_21 = arith.constant 0 : index
    %get3A_22 = arith.constant 0 : index
    %get3A_23 = vector.load %arg4[%get3A_20, %get3A_21, %get3A_22] : memref<2x128x512xf32, #tpu.memory_space<vmem>>, vector<1x128x512xf32>
    %get3A_24 = vector.shape_cast %get3A_23 : vector<1x128x512xf32> to vector<128x512xf32>
    %dot_general3A = arith.constant dense<0.000000e+00> : vector<256x512xf32>
    %dot_general3A_25 = tpu.matmul %add3A, %get3A_24, %dot_general3A {dimension_numbers = #tpu.dot_dimension_numbers<[1], [0], [0], [1], [0, 0, 1, 1], [], []>, transpose_lhs_hint = false} : vector<256x128xf32>, vector<128x512xf32>, vector<256x512xf32> -> vector<256x512xf32>
    %get3A_26 = arith.constant 1 : index
    %get3A_27 = arith.constant 0 : index
    %get3A_28 = arith.constant 0 : index
    %get3A_29 = vector.load %arg4[%get3A_26, %get3A_27, %get3A_28] : memref<2x128x512xf32, #tpu.memory_space<vmem>>, vector<1x128x512xf32>
    %get3A_30 = vector.shape_cast %get3A_29 : vector<1x128x512xf32> to vector<128x512xf32>
    %dot_general3A_31 = arith.constant dense<0.000000e+00> : vector<256x512xf32>
    %dot_general3A_32 = tpu.matmul %add3A_19, %get3A_30, %dot_general3A_31 {dimension_numbers = #tpu.dot_dimension_numbers<[1], [0], [0], [1], [0, 0, 1, 1], [], []>, transpose_lhs_hint = false} : vector<256x128xf32>, vector<128x512xf32>, vector<256x512xf32> -> vector<256x512xf32>
    %add3A_33 = arith.addf %dot_general3A_25, %dot_general3A_32 : vector<256x512xf32>
    %get3A_34 = arith.constant 0 : index
    %get3A_35 = arith.constant 0 : index
    %get3A_36 = vector.load %arg2[%get3A_34, %get3A_35] : memref<256x256xf32, #tpu.memory_space<vmem>>, vector<256x256xf32>
    %get3A_37 = arith.constant 0 : index
    %get3A_38 = arith.constant 0 : index
    %get3A_39 = vector.load %arg5[%get3A_37, %get3A_38] : memref<256x512xf32, #tpu.memory_space<vmem>>, vector<256x512xf32>
    %dot_general3A_40 = arith.constant dense<0.000000e+00> : vector<256x512xf32>
    %dot_general3A_41 = tpu.matmul %get3A_36, %get3A_39, %dot_general3A_40 {dimension_numbers = #tpu.dot_dimension_numbers<[1], [0], [0], [1], [0, 0, 1, 1], [], []>, transpose_lhs_hint = false} : vector<256x256xf32>, vector<256x512xf32>, vector<256x512xf32> -> vector<256x512xf32>
    %add3A_42 = arith.addf %add3A_33, %dot_general3A_41 : vector<256x512xf32>
    %get3A_43 = arith.constant 0 : index
    %get3A_44 = arith.constant 0 : index
    %get3A_45 = vector.load %arg3[%get3A_43, %get3A_44] : memref<2x256xf32, #tpu.memory_space<vmem>>, vector<1x256xf32>
    %get3A_46 = vector.shape_cast %get3A_45 : vector<1x256xf32> to vector<256xf32>
    %get3A_47 = arith.constant 1 : index
    %get3A_48 = arith.constant 0 : index
    %get3A_49 = vector.load %arg3[%get3A_47, %get3A_48] : memref<2x256xf32, #tpu.memory_space<vmem>>, vector<1x256xf32>
    %get3A_50 = vector.shape_cast %get3A_49 : vector<1x256xf32> to vector<256xf32>
    %add3A_51 = arith.addf %get3A_46, %get3A_50 : vector<256xf32>
    %broadcast_in_dim3A = vector.shape_cast %add3A_51 : vector<256xf32> to vector<256x1xf32>
    %get3A_52 = arith.constant 0 : index
    %get3A_53 = vector.load %arg6[%get3A_52] : memref<512xf32, #tpu.memory_space<vmem>>, vector<512xf32>
    %broadcast_in_dim3A_54 = vector.shape_cast %get3A_53 : vector<512xf32> to vector<1x512xf32>
    %mul3A = vector.broadcast %broadcast_in_dim3A : vector<256x1xf32> to vector<256x512xf32>
    %mul3A_55 = vector.broadcast %broadcast_in_dim3A_54 : vector<1x512xf32> to vector<256x512xf32>
    %mul3A_56 = arith.mulf %mul3A, %mul3A_55 : vector<256x512xf32>
    %get3A_57 = arith.constant 0 : index
    %get3A_58 = vector.load %arg7[%get3A_57] : memref<512xf32, #tpu.memory_space<vmem>>, vector<512xf32>
    %broadcast_in_dim3A_59 = vector.shape_cast %get3A_58 : vector<512xf32> to vector<1x512xf32>
    %add3A_60 = vector.broadcast %broadcast_in_dim3A_59 : vector<1x512xf32> to vector<256x512xf32>
    %add3A_61 = arith.addf %mul3A_56, %add3A_60 : vector<256x512xf32>
    %add3A_62 = arith.addf %add3A_42, %add3A_61 : vector<256x512xf32>
    %get3A_63 = arith.constant 0 : index
    %get3A_64 = vector.load %arg8[%get3A_63] : memref<512xf32, #tpu.memory_space<vmem>>, vector<512xf32>
    %broadcast_in_dim3A_65 = vector.shape_cast %get3A_64 : vector<512xf32> to vector<1x512xf32>
    %mul3A_66 = vector.broadcast %broadcast_in_dim3A_65 : vector<1x512xf32> to vector<256x512xf32>
    %mul3A_67 = arith.mulf %add3A_62, %mul3A_66 : vector<256x512xf32>
    %get3A_68 = arith.constant 0 : index
    %get3A_69 = vector.load %arg9[%get3A_68] : memref<512xf32, #tpu.memory_space<vmem>>, vector<512xf32>
    %broadcast_in_dim3A_70 = vector.shape_cast %get3A_69 : vector<512xf32> to vector<1x512xf32>
    %add3A_71 = vector.broadcast %broadcast_in_dim3A_70 : vector<1x512xf32> to vector<256x512xf32>
    %add3A_72 = arith.addf %mul3A_67, %add3A_71 : vector<256x512xf32>
    %max3A = arith.constant 0.000000e+00 : f32
    %max3A_73 = vector.broadcast %max3A : f32 to vector<256x512xf32>
    %max3A_74 = arith.maximumf %add3A_72, %max3A_73 : vector<256x512xf32>
    %mul3A_75 = arith.constant 256 : i32
    %mul3A_76 = arith.muli %arg0, %mul3A_75 : i32
    %iota3A = tpu.iota {dimensions = array<i32: 0>} : vector<256x1xi32>
    %add3A_77 = vector.broadcast %mul3A_76 : i32 to vector<256x1xi32>
    %add3A_78 = arith.addi %add3A_77, %iota3A : vector<256x1xi32>
    %lt3A = arith.constant 10000 : i32
    %lt3A_79 = vector.broadcast %lt3A : i32 to vector<256x1xi32>
    %lt3A_80 = arith.cmpi slt, %add3A_78, %lt3A_79 : vector<256x1xi32>
    %jit3A = arith.constant 0.000000e+00 : f32
    %broadcast_in_dim3A_81 = vector.shape_cast %lt3A_80 : vector<256x1xi1> to vector<256x1xi1>
    %broadcast_in_dim3A_82 = vector.broadcast %broadcast_in_dim3A_81 : vector<256x1xi1> to vector<256x512xi1>
    %broadcast_in_dim3A_83 = vector.broadcast %jit3A : f32 to vector<256x512xf32>
    %select_n3A = arith.select %broadcast_in_dim3A_82, %max3A_74, %broadcast_in_dim3A_83 : vector<256x512xi1>, vector<256x512xf32>
    %swap3A = arith.constant 0 : index
    %swap3A_84 = arith.constant 0 : index
    %swap3A_85 = vector.load %arg10[%swap3A, %swap3A_84] : memref<256x512xf32, #tpu.memory_space<vmem>>, vector<256x512xf32>
    tpu.vector_store %arg10[%swap3A, %swap3A_84], %select_n3A {strides = array<i32>} : memref<256x512xf32, #tpu.memory_space<vmem>>, vector<256x512xf32>,
    return
  }
  func.func @transform_0(%arg0: i32) -> (i32, i32, i32) {
    %c0_i32 = arith.constant 0 : i32
    %c0_i32_0 = arith.constant 0 : i32
    %c0_i32_1 = arith.constant 0 : i32
    return %c0_i32, %arg0, %c0_i32_0 : i32, i32, i32
  }
  func.func @transform_1(%arg0: i32) -> (i32, i32) {
    %c0_i32 = arith.constant 0 : i32
    %c0_i32_0 = arith.constant 0 : i32
    return %arg0, %c0_i32 : i32, i32
  }
  func.func @transform_2(%arg0: i32) -> (i32, i32) {
    %c0_i32 = arith.constant 0 : i32
    %c0_i32_0 = arith.constant 0 : i32
    return %c0_i32, %arg0 : i32, i32
  }
  func.func @transform_3(%arg0: i32) -> (i32, i32, i32) {
    %c0_i32 = arith.constant 0 : i32
    %c0_i32_0 = arith.constant 0 : i32
    %c0_i32_1 = arith.constant 0 : i32
    %c0_i32_2 = arith.constant 0 : i32
    return %c0_i32, %c0_i32_0, %c0_i32_1 : i32, i32, i32
  }
  func.func @transform_4(%arg0: i32) -> (i32, i32) {
    %c0_i32 = arith.constant 0 : i32
    %c0_i32_0 = arith.constant 0 : i32
    %c0_i32_1 = arith.constant 0 : i32
    return %c0_i32, %c0_i32_0 : i32, i32
  }
  func.func @transform_5(%arg0: i32) -> i32 {
    %c0_i32 = arith.constant 0 : i32
    %c0_i32_0 = arith.constant 0 : i32
    return %c0_i32 : i32
  }
  func.func @transform_6(%arg0: i32) -> i32 {
    %c0_i32 = arith.constant 0 : i32
    %c0_i32_0 = arith.constant 0 : i32
    return %c0_i32 : i32
  }
  func.func @transform_7(%arg0: i32) -> i32 {
    %c0_i32 = arith.constant 0 : i32
    %c0_i32_0 = arith.constant 0 : i32
    return %c0_i32 : i32
  }
  func.func @transform_8(%arg0: i32) -> i32 {
    %c0_i32 = arith.constant 0 : i32
    %c0_i32_0 = arith.constant 0 : i32
    return %c0_i32 : i32
  }
  func.func @transform_9(%arg0: i32) -> (i32, i32) {
    %c0_i32 = arith.constant 0 : i32
    %c0_i32_0 = arith.constant 0 : i32
    return %arg0, %c0_i32 : i32, i32
  }
}

module attributes {stable_mosaic.version = 14 : i64} {
  func.func @_tc23_body(%arg0: i32, %arg1: memref<8x256x128xf32, #tpu.memory_space<vmem>>, %arg2: memref<256x512xf32, #tpu.memory_space<vmem>>, %arg3: memref<2x256xf32, #tpu.memory_space<vmem>>, %arg4: memref<4x128x512xf32, #tpu.memory_space<vmem>>, %arg5: memref<512x512xf32, #tpu.memory_space<vmem>>, %arg6: memref<512xf32, #tpu.memory_space<vmem>>, %arg7: memref<512xf32, #tpu.memory_space<vmem>>, %arg8: memref<512xf32, #tpu.memory_space<vmem>>, %arg9: memref<256xi32, #tpu.memory_space<vmem>>, %arg10: memref<2x64x256xf32, #tpu.memory_space<vmem>>, %arg11: memref<512x16xf32, #tpu.memory_space<vmem>>, %arg12: memref<512x16xf32, #tpu.memory_space<vmem>>, %arg13: memref<16xf32, #tpu.memory_space<vmem>>, %arg14: memref<16xf32, #tpu.memory_space<vmem>>, %arg15: memref<64x16xf32, #tpu.memory_space<vmem>>, %arg16: memref<64x512xf32, #tpu.memory_space<vmem>>, %arg17: memref<64x512xf32, #tpu.memory_space<vmem>>, %arg18: memref<1x64xf32, #tpu.memory_space<vmem>>) attributes {dimension_semantics = [#tpu.dimension_semantics<arbitrary>], iteration_bounds = array<i64: 40>, scalar_prefetch = 0 : i64, scratch_operands = 3 : i64, tpu.core_type = #tpu.core_type<tc>, window_params = [{transform_indices = @transform_0, window_bounds = array<i64: 8, 256, 128>}, {transform_indices = @transform_1, window_bounds = array<i64: 256, 512>}, {transform_indices = @transform_2, window_bounds = array<i64: 2, 256>}, {pipeline_mode = #tpu.pipeline_mode<synchronous>, transform_indices = @transform_3, window_bounds = array<i64: 4, 128, 512>}, {pipeline_mode = #tpu.pipeline_mode<synchronous>, transform_indices = @transform_4, window_bounds = array<i64: 512, 512>}, {pipeline_mode = #tpu.pipeline_mode<synchronous>, transform_indices = @transform_5, window_bounds = array<i64: 512>}, {pipeline_mode = #tpu.pipeline_mode<synchronous>, transform_indices = @transform_6, window_bounds = array<i64: 512>}, {pipeline_mode = #tpu.pipeline_mode<synchronous>, transform_indices = @transform_7, window_bounds = array<i64: 512>}, {transform_indices = @transform_8, window_bounds = array<i64: 256>}, {transform_indices = @transform_9, window_bounds = array<i64: 2, 64, 256>}, {pipeline_mode = #tpu.pipeline_mode<synchronous>, transform_indices = @transform_10, window_bounds = array<i64: 512, 16>}, {pipeline_mode = #tpu.pipeline_mode<synchronous>, transform_indices = @transform_11, window_bounds = array<i64: 512, 16>}, {pipeline_mode = #tpu.pipeline_mode<synchronous>, transform_indices = @transform_12, window_bounds = array<i64: 16>}, {pipeline_mode = #tpu.pipeline_mode<synchronous>, transform_indices = @transform_13, window_bounds = array<i64: 16>}, {pipeline_mode = #tpu.pipeline_mode<synchronous>, transform_indices = @transform_14, window_bounds = array<i64: 64, 16>}]} {
    %eq3A = arith.constant 0 : i32
    %eq3A_0 = arith.cmpi eq, %arg0, %eq3A : i32
    %convert_element_type3A = arith.extui %eq3A_0 : i1 to i32
    %cond3A = arith.constant 0 : i32
    %cond3A_1 = arith.cmpi ne, %convert_element_type3A, %cond3A : i32
    scf.if %cond3A_1 {
      %broadcast_in_dim3A_183 = arith.constant 0.000000e+00 : f32
      %broadcast_in_dim3A_184 = vector.broadcast %broadcast_in_dim3A_183 : f32 to vector<64x512xf32>
      %swap3A_185 = arith.constant 0 : index
      %swap3A_186 = arith.constant 0 : index
      %swap3A_187 = vector.load %arg16[%swap3A_185, %swap3A_186] : memref<64x512xf32, #tpu.memory_space<vmem>>, vector<64x512xf32>
      tpu.vector_store %arg16[%swap3A_185, %swap3A_186], %broadcast_in_dim3A_184 {strides = array<i32>} : memref<64x512xf32, #tpu.memory_space<vmem>>, vector<64x512xf32>,
      %broadcast_in_dim3A_188 = arith.constant 0.000000e+00 : f32
      %broadcast_in_dim3A_189 = vector.broadcast %broadcast_in_dim3A_188 : f32 to vector<64x512xf32>
      %swap3A_190 = arith.constant 0 : index
      %swap3A_191 = arith.constant 0 : index
      %swap3A_192 = vector.load %arg17[%swap3A_190, %swap3A_191] : memref<64x512xf32, #tpu.memory_space<vmem>>, vector<64x512xf32>
      tpu.vector_store %arg17[%swap3A_190, %swap3A_191], %broadcast_in_dim3A_189 {strides = array<i32>} : memref<64x512xf32, #tpu.memory_space<vmem>>, vector<64x512xf32>,
      %broadcast_in_dim3A_193 = arith.constant 0.000000e+00 : f32
      %broadcast_in_dim3A_194 = vector.broadcast %broadcast_in_dim3A_193 : f32 to vector<1x64xf32>
      %swap3A_195 = arith.constant 0 : index
      %swap3A_196 = arith.constant 0 : index
      %swap3A_197 = vector.load %arg18[%swap3A_195, %swap3A_196] : memref<1x64xf32, #tpu.memory_space<vmem>>, vector<1x64xf32>
      tpu.vector_store %arg18[%swap3A_195, %swap3A_196], %broadcast_in_dim3A_194 {strides = array<i32>} : memref<1x64xf32, #tpu.memory_space<vmem>>, vector<1x64xf32>,
    } else {
    }
    %get3A = arith.constant 0 : index
    %get3A_2 = arith.constant 0 : index
    %get3A_3 = vector.load %arg3[%get3A, %get3A_2] : memref<2x256xf32, #tpu.memory_space<vmem>>, vector<1x256xf32>
    %get3A_4 = vector.shape_cast %get3A_3 : vector<1x256xf32> to vector<256xf32>
    %get3A_5 = arith.constant 1 : index
    %get3A_6 = arith.constant 0 : index
    %get3A_7 = vector.load %arg3[%get3A_5, %get3A_6] : memref<2x256xf32, #tpu.memory_space<vmem>>, vector<1x256xf32>
    %get3A_8 = vector.shape_cast %get3A_7 : vector<1x256xf32> to vector<256xf32>
    %add3A = arith.addf %get3A_4, %get3A_8 : vector<256xf32>
    %max3A = arith.constant 1.000000e+00 : f32
    %max3A_9 = vector.broadcast %max3A : f32 to vector<256xf32>
    %max3A_10 = arith.maximumf %add3A, %max3A_9 : vector<256xf32>
    %div3A = arith.constant 1.000000e+00 : f32
    %div3A_11 = vector.broadcast %div3A : f32 to vector<256xf32>
    %div3A_12 = arith.divf %div3A_11, %max3A_10 : vector<256xf32>
    %get3A_13 = arith.constant 0 : index
    %get3A_14 = arith.constant 0 : index
    %get3A_15 = vector.load %arg2[%get3A_13, %get3A_14] : memref<256x512xf32, #tpu.memory_space<vmem>>, vector<256x512xf32>
    %get3A_16 = arith.constant 0 : index
    %get3A_17 = arith.constant 0 : index
    %get3A_18 = vector.load %arg5[%get3A_16, %get3A_17] : memref<512x512xf32, #tpu.memory_space<vmem>>, vector<512x512xf32>
    %dot_general3A = arith.constant dense<0.000000e+00> : vector<256x512xf32>
    %dot_general3A_19 = tpu.matmul %get3A_15, %get3A_18, %dot_general3A {dimension_numbers = #tpu.dot_dimension_numbers<[1], [0], [0], [1], [0, 0, 1, 1], [], []>, transpose_lhs_hint = false} : vector<256x512xf32>, vector<512x512xf32>, vector<256x512xf32> -> vector<256x512xf32>
    %get3A_20 = arith.constant 0 : index
    %get3A_21 = arith.constant 0 : index
    %get3A_22 = arith.constant 0 : index
    %get3A_23 = vector.load %arg1[%get3A_20, %get3A_21, %get3A_22] : memref<8x256x128xf32, #tpu.memory_space<vmem>>, vector<1x256x128xf32>
    %get3A_24 = vector.shape_cast %get3A_23 : vector<1x256x128xf32> to vector<256x128xf32>
    %get3A_25 = arith.constant 4 : index
    %get3A_26 = arith.constant 0 : index
    %get3A_27 = arith.constant 0 : index
    %get3A_28 = vector.load %arg1[%get3A_25, %get3A_26, %get3A_27] : memref<8x256x128xf32, #tpu.memory_space<vmem>>, vector<1x256x128xf32>
    %get3A_29 = vector.shape_cast %get3A_28 : vector<1x256x128xf32> to vector<256x128xf32>
    %add3A_30 = arith.addf %get3A_24, %get3A_29 : vector<256x128xf32>
    %broadcast_in_dim3A = vector.shape_cast %div3A_12 : vector<256xf32> to vector<256x1xf32>
    %mul3A = vector.broadcast %broadcast_in_dim3A : vector<256x1xf32> to vector<256x128xf32>
    %mul3A_31 = arith.mulf %add3A_30, %mul3A : vector<256x128xf32>
    %get3A_32 = arith.constant 0 : index
    %get3A_33 = arith.constant 0 : index
    %get3A_34 = arith.constant 0 : index
    %get3A_35 = vector.load %arg4[%get3A_32, %get3A_33, %get3A_34] : memref<4x128x512xf32, #tpu.memory_space<vmem>>, vector<1x128x512xf32>
    %get3A_36 = vector.shape_cast %get3A_35 : vector<1x128x512xf32> to vector<128x512xf32>
    %dot_general3A_37 = arith.constant dense<0.000000e+00> : vector<256x512xf32>
    %dot_general3A_38 = tpu.matmul %mul3A_31, %get3A_36, %dot_general3A_37 {dimension_numbers = #tpu.dot_dimension_numbers<[1], [0], [0], [1], [0, 0, 1, 1], [], []>, transpose_lhs_hint = false} : vector<256x128xf32>, vector<128x512xf32>, vector<256x512xf32> -> vector<256x512xf32>
    %add3A_39 = arith.addf %dot_general3A_19, %dot_general3A_38 : vector<256x512xf32>
    %get3A_40 = arith.constant 1 : index
    %get3A_41 = arith.constant 0 : index
    %get3A_42 = arith.constant 0 : index
    %get3A_43 = vector.load %arg1[%get3A_40, %get3A_41, %get3A_42] : memref<8x256x128xf32, #tpu.memory_space<vmem>>, vector<1x256x128xf32>
    %get3A_44 = vector.shape_cast %get3A_43 : vector<1x256x128xf32> to vector<256x128xf32>
    %get3A_45 = arith.constant 5 : index
    %get3A_46 = arith.constant 0 : index
    %get3A_47 = arith.constant 0 : index
    %get3A_48 = vector.load %arg1[%get3A_45, %get3A_46, %get3A_47] : memref<8x256x128xf32, #tpu.memory_space<vmem>>, vector<1x256x128xf32>
    %get3A_49 = vector.shape_cast %get3A_48 : vector<1x256x128xf32> to vector<256x128xf32>
    %add3A_50 = arith.addf %get3A_44, %get3A_49 : vector<256x128xf32>
    %broadcast_in_dim3A_51 = vector.shape_cast %div3A_12 : vector<256xf32> to vector<256x1xf32>
    %mul3A_52 = vector.broadcast %broadcast_in_dim3A_51 : vector<256x1xf32> to vector<256x128xf32>
    %mul3A_53 = arith.mulf %add3A_50, %mul3A_52 : vector<256x128xf32>
    %get3A_54 = arith.constant 1 : index
    %get3A_55 = arith.constant 0 : index
    %get3A_56 = arith.constant 0 : index
    %get3A_57 = vector.load %arg4[%get3A_54, %get3A_55, %get3A_56] : memref<4x128x512xf32, #tpu.memory_space<vmem>>, vector<1x128x512xf32>
    %get3A_58 = vector.shape_cast %get3A_57 : vector<1x128x512xf32> to vector<128x512xf32>
    %dot_general3A_59 = arith.constant dense<0.000000e+00> : vector<256x512xf32>
    %dot_general3A_60 = tpu.matmul %mul3A_53, %get3A_58, %dot_general3A_59 {dimension_numbers = #tpu.dot_dimension_numbers<[1], [0], [0], [1], [0, 0, 1, 1], [], []>, transpose_lhs_hint = false} : vector<256x128xf32>, vector<128x512xf32>, vector<256x512xf32> -> vector<256x512xf32>
    %add3A_61 = arith.addf %add3A_39, %dot_general3A_60 : vector<256x512xf32>
    %get3A_62 = arith.constant 2 : index
    %get3A_63 = arith.constant 0 : index
    %get3A_64 = arith.constant 0 : index
    %get3A_65 = vector.load %arg1[%get3A_62, %get3A_63, %get3A_64] : memref<8x256x128xf32, #tpu.memory_space<vmem>>, vector<1x256x128xf32>
    %get3A_66 = vector.shape_cast %get3A_65 : vector<1x256x128xf32> to vector<256x128xf32>
    %get3A_67 = arith.constant 6 : index
    %get3A_68 = arith.constant 0 : index
    %get3A_69 = arith.constant 0 : index
    %get3A_70 = vector.load %arg1[%get3A_67, %get3A_68, %get3A_69] : memref<8x256x128xf32, #tpu.memory_space<vmem>>, vector<1x256x128xf32>
    %get3A_71 = vector.shape_cast %get3A_70 : vector<1x256x128xf32> to vector<256x128xf32>
    %add3A_72 = arith.addf %get3A_66, %get3A_71 : vector<256x128xf32>
    %broadcast_in_dim3A_73 = vector.shape_cast %div3A_12 : vector<256xf32> to vector<256x1xf32>
    %mul3A_74 = vector.broadcast %broadcast_in_dim3A_73 : vector<256x1xf32> to vector<256x128xf32>
    %mul3A_75 = arith.mulf %add3A_72, %mul3A_74 : vector<256x128xf32>
    %get3A_76 = arith.constant 2 : index
    %get3A_77 = arith.constant 0 : index
    %get3A_78 = arith.constant 0 : index
    %get3A_79 = vector.load %arg4[%get3A_76, %get3A_77, %get3A_78] : memref<4x128x512xf32, #tpu.memory_space<vmem>>, vector<1x128x512xf32>
    %get3A_80 = vector.shape_cast %get3A_79 : vector<1x128x512xf32> to vector<128x512xf32>
    %dot_general3A_81 = arith.constant dense<0.000000e+00> : vector<256x512xf32>
    %dot_general3A_82 = tpu.matmul %mul3A_75, %get3A_80, %dot_general3A_81 {dimension_numbers = #tpu.dot_dimension_numbers<[1], [0], [0], [1], [0, 0, 1, 1], [], []>, transpose_lhs_hint = false} : vector<256x128xf32>, vector<128x512xf32>, vector<256x512xf32> -> vector<256x512xf32>
    %add3A_83 = arith.addf %add3A_61, %dot_general3A_82 : vector<256x512xf32>
    %get3A_84 = arith.constant 3 : index
    %get3A_85 = arith.constant 0 : index
    %get3A_86 = arith.constant 0 : index
    %get3A_87 = vector.load %arg1[%get3A_84, %get3A_85, %get3A_86] : memref<8x256x128xf32, #tpu.memory_space<vmem>>, vector<1x256x128xf32>
    %get3A_88 = vector.shape_cast %get3A_87 : vector<1x256x128xf32> to vector<256x128xf32>
    %get3A_89 = arith.constant 7 : index
    %get3A_90 = arith.constant 0 : index
    %get3A_91 = arith.constant 0 : index
    %get3A_92 = vector.load %arg1[%get3A_89, %get3A_90, %get3A_91] : memref<8x256x128xf32, #tpu.memory_space<vmem>>, vector<1x256x128xf32>
    %get3A_93 = vector.shape_cast %get3A_92 : vector<1x256x128xf32> to vector<256x128xf32>
    %add3A_94 = arith.addf %get3A_88, %get3A_93 : vector<256x128xf32>
    %broadcast_in_dim3A_95 = vector.shape_cast %div3A_12 : vector<256xf32> to vector<256x1xf32>
    %mul3A_96 = vector.broadcast %broadcast_in_dim3A_95 : vector<256x1xf32> to vector<256x128xf32>
    %mul3A_97 = arith.mulf %add3A_94, %mul3A_96 : vector<256x128xf32>
    %get3A_98 = arith.constant 3 : index
    %get3A_99 = arith.constant 0 : index
    %get3A_100 = arith.constant 0 : index
    %get3A_101 = vector.load %arg4[%get3A_98, %get3A_99, %get3A_100] : memref<4x128x512xf32, #tpu.memory_space<vmem>>, vector<1x128x512xf32>
    %get3A_102 = vector.shape_cast %get3A_101 : vector<1x128x512xf32> to vector<128x512xf32>
    %dot_general3A_103 = arith.constant dense<0.000000e+00> : vector<256x512xf32>
    %dot_general3A_104 = tpu.matmul %mul3A_97, %get3A_102, %dot_general3A_103 {dimension_numbers = #tpu.dot_dimension_numbers<[1], [0], [0], [1], [0, 0, 1, 1], [], []>, transpose_lhs_hint = false} : vector<256x128xf32>, vector<128x512xf32>, vector<256x512xf32> -> vector<256x512xf32>
    %add3A_105 = arith.addf %add3A_83, %dot_general3A_104 : vector<256x512xf32>
    %get3A_106 = arith.constant 0 : index
    %get3A_107 = vector.load %arg6[%get3A_106] : memref<512xf32, #tpu.memory_space<vmem>>, vector<512xf32>
    %broadcast_in_dim3A_108 = vector.shape_cast %get3A_107 : vector<512xf32> to vector<1x512xf32>
    %add3A_109 = vector.broadcast %broadcast_in_dim3A_108 : vector<1x512xf32> to vector<256x512xf32>
    %add3A_110 = arith.addf %add3A_105, %add3A_109 : vector<256x512xf32>
    %get3A_111 = arith.constant 0 : index
    %get3A_112 = vector.load %arg7[%get3A_111] : memref<512xf32, #tpu.memory_space<vmem>>, vector<512xf32>
    %broadcast_in_dim3A_113 = vector.shape_cast %get3A_112 : vector<512xf32> to vector<1x512xf32>
    %mul3A_114 = vector.broadcast %broadcast_in_dim3A_113 : vector<1x512xf32> to vector<256x512xf32>
    %mul3A_115 = arith.mulf %add3A_110, %mul3A_114 : vector<256x512xf32>
    %get3A_116 = arith.constant 0 : index
    %get3A_117 = vector.load %arg8[%get3A_116] : memref<512xf32, #tpu.memory_space<vmem>>, vector<512xf32>
    %broadcast_in_dim3A_118 = vector.shape_cast %get3A_117 : vector<512xf32> to vector<1x512xf32>
    %add3A_119 = vector.broadcast %broadcast_in_dim3A_118 : vector<1x512xf32> to vector<256x512xf32>
    %add3A_120 = arith.addf %mul3A_115, %add3A_119 : vector<256x512xf32>
    %max3A_121 = arith.constant 0.000000e+00 : f32
    %max3A_122 = vector.broadcast %max3A_121 : f32 to vector<256x512xf32>
    %max3A_123 = arith.maximumf %add3A_120, %max3A_122 : vector<256x512xf32>
    %mul3A_124 = arith.constant 256 : i32
    %mul3A_125 = arith.muli %arg0, %mul3A_124 : i32
    %iota3A = tpu.iota {dimensions = array<i32: 0>} : vector<256x1xi32>
    %add3A_126 = vector.broadcast %mul3A_125 : i32 to vector<256x1xi32>
    %add3A_127 = arith.addi %add3A_126, %iota3A : vector<256x1xi32>
    %lt3A = arith.constant 10000 : i32
    %lt3A_128 = vector.broadcast %lt3A : i32 to vector<256x1xi32>
    %lt3A_129 = arith.cmpi slt, %add3A_127, %lt3A_128 : vector<256x1xi32>
    %jit3A = arith.constant 0.000000e+00 : f32
    %broadcast_in_dim3A_130 = vector.shape_cast %lt3A_129 : vector<256x1xi1> to vector<256x1xi1>
    %broadcast_in_dim3A_131 = vector.broadcast %broadcast_in_dim3A_130 : vector<256x1xi1> to vector<256x512xi1>
    %broadcast_in_dim3A_132 = vector.broadcast %jit3A : f32 to vector<256x512xf32>
    %select_n3A = arith.select %broadcast_in_dim3A_131, %max3A_123, %broadcast_in_dim3A_132 : vector<256x512xi1>, vector<256x512xf32>
    %get3A_133 = arith.constant 0 : index
    %get3A_134 = vector.load %arg9[%get3A_133] : memref<256xi32, #tpu.memory_space<vmem>>, vector<256xi32>
    %iota3A_135 = tpu.iota {dimensions = array<i32: 1>} : vector<256x64xi32>
    %broadcast_in_dim3A_136 = vector.shape_cast %get3A_134 : vector<256xi32> to vector<256x1xi32>
    %eq3A_137 = vector.broadcast %broadcast_in_dim3A_136 : vector<256x1xi32> to vector<256x64xi32>
    %eq3A_138 = arith.cmpi eq, %eq3A_137, %iota3A_135 : vector<256x64xi32>
    %convert_element_type3A_139 = arith.extui %eq3A_138 : vector<256x64xi1> to vector<256x64xi32>
    %convert_element_type3A_140 = arith.sitofp %convert_element_type3A_139 : vector<256x64xi32> to vector<256x64xf32>
    %get3A_141 = arith.constant 0 : index
    %get3A_142 = arith.constant 0 : index
    %get3A_143 = vector.load %arg17[%get3A_141, %get3A_142] : memref<64x512xf32, #tpu.memory_space<vmem>>, vector<64x512xf32>
    %dot_general3A_144 = arith.constant dense<0.000000e+00> : vector<64x512xf32>
    %dot_general3A_145 = tpu.matmul %convert_element_type3A_140, %select_n3A, %dot_general3A_144 {dimension_numbers = #tpu.dot_dimension_numbers<[0], [0], [1], [1], [0, 1, 1, 1], [], []>, transpose_lhs_hint = false} : vector<256x64xf32>, vector<256x512xf32>, vector<64x512xf32> -> vector<64x512xf32>
    %add3A_146 = arith.addf %get3A_143, %dot_general3A_145 : vector<64x512xf32>
    %swap3A = arith.constant 0 : index
    %swap3A_147 = arith.constant 0 : index
    %swap3A_148 = vector.load %arg17[%swap3A, %swap3A_147] : memref<64x512xf32, #tpu.memory_space<vmem>>, vector<64x512xf32>
    tpu.vector_store %arg17[%swap3A, %swap3A_147], %add3A_146 {strides = array<i32>} : memref<64x512xf32, #tpu.memory_space<vmem>>, vector<64x512xf32>,
    %get3A_149 = arith.constant 0 : index
    %get3A_150 = arith.constant 0 : index
    %get3A_151 = arith.constant 0 : index
    %get3A_152 = vector.load %arg10[%get3A_149, %get3A_150, %get3A_151] : memref<2x64x256xf32, #tpu.memory_space<vmem>>, vector<1x64x256xf32>
    %get3A_153 = vector.shape_cast %get3A_152 : vector<1x64x256xf32> to vector<64x256xf32>
    %get3A_154 = arith.constant 1 : index
    %get3A_155 = arith.constant 0 : index
    %get3A_156 = arith.constant 0 : index
    %get3A_157 = vector.load %arg10[%get3A_154, %get3A_155, %get3A_156] : memref<2x64x256xf32, #tpu.memory_space<vmem>>, vector<1x64x256xf32>
    %get3A_158 = vector.shape_cast %get3A_157 : vector<1x64x256xf32> to vector<64x256xf32>
    %add3A_159 = arith.addf %get3A_153, %get3A_158 : vector<64x256xf32>
    %get3A_160 = arith.constant 0 : index
    %get3A_161 = arith.constant 0 : index
    %get3A_162 = vector.load %arg16[%get3A_160, %get3A_161] : memref<64x512xf32, #tpu.memory_space<vmem>>, vector<64x512xf32>
    %dot_general3A_163 = arith.constant dense<0.000000e+00> : vector<64x512xf32>
    %dot_general3A_164 = tpu.matmul %add3A_159, %select_n3A, %dot_general3A_163 {dimension_numbers = #tpu.dot_dimension_numbers<[1], [0], [0], [1], [0, 0, 1, 1], [], []>, transpose_lhs_hint = false} : vector<64x256xf32>, vector<256x512xf32>, vector<64x512xf32> -> vector<64x512xf32>
    %add3A_165 = arith.addf %get3A_162, %dot_general3A_164 : vector<64x512xf32>
    %swap3A_166 = arith.constant 0 : index
    %swap3A_167 = arith.constant 0 : index
    %swap3A_168 = vector.load %arg16[%swap3A_166, %swap3A_167] : memref<64x512xf32, #tpu.memory_space<vmem>>, vector<64x512xf32>
    tpu.vector_store %arg16[%swap3A_166, %swap3A_167], %add3A_165 {strides = array<i32>} : memref<64x512xf32, #tpu.memory_space<vmem>>, vector<64x512xf32>,
    %get3A_169 = arith.constant 0 : index
    %get3A_170 = arith.constant 0 : index
    %get3A_171 = vector.load %arg18[%get3A_169, %get3A_170] : memref<1x64xf32, #tpu.memory_space<vmem>>, vector<1x64xf32>
    %reduce_sum3A = arith.constant dense<0.000000e+00> : vector<64xf32>
    %reduce_sum3A_172 = vector.multi_reduction <add>, %convert_element_type3A_140, %reduce_sum3A [0] : vector<256x64xf32> to vector<64xf32>
    %broadcast_in_dim3A_173 = vector.shape_cast %reduce_sum3A_172 : vector<64xf32> to vector<1x64xf32>
    %add3A_174 = arith.addf %get3A_171, %broadcast_in_dim3A_173 : vector<1x64xf32>
    %swap3A_175 = arith.constant 0 : index
    %swap3A_176 = arith.constant 0 : index
    %swap3A_177 = vector.load %arg18[%swap3A_175, %swap3A_176] : memref<1x64xf32, #tpu.memory_space<vmem>>, vector<1x64xf32>
    tpu.vector_store %arg18[%swap3A_175, %swap3A_176], %add3A_174 {strides = array<i32>} : memref<1x64xf32, #tpu.memory_space<vmem>>, vector<1x64xf32>,
    %eq3A_178 = arith.constant 39 : i32
    %eq3A_179 = arith.cmpi eq, %arg0, %eq3A_178 : i32
    %convert_element_type3A_180 = arith.extui %eq3A_179 : i1 to i32
    %cond3A_181 = arith.constant 0 : i32
    %cond3A_182 = arith.cmpi ne, %convert_element_type3A_180, %cond3A_181 : i32
    scf.if %cond3A_182 {
      %get3A_183 = arith.constant 0 : index
      %get3A_184 = arith.constant 0 : index
      %get3A_185 = vector.load %arg18[%get3A_183, %get3A_184] : memref<1x64xf32, #tpu.memory_space<vmem>>, vector<1x64xf32>
      %get3A_186 = vector.shape_cast %get3A_185 : vector<1x64xf32> to vector<64xf32>
      %max3A_187 = arith.constant 1.000000e+00 : f32
      %max3A_188 = vector.broadcast %max3A_187 : f32 to vector<64xf32>
      %max3A_189 = arith.maximumf %get3A_186, %max3A_188 : vector<64xf32>
      %div3A_190 = arith.constant 1.000000e+00 : f32
      %div3A_191 = vector.broadcast %div3A_190 : f32 to vector<64xf32>
      %div3A_192 = arith.divf %div3A_191, %max3A_189 : vector<64xf32>
      %gt3A = arith.constant 0.000000e+00 : f32
      %gt3A_193 = vector.broadcast %gt3A : f32 to vector<64xf32>
      %gt3A_194 = arith.cmpf ogt, %get3A_186, %gt3A_193 : vector<64xf32>
      %convert_element_type3A_195 = arith.extui %gt3A_194 : vector<64xi1> to vector<64xi32>
      %convert_element_type3A_196 = arith.sitofp %convert_element_type3A_195 : vector<64xi32> to vector<64xf32>
      %get3A_197 = arith.constant 0 : index
      %get3A_198 = arith.constant 0 : index
      %get3A_199 = vector.load %arg16[%get3A_197, %get3A_198] : memref<64x512xf32, #tpu.memory_space<vmem>>, vector<64x512xf32>
      %broadcast_in_dim3A_200 = vector.shape_cast %div3A_192 : vector<64xf32> to vector<64x1xf32>
      %mul3A_201 = vector.broadcast %broadcast_in_dim3A_200 : vector<64x1xf32> to vector<64x512xf32>
      %mul3A_202 = arith.mulf %get3A_199, %mul3A_201 : vector<64x512xf32>
      %get3A_203 = arith.constant 0 : index
      %get3A_204 = arith.constant 0 : index
      %get3A_205 = vector.load %arg17[%get3A_203, %get3A_204] : memref<64x512xf32, #tpu.memory_space<vmem>>, vector<64x512xf32>
      %broadcast_in_dim3A_206 = vector.shape_cast %div3A_192 : vector<64xf32> to vector<64x1xf32>
      %mul3A_207 = vector.broadcast %broadcast_in_dim3A_206 : vector<64x1xf32> to vector<64x512xf32>
      %mul3A_208 = arith.mulf %get3A_205, %mul3A_207 : vector<64x512xf32>
      %get3A_209 = arith.constant 0 : index
      %get3A_210 = arith.constant 0 : index
      %get3A_211 = vector.load %arg11[%get3A_209, %get3A_210] : memref<512x16xf32, #tpu.memory_space<vmem>>, vector<512x16xf32>
      %dot_general3A_212 = arith.constant dense<0.000000e+00> : vector<64x16xf32>
      %dot_general3A_213 = tpu.matmul %mul3A_202, %get3A_211, %dot_general3A_212 {dimension_numbers = #tpu.dot_dimension_numbers<[1], [0], [0], [1], [0, 0, 1, 1], [], []>, transpose_lhs_hint = false} : vector<64x512xf32>, vector<512x16xf32>, vector<64x16xf32> -> vector<64x16xf32>
      %get3A_214 = arith.constant 0 : index
      %get3A_215 = arith.constant 0 : index
      %get3A_216 = vector.load %arg12[%get3A_214, %get3A_215] : memref<512x16xf32, #tpu.memory_space<vmem>>, vector<512x16xf32>
      %dot_general3A_217 = arith.constant dense<0.000000e+00> : vector<64x16xf32>
      %dot_general3A_218 = tpu.matmul %mul3A_208, %get3A_216, %dot_general3A_217 {dimension_numbers = #tpu.dot_dimension_numbers<[1], [0], [0], [1], [0, 0, 1, 1], [], []>, transpose_lhs_hint = false} : vector<64x512xf32>, vector<512x16xf32>, vector<64x16xf32> -> vector<64x16xf32>
      %add3A_219 = arith.addf %dot_general3A_213, %dot_general3A_218 : vector<64x16xf32>
      %broadcast_in_dim3A_220 = vector.shape_cast %convert_element_type3A_196 : vector<64xf32> to vector<64x1xf32>
      %get3A_221 = arith.constant 0 : index
      %get3A_222 = vector.load %arg13[%get3A_221] : memref<16xf32, #tpu.memory_space<vmem>>, vector<16xf32>
      %broadcast_in_dim3A_223 = vector.shape_cast %get3A_222 : vector<16xf32> to vector<1x16xf32>
      %mul3A_224 = vector.broadcast %broadcast_in_dim3A_220 : vector<64x1xf32> to vector<64x16xf32>
      %mul3A_225 = vector.broadcast %broadcast_in_dim3A_223 : vector<1x16xf32> to vector<64x16xf32>
      %mul3A_226 = arith.mulf %mul3A_224, %mul3A_225 : vector<64x16xf32>
      %get3A_227 = arith.constant 0 : index
      %get3A_228 = vector.load %arg14[%get3A_227] : memref<16xf32, #tpu.memory_space<vmem>>, vector<16xf32>
      %broadcast_in_dim3A_229 = vector.shape_cast %get3A_228 : vector<16xf32> to vector<1x16xf32>
      %add3A_230 = vector.broadcast %broadcast_in_dim3A_229 : vector<1x16xf32> to vector<64x16xf32>
      %add3A_231 = arith.addf %mul3A_226, %add3A_230 : vector<64x16xf32>
      %add3A_232 = arith.addf %add3A_219, %add3A_231 : vector<64x16xf32>
      %swap3A_233 = arith.constant 0 : index
      %swap3A_234 = arith.constant 0 : index
      %swap3A_235 = vector.load %arg15[%swap3A_233, %swap3A_234] : memref<64x16xf32, #tpu.memory_space<vmem>>, vector<64x16xf32>
      tpu.vector_store %arg15[%swap3A_233, %swap3A_234], %add3A_232 {strides = array<i32>} : memref<64x16xf32, #tpu.memory_space<vmem>>, vector<64x16xf32>,
    } else {
    }
    return
  }
  func.func @transform_0(%arg0: i32) -> (i32, i32, i32) {
    %c0_i32 = arith.constant 0 : i32
    %c0_i32_0 = arith.constant 0 : i32
    %c0_i32_1 = arith.constant 0 : i32
    return %c0_i32, %arg0, %c0_i32_0 : i32, i32, i32
  }
  func.func @transform_1(%arg0: i32) -> (i32, i32) {
    %c0_i32 = arith.constant 0 : i32
    %c0_i32_0 = arith.constant 0 : i32
    return %arg0, %c0_i32 : i32, i32
  }
  func.func @transform_2(%arg0: i32) -> (i32, i32) {
    %c0_i32 = arith.constant 0 : i32
    %c0_i32_0 = arith.constant 0 : i32
    return %c0_i32, %arg0 : i32, i32
  }
  func.func @transform_3(%arg0: i32) -> (i32, i32, i32) {
    %c0_i32 = arith.constant 0 : i32
    %c0_i32_0 = arith.constant 0 : i32
    %c0_i32_1 = arith.constant 0 : i32
    %c0_i32_2 = arith.constant 0 : i32
    return %c0_i32, %c0_i32_0, %c0_i32_1 : i32, i32, i32
  }
  func.func @transform_4(%arg0: i32) -> (i32, i32) {
    %c0_i32 = arith.constant 0 : i32
    %c0_i32_0 = arith.constant 0 : i32
    %c0_i32_1 = arith.constant 0 : i32
    return %c0_i32, %c0_i32_0 : i32, i32
  }
  func.func @transform_5(%arg0: i32) -> i32 {
    %c0_i32 = arith.constant 0 : i32
    %c0_i32_0 = arith.constant 0 : i32
    return %c0_i32 : i32
  }
  func.func @transform_6(%arg0: i32) -> i32 {
    %c0_i32 = arith.constant 0 : i32
    %c0_i32_0 = arith.constant 0 : i32
    return %c0_i32 : i32
  }
  func.func @transform_7(%arg0: i32) -> i32 {
    %c0_i32 = arith.constant 0 : i32
    %c0_i32_0 = arith.constant 0 : i32
    return %c0_i32 : i32
  }
  func.func @transform_8(%arg0: i32) -> i32 {
    %c0_i32 = arith.constant 0 : i32
    return %arg0 : i32
  }
  func.func @transform_9(%arg0: i32) -> (i32, i32, i32) {
    %c0_i32 = arith.constant 0 : i32
    %c0_i32_0 = arith.constant 0 : i32
    %c0_i32_1 = arith.constant 0 : i32
    return %c0_i32, %c0_i32_0, %arg0 : i32, i32, i32
  }
  func.func @transform_10(%arg0: i32) -> (i32, i32) {
    %c0_i32 = arith.constant 0 : i32
    %c0_i32_0 = arith.constant 0 : i32
    %c0_i32_1 = arith.constant 0 : i32
    return %c0_i32, %c0_i32_0 : i32, i32
  }
  func.func @transform_11(%arg0: i32) -> (i32, i32) {
    %c0_i32 = arith.constant 0 : i32
    %c0_i32_0 = arith.constant 0 : i32
    %c0_i32_1 = arith.constant 0 : i32
    return %c0_i32, %c0_i32_0 : i32, i32
  }
  func.func @transform_12(%arg0: i32) -> i32 {
    %c0_i32 = arith.constant 0 : i32
    %c0_i32_0 = arith.constant 0 : i32
    return %c0_i32 : i32
  }
  func.func @transform_13(%arg0: i32) -> i32 {
    %c0_i32 = arith.constant 0 : i32
    %c0_i32_0 = arith.constant 0 : i32
    return %c0_i32 : i32
  }
  func.func @transform_14(%arg0: i32) -> (i32, i32) {
    %c0_i32 = arith.constant 0 : i32
    %c0_i32_0 = arith.constant 0 : i32
    %c0_i32_1 = arith.constant 0 : i32
    return %c0_i32, %c0_i32_0 : i32, i32
  }
}

</mosaic_0001>

<sc_bundles>
// kernel: kernel.10.cloned.1.call-start
scs
__scs_entry_jumppad:
0x0: {  	(pc) =	sbr.rel $0x88, $3  }
0x1: {  	(tag) =	ssettag $0x0;
	lr =	simm.s32 $0x1  }
0x2: {  	[smem:$0x3F8D] =	sst lr;
	_ =	strace $0xD0000000  }
0x3: {  	_ = 	snop  }
0x4: {  	_ = 	snop  }
0x5: {  	_ = 	snop  }
0x6: {  	_ = 	snop  }
0x7: {  	_ = 	snop  }
__scs_overlays_trampoline_lowered:
0x8: {  	[smem:$0x3F9C] =	sst s0  }
0x9: {  	[smem:$0x3F9D] =	sst s1  }
0xa: {  	[smem:$0x3F9E] =	sst s2  }
0xb: {  	[smem:$0x3F9F] =	sst s3  }
0xc: {  	[smem:$0x3FA0] =	sst s4  }
0xd: {  	[smem:$0x3FA1] =	sst s5  }
0xe: {  	[smem:$0x3FA2] =	sst s6  }
0xf: {  	[smem:$0x3FA3] =	sst s7  }
0x10: {  	[smem:$0x3FA4] =	sst s8  }
0x11: {  	[smem:$0x3FA5] =	sst s9;
	s0 =	simm.s32 @!p0 $0x0  }
0x12: {  	s1 =	sld [smem:$0x3F8B];
	s0 =	simm.s32 @p0 $0x1  }
0x13: {  	[smem:$0x3FA6] =	sst s0;
	s0 =	simm.s32 @!p1 $0x0  }
0x14: {  	s2 =	sld [smem:$0x3F8A];
	s0 =	simm.s32 @p1 $0x1  }
0x15: {  	[smem:$0x3FA7] =	sst s0;
	s0 =	simm.s32 @!p2 $0x0  }
0x16: {  	s3 =	sld [smem:$0x3FDB];
	s0 =	simm.s32 @p2 $0x1  }
0x17: {  	s4 =	simm.s32 $0x1BF5;
	[smem:$0x3FA9] =	sst s0  }
0x18: {  	s0 =	sld [smem:$0x3F8C];
	_ =	swait.ge [sflag:s4], $0x0  }
0x19: {  	s7 =	sld [smem:$0x3F8D]  }
0x1a: {  	s8 =	sadd.s32 $0xFFFFE003, lr  }
0x1b: {  	s9 =	sadd.s32 $0xFFFFFEF7, lr;
	s5 =	simm.s32 $0xFFFFFFFF;
	p2 =	slt.u32 s8, $0xFFFFF086  }
0x1c: {  	p1 =	slt.u32 s9, $0xF7A;
	s5 =	simm.s32 @!p2 $0x0  }
0x1d: {  	s5 =	simm.s32 @p1 $0x1;
	p0 =	seq.s32 s7, s2  }
0x1e: {  	s7 =	smul.u32 @!p0 $0xF7A, s2;
	p2 =	seq.s32 @!p0 s5, $0x0  }
0x1f: {  	s9 =	smul.u32 $0xF7A, s1;
	s8 =	simm.s32 @!p0 $0x1BF5;
	p2 =	por !p2, p0  }
0x20: {  	[sflag:s8] =	ssyncset.s32 @!p0 $0xFFFFF086;
	s6 =	sadd.s32 @!p0 s3, s7;
	s7 =	simm.s32 @!p0 $0x108  }
0x21: {  	s3 =	sadd.s32 s3, s9;
	s6 =	sadd.s32 @!p0 $0x88, s6;
	s7 =	simm.s32 @p2 $0x1082  }
0x22: {  	[simem:s7], [sflag:s8] =	dma.local @!p0 [hbm:s6], $0xF7A  }
0x23: {  	s9 =	sor.u32 $0xD0000000, s2;
	s6 =	simm.s32 $0x108;
	_ =	swait.ge @!p0 [sflag:s8], $0x0  }
0x24: {  	s3 =	sadd.s32 $0x88, s3;
	s6 =	simm.s32 @!p1 $0x1082;
	[sflag:s4] =	ssyncset.s32 $0xFFFFF086  }
0x25: {  	[simem:s6], [sflag:s4] =	dma.local [hbm:s3], $0xF7A  }
0x26: {  	[smem:$0x3F8D] =	sst s1;
	(tag) =	ssettag s2;
	_ =	strace s9  }
0x27: {  	s1 =	sld [smem:$0x3F9D]  }
0x28: {  	s2 =	sld [smem:$0x3F9E]  }
0x29: {  	s4 =	sld [smem:$0x3FA0]  }
0x2a: {  	p0 =	seq.s32 s5, $0x0;
	s5 =	sld [smem:$0x3FA1]  }
0x2b: {  	s6 =	sld [smem:$0x3FA2]  }
0x2c: {  	s7 =	sld [smem:$0x3FA3]  }
0x2d: {  	s3 =	simm.s32 $0x108;
	s8 =	sld [smem:$0x3FA4]  }
0x2e: {  	s3 =	simm.s32 @!p0 $0x1082;
	s9 =	sld [smem:$0x3FA5]  }
0x2f: {  	lr =	sadd.s32 s0, s3;
	s0 =	sld [smem:$0x3F9C]  }
0x30: {  	s3 =	sld [smem:$0x3F9F]  }
0x31: {  	[smem:$0x3FA8] =	sst s10  }
0x32: {  	s10 =	sld [smem:$0x3FA6];
	_ =	sdelay $0x3  }
0x33: {  	p0 =	seq.s32 s10, $0x1;
	s10 =	sld [smem:$0x3FA8];
	_ =	sdelay $0x3  }
0x34: {  	[smem:$0x3FA8] =	sst s10  }
0x35: {  	s10 =	sld [smem:$0x3FA7];
	_ =	sdelay $0x3  }
0x36: {  	p1 =	seq.s32 s10, $0x1;
	s10 =	sld [smem:$0x3FA8];
	_ =	sdelay $0x3  }
0x37: {  	[smem:$0x3FA8] =	sst s10  }
0x38: {  	s10 =	sld [smem:$0x3FA9]  }
0x39: {  	_ = 	snop;
	(pc) =	sbr.ind lr, $3  }
0x3a: {  	_ = 	snop  }
0x3b: {  	_ = 	snop  }
0x3c: {  	p2 =	seq.s32 s10, $0x1;
	s10 =	sld [smem:$0x3FA8]  }
0x3d: {  	_ =	shalt  }
0x3e: {  	_ =	shalt  }
0x3f: {  	_ =	shalt  }
0x40: {  	_ =	shalt  }
0x41: {  	_ =	shalt  }
0x42: {  	_ =	shalt  }
0x43: {  	_ =	shalt  }
0x44: {  	_ =	shalt  }
0x45: {  	_ =	shalt  }
0x46: {  	_ =	shalt  }
0x47: {  	_ =	shalt  }
0x48: {  	_ =	shalt  }
0x49: {  	_ =	shalt  }
0x4a: {  	_ =	shalt  }
0x4b: {  	_ =	shalt  }
0x4c: {  	_ =	shalt  }
0x4d: {  	_ =	shalt  }
0x4e: {  	_ =	shalt  }
0x4f: {  	_ =	shalt  }
0x50: {  	_ =	shalt  }
0x51: {  	_ =	shalt  }
0x52: {  	_ =	shalt  }
0x53: {  	_ =	shalt  }
0x54: {  	_ =	shalt  }
0x55: {  	_ =	shalt  }
0x56: {  	_ =	shalt  }
0x57: {  	_ =	shalt  }
0x58: {  	_ =	shalt  }
0x59: {  	_ =	shalt  }
0x5a: {  	_ =	shalt  }
0x5b: {  	_ =	shalt  }
0x5c: {  	_ =	shalt  }
0x5d: {  	_ =	shalt  }
0x5e: {  	_ =	shalt  }
0x5f: {  	_ =	shalt  }
0x60: {  	_ =	shalt  }
0x61: {  	_ =	shalt  }
0x62: {  	_ =	shalt  }
0x63: {  	_ =	shalt  }
0x64: {  	_ =	shalt  }
0x65: {  	_ =	shalt  }
0x66: {  	_ =	shalt  }
0x67: {  	_ =	shalt  }
0x68: {  	_ =	shalt  }
0x69: {  	_ =	shalt  }
0x6a: {  	_ =	shalt  }
0x6b: {  	_ =	shalt  }
0x6c: {  	_ =	shalt  }
0x6d: {  	_ =	shalt  }
0x6e: {  	_ =	shalt  }
0x6f: {  	_ =	shalt  }
0x70: {  	_ =	shalt  }
0x71: {  	_ =	shalt  }
0x72: {  	_ =	shalt  }
0x73: {  	_ =	shalt  }
0x74: {  	_ =	shalt  }
0x75: {  	_ =	shalt  }
0x76: {  	_ =	shalt  }
0x77: {  	_ =	shalt  }
0x78: {  	_ =	shalt  }
0x79: {  	_ =	shalt  }
0x7a: {  	_ =	shalt  }
0x7b: {  	_ =	shalt  }
0x7c: {  	_ =	shalt  }
0x7d: {  	_ =	shalt  }
0x7e: {  	_ =	shalt  }
0x7f: {  	_ =	shalt  }
0x80: {  	_ =	shalt  }
0x81: {  	_ =	shalt  }
0x82: {  	_ =	shalt  }
0x83: {  	_ =	shalt  }
0x84: {  	_ =	shalt  }
0x85: {  	_ =	shalt  }
0x86: {  	_ =	shalt  }
0x87: {  	_ =	shalt  }
.Lfunc_end0:
.L_simem_size_0:
called_computation.1_lowered:
.L_overlay_start_0:
0x88: {  	s2 =	sld [smem:$0x3FD9]  }
0x89: {  	s3 =	sld [smem:$0x3FFE];
	_ =	sdelay $0x1  }
0x8a: {  	s1 =	srdreg.scid  }
0x8b: {  	s0 =	sand.u32 $0x1, s1  }
0x8c: {  	s17 =	sshll.u32 s0, $0xA;
	s2 =	sadd.s32 s3, s2  }
0x8d: {  	s2 =	sadd.s32 s2, s17  }
0x8e: {  	[smem:$0x3FB4] =	sst s2  }
0x8f: {  	_ = 	snop  }
0x90: {  	(tm) =	ssettm $0x1  }
0x91: {  	s18 =	sld [smem:$0x3FFB];
	_ =	sdelay $0x3  }
0x92: {  	_ =	strace s18  }
0x93: {  	s2 =	sld [smem:$0x3FFC];
	_ =	sdelay $0x3  }
0x94: {  	_ =	strace s2  }
0x95: {  	s2 =	sld [smem:$0x3FFD];
	_ =	sdelay $0x3  }
0x96: {  	_ =	strace s2  }
0x97: {  	_ =	strace $0x8FFFFFFF  }
0x98: {  	s19 =	sld [smem:$0x3FDB];
	_ =	sdelay $0x1  }
0x99: {  	s20 =	simm.s32 $_scs_section_size  }
0x9a: {  	s4 =	simm.s32 $_size__tile_overlayer_lowered;
	s5 =	simm.s32 $_tile_overlayer_lowered  }
0x9b: {  	s6 =	simm.s32 $0x1BFF;
	s21 =	sshll.u32 s5, $0x1;
	s3 =	sadd.s32 s20, s19  }
0x9c: {  	s22 =	simm.s32 $0x0;
	s4 =	sshll.u32 s4, $0x1;
	s5 =	sadd.s32 s21, s3  }
0x9d: {  	[timem:s22], [sflag:s6] =	dma.local [hbm:s5], s4  }
0x9e: {  	_ =	swait.ge [sflag:s6], s4  }
0x9f: {  	s4 =	ssub.s32 $0x0, s4;
	[sflag:s6] =	ssyncset.done $0x0  }
0xa0: {  	[sflag:s6] =	ssyncadd.s32 s4;
	_ =	sdelay $0x1  }
0xa1: {  	s23 =	simm.s32 $0x1B8B  }
0xa2: {  	_ =	swait.ge [sflag:s23], $0x1  }
0xa3: {  	[sflag:s23] =	ssyncset.done $0x0  }
0xa4: {  	[sflag:s23] =	ssyncadd.s32 $0xFFFFFFFF  }
0xa5: {  	s4 =	sld [smem:$0x0]  }
0xa6: {  	s5 =	sand.u32 $0xFFFFFFFE, s1  }
0xa7: {  	p0 =	sne.s32 s1, s5  }
0xa8: {  	s5 =	sshll.u32 @p0 s5, $0xE  }
0xa9: {  	s5 =	sadd.s32 @p0 $0x11B8D, s5;
	s6 =	sshll.u32 @p0 s4, $0x11  }
0xaa: {  	s5 =	sor.u32 @p0 s6, s5  }
0xab: {  	[sflag:s5] =	ssyncadd.remote.s32 @p0 $0x1;
	_ =	sdelay $0x1  }
0xac: {  	s5 =	simm.s32 @p0 $0x1B8D  }
0xad: {  	_ =	swait.eq @p0 [sflag:s5], $0x1  }
0xae: {  	[sflag:s5] =	ssyncadd.s32 @p0 $0xFFFFFFFF  }
0xaf: {  	s6 =	sshll.u32 @!p0 s1, $0xE  }
0xb0: {  	s6 =	sor.u32 @!p0 $0x4000, s6;
	s5 =	simm.s32 @!p0 $0x1B8D  }
0xb1: {  	s4 =	sshll.u32 @!p0 s4, $0x11;
	s6 =	sadd.s32 @!p0 $0x11B8D, s6;
	_ =	swait.eq @!p0 [sflag:s5], $0x1  }
0xb2: {  	s4 =	sor.u32 @!p0 s4, s6;
	[sflag:s5] =	ssyncadd.s32 @!p0 $0xFFFFFFFF  }
0xb3: {  	s25 =	simm.s32 $0x1B8E;
	s24 =	sld [smem:$0x3FFE];
	[sflag:s4] =	ssyncadd.remote.s32 @!p0 $0x1  }
0xb4: {  	s26 =	simm.s32 $execute0_lowered;
	[smem:$0x3FD2] =	sst s25  }
0xb5: {  	s5 =	sshll.u32 s26, $0x1;
	_ =	strace $0x80000049;
	[dreg:$0x1] =	wrdreg $0xFFFFFFFF  }
0xb6: {  	s28 =	simm.s32 $_size_execute0_lowered;
	s3 =	sadd.s32 s3, s5;
	[dreg:$0x0] =	wrdreg $0x0  }
0xb7: {  	s5 =	sshll.u32 s28, $0x1;
	[dreg:$0x2] =	wrdreg s3  }
0xb8: {  	[dreg:$0x3] =	wrdreg s5  }
0xb9: {  	[dreg:$0x4] =	wrdreg $0xC0  }
0xba: {  	_ =	task [dreg:s22], $0x5FFFF  }
0xbb: {  	[dreg:$0x1] =	wrdreg $0xFFFFFFFF  }
0xbc: {  	[dreg:$0x0] =	wrdreg $0x60  }
0xbd: {  	[dreg:$0x2] =	wrdreg s24  }
0xbe: {  	[dreg:$0x3] =	wrdreg $0xBC000  }
0xbf: {  	[dreg:$0x4] =	wrdreg $0xA  }
0xc0: {  	_ =	task.clear_ibuf [dreg:s22], $0x5FFFF;
	_ =	strace $0x90000049  }
0xc1: {  	s29 =	simm.s32 $0xA;
	_ =	strace $0x8000004B  }
0xc2: {  	_ =	swait.ge [sflag:s29], $0x1  }
0xc3: {  	[sflag:s29] =	ssyncadd.s32 $0xFFFFFFFF  }
0xc4: {  	_ =	strace $0x9000004B  }
0xc5: {  	_ =	sfence  }
0xc6: {  	s30 =	sld [smem:$0x0];
	_ =	sdelay $0x2  }
0xc7: {  	s31 =	sshll.u32 s1, $0xD;
	s1 =	sshrl.u32 s1, $0x2  }
0xc8: {  	s4 =	sand.u32 $0x4000, s31;
	s1 =	sadd.s32 s1, s30  }
0xc9: {  	s0 =	sor.u32 s4, s0;
	s1 =	sshll.u32 s1, $0x11  }
0xca: {  	s0 =	sor.u32 s1, s0  }
0xcb: {  	s0 =	sadd.s32 $0x8F2B, s0  }
0xcc: {  	[sflag:s0] =	ssyncadd.remote.s32 $0x1  }
0xcd: {  	_ =	sfence.sel $0xFFFF  }
0xce: {  	[dreg:$0x0] =	wrdreg $0xFFFFFFFF;
	(pc) =	sbr.abs _section_cstart, $3  }
0xcf: {  	[dreg:$0x1] =	wrdreg $0xFFFFFFFF  }
0xd0: {  	_ =	task.clear_ibuf [dreg:s22], $0x2FFFF;
	_ =	strace $0x9FFFFFFF  }
0xd1: {  	(tm) =	ssettm $0x7FFFFFFF  }
tec
execute0_lowered:
.L_overlay_start_1:
0x0: {  	(tag) =	ssettag $0x1  }
0x1: {  	s0 =	srdreg.scid;
	s3 =	rddreg [dreg:$0x0]  }
0x2: {  	s9 =	stileid.u32;
	s2 =	rddreg [dreg:$0x1];
	s4 =	simm.s32 $0x0  }
0x3: {  	s28 =	simm.s32 $0x7C00;
	s29 =	simm.s32 $0x1;
	s30 =	simm.s32 $0x2  }
0x4: {  	s31 =	simm.s32 $0x3B80;
	s0 =	sand.u32 $0x1, s0;
	s8 =	smul.u32 $0x50000, s9  }
0x5: {  	s1 =	sshll.u32 s0, $0x4;
	s5 =	smul.u32 $0x280000, s0;
	s0 =	ssub.s32 $0x2, s0  }
0x6: {  	[smem:$0x7FF] =	sst s4;
	s6 =	smul.u32 $0x14000, s9;
	s7 =	sshrl.u32 s0, $0x1  }
0x7: {  	s4 =	sadd.s32 $0x3BE00, s3;
	s15 =	sshrl.u32 s8, $0x2;
	s0 =	ssub.s32 s0, s7  }
0x8: {  	s26 =	sshll.u32 s9, $0x6;
	s8 =	sadd.s32 s15, s2;
	s0 =	smax.u32 s0, $0x1  }
0x9: {  	_ =	strace $0x8000004A;
	s18 =	sadd.s32 $0x2000, s8;
	[dreg:$0x7] =	wrdreg s0  }
0xa: {  	s1 =	sor.u32 s9, s1;
	s19 =	sadd.s32 $0x4000, s8;
	[dreg:$0x8] =	wrdreg s18  }
0xb: {  	s1 =	smul.u32 $0x280, s1;
	s20 =	sadd.s32 $0x6000, s8;
	[dreg:$0x9] =	wrdreg s19  }
0xc: {  	s5 =	sadd.s32 s6, s5;
	s21 =	sadd.s32 $0x8000, s8;
	[dreg:$0xa] =	wrdreg s20  }
0xd: {  	s6 =	sshrl.u32 s5, $0x3;
	s22 =	sadd.s32 $0xA000, s8;
	[dreg:$0xb] =	wrdreg s21  }
0xe: {  	s5 =	sadd.s32 $0x8BE00, s3;
	s23 =	sadd.s32 $0xC000, s8;
	[dreg:$0xc] =	wrdreg s22  }
0xf: {  	s24 =	sadd.s32 $0xE000, s8;
	s25 =	sadd.s32 $0x10000, s8;
	[dreg:$0xd] =	wrdreg s23  }
0x10: {  	s1 =	sadd.s32 s1, s3;
	s3 =	sadd.s32 s6, s3;
	[dreg:$0xe] =	wrdreg s24  }
0x11: {  	[dreg:$0xf] =	wrdreg s25;
	s20 =	sadd.s32 $0x12000, s8;
	s21 =	simm.s32 $0x3  }
0x12: {  	s23 =	sor.u32 $0x1C03, s26;
	s24 =	simm.s32 $0x80;
	s14 =	sadd.s32 $0x9200, s1  }
0x13: {  	s26 =	simm.s32 $0x3C00;
	s1 =	sadd.s32 $0xE200, s1;
	[dreg:$0x3] =	wrdreg s14  }
0x14: {  	s0 =	simm.s32 $0x2780;
	s16 =	sadd.s32 $0x8C200, s3;
	[dreg:$0x4] =	wrdreg s1  }
0x15: {  	s22 =	simm.s32 $0x0;
	s17 =	sadd.s32 $0xB4200, s3;
	[dreg:$0x5] =	wrdreg s16  }
0x16: {  	[dreg:$0x6] =	wrdreg s17;
	s16 =	simm.s32 $0x2800;
	s1 =	simm.s32 $0x2700  }
.LBB2_1:
0x17: {  	s3 =	simm.s32 $0x0;
	s6 =	rddreg [dreg:$0x3]  }
0x18: {  	[tilespmem:s3], [sflag:$0x3] =	stream.linear.gather [hbm4b:s6+s3], $0x1400, $0x38;
	[tilespmem:$0x1FC00] =	vst v63  }
0x19: {  	_ =	swait.ge [sflag:s21], $0x1400  }
0x1a: {  	[sflag:s21] =	ssyncset.done $0x0  }
0x1b: {  	s7 =	simm.s32 $0x1400;
	s25 =	rddreg [dreg:$0x4];
	[sflag:s21] =	ssyncadd.s32 $0xFFFFEC00  }
0x1c: {  	[tilespmem:s7], [sflag:$0x3] =	stream.linear.gather [hbm4b:s25+s3], $0x1400, $0x38;
	[tilespmem:$0x1FC00] =	vst v63  }
0x1d: {  	_ =	swait.ge [sflag:s21], $0x1400  }
0x1e: {  	[sflag:s21] =	ssyncset.done $0x0  }
0x1f: {  	s3 =	simm.s32 $0x0;
	[sflag:s21] =	ssyncadd.s32 $0xFFFFEC00  }
0x20: {  	s6 =	simm.s32 $0x40;
	v0 =	vld [tilespmem:s3+$0x0]  }
.LBB2_2:
0x21: {  	p0 =	seq.s32 s6, $0x4FC0  }
.Ltmp0:
0x22: {  	_ = 	snop;
	(pc) =	sbr.rel @!p0 .LBB2_2-.Ltmp0, $3  }
0x23: {  	_ =	sdelay $0x1  }
0x24: {  	s7 =	sshra.s32 s6, $0x2;
	s6 =	sadd.s32 $0x40, s6;
	v1 =	vshll.u32 v0, $0x1  }
0x25: {  	v0 =	vld [tilespmem:s7+$0x0];
	[tilespmem:s3+$0x2800] =	vst v1;
	s3 =	smov.u32 s7  }
0x26: {  	_ =	sdelay $0x3  }
0x27: {  	v0 =	vshll.u32 v0, $0x1  }
0x28: {  	[tilespmem:s3+$0x2800] =	vst v0;
	s3 =	sshrl.u32 s8, $0x3  }
0x29: {  	[spmem:s3], [sflag:s23] =	dma.local [hbm:s5], $0x400  }
0x2a: {  	_ =	swait.ge [sflag:s21], $0x400  }
0x2b: {  	[sflag:s21] =	ssyncset.done $0x0;
	s6 =	rddreg [dreg:$0x8]  }
0x2c: {  	[sflag:s21] =	ssyncadd.s32 $0xFFFFFC00;
	s6 =	sshrl.u32 s6, $0x3  }
0x2d: {  	[spmem:s6], [sflag:s23] =	dma.local [hbm:s5], $0x400  }
0x2e: {  	_ =	swait.ge [sflag:s21], $0x400  }
0x2f: {  	[sflag:s21] =	ssyncset.done $0x0;
	s7 =	rddreg [dreg:$0x9]  }
0x30: {  	[sflag:s21] =	ssyncadd.s32 $0xFFFFFC00;
	s7 =	sshrl.u32 s7, $0x3  }
0x31: {  	[spmem:s7], [sflag:s23] =	dma.local [hbm:s5], $0x400  }
0x32: {  	_ =	swait.ge [sflag:s21], $0x400  }
0x33: {  	[sflag:s21] =	ssyncset.done $0x0;
	s9 =	rddreg [dreg:$0xa]  }
0x34: {  	[sflag:s21] =	ssyncadd.s32 $0xFFFFFC00;
	s9 =	sshrl.u32 s9, $0x3  }
0x35: {  	[spmem:s9], [sflag:s23] =	dma.local [hbm:s5], $0x400  }
0x36: {  	_ =	swait.ge [sflag:s21], $0x400  }
0x37: {  	[sflag:s21] =	ssyncset.done $0x0;
	s10 =	rddreg [dreg:$0xb]  }
0x38: {  	[sflag:s21] =	ssyncadd.s32 $0xFFFFFC00;
	s10 =	sshrl.u32 s10, $0x3  }
0x39: {  	[spmem:s10], [sflag:s23] =	dma.local [hbm:s5], $0x400  }
0x3a: {  	_ =	swait.ge [sflag:s21], $0x400  }
0x3b: {  	[sflag:s21] =	ssyncset.done $0x0;
	s11 =	rddreg [dreg:$0xc]  }
0x3c: {  	[sflag:s21] =	ssyncadd.s32 $0xFFFFFC00;
	s11 =	sshrl.u32 s11, $0x3  }
0x3d: {  	[spmem:s11], [sflag:s23] =	dma.local [hbm:s5], $0x400  }
0x3e: {  	_ =	swait.ge [sflag:s21], $0x400  }
0x3f: {  	[sflag:s21] =	ssyncset.done $0x0;
	s12 =	rddreg [dreg:$0xd]  }
0x40: {  	[sflag:s21] =	ssyncadd.s32 $0xFFFFFC00;
	s12 =	sshrl.u32 s12, $0x3  }
0x41: {  	[spmem:s12], [sflag:s23] =	dma.local [hbm:s5], $0x400  }
0x42: {  	_ =	swait.ge [sflag:s21], $0x400  }
0x43: {  	[sflag:s21] =	ssyncset.done $0x0;
	s13 =	rddreg [dreg:$0xe]  }
0x44: {  	[sflag:s21] =	ssyncadd.s32 $0xFFFFFC00;
	s13 =	sshrl.u32 s13, $0x3  }
0x45: {  	[spmem:s13], [sflag:s23] =	dma.local [hbm:s5], $0x400  }
0x46: {  	_ =	swait.ge [sflag:s21], $0x400  }
0x47: {  	[sflag:s21] =	ssyncset.done $0x0;
	s14 =	rddreg [dreg:$0xf]  }
0x48: {  	[sflag:s21] =	ssyncadd.s32 $0xFFFFFC00;
	s14 =	sshrl.u32 s14, $0x3  }
0x49: {  	[spmem:s14], [sflag:s23] =	dma.local [hbm:s5], $0x400  }
0x4a: {  	_ =	swait.ge [sflag:s21], $0x400  }
0x4b: {  	[sflag:s21] =	ssyncset.done $0x0  }
0x4c: {  	s15 =	sshrl.u32 s20, $0x3;
	[sflag:s21] =	ssyncadd.s32 $0xFFFFFC00  }
0x4d: {  	[spmem:s15], [sflag:s23] =	dma.local [hbm:s5], $0x400  }
0x4e: {  	_ =	swait.ge [sflag:s21], $0x400  }
0x4f: {  	[sflag:s21] =	ssyncset.done $0x0  }
0x50: {  	[sflag:s21] =	ssyncadd.s32 $0xFFFFFC00  }
0x51: {  	[bflag:$0x0] =	sbarrier.arrive $0xFFFF  }
0x52: {  	[tilespmem:s26], [sflag:$0x1] =	stream.indirect.gather [hbm4b:s4+s24], $0x80, s16, s24, $0xb8;
	[tilespmem:$0x1FC00] =	vst v63  }
0x53: {  	s17 =	simm.s32 $0x2880  }
0x54: {  	[tilespmem:s28], [sflag:$0x2] =	stream.indirect.gather [hbm4b:s4+s24], $0x80, s17, s24, $0xb8;
	[tilespmem:$0x1FC00] =	vst v63  }
0x55: {  	_ =	swait.ge [sflag:s29], $0x4000  }
0x56: {  	[sflag:s29] =	ssyncset.done $0x0  }
0x57: {  	s18 =	simm.s32 $0x1400;
	[sflag:s29] =	ssyncadd.s32 $0xFFFFC000  }
0x58: {  	[spmem:s2] =	stream.indirect.scatter.add.f32 [tilespmem:s26], [sflag:$0x3], $0x80, s18, s24, $0xb8;
	[tilespmem:$0x1FC00] =	vst v63  }
0x59: {  	_ =	swait.ge [sflag:s21], $0x4000  }
0x5a: {  	[sflag:s21] =	ssyncset.done $0x0  }
0x5b: {  	s19 =	simm.s32 $0x2900;
	[sflag:s21] =	ssyncadd.s32 $0xFFFFC000  }
0x5c: {  	[tilespmem:s26], [sflag:$0x1] =	stream.indirect.gather [hbm4b:s4+s24], $0x80, s19, s24, $0xb8;
	[tilespmem:$0x1FC00] =	vst v63  }
0x5d: {  	_ =	swait.ge [sflag:s30], $0x4000  }
0x5e: {  	[sflag:s30] =	ssyncset.done $0x0  }
0x5f: {  	s25 =	simm.s32 $0x1480;
	[sflag:s30] =	ssyncadd.s32 $0xFFFFC000  }
0x60: {  	[spmem:s2] =	stream.indirect.scatter.add.f32 [tilespmem:s28], [sflag:$0x3], $0x80, s25, s24, $0xb8;
	[tilespmem:$0x1FC00] =	vst v63  }
0x61: {  	_ =	swait.ge [sflag:s21], $0x4000  }
0x62: {  	s16 =	simm.s32 $0x100;
	s17 =	simm.s32 $0x800;
	[sflag:s21] =	ssyncset.done $0x0  }
.LBB2_4:
0x63: {  	s18 =	sadd.s32 $0x2880, s16  }
0x64: {  	[sflag:s21] =	ssyncadd.s32 $0xFFFFC000;
	s19 =	smov.u32 s17;
	s25 =	sadd.s32 $0x400, s17  }
0x65: {  	[tilespmem:s28], [sflag:$0x2] =	stream.indirect.gather [hbm4b:s4+s24], $0x80, s18, s24, $0xb8;
	[tilespmem:$0x1FC00] =	vst v63  }
0x66: {  	p0 =	sne.s32 s17, $0x4800;
	_ =	swait.ge [sflag:s29], $0x4000  }
0x67: {  	[sflag:s29] =	ssyncset.done $0x0  }
0x68: {  	s17 =	sadd.s32 $0x1400, s16;
	[sflag:s29] =	ssyncadd.s32 $0xFFFFC000  }
0x69: {  	[spmem:s2] =	stream.indirect.scatter.add.f32 [tilespmem:s26], [sflag:$0x3], $0x80, s17, s24, $0xb8;
	[tilespmem:$0x1FC00] =	vst v63  }
0x6a: {  	_ =	swait.ge [sflag:s21], $0x4000  }
0x6b: {  	[sflag:s21] =	ssyncset.done $0x0  }
0x6c: {  	s17 =	sadd.s32 $0x2900, s16;
	[sflag:s21] =	ssyncadd.s32 $0xFFFFC000  }
0x6d: {  	[tilespmem:s26], [sflag:$0x1] =	stream.indirect.gather [hbm4b:s4+s24], $0x80, s17, s24, $0xb8;
	[tilespmem:$0x1FC00] =	vst v63  }
0x6e: {  	_ =	swait.ge [sflag:s30], $0x4000  }
.Ltmp1:
0x6f: {  	[sflag:s30] =	ssyncset.done $0x0;
	(pc) =	sbr.rel @p0 .LBB2_4-.Ltmp1, $4  }
0x70: {  	s16 =	sadd.s32 $0x1480, s16;
	[sflag:s30] =	ssyncadd.s32 $0xFFFFC000  }
0x71: {  	[spmem:s2] =	stream.indirect.scatter.add.f32 [tilespmem:s28], [sflag:$0x3], $0x80, s16, s24, $0xb8;
	[tilespmem:$0x1FC00] =	vst v63  }
0x72: {  	_ =	swait.ge [sflag:s21], $0x4000  }
0x73: {  	s17 =	smov.u32 s25;
	s16 =	sshra.s32 s19, $0x2;
	[sflag:s21] =	ssyncset.done $0x0  }
0x74: {  	s17 =	sadd.s32 $0x2880, s16;
	[sflag:s21] =	ssyncadd.s32 $0xFFFFC000  }
0x75: {  	[tilespmem:s28], [sflag:$0x2] =	stream.indirect.gather [hbm4b:s4+s24], $0x80, s17, s24, $0xb8;
	[tilespmem:$0x1FC00] =	vst v63  }
0x76: {  	_ =	swait.ge [sflag:s29], $0x4000  }
0x77: {  	[sflag:s29] =	ssyncset.done $0x0  }
0x78: {  	s25 =	sadd.s32 $0x1400, s16;
	[sflag:s29] =	ssyncadd.s32 $0xFFFFC000  }
0x79: {  	[spmem:s2] =	stream.indirect.scatter.add.f32 [tilespmem:s26], [sflag:$0x3], $0x80, s25, s24, $0xb8;
	[tilespmem:$0x1FC00] =	vst v63  }
0x7a: {  	_ =	swait.ge [sflag:s21], $0x4000  }
0x7b: {  	[sflag:s21] =	ssyncset.done $0x0  }
0x7c: {  	s18 =	sadd.s32 $0x2900, s16;
	[sflag:s21] =	ssyncadd.s32 $0xFFFFC000  }
0x7d: {  	[tilespmem:s26], [sflag:$0x1] =	stream.indirect.gather [hbm4b:s4+s24], $0x80, s18, s24, $0xb8;
	[tilespmem:$0x1FC00] =	vst v63  }
0x7e: {  	_ =	swait.ge [sflag:s30], $0x4000  }
0x7f: {  	[sflag:s30] =	ssyncset.done $0x0  }
0x80: {  	s19 =	sadd.s32 $0x1480, s16;
	[sflag:s30] =	ssyncadd.s32 $0xFFFFC000  }
0x81: {  	[spmem:s2] =	stream.indirect.scatter.add.f32 [tilespmem:s28], [sflag:$0x3], $0x80, s19, s24, $0xb8;
	[tilespmem:$0x1FC00] =	vst v63  }
0x82: {  	_ =	swait.ge [sflag:s21], $0x4000  }
0x83: {  	[sflag:s21] =	ssyncset.done $0x0  }
0x84: {  	[sflag:s21] =	ssyncadd.s32 $0xFFFFC000  }
0x85: {  	[tilespmem:s28], [sflag:$0x2] =	stream.indirect.gather [hbm4b:s4+s24], $0x80, s31, s24, $0xb8;
	[tilespmem:$0x1FC00] =	vst v63  }
0x86: {  	_ =	swait.ge [sflag:s29], $0x4000  }
0x87: {  	[sflag:s29] =	ssyncset.done $0x0  }
0x88: {  	[sflag:s29] =	ssyncadd.s32 $0xFFFFC000  }
0x89: {  	[spmem:s2] =	stream.indirect.scatter.add.f32 [tilespmem:s26], [sflag:$0x3], $0x80, s1, s24, $0xb8;
	[tilespmem:$0x1FC00] =	vst v63  }
0x8a: {  	_ =	swait.ge [sflag:s21], $0x4000  }
0x8b: {  	[sflag:s21] =	ssyncset.done $0x0  }
0x8c: {  	[sflag:s21] =	ssyncadd.s32 $0xFFFFC000  }
0x8d: {  	_ =	swait.ge [sflag:s30], $0x4000  }
0x8e: {  	[sflag:s30] =	ssyncset.done $0x0  }
0x8f: {  	[sflag:s30] =	ssyncadd.s32 $0xFFFFC000  }
0x90: {  	[spmem:s2] =	stream.indirect.scatter.add.f32 [tilespmem:s28], [sflag:$0x3], $0x80, s0, s24, $0xb8;
	[tilespmem:$0x1FC00] =	vst v63  }
0x91: {  	_ =	swait.ge [sflag:s21], $0x4000  }
0x92: {  	[sflag:s21] =	ssyncset.done $0x0  }
0x93: {  	[sflag:s21] =	ssyncadd.s32 $0xFFFFC000  }
0x94: {  	[bflag:$0x0] =	sbarrier.arrive $0xFFFF  }
0x95: {  	s25 =	rddreg [dreg:$0x5]  }
0x96: {  	[hbm:s25], [sflag:s23] =	dma.local [spmem:s3], $0x2800  }
0x97: {  	_ =	swait.ge [sflag:s21], $0x2800  }
0x98: {  	[sflag:s21] =	ssyncset.done $0x0  }
0x99: {  	s16 =	simm.s32 $0x0;
	[sflag:s21] =	ssyncadd.s32 $0xFFFFD800  }
0x9a: {  	v0 =	vld [tilespmem:s16+$0x0]  }
0x9b: {  	s17 =	simm.s32 $0x40  }
.LBB2_6:
0x9c: {  	p0 =	sne.s32 s17, $0x4FC0  }
.Ltmp2:
0x9d: {  	_ = 	snop;
	(pc) =	sbr.rel @p0 .LBB2_6-.Ltmp2, $4  }
0x9e: {  	_ = 	snop  }
0x9f: {  	s18 =	sshra.s32 s17, $0x2;
	s17 =	sadd.s32 $0x40, s17;
	v1 =	vshll.u32 v0, $0x1  }
0xa0: {  	v0 =	vld [tilespmem:s18+$0x0];
	v1 =	vor.u32 $0x1, v1  }
0xa1: {  	[tilespmem:s16+$0x2800] =	vst v1;
	s16 =	smov.u32 s18  }
0xa2: {  	_ =	sdelay $0x2  }
0xa3: {  	v0 =	vshll.u32 v0, $0x1  }
0xa4: {  	v0 =	vor.u32 $0x1, v0  }
0xa5: {  	[tilespmem:s16+$0x2800] =	vst v0  }
0xa6: {  	[spmem:s3], [sflag:s23] =	dma.local [hbm:s5], $0x400  }
0xa7: {  	_ =	swait.ge [sflag:s21], $0x400  }
0xa8: {  	[sflag:s21] =	ssyncset.done $0x0  }
0xa9: {  	[sflag:s21] =	ssyncadd.s32 $0xFFFFFC00  }
0xaa: {  	[spmem:s6], [sflag:s23] =	dma.local [hbm:s5], $0x400  }
0xab: {  	_ =	swait.ge [sflag:s21], $0x400  }
0xac: {  	[sflag:s21] =	ssyncset.done $0x0  }
0xad: {  	[sflag:s21] =	ssyncadd.s32 $0xFFFFFC00  }
0xae: {  	[spmem:s7], [sflag:s23] =	dma.local [hbm:s5], $0x400  }
0xaf: {  	_ =	swait.ge [sflag:s21], $0x400  }
0xb0: {  	[sflag:s21] =	ssyncset.done $0x0  }
0xb1: {  	[sflag:s21] =	ssyncadd.s32 $0xFFFFFC00  }
0xb2: {  	[spmem:s9], [sflag:s23] =	dma.local [hbm:s5], $0x400  }
0xb3: {  	_ =	swait.ge [sflag:s21], $0x400  }
0xb4: {  	[sflag:s21] =	ssyncset.done $0x0  }
0xb5: {  	[sflag:s21] =	ssyncadd.s32 $0xFFFFFC00  }
0xb6: {  	[spmem:s10], [sflag:s23] =	dma.local [hbm:s5], $0x400  }
0xb7: {  	_ =	swait.ge [sflag:s21], $0x400  }
0xb8: {  	[sflag:s21] =	ssyncset.done $0x0  }
0xb9: {  	[sflag:s21] =	ssyncadd.s32 $0xFFFFFC00  }
0xba: {  	[spmem:s11], [sflag:s23] =	dma.local [hbm:s5], $0x400  }
0xbb: {  	_ =	swait.ge [sflag:s21], $0x400  }
0xbc: {  	[sflag:s21] =	ssyncset.done $0x0  }
0xbd: {  	[sflag:s21] =	ssyncadd.s32 $0xFFFFFC00  }
0xbe: {  	[spmem:s12], [sflag:s23] =	dma.local [hbm:s5], $0x400  }
0xbf: {  	_ =	swait.ge [sflag:s21], $0x400  }
0xc0: {  	[sflag:s21] =	ssyncset.done $0x0  }
0xc1: {  	[sflag:s21] =	ssyncadd.s32 $0xFFFFFC00  }
0xc2: {  	[spmem:s13], [sflag:s23] =	dma.local [hbm:s5], $0x400  }
0xc3: {  	_ =	swait.ge [sflag:s21], $0x400  }
0xc4: {  	[sflag:s21] =	ssyncset.done $0x0  }
0xc5: {  	[sflag:s21] =	ssyncadd.s32 $0xFFFFFC00  }
0xc6: {  	[spmem:s14], [sflag:s23] =	dma.local [hbm:s5], $0x400  }
0xc7: {  	_ =	swait.ge [sflag:s21], $0x400  }
0xc8: {  	[sflag:s21] =	ssyncset.done $0x0  }
0xc9: {  	[sflag:s21] =	ssyncadd.s32 $0xFFFFFC00  }
0xca: {  	[spmem:s15], [sflag:s23] =	dma.local [hbm:s5], $0x400  }
0xcb: {  	_ =	swait.ge [sflag:s21], $0x400  }
0xcc: {  	[sflag:s21] =	ssyncset.done $0x0  }
0xcd: {  	[sflag:s21] =	ssyncadd.s32 $0xFFFFFC00  }
0xce: {  	s16 =	simm.s32 $0x2800;
	[bflag:$0x0] =	sbarrier.arrive $0xFFFF  }
0xcf: {  	[tilespmem:s26], [sflag:$0x1] =	stream.indirect.gather [hbm4b:s4+s24], $0x80, s16, s24, $0xb8;
	[tilespmem:$0x1FC00] =	vst v63  }
0xd0: {  	s17 =	simm.s32 $0x2880  }
0xd1: {  	[tilespmem:s28], [sflag:$0x2] =	stream.indirect.gather [hbm4b:s4+s24], $0x80, s17, s24, $0xb8;
	[tilespmem:$0x1FC00] =	vst v63  }
0xd2: {  	_ =	swait.ge [sflag:s29], $0x4000  }
0xd3: {  	[sflag:s29] =	ssyncset.done $0x0  }
0xd4: {  	s18 =	simm.s32 $0x1400;
	[sflag:s29] =	ssyncadd.s32 $0xFFFFC000  }
0xd5: {  	[spmem:s2] =	stream.indirect.scatter.add.f32 [tilespmem:s26], [sflag:$0x3], $0x80, s18, s24, $0xb8;
	[tilespmem:$0x1FC00] =	vst v63  }
0xd6: {  	_ =	swait.ge [sflag:s21], $0x4000  }
0xd7: {  	[sflag:s21] =	ssyncset.done $0x0  }
0xd8: {  	s19 =	simm.s32 $0x2900;
	[sflag:s21] =	ssyncadd.s32 $0xFFFFC000  }
0xd9: {  	[tilespmem:s26], [sflag:$0x1] =	stream.indirect.gather [hbm4b:s4+s24], $0x80, s19, s24, $0xb8;
	[tilespmem:$0x1FC00] =	vst v63  }
0xda: {  	_ =	swait.ge [sflag:s30], $0x4000  }
0xdb: {  	[sflag:s30] =	ssyncset.done $0x0  }
0xdc: {  	s25 =	simm.s32 $0x1480;
	[sflag:s30] =	ssyncadd.s32 $0xFFFFC000  }
0xdd: {  	[spmem:s2] =	stream.indirect.scatter.add.f32 [tilespmem:s28], [sflag:$0x3], $0x80, s25, s24, $0xb8;
	[tilespmem:$0x1FC00] =	vst v63  }
0xde: {  	_ =	swait.ge [sflag:s21], $0x4000  }
0xdf: {  	s6 =	simm.s32 $0x100;
	s7 =	simm.s32 $0x800;
	[sflag:s21] =	ssyncset.done $0x0  }
.LBB2_8:
0xe0: {  	s9 =	sadd.s32 $0x2880, s6  }
0xe1: {  	[sflag:s21] =	ssyncadd.s32 $0xFFFFC000;
	s10 =	smov.u32 s7;
	s11 =	sadd.s32 $0x400, s7  }
0xe2: {  	[tilespmem:s28], [sflag:$0x2] =	stream.indirect.gather [hbm4b:s4+s24], $0x80, s9, s24, $0xb8;
	[tilespmem:$0x1FC00] =	vst v63  }
0xe3: {  	p0 =	sne.s32 s7, $0x4800;
	_ =	swait.ge [sflag:s29], $0x4000  }
0xe4: {  	[sflag:s29] =	ssyncset.done $0x0  }
0xe5: {  	s7 =	sadd.s32 $0x1400, s6;
	[sflag:s29] =	ssyncadd.s32 $0xFFFFC000  }
0xe6: {  	[spmem:s2] =	stream.indirect.scatter.add.f32 [tilespmem:s26], [sflag:$0x3], $0x80, s7, s24, $0xb8;
	[tilespmem:$0x1FC00] =	vst v63  }
0xe7: {  	_ =	swait.ge [sflag:s21], $0x4000  }
0xe8: {  	[sflag:s21] =	ssyncset.done $0x0  }
0xe9: {  	s7 =	sadd.s32 $0x2900, s6;
	[sflag:s21] =	ssyncadd.s32 $0xFFFFC000  }
0xea: {  	[tilespmem:s26], [sflag:$0x1] =	stream.indirect.gather [hbm4b:s4+s24], $0x80, s7, s24, $0xb8;
	[tilespmem:$0x1FC00] =	vst v63  }
0xeb: {  	_ =	swait.ge [sflag:s30], $0x4000  }
.Ltmp3:
0xec: {  	[sflag:s30] =	ssyncset.done $0x0;
	(pc) =	sbr.rel @p0 .LBB2_8-.Ltmp3, $4  }
0xed: {  	s6 =	sadd.s32 $0x1480, s6;
	[sflag:s30] =	ssyncadd.s32 $0xFFFFC000  }
0xee: {  	[spmem:s2] =	stream.indirect.scatter.add.f32 [tilespmem:s28], [sflag:$0x3], $0x80, s6, s24, $0xb8;
	[tilespmem:$0x1FC00] =	vst v63  }
0xef: {  	_ =	swait.ge [sflag:s21], $0x4000  }
0xf0: {  	s7 =	smov.u32 s11;
	s6 =	sshra.s32 s10, $0x2;
	[sflag:s21] =	ssyncset.done $0x0  }
0xf1: {  	s7 =	sadd.s32 $0x2880, s6;
	[sflag:s21] =	ssyncadd.s32 $0xFFFFC000  }
0xf2: {  	[tilespmem:s28], [sflag:$0x2] =	stream.indirect.gather [hbm4b:s4+s24], $0x80, s7, s24, $0xb8;
	[tilespmem:$0x1FC00] =	vst v63  }
0xf3: {  	_ =	swait.ge [sflag:s29], $0x4000  }
0xf4: {  	[sflag:s29] =	ssyncset.done $0x0  }
0xf5: {  	s15 =	sadd.s32 $0x1400, s6;
	[sflag:s29] =	ssyncadd.s32 $0xFFFFC000  }
0xf6: {  	[spmem:s2] =	stream.indirect.scatter.add.f32 [tilespmem:s26], [sflag:$0x3], $0x80, s15, s24, $0xb8;
	[tilespmem:$0x1FC00] =	vst v63  }
0xf7: {  	_ =	swait.ge [sflag:s21], $0x4000  }
0xf8: {  	[sflag:s21] =	ssyncset.done $0x0  }
0xf9: {  	s17 =	sadd.s32 $0x2900, s6;
	[sflag:s21] =	ssyncadd.s32 $0xFFFFC000  }
0xfa: {  	[tilespmem:s26], [sflag:$0x1] =	stream.indirect.gather [hbm4b:s4+s24], $0x80, s17, s24, $0xb8;
	[tilespmem:$0x1FC00] =	vst v63  }
0xfb: {  	_ =	swait.ge [sflag:s30], $0x4000  }
0xfc: {  	[sflag:s30] =	ssyncset.done $0x0  }
0xfd: {  	s18 =	sadd.s32 $0x1480, s6;
	[sflag:s30] =	ssyncadd.s32 $0xFFFFC000  }
0xfe: {  	[spmem:s2] =	stream.indirect.scatter.add.f32 [tilespmem:s28], [sflag:$0x3], $0x80, s18, s24, $0xb8;
	[tilespmem:$0x1FC00] =	vst v63  }
0xff: {  	_ =	swait.ge [sflag:s21], $0x4000  }
0x100: {  	[sflag:s21] =	ssyncset.done $0x0  }
0x101: {  	[sflag:s21] =	ssyncadd.s32 $0xFFFFC000  }
0x102: {  	[tilespmem:s28], [sflag:$0x2] =	stream.indirect.gather [hbm4b:s4+s24], $0x80, s31, s24, $0xb8;
	[tilespmem:$0x1FC00] =	vst v63  }
0x103: {  	_ =	swait.ge [sflag:s29], $0x4000  }
0x104: {  	[sflag:s29] =	ssyncset.done $0x0  }
0x105: {  	[sflag:s29] =	ssyncadd.s32 $0xFFFFC000  }
0x106: {  	[spmem:s2] =	stream.indirect.scatter.add.f32 [tilespmem:s26], [sflag:$0x3], $0x80, s1, s24, $0xb8;
	[tilespmem:$0x1FC00] =	vst v63  }
0x107: {  	_ =	swait.ge [sflag:s21], $0x4000  }
0x108: {  	[sflag:s21] =	ssyncset.done $0x0  }
0x109: {  	[sflag:s21] =	ssyncadd.s32 $0xFFFFC000  }
0x10a: {  	_ =	swait.ge [sflag:s30], $0x4000  }
0x10b: {  	[sflag:s30] =	ssyncset.done $0x0  }
0x10c: {  	[sflag:s30] =	ssyncadd.s32 $0xFFFFC000  }
0x10d: {  	[spmem:s2] =	stream.indirect.scatter.add.f32 [tilespmem:s28], [sflag:$0x3], $0x80, s0, s24, $0xb8;
	[tilespmem:$0x1FC00] =	vst v63  }
0x10e: {  	_ =	swait.ge [sflag:s21], $0x4000  }
0x10f: {  	[sflag:s21] =	ssyncset.done $0x0  }
0x110: {  	[sflag:s21] =	ssyncadd.s32 $0xFFFFC000  }
0x111: {  	[bflag:$0x0] =	sbarrier.arrive $0xFFFF  }
0x112: {  	s19 =	rddreg [dreg:$0x6]  }
0x113: {  	[hbm:s19], [sflag:s23] =	dma.local [spmem:s3], $0x2800  }
0x114: {  	_ =	swait.ge [sflag:s21], $0x2800  }
0x115: {  	s22 =	sadd.s32 $0x1, s22;
	s25 =	rddreg [dreg:$0x7]  }
0x116: {  	p0 =	sne.s32 s22, s25  }
.Ltmp4:
0x117: {  	_ = 	snop;
	(pc) =	sbr.rel @p0 .LBB2_1-.Ltmp4, $3  }
0x118: {  	_ =	sdelay $0x1  }
0x119: {  	[sflag:s21] =	ssyncset.done $0x0  }
0x11a: {  	[sflag:s21] =	ssyncadd.s32 $0xFFFFD800  }
0x11b: {  	_ =	sfence.sel $0x180000  }
0x11c: {  	[bflag:$0x0] =	sbarrier.arrive $0xFFFF  }
0x11d: {  	_ =	strace $0x9000004A  }
0x11e: {  	s0 =	stileid.u32;
	[bflag:$0x2] =	sbarrier.arrive $0xFFFF  }
0x11f: {  	p0 =	sne.s32 s0, $0x0;
	s0 =	rddreg [dreg:$0x2]  }
0x120: {  	s0 =	sadd.s32 @!p0 $0x100000, s0  }
0x121: {  	[sflag:s0] =	ssyncadd.tile.s32 @!p0 $0x1;
	_ =	shalt  }
.Lfunc_end2:
_tile_overlayer_lowered:
.L_overlay_start_2:
0x122: {  	(tag) =	ssettag $0x2  }
0x123: {  	s0 =	rddreg [dreg:$0x0];
	s2 =	stileid.u32  }
0x124: {  	s1 =	rddreg [dreg:$0x1];
	p0 =	sne.s32 s2, $0x0  }
0x125: {  	s3 =	rddreg [dreg:$0x2];
	[bflag:$0x3] =	sbarrier.arrive $0xFFFF;
	s2 =	simm.s32 @!p0 $0x1C03  }
0x126: {  	[timem:s3], [sflag:s2] =	dma.local @!p0 [hbm:s0], s1  }
0x127: {  	s0 =	simm.s32 @!p0 $0x3  }
0x128: {  	_ =	swait.ge @!p0 [sflag:s0], s1  }
0x129: {  	s1 =	ssub.s32 @!p0 $0x0, s1;
	[sflag:s0] =	ssyncset.done @!p0 $0x0  }
0x12a: {  	[sflag:s0] =	ssyncadd.s32 @!p0 s1  }
0x12b: {  	[bflag:$0x3] =	sbarrier.arrive $0xFFFF  }
0x12c: {  	_ =	shalt  }

// kernel: kernel.13.cloned.1.call-start
scs
__scs_entry_jumppad:
0x0: {  	(pc) =	sbr.rel $0x88, $3  }
0x1: {  	(tag) =	ssettag $0x0;
	lr =	simm.s32 $0x1  }
0x2: {  	[smem:$0x3F8D] =	sst lr;
	_ =	strace $0xD0000000  }
0x3: {  	_ = 	snop  }
0x4: {  	_ = 	snop  }
0x5: {  	_ = 	snop  }
0x6: {  	_ = 	snop  }
0x7: {  	_ = 	snop  }
__scs_overlays_trampoline_lowered:
0x8: {  	[smem:$0x3F9C] =	sst s0  }
0x9: {  	[smem:$0x3F9D] =	sst s1  }
0xa: {  	[smem:$0x3F9E] =	sst s2  }
0xb: {  	[smem:$0x3F9F] =	sst s3  }
0xc: {  	[smem:$0x3FA0] =	sst s4  }
0xd: {  	[smem:$0x3FA1] =	sst s5  }
0xe: {  	[smem:$0x3FA2] =	sst s6  }
0xf: {  	[smem:$0x3FA3] =	sst s7  }
0x10: {  	[smem:$0x3FA4] =	sst s8  }
0x11: {  	[smem:$0x3FA5] =	sst s9;
	s0 =	simm.s32 @!p0 $0x0  }
0x12: {  	s1 =	sld [smem:$0x3F8B];
	s0 =	simm.s32 @p0 $0x1  }
0x13: {  	[smem:$0x3FA6] =	sst s0;
	s0 =	simm.s32 @!p1 $0x0  }
0x14: {  	s2 =	sld [smem:$0x3F8A];
	s0 =	simm.s32 @p1 $0x1  }
0x15: {  	[smem:$0x3FA7] =	sst s0;
	s0 =	simm.s32 @!p2 $0x0  }
0x16: {  	s3 =	sld [smem:$0x3FDB];
	s0 =	simm.s32 @p2 $0x1  }
0x17: {  	s4 =	simm.s32 $0x1BF5;
	[smem:$0x3FA9] =	sst s0  }
0x18: {  	s0 =	sld [smem:$0x3F8C];
	_ =	swait.ge [sflag:s4], $0x0  }
0x19: {  	s7 =	sld [smem:$0x3F8D]  }
0x1a: {  	s8 =	sadd.s32 $0xFFFFE003, lr  }
0x1b: {  	s9 =	sadd.s32 $0xFFFFFEF7, lr;
	s5 =	simm.s32 $0xFFFFFFFF;
	p2 =	slt.u32 s8, $0xFFFFF086  }
0x1c: {  	p1 =	slt.u32 s9, $0xF7A;
	s5 =	simm.s32 @!p2 $0x0  }
0x1d: {  	s5 =	simm.s32 @p1 $0x1;
	p0 =	seq.s32 s7, s2  }
0x1e: {  	s7 =	smul.u32 @!p0 $0xF7A, s2;
	p2 =	seq.s32 @!p0 s5, $0x0  }
0x1f: {  	s9 =	smul.u32 $0xF7A, s1;
	s8 =	simm.s32 @!p0 $0x1BF5;
	p2 =	por !p2, p0  }
0x20: {  	[sflag:s8] =	ssyncset.s32 @!p0 $0xFFFFF086;
	s6 =	sadd.s32 @!p0 s3, s7;
	s7 =	simm.s32 @!p0 $0x108  }
0x21: {  	s3 =	sadd.s32 s3, s9;
	s6 =	sadd.s32 @!p0 $0x88, s6;
	s7 =	simm.s32 @p2 $0x1082  }
0x22: {  	[simem:s7], [sflag:s8] =	dma.local @!p0 [hbm:s6], $0xF7A  }
0x23: {  	s9 =	sor.u32 $0xD0000000, s2;
	s6 =	simm.s32 $0x108;
	_ =	swait.ge @!p0 [sflag:s8], $0x0  }
0x24: {  	s3 =	sadd.s32 $0x88, s3;
	s6 =	simm.s32 @!p1 $0x1082;
	[sflag:s4] =	ssyncset.s32 $0xFFFFF086  }
0x25: {  	[simem:s6], [sflag:s4] =	dma.local [hbm:s3], $0xF7A  }
0x26: {  	[smem:$0x3F8D] =	sst s1;
	(tag) =	ssettag s2;
	_ =	strace s9  }
0x27: {  	s1 =	sld [smem:$0x3F9D]  }
0x28: {  	s2 =	sld [smem:$0x3F9E]  }
0x29: {  	s4 =	sld [smem:$0x3FA0]  }
0x2a: {  	p0 =	seq.s32 s5, $0x0;
	s5 =	sld [smem:$0x3FA1]  }
0x2b: {  	s6 =	sld [smem:$0x3FA2]  }
0x2c: {  	s7 =	sld [smem:$0x3FA3]  }
0x2d: {  	s3 =	simm.s32 $0x108;
	s8 =	sld [smem:$0x3FA4]  }
0x2e: {  	s3 =	simm.s32 @!p0 $0x1082;
	s9 =	sld [smem:$0x3FA5]  }
0x2f: {  	lr =	sadd.s32 s0, s3;
	s0 =	sld [smem:$0x3F9C]  }
0x30: {  	s3 =	sld [smem:$0x3F9F]  }
0x31: {  	[smem:$0x3FA8] =	sst s10  }
0x32: {  	s10 =	sld [smem:$0x3FA6];
	_ =	sdelay $0x3  }
0x33: {  	p0 =	seq.s32 s10, $0x1;
	s10 =	sld [smem:$0x3FA8];
	_ =	sdelay $0x3  }
0x34: {  	[smem:$0x3FA8] =	sst s10  }
0x35: {  	s10 =	sld [smem:$0x3FA7];
	_ =	sdelay $0x3  }
0x36: {  	p1 =	seq.s32 s10, $0x1;
	s10 =	sld [smem:$0x3FA8];
	_ =	sdelay $0x3  }
0x37: {  	[smem:$0x3FA8] =	sst s10  }
0x38: {  	s10 =	sld [smem:$0x3FA9]  }
0x39: {  	_ = 	snop;
	(pc) =	sbr.ind lr, $3  }
0x3a: {  	_ = 	snop  }
0x3b: {  	_ = 	snop  }
0x3c: {  	p2 =	seq.s32 s10, $0x1;
	s10 =	sld [smem:$0x3FA8]  }
0x3d: {  	_ =	shalt  }
0x3e: {  	_ =	shalt  }
0x3f: {  	_ =	shalt  }
0x40: {  	_ =	shalt  }
0x41: {  	_ =	shalt  }
0x42: {  	_ =	shalt  }
0x43: {  	_ =	shalt  }
0x44: {  	_ =	shalt  }
0x45: {  	_ =	shalt  }
0x46: {  	_ =	shalt  }
0x47: {  	_ =	shalt  }
0x48: {  	_ =	shalt  }
0x49: {  	_ =	shalt  }
0x4a: {  	_ =	shalt  }
0x4b: {  	_ =	shalt  }
0x4c: {  	_ =	shalt  }
0x4d: {  	_ =	shalt  }
0x4e: {  	_ =	shalt  }
0x4f: {  	_ =	shalt  }
0x50: {  	_ =	shalt  }
0x51: {  	_ =	shalt  }
0x52: {  	_ =	shalt  }
0x53: {  	_ =	shalt  }
0x54: {  	_ =	shalt  }
0x55: {  	_ =	shalt  }
0x56: {  	_ =	shalt  }
0x57: {  	_ =	shalt  }
0x58: {  	_ =	shalt  }
0x59: {  	_ =	shalt  }
0x5a: {  	_ =	shalt  }
0x5b: {  	_ =	shalt  }
0x5c: {  	_ =	shalt  }
0x5d: {  	_ =	shalt  }
0x5e: {  	_ =	shalt  }
0x5f: {  	_ =	shalt  }
0x60: {  	_ =	shalt  }
0x61: {  	_ =	shalt  }
0x62: {  	_ =	shalt  }
0x63: {  	_ =	shalt  }
0x64: {  	_ =	shalt  }
0x65: {  	_ =	shalt  }
0x66: {  	_ =	shalt  }
0x67: {  	_ =	shalt  }
0x68: {  	_ =	shalt  }
0x69: {  	_ =	shalt  }
0x6a: {  	_ =	shalt  }
0x6b: {  	_ =	shalt  }
0x6c: {  	_ =	shalt  }
0x6d: {  	_ =	shalt  }
0x6e: {  	_ =	shalt  }
0x6f: {  	_ =	shalt  }
0x70: {  	_ =	shalt  }
0x71: {  	_ =	shalt  }
0x72: {  	_ =	shalt  }
0x73: {  	_ =	shalt  }
0x74: {  	_ =	shalt  }
0x75: {  	_ =	shalt  }
0x76: {  	_ =	shalt  }
0x77: {  	_ =	shalt  }
0x78: {  	_ =	shalt  }
0x79: {  	_ =	shalt  }
0x7a: {  	_ =	shalt  }
0x7b: {  	_ =	shalt  }
0x7c: {  	_ =	shalt  }
0x7d: {  	_ =	shalt  }
0x7e: {  	_ =	shalt  }
0x7f: {  	_ =	shalt  }
0x80: {  	_ =	shalt  }
0x81: {  	_ =	shalt  }
0x82: {  	_ =	shalt  }
0x83: {  	_ =	shalt  }
0x84: {  	_ =	shalt  }
0x85: {  	_ =	shalt  }
0x86: {  	_ =	shalt  }
0x87: {  	_ =	shalt  }
.Lfunc_end0:
.L_simem_size_0:
called_computation.2_lowered:
.L_overlay_start_0:
0x88: {  	s2 =	sld [smem:$0x3FD9]  }
0x89: {  	s3 =	sld [smem:$0x3FFE];
	_ =	sdelay $0x1  }
0x8a: {  	s1 =	srdreg.scid  }
0x8b: {  	s0 =	sand.u32 $0x1, s1  }
0x8c: {  	s16 =	sshll.u32 s0, $0xA;
	s2 =	sadd.s32 s3, s2  }
0x8d: {  	s2 =	sadd.s32 s2, s16  }
0x8e: {  	[smem:$0x3FB4] =	sst s2  }
0x8f: {  	_ = 	snop  }
0x90: {  	(tm) =	ssettm $0x1  }
0x91: {  	s17 =	sld [smem:$0x3FFB];
	_ =	sdelay $0x3  }
0x92: {  	_ =	strace s17  }
0x93: {  	s2 =	sld [smem:$0x3FFC];
	_ =	sdelay $0x3  }
0x94: {  	_ =	strace s2  }
0x95: {  	s2 =	sld [smem:$0x3FFD];
	_ =	sdelay $0x3  }
0x96: {  	_ =	strace s2  }
0x97: {  	_ =	strace $0x8FFFFFFF  }
0x98: {  	s18 =	sld [smem:$0x3FDB];
	_ =	sdelay $0x1  }
0x99: {  	s19 =	simm.s32 $_scs_section_size  }
0x9a: {  	s4 =	simm.s32 $_size__tile_overlayer_lowered;
	s5 =	simm.s32 $_tile_overlayer_lowered  }
0x9b: {  	s22 =	simm.s32 $0x1BFF;
	s21 =	sshll.u32 s5, $0x1;
	s2 =	sadd.s32 s19, s18  }
0x9c: {  	s6 =	simm.s32 $0x0;
	s20 =	sshll.u32 s4, $0x1;
	s4 =	sadd.s32 s21, s2  }
0x9d: {  	[timem:s6], [sflag:s22] =	dma.local [hbm:s4], s20  }
0x9e: {  	_ =	swait.ge [sflag:s22], s20  }
0x9f: {  	s3 =	ssub.s32 $0x0, s20;
	[sflag:s22] =	ssyncset.done $0x0  }
0xa0: {  	[sflag:s22] =	ssyncadd.s32 s3;
	_ =	sdelay $0x1  }
0xa1: {  	s23 =	simm.s32 $0x1B8B  }
0xa2: {  	_ =	swait.ge [sflag:s23], $0x1  }
0xa3: {  	[sflag:s23] =	ssyncset.done $0x0  }
0xa4: {  	s25 =	simm.s32 $0x1B8E;
	s24 =	sld [smem:$0x3FFE];
	[sflag:s23] =	ssyncadd.s32 $0xFFFFFFFF  }
0xa5: {  	s26 =	simm.s32 $execute0_lowered;
	[smem:$0x3FD2] =	sst s25  }
0xa6: {  	s4 =	sshll.u32 s26, $0x1;
	_ =	strace $0x8000004C;
	[dreg:$0x1] =	wrdreg $0xFFFFFFFF  }
0xa7: {  	s28 =	simm.s32 $_size_execute0_lowered;
	s2 =	sadd.s32 s2, s4;
	[dreg:$0x0] =	wrdreg $0x0  }
0xa8: {  	s4 =	sshll.u32 s28, $0x1;
	[dreg:$0x2] =	wrdreg s2  }
0xa9: {  	[dreg:$0x3] =	wrdreg s4  }
0xaa: {  	[dreg:$0x4] =	wrdreg $0xC0  }
0xab: {  	_ =	task [dreg:s6], $0x5FFFF  }
0xac: {  	[dreg:$0x1] =	wrdreg $0xFFFFFFFF  }
0xad: {  	[dreg:$0x0] =	wrdreg $0x60  }
0xae: {  	[dreg:$0x2] =	wrdreg s24  }
0xaf: {  	[dreg:$0x3] =	wrdreg $0xBC000  }
0xb0: {  	[dreg:$0x4] =	wrdreg $0x9  }
0xb1: {  	_ =	task.clear_ibuf [dreg:s6], $0x5FFFF;
	_ =	strace $0x9000004C  }
0xb2: {  	s29 =	simm.s32 $0x9;
	_ =	strace $0x8000004E  }
0xb3: {  	_ =	swait.ge [sflag:s29], $0x1  }
0xb4: {  	[sflag:s29] =	ssyncadd.s32 $0xFFFFFFFF  }
0xb5: {  	_ =	strace $0x9000004E  }
0xb6: {  	_ =	sfence  }
0xb7: {  	s30 =	sld [smem:$0x0];
	_ =	sdelay $0x2  }
0xb8: {  	s31 =	sshll.u32 s1, $0xD;
	s1 =	sshrl.u32 s1, $0x2  }
0xb9: {  	s3 =	sand.u32 $0x4000, s31;
	s1 =	sadd.s32 s1, s30  }
0xba: {  	s0 =	sor.u32 s3, s0;
	s1 =	sshll.u32 s1, $0x11  }
0xbb: {  	s0 =	sor.u32 s1, s0  }
0xbc: {  	s0 =	sadd.s32 $0x8F2B, s0  }
0xbd: {  	[sflag:s0] =	ssyncadd.remote.s32 $0x1  }
0xbe: {  	_ =	sfence.sel $0xFFFF  }
0xbf: {  	[dreg:$0x0] =	wrdreg $0xFFFFFFFF;
	(pc) =	sbr.abs _section_cstart, $3  }
0xc0: {  	[dreg:$0x1] =	wrdreg $0xFFFFFFFF  }
0xc1: {  	_ =	task.clear_ibuf [dreg:s6], $0x2FFFF;
	_ =	strace $0x9FFFFFFF  }
0xc2: {  	(tm) =	ssettm $0x7FFFFFFF  }
0xc3: {  	_ =	shalt  }
tec
execute0_lowered:
.L_overlay_start_1:
0x0: {  	(tag) =	ssettag $0x1  }
0x1: {  	s0 =	srdreg.scid  }
0x2: {  	s8 =	stileid.u32;
	s3 =	rddreg [dreg:$0x0]  }
0x3: {  	s2 =	rddreg [dreg:$0x1];
	s4 =	simm.s32 $0x0;
	s0 =	sand.u32 $0x1, s0  }
0x4: {  	[smem:$0x7FF] =	sst s4;
	s6 =	smul.u32 $0x14000, s8;
	s1 =	sshll.u32 s0, $0x4  }
0x5: {  	s5 =	smul.u32 $0x500000, s0;
	s0 =	ssub.s32 $0x2, s0;
	s1 =	sor.u32 s8, s1  }
0x6: {  	s4 =	sadd.s32 $0x8C200, s3;
	s7 =	sshrl.u32 s0, $0x1;
	s1 =	smul.u32 $0x280, s1  }
0x7: {  	_ =	strace $0x8000004D;
	s5 =	sadd.s32 s6, s5;
	s0 =	ssub.s32 s0, s7  }
0x8: {  	s6 =	sshrl.u32 s5, $0x3;
	s0 =	smax.u32 s0, $0x1;
	s1 =	sadd.s32 s1, s3  }
0x9: {  	s5 =	sadd.s32 $0x8BE00, s3;
	[dreg:$0x9] =	wrdreg s0;
	s12 =	sadd.s32 $0x9200, s1  }
0xa: {  	s3 =	sadd.s32 s6, s3;
	s1 =	sadd.s32 $0xE200, s1;
	[dreg:$0x3] =	wrdreg s12  }
0xb: {  	s8 =	smul.u32 $0x50000, s8;
	s14 =	sadd.s32 $0x1CC200, s3;
	[dreg:$0x4] =	wrdreg s1  }
0xc: {  	s15 =	sadd.s32 $0x1F4200, s3;
	[dreg:$0x5] =	wrdreg s14  }
0xd: {  	s13 =	sshrl.u32 s8, $0x2;
	s16 =	sadd.s32 $0x21C200, s3;
	[dreg:$0x6] =	wrdreg s15  }
0xe: {  	s8 =	sadd.s32 s13, s2;
	s17 =	sadd.s32 $0x244200, s3;
	[dreg:$0x7] =	wrdreg s16  }
0xf: {  	s18 =	sadd.s32 $0x2000, s8;
	[dreg:$0x8] =	wrdreg s17  }
0x10: {  	s19 =	sadd.s32 $0x4000, s8;
	[dreg:$0xa] =	wrdreg s18  }
0x11: {  	s20 =	sadd.s32 $0x6000, s8;
	[dreg:$0xb] =	wrdreg s19  }
0x12: {  	s28 =	simm.s32 $0x3C00;
	s21 =	sadd.s32 $0x8000, s8;
	[dreg:$0xc] =	wrdreg s20  }
0x13: {  	s29 =	simm.s32 $0x7C00;
	s22 =	sadd.s32 $0xA000, s8;
	[dreg:$0xd] =	wrdreg s21  }
0x14: {  	s30 =	simm.s32 $0x1;
	s23 =	sadd.s32 $0xC000, s8;
	[dreg:$0xe] =	wrdreg s22  }
0x15: {  	s31 =	simm.s32 $0x2;
	s24 =	sadd.s32 $0xE000, s8;
	[dreg:$0xf] =	wrdreg s23  }
0x16: {  	s0 =	simm.s32 $0x2780;
	s25 =	sadd.s32 $0x10000, s8;
	[dreg:$0x10] =	wrdreg s24  }
0x17: {  	s26 =	sadd.s32 $0x12000, s8;
	s3 =	simm.s32 $0x0;
	[dreg:$0x11] =	wrdreg s25  }
0x18: {  	[dreg:$0x12] =	wrdreg s26;
	s23 =	simm.s32 $0x3;
	s25 =	simm.s32 $0x80  }
0x19: {  	s26 =	simm.s32 $0x2800;
	s1 =	simm.s32 $0x3B80;
	s24 =	simm.s32 $0x2700  }
.LBB2_1:
0x1a: {  	s6 =	simm.s32 $0x0;
	s7 =	rddreg [dreg:$0x3]  }
0x1b: {  	[tilespmem:s6], [sflag:$0x3] =	stream.linear.gather [hbm4b:s7+s6], $0x1400, $0x38;
	[tilespmem:$0x1FC00] =	vst v63  }
0x1c: {  	_ =	swait.ge [sflag:s23], $0x1400  }
0x1d: {  	[sflag:s23] =	ssyncset.done $0x0  }
0x1e: {  	s9 =	simm.s32 $0x1400;
	s22 =	rddreg [dreg:$0x4];
	[sflag:s23] =	ssyncadd.s32 $0xFFFFEC00  }
0x1f: {  	[tilespmem:s9], [sflag:$0x3] =	stream.linear.gather [hbm4b:s22+s6], $0x1400, $0x38;
	[tilespmem:$0x1FC00] =	vst v63  }
0x20: {  	_ =	swait.ge [sflag:s23], $0x1400  }
0x21: {  	[sflag:s23] =	ssyncset.done $0x0  }
0x22: {  	s6 =	simm.s32 $0x0;
	[sflag:s23] =	ssyncadd.s32 $0xFFFFEC00  }
0x23: {  	s7 =	simm.s32 $0x40;
	v0 =	vld [tilespmem:s6+$0x0]  }
.LBB2_2:
0x24: {  	p0 =	seq.s32 s7, $0x4FC0  }
.Ltmp0:
0x25: {  	_ = 	snop;
	(pc) =	sbr.rel @!p0 .LBB2_2-.Ltmp0, $3  }
0x26: {  	_ =	sdelay $0x1  }
0x27: {  	s9 =	sshra.s32 s7, $0x2;
	s7 =	sadd.s32 $0x40, s7;
	v1 =	vshll.u32 v0, $0x2  }
0x28: {  	v0 =	vld [tilespmem:s9+$0x0];
	[tilespmem:s6+$0x2800] =	vst v1;
	s6 =	smov.u32 s9  }
0x29: {  	_ =	sdelay $0x3  }
0x2a: {  	s19 =	stileid.u32;
	v0 =	vshll.u32 v0, $0x2  }
0x2b: {  	[tilespmem:s6+$0x2800] =	vst v0;
	s6 =	sshll.u32 s19, $0x6  }
0x2c: {  	s7 =	sshrl.u32 s8, $0x3;
	s6 =	sor.u32 $0x1C03, s6  }
0x2d: {  	[spmem:s7], [sflag:s6] =	dma.local [hbm:s5], $0x400  }
0x2e: {  	_ =	swait.ge [sflag:s23], $0x400  }
0x2f: {  	[sflag:s23] =	ssyncset.done $0x0;
	s9 =	rddreg [dreg:$0xa]  }
0x30: {  	[sflag:s23] =	ssyncadd.s32 $0xFFFFFC00;
	s9 =	sshrl.u32 s9, $0x3  }
0x31: {  	[spmem:s9], [sflag:s6] =	dma.local [hbm:s5], $0x400  }
0x32: {  	_ =	swait.ge [sflag:s23], $0x400  }
0x33: {  	[sflag:s23] =	ssyncset.done $0x0;
	s10 =	rddreg [dreg:$0xb]  }
0x34: {  	[sflag:s23] =	ssyncadd.s32 $0xFFFFFC00;
	s10 =	sshrl.u32 s10, $0x3  }
0x35: {  	[spmem:s10], [sflag:s6] =	dma.local [hbm:s5], $0x400  }
0x36: {  	_ =	swait.ge [sflag:s23], $0x400  }
0x37: {  	[sflag:s23] =	ssyncset.done $0x0;
	s11 =	rddreg [dreg:$0xc]  }
0x38: {  	[sflag:s23] =	ssyncadd.s32 $0xFFFFFC00;
	s11 =	sshrl.u32 s11, $0x3  }
0x39: {  	[spmem:s11], [sflag:s6] =	dma.local [hbm:s5], $0x400  }
0x3a: {  	_ =	swait.ge [sflag:s23], $0x400  }
0x3b: {  	[sflag:s23] =	ssyncset.done $0x0;
	s12 =	rddreg [dreg:$0xd]  }
0x3c: {  	[sflag:s23] =	ssyncadd.s32 $0xFFFFFC00;
	s12 =	sshrl.u32 s12, $0x3  }
0x3d: {  	[spmem:s12], [sflag:s6] =	dma.local [hbm:s5], $0x400  }
0x3e: {  	_ =	swait.ge [sflag:s23], $0x400  }
0x3f: {  	[sflag:s23] =	ssyncset.done $0x0;
	s13 =	rddreg [dreg:$0xe]  }
0x40: {  	[sflag:s23] =	ssyncadd.s32 $0xFFFFFC00;
	s13 =	sshrl.u32 s13, $0x3  }
0x41: {  	[spmem:s13], [sflag:s6] =	dma.local [hbm:s5], $0x400  }
0x42: {  	_ =	swait.ge [sflag:s23], $0x400  }
0x43: {  	[sflag:s23] =	ssyncset.done $0x0;
	s14 =	rddreg [dreg:$0xf]  }
0x44: {  	[sflag:s23] =	ssyncadd.s32 $0xFFFFFC00;
	s14 =	sshrl.u32 s14, $0x3  }
0x45: {  	[spmem:s14], [sflag:s6] =	dma.local [hbm:s5], $0x400  }
0x46: {  	_ =	swait.ge [sflag:s23], $0x400  }
0x47: {  	[sflag:s23] =	ssyncset.done $0x0;
	s15 =	rddreg [dreg:$0x10]  }
0x48: {  	[sflag:s23] =	ssyncadd.s32 $0xFFFFFC00;
	s15 =	sshrl.u32 s15, $0x3  }
0x49: {  	[spmem:s15], [sflag:s6] =	dma.local [hbm:s5], $0x400  }
0x4a: {  	_ =	swait.ge [sflag:s23], $0x400  }
0x4b: {  	[sflag:s23] =	ssyncset.done $0x0;
	s16 =	rddreg [dreg:$0x11]  }
0x4c: {  	[sflag:s23] =	ssyncadd.s32 $0xFFFFFC00;
	s16 =	sshrl.u32 s16, $0x3  }
0x4d: {  	[spmem:s16], [sflag:s6] =	dma.local [hbm:s5], $0x400  }
0x4e: {  	_ =	swait.ge [sflag:s23], $0x400  }
0x4f: {  	[sflag:s23] =	ssyncset.done $0x0;
	s17 =	rddreg [dreg:$0x12]  }
0x50: {  	[sflag:s23] =	ssyncadd.s32 $0xFFFFFC00;
	s17 =	sshrl.u32 s17, $0x3  }
0x51: {  	[spmem:s17], [sflag:s6] =	dma.local [hbm:s5], $0x400  }
0x52: {  	_ =	swait.ge [sflag:s23], $0x400  }
0x53: {  	[sflag:s23] =	ssyncset.done $0x0  }
0x54: {  	[sflag:s23] =	ssyncadd.s32 $0xFFFFFC00  }
0x55: {  	[bflag:$0x0] =	sbarrier.arrive $0xFFFF  }
0x56: {  	[tilespmem:s28], [sflag:$0x1] =	stream.indirect.gather [hbm4b:s4+s25], $0x80, s26, s25, $0xb8;
	[tilespmem:$0x1FC00] =	vst v63  }
0x57: {  	s18 =	simm.s32 $0x2880  }
0x58: {  	[tilespmem:s29], [sflag:$0x2] =	stream.indirect.gather [hbm4b:s4+s25], $0x80, s18, s25, $0xb8;
	[tilespmem:$0x1FC00] =	vst v63  }
0x59: {  	_ =	swait.ge [sflag:s30], $0x4000  }
0x5a: {  	[sflag:s30] =	ssyncset.done $0x0  }
0x5b: {  	s20 =	simm.s32 $0x1400;
	[sflag:s30] =	ssyncadd.s32 $0xFFFFC000  }
0x5c: {  	[spmem:s2] =	stream.indirect.scatter.add.f32 [tilespmem:s28], [sflag:$0x3], $0x80, s20, s25, $0xb8;
	[tilespmem:$0x1FC00] =	vst v63  }
0x5d: {  	_ =	swait.ge [sflag:s23], $0x4000  }
0x5e: {  	[sflag:s23] =	ssyncset.done $0x0  }
0x5f: {  	s21 =	simm.s32 $0x2900;
	[sflag:s23] =	ssyncadd.s32 $0xFFFFC000  }
0x60: {  	[tilespmem:s28], [sflag:$0x1] =	stream.indirect.gather [hbm4b:s4+s25], $0x80, s21, s25, $0xb8;
	[tilespmem:$0x1FC00] =	vst v63  }
0x61: {  	_ =	swait.ge [sflag:s31], $0x4000  }
0x62: {  	[sflag:s31] =	ssyncset.done $0x0  }
0x63: {  	s22 =	simm.s32 $0x1480;
	[sflag:s31] =	ssyncadd.s32 $0xFFFFC000  }
0x64: {  	[spmem:s2] =	stream.indirect.scatter.add.f32 [tilespmem:s29], [sflag:$0x3], $0x80, s22, s25, $0xb8;
	[tilespmem:$0x1FC00] =	vst v63  }
0x65: {  	_ =	swait.ge [sflag:s23], $0x4000  }
0x66: {  	s19 =	simm.s32 $0x800;
	s18 =	simm.s32 $0x100;
	[sflag:s23] =	ssyncset.done $0x0  }
.LBB2_4:
0x67: {  	s20 =	sadd.s32 $0x2880, s18  }
0x68: {  	[sflag:s23] =	ssyncadd.s32 $0xFFFFC000;
	s21 =	smov.u32 s19;
	s22 =	sadd.s32 $0x400, s19  }
0x69: {  	[tilespmem:s29], [sflag:$0x2] =	stream.indirect.gather [hbm4b:s4+s25], $0x80, s20, s25, $0xb8;
	[tilespmem:$0x1FC00] =	vst v63  }
0x6a: {  	p0 =	sne.s32 s19, $0x4800;
	_ =	swait.ge [sflag:s30], $0x4000  }
0x6b: {  	[sflag:s30] =	ssyncset.done $0x0  }
0x6c: {  	s19 =	sadd.s32 $0x1400, s18;
	[sflag:s30] =	ssyncadd.s32 $0xFFFFC000  }
0x6d: {  	[spmem:s2] =	stream.indirect.scatter.add.f32 [tilespmem:s28], [sflag:$0x3], $0x80, s19, s25, $0xb8;
	[tilespmem:$0x1FC00] =	vst v63  }
0x6e: {  	_ =	swait.ge [sflag:s23], $0x4000  }
0x6f: {  	[sflag:s23] =	ssyncset.done $0x0  }
0x70: {  	s19 =	sadd.s32 $0x2900, s18;
	[sflag:s23] =	ssyncadd.s32 $0xFFFFC000  }
0x71: {  	[tilespmem:s28], [sflag:$0x1] =	stream.indirect.gather [hbm4b:s4+s25], $0x80, s19, s25, $0xb8;
	[tilespmem:$0x1FC00] =	vst v63  }
0x72: {  	_ =	swait.ge [sflag:s31], $0x4000  }
.Ltmp1:
0x73: {  	[sflag:s31] =	ssyncset.done $0x0;
	(pc) =	sbr.rel @p0 .LBB2_4-.Ltmp1, $4  }
0x74: {  	s18 =	sadd.s32 $0x1480, s18;
	[sflag:s31] =	ssyncadd.s32 $0xFFFFC000  }
0x75: {  	[spmem:s2] =	stream.indirect.scatter.add.f32 [tilespmem:s29], [sflag:$0x3], $0x80, s18, s25, $0xb8;
	[tilespmem:$0x1FC00] =	vst v63  }
0x76: {  	_ =	swait.ge [sflag:s23], $0x4000  }
0x77: {  	s19 =	smov.u32 s22;
	s18 =	sshra.s32 s21, $0x2;
	[sflag:s23] =	ssyncset.done $0x0  }
0x78: {  	s19 =	sadd.s32 $0x2880, s18;
	[sflag:s23] =	ssyncadd.s32 $0xFFFFC000  }
0x79: {  	[tilespmem:s29], [sflag:$0x2] =	stream.indirect.gather [hbm4b:s4+s25], $0x80, s19, s25, $0xb8;
	[tilespmem:$0x1FC00] =	vst v63  }
0x7a: {  	_ =	swait.ge [sflag:s30], $0x4000  }
0x7b: {  	[sflag:s30] =	ssyncset.done $0x0  }
0x7c: {  	s22 =	sadd.s32 $0x1400, s18;
	[sflag:s30] =	ssyncadd.s32 $0xFFFFC000  }
0x7d: {  	[spmem:s2] =	stream.indirect.scatter.add.f32 [tilespmem:s28], [sflag:$0x3], $0x80, s22, s25, $0xb8;
	[tilespmem:$0x1FC00] =	vst v63  }
0x7e: {  	_ =	swait.ge [sflag:s23], $0x4000  }
0x7f: {  	[sflag:s23] =	ssyncset.done $0x0  }
0x80: {  	s20 =	sadd.s32 $0x2900, s18;
	[sflag:s23] =	ssyncadd.s32 $0xFFFFC000  }
0x81: {  	[tilespmem:s28], [sflag:$0x1] =	stream.indirect.gather [hbm4b:s4+s25], $0x80, s20, s25, $0xb8;
	[tilespmem:$0x1FC00] =	vst v63  }
0x82: {  	_ =	swait.ge [sflag:s31], $0x4000  }
0x83: {  	[sflag:s31] =	ssyncset.done $0x0  }
0x84: {  	s21 =	sadd.s32 $0x1480, s18;
	[sflag:s31] =	ssyncadd.s32 $0xFFFFC000  }
0x85: {  	[spmem:s2] =	stream.indirect.scatter.add.f32 [tilespmem:s29], [sflag:$0x3], $0x80, s21, s25, $0xb8;
	[tilespmem:$0x1FC00] =	vst v63  }
0x86: {  	_ =	swait.ge [sflag:s23], $0x4000  }
0x87: {  	[sflag:s23] =	ssyncset.done $0x0  }
0x88: {  	[sflag:s23] =	ssyncadd.s32 $0xFFFFC000  }
0x89: {  	[tilespmem:s29], [sflag:$0x2] =	stream.indirect.gather [hbm4b:s4+s25], $0x80, s1, s25, $0xb8;
	[tilespmem:$0x1FC00] =	vst v63  }
0x8a: {  	_ =	swait.ge [sflag:s30], $0x4000  }
0x8b: {  	[sflag:s30] =	ssyncset.done $0x0  }
0x8c: {  	[sflag:s30] =	ssyncadd.s32 $0xFFFFC000  }
0x8d: {  	[spmem:s2] =	stream.indirect.scatter.add.f32 [tilespmem:s28], [sflag:$0x3], $0x80, s24, s25, $0xb8;
	[tilespmem:$0x1FC00] =	vst v63  }
0x8e: {  	_ =	swait.ge [sflag:s23], $0x4000  }
0x8f: {  	[sflag:s23] =	ssyncset.done $0x0  }
0x90: {  	[sflag:s23] =	ssyncadd.s32 $0xFFFFC000  }
0x91: {  	_ =	swait.ge [sflag:s31], $0x4000  }
0x92: {  	[sflag:s31] =	ssyncset.done $0x0  }
0x93: {  	[sflag:s31] =	ssyncadd.s32 $0xFFFFC000  }
0x94: {  	[spmem:s2] =	stream.indirect.scatter.add.f32 [tilespmem:s29], [sflag:$0x3], $0x80, s0, s25, $0xb8;
	[tilespmem:$0x1FC00] =	vst v63  }
0x95: {  	_ =	swait.ge [sflag:s23], $0x4000  }
0x96: {  	[sflag:s23] =	ssyncset.done $0x0  }
0x97: {  	[sflag:s23] =	ssyncadd.s32 $0xFFFFC000  }
0x98: {  	[bflag:$0x0] =	sbarrier.arrive $0xFFFF  }
0x99: {  	s22 =	rddreg [dreg:$0x5]  }
0x9a: {  	[hbm:s22], [sflag:s6] =	dma.local [spmem:s7], $0x2800  }
0x9b: {  	_ =	swait.ge [sflag:s23], $0x2800  }
0x9c: {  	[sflag:s23] =	ssyncset.done $0x0  }
0x9d: {  	s18 =	simm.s32 $0x0;
	[sflag:s23] =	ssyncadd.s32 $0xFFFFD800  }
0x9e: {  	v0 =	vld [tilespmem:s18+$0x0]  }
0x9f: {  	s19 =	simm.s32 $0x40  }
.LBB2_6:
0xa0: {  	p0 =	sne.s32 s19, $0x4FC0  }
.Ltmp2:
0xa1: {  	_ = 	snop;
	(pc) =	sbr.rel @p0 .LBB2_6-.Ltmp2, $4  }
0xa2: {  	_ = 	snop  }
0xa3: {  	s20 =	sshra.s32 s19, $0x2;
	s19 =	sadd.s32 $0x40, s19;
	v1 =	vshll.u32 v0, $0x2  }
0xa4: {  	v0 =	vld [tilespmem:s20+$0x0];
	v1 =	vor.u32 $0x1, v1  }
0xa5: {  	[tilespmem:s18+$0x2800] =	vst v1;
	s18 =	smov.u32 s20  }
0xa6: {  	_ =	sdelay $0x2  }
0xa7: {  	v0 =	vshll.u32 v0, $0x2  }
0xa8: {  	v0 =	vor.u32 $0x1, v0  }
0xa9: {  	[tilespmem:s18+$0x2800] =	vst v0  }
0xaa: {  	[spmem:s7], [sflag:s6] =	dma.local [hbm:s5], $0x400  }
0xab: {  	_ =	swait.ge [sflag:s23], $0x400  }
0xac: {  	[sflag:s23] =	ssyncset.done $0x0  }
0xad: {  	[sflag:s23] =	ssyncadd.s32 $0xFFFFFC00  }
0xae: {  	[spmem:s9], [sflag:s6] =	dma.local [hbm:s5], $0x400  }
0xaf: {  	_ =	swait.ge [sflag:s23], $0x400  }
0xb0: {  	[sflag:s23] =	ssyncset.done $0x0  }
0xb1: {  	[sflag:s23] =	ssyncadd.s32 $0xFFFFFC00  }
0xb2: {  	[spmem:s10], [sflag:s6] =	dma.local [hbm:s5], $0x400  }
0xb3: {  	_ =	swait.ge [sflag:s23], $0x400  }
0xb4: {  	[sflag:s23] =	ssyncset.done $0x0  }
0xb5: {  	[sflag:s23] =	ssyncadd.s32 $0xFFFFFC00  }
0xb6: {  	[spmem:s11], [sflag:s6] =	dma.local [hbm:s5], $0x400  }
0xb7: {  	_ =	swait.ge [sflag:s23], $0x400  }
0xb8: {  	[sflag:s23] =	ssyncset.done $0x0  }
0xb9: {  	[sflag:s23] =	ssyncadd.s32 $0xFFFFFC00  }
0xba: {  	[spmem:s12], [sflag:s6] =	dma.local [hbm:s5], $0x400  }
0xbb: {  	_ =	swait.ge [sflag:s23], $0x400  }
0xbc: {  	[sflag:s23] =	ssyncset.done $0x0  }
0xbd: {  	[sflag:s23] =	ssyncadd.s32 $0xFFFFFC00  }
0xbe: {  	[spmem:s13], [sflag:s6] =	dma.local [hbm:s5], $0x400  }
0xbf: {  	_ =	swait.ge [sflag:s23], $0x400  }
0xc0: {  	[sflag:s23] =	ssyncset.done $0x0  }
0xc1: {  	[sflag:s23] =	ssyncadd.s32 $0xFFFFFC00  }
0xc2: {  	[spmem:s14], [sflag:s6] =	dma.local [hbm:s5], $0x400  }
0xc3: {  	_ =	swait.ge [sflag:s23], $0x400  }
0xc4: {  	[sflag:s23] =	ssyncset.done $0x0  }
0xc5: {  	[sflag:s23] =	ssyncadd.s32 $0xFFFFFC00  }
0xc6: {  	[spmem:s15], [sflag:s6] =	dma.local [hbm:s5], $0x400  }
0xc7: {  	_ =	swait.ge [sflag:s23], $0x400  }
0xc8: {  	[sflag:s23] =	ssyncset.done $0x0  }
0xc9: {  	[sflag:s23] =	ssyncadd.s32 $0xFFFFFC00  }
0xca: {  	[spmem:s16], [sflag:s6] =	dma.local [hbm:s5], $0x400  }
0xcb: {  	_ =	swait.ge [sflag:s23], $0x400  }
0xcc: {  	[sflag:s23] =	ssyncset.done $0x0  }
0xcd: {  	[sflag:s23] =	ssyncadd.s32 $0xFFFFFC00  }
0xce: {  	[spmem:s17], [sflag:s6] =	dma.local [hbm:s5], $0x400  }
0xcf: {  	_ =	swait.ge [sflag:s23], $0x400  }
0xd0: {  	[sflag:s23] =	ssyncset.done $0x0  }
0xd1: {  	[sflag:s23] =	ssyncadd.s32 $0xFFFFFC00  }
0xd2: {  	[bflag:$0x0] =	sbarrier.arrive $0xFFFF  }
0xd3: {  	[tilespmem:s28], [sflag:$0x1] =	stream.indirect.gather [hbm4b:s4+s25], $0x80, s26, s25, $0xb8;
	[tilespmem:$0x1FC00] =	vst v63  }
0xd4: {  	s19 =	simm.s32 $0x2880  }
0xd5: {  	[tilespmem:s29], [sflag:$0x2] =	stream.indirect.gather [hbm4b:s4+s25], $0x80, s19, s25, $0xb8;
	[tilespmem:$0x1FC00] =	vst v63  }
0xd6: {  	_ =	swait.ge [sflag:s30], $0x4000  }
0xd7: {  	[sflag:s30] =	ssyncset.done $0x0  }
0xd8: {  	s20 =	simm.s32 $0x1400;
	[sflag:s30] =	ssyncadd.s32 $0xFFFFC000  }
0xd9: {  	[spmem:s2] =	stream.indirect.scatter.add.f32 [tilespmem:s28], [sflag:$0x3], $0x80, s20, s25, $0xb8;
	[tilespmem:$0x1FC00] =	vst v63  }
0xda: {  	_ =	swait.ge [sflag:s23], $0x4000  }
0xdb: {  	[sflag:s23] =	ssyncset.done $0x0  }
0xdc: {  	s21 =	simm.s32 $0x2900;
	[sflag:s23] =	ssyncadd.s32 $0xFFFFC000  }
0xdd: {  	[tilespmem:s28], [sflag:$0x1] =	stream.indirect.gather [hbm4b:s4+s25], $0x80, s21, s25, $0xb8;
	[tilespmem:$0x1FC00] =	vst v63  }
0xde: {  	_ =	swait.ge [sflag:s31], $0x4000  }
0xdf: {  	[sflag:s31] =	ssyncset.done $0x0  }
0xe0: {  	s22 =	simm.s32 $0x1480;
	[sflag:s31] =	ssyncadd.s32 $0xFFFFC000  }
0xe1: {  	[spmem:s2] =	stream.indirect.scatter.add.f32 [tilespmem:s29], [sflag:$0x3], $0x80, s22, s25, $0xb8;
	[tilespmem:$0x1FC00] =	vst v63  }
0xe2: {  	_ =	swait.ge [sflag:s23], $0x4000  }
0xe3: {  	s18 =	simm.s32 $0x100;
	s19 =	simm.s32 $0x800;
	[sflag:s23] =	ssyncset.done $0x0  }
.LBB2_8:
0xe4: {  	s20 =	sadd.s32 $0x2880, s18  }
0xe5: {  	[sflag:s23] =	ssyncadd.s32 $0xFFFFC000;
	s21 =	smov.u32 s19;
	s22 =	sadd.s32 $0x400, s19  }
0xe6: {  	[tilespmem:s29], [sflag:$0x2] =	stream.indirect.gather [hbm4b:s4+s25], $0x80, s20, s25, $0xb8;
	[tilespmem:$0x1FC00] =	vst v63  }
0xe7: {  	p0 =	sne.s32 s19, $0x4800;
	_ =	swait.ge [sflag:s30], $0x4000  }
0xe8: {  	[sflag:s30] =	ssyncset.done $0x0  }
0xe9: {  	s19 =	sadd.s32 $0x1400, s18;
	[sflag:s30] =	ssyncadd.s32 $0xFFFFC000  }
0xea: {  	[spmem:s2] =	stream.indirect.scatter.add.f32 [tilespmem:s28], [sflag:$0x3], $0x80, s19, s25, $0xb8;
	[tilespmem:$0x1FC00] =	vst v63  }
0xeb: {  	_ =	swait.ge [sflag:s23], $0x4000  }
0xec: {  	[sflag:s23] =	ssyncset.done $0x0  }
0xed: {  	s19 =	sadd.s32 $0x2900, s18;
	[sflag:s23] =	ssyncadd.s32 $0xFFFFC000  }
0xee: {  	[tilespmem:s28], [sflag:$0x1] =	stream.indirect.gather [hbm4b:s4+s25], $0x80, s19, s25, $0xb8;
	[tilespmem:$0x1FC00] =	vst v63  }
0xef: {  	_ =	swait.ge [sflag:s31], $0x4000  }
.Ltmp3:
0xf0: {  	[sflag:s31] =	ssyncset.done $0x0;
	(pc) =	sbr.rel @p0 .LBB2_8-.Ltmp3, $4  }
0xf1: {  	s18 =	sadd.s32 $0x1480, s18;
	[sflag:s31] =	ssyncadd.s32 $0xFFFFC000  }
0xf2: {  	[spmem:s2] =	stream.indirect.scatter.add.f32 [tilespmem:s29], [sflag:$0x3], $0x80, s18, s25, $0xb8;
	[tilespmem:$0x1FC00] =	vst v63  }
0xf3: {  	_ =	swait.ge [sflag:s23], $0x4000  }
0xf4: {  	s19 =	smov.u32 s22;
	s18 =	sshra.s32 s21, $0x2;
	[sflag:s23] =	ssyncset.done $0x0  }
0xf5: {  	s19 =	sadd.s32 $0x2880, s18;
	[sflag:s23] =	ssyncadd.s32 $0xFFFFC000  }
0xf6: {  	[tilespmem:s29], [sflag:$0x2] =	stream.indirect.gather [hbm4b:s4+s25], $0x80, s19, s25, $0xb8;
	[tilespmem:$0x1FC00] =	vst v63  }
0xf7: {  	_ =	swait.ge [sflag:s30], $0x4000  }
0xf8: {  	[sflag:s30] =	ssyncset.done $0x0  }
0xf9: {  	s22 =	sadd.s32 $0x1400, s18;
	[sflag:s30] =	ssyncadd.s32 $0xFFFFC000  }
0xfa: {  	[spmem:s2] =	stream.indirect.scatter.add.f32 [tilespmem:s28], [sflag:$0x3], $0x80, s22, s25, $0xb8;
	[tilespmem:$0x1FC00] =	vst v63  }
0xfb: {  	_ =	swait.ge [sflag:s23], $0x4000  }
0xfc: {  	[sflag:s23] =	ssyncset.done $0x0  }
0xfd: {  	s20 =	sadd.s32 $0x2900, s18;
	[sflag:s23] =	ssyncadd.s32 $0xFFFFC000  }
0xfe: {  	[tilespmem:s28], [sflag:$0x1] =	stream.indirect.gather [hbm4b:s4+s25], $0x80, s20, s25, $0xb8;
	[tilespmem:$0x1FC00] =	vst v63  }
0xff: {  	_ =	swait.ge [sflag:s31], $0x4000  }
0x100: {  	[sflag:s31] =	ssyncset.done $0x0  }
0x101: {  	s21 =	sadd.s32 $0x1480, s18;
	[sflag:s31] =	ssyncadd.s32 $0xFFFFC000  }
0x102: {  	[spmem:s2] =	stream.indirect.scatter.add.f32 [tilespmem:s29], [sflag:$0x3], $0x80, s21, s25, $0xb8;
	[tilespmem:$0x1FC00] =	vst v63  }
0x103: {  	_ =	swait.ge [sflag:s23], $0x4000  }
0x104: {  	[sflag:s23] =	ssyncset.done $0x0  }
0x105: {  	[sflag:s23] =	ssyncadd.s32 $0xFFFFC000  }
0x106: {  	[tilespmem:s29], [sflag:$0x2] =	stream.indirect.gather [hbm4b:s4+s25], $0x80, s1, s25, $0xb8;
	[tilespmem:$0x1FC00] =	vst v63  }
0x107: {  	_ =	swait.ge [sflag:s30], $0x4000  }
0x108: {  	[sflag:s30] =	ssyncset.done $0x0  }
0x109: {  	[sflag:s30] =	ssyncadd.s32 $0xFFFFC000  }
0x10a: {  	[spmem:s2] =	stream.indirect.scatter.add.f32 [tilespmem:s28], [sflag:$0x3], $0x80, s24, s25, $0xb8;
	[tilespmem:$0x1FC00] =	vst v63  }
0x10b: {  	_ =	swait.ge [sflag:s23], $0x4000  }
0x10c: {  	[sflag:s23] =	ssyncset.done $0x0  }
0x10d: {  	[sflag:s23] =	ssyncadd.s32 $0xFFFFC000  }
0x10e: {  	_ =	swait.ge [sflag:s31], $0x4000  }
0x10f: {  	[sflag:s31] =	ssyncset.done $0x0  }
0x110: {  	[sflag:s31] =	ssyncadd.s32 $0xFFFFC000  }
0x111: {  	[spmem:s2] =	stream.indirect.scatter.add.f32 [tilespmem:s29], [sflag:$0x3], $0x80, s0, s25, $0xb8;
	[tilespmem:$0x1FC00] =	vst v63  }
0x112: {  	_ =	swait.ge [sflag:s23], $0x4000  }
0x113: {  	[sflag:s23] =	ssyncset.done $0x0  }
0x114: {  	[sflag:s23] =	ssyncadd.s32 $0xFFFFC000  }
0x115: {  	[bflag:$0x0] =	sbarrier.arrive $0xFFFF  }
0x116: {  	s22 =	rddreg [dreg:$0x6]  }
0x117: {  	[hbm:s22], [sflag:s6] =	dma.local [spmem:s7], $0x2800  }
0x118: {  	_ =	swait.ge [sflag:s23], $0x2800  }
0x119: {  	[sflag:s23] =	ssyncset.done $0x0  }
0x11a: {  	s18 =	simm.s32 $0x0;
	[sflag:s23] =	ssyncadd.s32 $0xFFFFD800  }
0x11b: {  	v0 =	vld [tilespmem:s18+$0x0]  }
0x11c: {  	s19 =	simm.s32 $0x40  }
.LBB2_10:
0x11d: {  	p0 =	sne.s32 s19, $0x4FC0  }
.Ltmp4:
0x11e: {  	_ = 	snop;
	(pc) =	sbr.rel @p0 .LBB2_10-.Ltmp4, $4  }
0x11f: {  	_ = 	snop  }
0x120: {  	s20 =	sshra.s32 s19, $0x2;
	s19 =	sadd.s32 $0x40, s19;
	v1 =	vshll.u32 v0, $0x2  }
0x121: {  	v0 =	vld [tilespmem:s20+$0x0];
	v1 =	vor.u32 $0x2, v1  }
0x122: {  	[tilespmem:s18+$0x2800] =	vst v1;
	s18 =	smov.u32 s20  }
0x123: {  	_ =	sdelay $0x2  }
0x124: {  	v0 =	vshll.u32 v0, $0x2  }
0x125: {  	v0 =	vor.u32 $0x2, v0  }
0x126: {  	[tilespmem:s18+$0x2800] =	vst v0  }
0x127: {  	[spmem:s7], [sflag:s6] =	dma.local [hbm:s5], $0x400  }
0x128: {  	_ =	swait.ge [sflag:s23], $0x400  }
0x129: {  	[sflag:s23] =	ssyncset.done $0x0  }
0x12a: {  	[sflag:s23] =	ssyncadd.s32 $0xFFFFFC00  }
0x12b: {  	[spmem:s9], [sflag:s6] =	dma.local [hbm:s5], $0x400  }
0x12c: {  	_ =	swait.ge [sflag:s23], $0x400  }
0x12d: {  	[sflag:s23] =	ssyncset.done $0x0  }
0x12e: {  	[sflag:s23] =	ssyncadd.s32 $0xFFFFFC00  }
0x12f: {  	[spmem:s10], [sflag:s6] =	dma.local [hbm:s5], $0x400  }
0x130: {  	_ =	swait.ge [sflag:s23], $0x400  }
0x131: {  	[sflag:s23] =	ssyncset.done $0x0  }
0x132: {  	[sflag:s23] =	ssyncadd.s32 $0xFFFFFC00  }
0x133: {  	[spmem:s11], [sflag:s6] =	dma.local [hbm:s5], $0x400  }
0x134: {  	_ =	swait.ge [sflag:s23], $0x400  }
0x135: {  	[sflag:s23] =	ssyncset.done $0x0  }
0x136: {  	[sflag:s23] =	ssyncadd.s32 $0xFFFFFC00  }
0x137: {  	[spmem:s12], [sflag:s6] =	dma.local [hbm:s5], $0x400  }
0x138: {  	_ =	swait.ge [sflag:s23], $0x400  }
0x139: {  	[sflag:s23] =	ssyncset.done $0x0  }
0x13a: {  	[sflag:s23] =	ssyncadd.s32 $0xFFFFFC00  }
0x13b: {  	[spmem:s13], [sflag:s6] =	dma.local [hbm:s5], $0x400  }
0x13c: {  	_ =	swait.ge [sflag:s23], $0x400  }
0x13d: {  	[sflag:s23] =	ssyncset.done $0x0  }
0x13e: {  	[sflag:s23] =	ssyncadd.s32 $0xFFFFFC00  }
0x13f: {  	[spmem:s14], [sflag:s6] =	dma.local [hbm:s5], $0x400  }
0x140: {  	_ =	swait.ge [sflag:s23], $0x400  }
0x141: {  	[sflag:s23] =	ssyncset.done $0x0  }
0x142: {  	[sflag:s23] =	ssyncadd.s32 $0xFFFFFC00  }
0x143: {  	[spmem:s15], [sflag:s6] =	dma.local [hbm:s5], $0x400  }
0x144: {  	_ =	swait.ge [sflag:s23], $0x400  }
0x145: {  	[sflag:s23] =	ssyncset.done $0x0  }
0x146: {  	[sflag:s23] =	ssyncadd.s32 $0xFFFFFC00  }
0x147: {  	[spmem:s16], [sflag:s6] =	dma.local [hbm:s5], $0x400  }
0x148: {  	_ =	swait.ge [sflag:s23], $0x400  }
0x149: {  	[sflag:s23] =	ssyncset.done $0x0  }
0x14a: {  	[sflag:s23] =	ssyncadd.s32 $0xFFFFFC00  }
0x14b: {  	[spmem:s17], [sflag:s6] =	dma.local [hbm:s5], $0x400  }
0x14c: {  	_ =	swait.ge [sflag:s23], $0x400  }
0x14d: {  	[sflag:s23] =	ssyncset.done $0x0  }
0x14e: {  	[sflag:s23] =	ssyncadd.s32 $0xFFFFFC00  }
0x14f: {  	[bflag:$0x0] =	sbarrier.arrive $0xFFFF  }
0x150: {  	[tilespmem:s28], [sflag:$0x1] =	stream.indirect.gather [hbm4b:s4+s25], $0x80, s26, s25, $0xb8;
	[tilespmem:$0x1FC00] =	vst v63  }
0x151: {  	s19 =	simm.s32 $0x2880  }
0x152: {  	[tilespmem:s29], [sflag:$0x2] =	stream.indirect.gather [hbm4b:s4+s25], $0x80, s19, s25, $0xb8;
	[tilespmem:$0x1FC00] =	vst v63  }
0x153: {  	_ =	swait.ge [sflag:s30], $0x4000  }
0x154: {  	[sflag:s30] =	ssyncset.done $0x0  }
0x155: {  	s20 =	simm.s32 $0x1400;
	[sflag:s30] =	ssyncadd.s32 $0xFFFFC000  }
0x156: {  	[spmem:s2] =	stream.indirect.scatter.add.f32 [tilespmem:s28], [sflag:$0x3], $0x80, s20, s25, $0xb8;
	[tilespmem:$0x1FC00] =	vst v63  }
0x157: {  	_ =	swait.ge [sflag:s23], $0x4000  }
0x158: {  	[sflag:s23] =	ssyncset.done $0x0  }
0x159: {  	s21 =	simm.s32 $0x2900;
	[sflag:s23] =	ssyncadd.s32 $0xFFFFC000  }
0x15a: {  	[tilespmem:s28], [sflag:$0x1] =	stream.indirect.gather [hbm4b:s4+s25], $0x80, s21, s25, $0xb8;
	[tilespmem:$0x1FC00] =	vst v63  }
0x15b: {  	_ =	swait.ge [sflag:s31], $0x4000  }
0x15c: {  	[sflag:s31] =	ssyncset.done $0x0  }
0x15d: {  	s22 =	simm.s32 $0x1480;
	[sflag:s31] =	ssyncadd.s32 $0xFFFFC000  }
0x15e: {  	[spmem:s2] =	stream.indirect.scatter.add.f32 [tilespmem:s29], [sflag:$0x3], $0x80, s22, s25, $0xb8;
	[tilespmem:$0x1FC00] =	vst v63  }
0x15f: {  	_ =	swait.ge [sflag:s23], $0x4000  }
0x160: {  	s18 =	simm.s32 $0x100;
	s19 =	simm.s32 $0x800;
	[sflag:s23] =	ssyncset.done $0x0  }
.LBB2_12:
0x161: {  	s20 =	sadd.s32 $0x2880, s18  }
0x162: {  	[sflag:s23] =	ssyncadd.s32 $0xFFFFC000;
	s21 =	smov.u32 s19;
	s22 =	sadd.s32 $0x400, s19  }
0x163: {  	[tilespmem:s29], [sflag:$0x2] =	stream.indirect.gather [hbm4b:s4+s25], $0x80, s20, s25, $0xb8;
	[tilespmem:$0x1FC00] =	vst v63  }
0x164: {  	p0 =	sne.s32 s19, $0x4800;
	_ =	swait.ge [sflag:s30], $0x4000  }
0x165: {  	[sflag:s30] =	ssyncset.done $0x0  }
0x166: {  	s19 =	sadd.s32 $0x1400, s18;
	[sflag:s30] =	ssyncadd.s32 $0xFFFFC000  }
0x167: {  	[spmem:s2] =	stream.indirect.scatter.add.f32 [tilespmem:s28], [sflag:$0x3], $0x80, s19, s25, $0xb8;
	[tilespmem:$0x1FC00] =	vst v63  }
0x168: {  	_ =	swait.ge [sflag:s23], $0x4000  }
0x169: {  	[sflag:s23] =	ssyncset.done $0x0  }
0x16a: {  	s19 =	sadd.s32 $0x2900, s18;
	[sflag:s23] =	ssyncadd.s32 $0xFFFFC000  }
0x16b: {  	[tilespmem:s28], [sflag:$0x1] =	stream.indirect.gather [hbm4b:s4+s25], $0x80, s19, s25, $0xb8;
	[tilespmem:$0x1FC00] =	vst v63  }
0x16c: {  	_ =	swait.ge [sflag:s31], $0x4000  }
.Ltmp5:
0x16d: {  	[sflag:s31] =	ssyncset.done $0x0;
	(pc) =	sbr.rel @p0 .LBB2_12-.Ltmp5, $4  }
0x16e: {  	s18 =	sadd.s32 $0x1480, s18;
	[sflag:s31] =	ssyncadd.s32 $0xFFFFC000  }
0x16f: {  	[spmem:s2] =	stream.indirect.scatter.add.f32 [tilespmem:s29], [sflag:$0x3], $0x80, s18, s25, $0xb8;
	[tilespmem:$0x1FC00] =	vst v63  }
0x170: {  	_ =	swait.ge [sflag:s23], $0x4000  }
0x171: {  	s19 =	smov.u32 s22;
	s18 =	sshra.s32 s21, $0x2;
	[sflag:s23] =	ssyncset.done $0x0  }
0x172: {  	s19 =	sadd.s32 $0x2880, s18;
	[sflag:s23] =	ssyncadd.s32 $0xFFFFC000  }
0x173: {  	[tilespmem:s29], [sflag:$0x2] =	stream.indirect.gather [hbm4b:s4+s25], $0x80, s19, s25, $0xb8;
	[tilespmem:$0x1FC00] =	vst v63  }
0x174: {  	_ =	swait.ge [sflag:s30], $0x4000  }
0x175: {  	[sflag:s30] =	ssyncset.done $0x0  }
0x176: {  	s22 =	sadd.s32 $0x1400, s18;
	[sflag:s30] =	ssyncadd.s32 $0xFFFFC000  }
0x177: {  	[spmem:s2] =	stream.indirect.scatter.add.f32 [tilespmem:s28], [sflag:$0x3], $0x80, s22, s25, $0xb8;
	[tilespmem:$0x1FC00] =	vst v63  }
0x178: {  	_ =	swait.ge [sflag:s23], $0x4000  }
0x179: {  	[sflag:s23] =	ssyncset.done $0x0  }
0x17a: {  	s20 =	sadd.s32 $0x2900, s18;
	[sflag:s23] =	ssyncadd.s32 $0xFFFFC000  }
0x17b: {  	[tilespmem:s28], [sflag:$0x1] =	stream.indirect.gather [hbm4b:s4+s25], $0x80, s20, s25, $0xb8;
	[tilespmem:$0x1FC00] =	vst v63  }
0x17c: {  	_ =	swait.ge [sflag:s31], $0x4000  }
0x17d: {  	[sflag:s31] =	ssyncset.done $0x0  }
0x17e: {  	s21 =	sadd.s32 $0x1480, s18;
	[sflag:s31] =	ssyncadd.s32 $0xFFFFC000  }
0x17f: {  	[spmem:s2] =	stream.indirect.scatter.add.f32 [tilespmem:s29], [sflag:$0x3], $0x80, s21, s25, $0xb8;
	[tilespmem:$0x1FC00] =	vst v63  }
0x180: {  	_ =	swait.ge [sflag:s23], $0x4000  }
0x181: {  	[sflag:s23] =	ssyncset.done $0x0  }
0x182: {  	[sflag:s23] =	ssyncadd.s32 $0xFFFFC000  }
0x183: {  	[tilespmem:s29], [sflag:$0x2] =	stream.indirect.gather [hbm4b:s4+s25], $0x80, s1, s25, $0xb8;
	[tilespmem:$0x1FC00] =	vst v63  }
0x184: {  	_ =	swait.ge [sflag:s30], $0x4000  }
0x185: {  	[sflag:s30] =	ssyncset.done $0x0  }
0x186: {  	[sflag:s30] =	ssyncadd.s32 $0xFFFFC000  }
0x187: {  	[spmem:s2] =	stream.indirect.scatter.add.f32 [tilespmem:s28], [sflag:$0x3], $0x80, s24, s25, $0xb8;
	[tilespmem:$0x1FC00] =	vst v63  }
0x188: {  	_ =	swait.ge [sflag:s23], $0x4000  }
0x189: {  	[sflag:s23] =	ssyncset.done $0x0  }
0x18a: {  	[sflag:s23] =	ssyncadd.s32 $0xFFFFC000  }
0x18b: {  	_ =	swait.ge [sflag:s31], $0x4000  }
0x18c: {  	[sflag:s31] =	ssyncset.done $0x0  }
0x18d: {  	[sflag:s31] =	ssyncadd.s32 $0xFFFFC000  }
0x18e: {  	[spmem:s2] =	stream.indirect.scatter.add.f32 [tilespmem:s29], [sflag:$0x3], $0x80, s0, s25, $0xb8;
	[tilespmem:$0x1FC00] =	vst v63  }
0x18f: {  	_ =	swait.ge [sflag:s23], $0x4000  }
0x190: {  	[sflag:s23] =	ssyncset.done $0x0  }
0x191: {  	[sflag:s23] =	ssyncadd.s32 $0xFFFFC000  }
0x192: {  	[bflag:$0x0] =	sbarrier.arrive $0xFFFF  }
0x193: {  	s22 =	rddreg [dreg:$0x7]  }
0x194: {  	[hbm:s22], [sflag:s6] =	dma.local [spmem:s7], $0x2800  }
0x195: {  	_ =	swait.ge [sflag:s23], $0x2800  }
0x196: {  	[sflag:s23] =	ssyncset.done $0x0  }
0x197: {  	s18 =	simm.s32 $0x0;
	[sflag:s23] =	ssyncadd.s32 $0xFFFFD800  }
0x198: {  	v0 =	vld [tilespmem:s18+$0x0]  }
0x199: {  	s19 =	simm.s32 $0x40  }
.LBB2_14:
0x19a: {  	p0 =	sne.s32 s19, $0x4FC0  }
.Ltmp6:
0x19b: {  	_ = 	snop;
	(pc) =	sbr.rel @p0 .LBB2_14-.Ltmp6, $4  }
0x19c: {  	_ = 	snop  }
0x19d: {  	s20 =	sshra.s32 s19, $0x2;
	s19 =	sadd.s32 $0x40, s19;
	v1 =	vshll.u32 v0, $0x2  }
0x19e: {  	v0 =	vld [tilespmem:s20+$0x0];
	v1 =	vor.u32 $0x3, v1  }
0x19f: {  	[tilespmem:s18+$0x2800] =	vst v1;
	s18 =	smov.u32 s20  }
0x1a0: {  	_ =	sdelay $0x2  }
0x1a1: {  	v0 =	vshll.u32 v0, $0x2  }
0x1a2: {  	v0 =	vor.u32 $0x3, v0  }
0x1a3: {  	[tilespmem:s18+$0x2800] =	vst v0  }
0x1a4: {  	[spmem:s7], [sflag:s6] =	dma.local [hbm:s5], $0x400  }
0x1a5: {  	_ =	swait.ge [sflag:s23], $0x400  }
0x1a6: {  	[sflag:s23] =	ssyncset.done $0x0  }
0x1a7: {  	[sflag:s23] =	ssyncadd.s32 $0xFFFFFC00  }
0x1a8: {  	[spmem:s9], [sflag:s6] =	dma.local [hbm:s5], $0x400  }
0x1a9: {  	_ =	swait.ge [sflag:s23], $0x400  }
0x1aa: {  	[sflag:s23] =	ssyncset.done $0x0  }
0x1ab: {  	[sflag:s23] =	ssyncadd.s32 $0xFFFFFC00  }
0x1ac: {  	[spmem:s10], [sflag:s6] =	dma.local [hbm:s5], $0x400  }
0x1ad: {  	_ =	swait.ge [sflag:s23], $0x400  }
0x1ae: {  	[sflag:s23] =	ssyncset.done $0x0  }
0x1af: {  	[sflag:s23] =	ssyncadd.s32 $0xFFFFFC00  }
0x1b0: {  	[spmem:s11], [sflag:s6] =	dma.local [hbm:s5], $0x400  }
0x1b1: {  	_ =	swait.ge [sflag:s23], $0x400  }
0x1b2: {  	[sflag:s23] =	ssyncset.done $0x0  }
0x1b3: {  	[sflag:s23] =	ssyncadd.s32 $0xFFFFFC00  }
0x1b4: {  	[spmem:s12], [sflag:s6] =	dma.local [hbm:s5], $0x400  }
0x1b5: {  	_ =	swait.ge [sflag:s23], $0x400  }
0x1b6: {  	[sflag:s23] =	ssyncset.done $0x0  }
0x1b7: {  	[sflag:s23] =	ssyncadd.s32 $0xFFFFFC00  }
0x1b8: {  	[spmem:s13], [sflag:s6] =	dma.local [hbm:s5], $0x400  }
0x1b9: {  	_ =	swait.ge [sflag:s23], $0x400  }
0x1ba: {  	[sflag:s23] =	ssyncset.done $0x0  }
0x1bb: {  	[sflag:s23] =	ssyncadd.s32 $0xFFFFFC00  }
0x1bc: {  	[spmem:s14], [sflag:s6] =	dma.local [hbm:s5], $0x400  }
0x1bd: {  	_ =	swait.ge [sflag:s23], $0x400  }
0x1be: {  	[sflag:s23] =	ssyncset.done $0x0  }
0x1bf: {  	[sflag:s23] =	ssyncadd.s32 $0xFFFFFC00  }
0x1c0: {  	[spmem:s15], [sflag:s6] =	dma.local [hbm:s5], $0x400  }
0x1c1: {  	_ =	swait.ge [sflag:s23], $0x400  }
0x1c2: {  	[sflag:s23] =	ssyncset.done $0x0  }
0x1c3: {  	[sflag:s23] =	ssyncadd.s32 $0xFFFFFC00  }
0x1c4: {  	[spmem:s16], [sflag:s6] =	dma.local [hbm:s5], $0x400  }
0x1c5: {  	_ =	swait.ge [sflag:s23], $0x400  }
0x1c6: {  	[sflag:s23] =	ssyncset.done $0x0  }
0x1c7: {  	[sflag:s23] =	ssyncadd.s32 $0xFFFFFC00  }
0x1c8: {  	[spmem:s17], [sflag:s6] =	dma.local [hbm:s5], $0x400  }
0x1c9: {  	_ =	swait.ge [sflag:s23], $0x400  }
0x1ca: {  	[sflag:s23] =	ssyncset.done $0x0  }
0x1cb: {  	[sflag:s23] =	ssyncadd.s32 $0xFFFFFC00  }
0x1cc: {  	[bflag:$0x0] =	sbarrier.arrive $0xFFFF  }
0x1cd: {  	[tilespmem:s28], [sflag:$0x1] =	stream.indirect.gather [hbm4b:s4+s25], $0x80, s26, s25, $0xb8;
	[tilespmem:$0x1FC00] =	vst v63  }
0x1ce: {  	s19 =	simm.s32 $0x2880  }
0x1cf: {  	[tilespmem:s29], [sflag:$0x2] =	stream.indirect.gather [hbm4b:s4+s25], $0x80, s19, s25, $0xb8;
	[tilespmem:$0x1FC00] =	vst v63  }
0x1d0: {  	_ =	swait.ge [sflag:s30], $0x4000  }
0x1d1: {  	[sflag:s30] =	ssyncset.done $0x0  }
0x1d2: {  	s20 =	simm.s32 $0x1400;
	[sflag:s30] =	ssyncadd.s32 $0xFFFFC000  }
0x1d3: {  	[spmem:s2] =	stream.indirect.scatter.add.f32 [tilespmem:s28], [sflag:$0x3], $0x80, s20, s25, $0xb8;
	[tilespmem:$0x1FC00] =	vst v63  }
0x1d4: {  	_ =	swait.ge [sflag:s23], $0x4000  }
0x1d5: {  	[sflag:s23] =	ssyncset.done $0x0  }
0x1d6: {  	s21 =	simm.s32 $0x2900;
	[sflag:s23] =	ssyncadd.s32 $0xFFFFC000  }
0x1d7: {  	[tilespmem:s28], [sflag:$0x1] =	stream.indirect.gather [hbm4b:s4+s25], $0x80, s21, s25, $0xb8;
	[tilespmem:$0x1FC00] =	vst v63  }
0x1d8: {  	_ =	swait.ge [sflag:s31], $0x4000  }
0x1d9: {  	[sflag:s31] =	ssyncset.done $0x0  }
0x1da: {  	s22 =	simm.s32 $0x1480;
	[sflag:s31] =	ssyncadd.s32 $0xFFFFC000  }
0x1db: {  	[spmem:s2] =	stream.indirect.scatter.add.f32 [tilespmem:s29], [sflag:$0x3], $0x80, s22, s25, $0xb8;
	[tilespmem:$0x1FC00] =	vst v63  }
0x1dc: {  	_ =	swait.ge [sflag:s23], $0x4000  }
0x1dd: {  	s9 =	simm.s32 $0x100;
	s10 =	simm.s32 $0x800;
	[sflag:s23] =	ssyncset.done $0x0  }
.LBB2_16:
0x1de: {  	s11 =	sadd.s32 $0x2880, s9  }
0x1df: {  	[sflag:s23] =	ssyncadd.s32 $0xFFFFC000;
	s12 =	smov.u32 s10;
	s13 =	sadd.s32 $0x400, s10  }
0x1e0: {  	[tilespmem:s29], [sflag:$0x2] =	stream.indirect.gather [hbm4b:s4+s25], $0x80, s11, s25, $0xb8;
	[tilespmem:$0x1FC00] =	vst v63  }
0x1e1: {  	p0 =	sne.s32 s10, $0x4800;
	_ =	swait.ge [sflag:s30], $0x4000  }
0x1e2: {  	[sflag:s30] =	ssyncset.done $0x0  }
0x1e3: {  	s10 =	sadd.s32 $0x1400, s9;
	[sflag:s30] =	ssyncadd.s32 $0xFFFFC000  }
0x1e4: {  	[spmem:s2] =	stream.indirect.scatter.add.f32 [tilespmem:s28], [sflag:$0x3], $0x80, s10, s25, $0xb8;
	[tilespmem:$0x1FC00] =	vst v63  }
0x1e5: {  	_ =	swait.ge [sflag:s23], $0x4000  }
0x1e6: {  	[sflag:s23] =	ssyncset.done $0x0  }
0x1e7: {  	s10 =	sadd.s32 $0x2900, s9;
	[sflag:s23] =	ssyncadd.s32 $0xFFFFC000  }
0x1e8: {  	[tilespmem:s28], [sflag:$0x1] =	stream.indirect.gather [hbm4b:s4+s25], $0x80, s10, s25, $0xb8;
	[tilespmem:$0x1FC00] =	vst v63  }
0x1e9: {  	_ =	swait.ge [sflag:s31], $0x4000  }
.Ltmp7:
0x1ea: {  	[sflag:s31] =	ssyncset.done $0x0;
	(pc) =	sbr.rel @p0 .LBB2_16-.Ltmp7, $4  }
0x1eb: {  	s9 =	sadd.s32 $0x1480, s9;
	[sflag:s31] =	ssyncadd.s32 $0xFFFFC000  }
0x1ec: {  	[spmem:s2] =	stream.indirect.scatter.add.f32 [tilespmem:s29], [sflag:$0x3], $0x80, s9, s25, $0xb8;
	[tilespmem:$0x1FC00] =	vst v63  }
0x1ed: {  	_ =	swait.ge [sflag:s23], $0x4000  }
0x1ee: {  	s10 =	smov.u32 s13;
	s9 =	sshra.s32 s12, $0x2;
	[sflag:s23] =	ssyncset.done $0x0  }
0x1ef: {  	s10 =	sadd.s32 $0x2880, s9;
	[sflag:s23] =	ssyncadd.s32 $0xFFFFC000  }
0x1f0: {  	[tilespmem:s29], [sflag:$0x2] =	stream.indirect.gather [hbm4b:s4+s25], $0x80, s10, s25, $0xb8;
	[tilespmem:$0x1FC00] =	vst v63  }
0x1f1: {  	_ =	swait.ge [sflag:s30], $0x4000  }
0x1f2: {  	[sflag:s30] =	ssyncset.done $0x0  }
0x1f3: {  	s18 =	sadd.s32 $0x1400, s9;
	[sflag:s30] =	ssyncadd.s32 $0xFFFFC000  }
0x1f4: {  	[spmem:s2] =	stream.indirect.scatter.add.f32 [tilespmem:s28], [sflag:$0x3], $0x80, s18, s25, $0xb8;
	[tilespmem:$0x1FC00] =	vst v63  }
0x1f5: {  	_ =	swait.ge [sflag:s23], $0x4000  }
0x1f6: {  	[sflag:s23] =	ssyncset.done $0x0  }
0x1f7: {  	s19 =	sadd.s32 $0x2900, s9;
	[sflag:s23] =	ssyncadd.s32 $0xFFFFC000  }
0x1f8: {  	[tilespmem:s28], [sflag:$0x1] =	stream.indirect.gather [hbm4b:s4+s25], $0x80, s19, s25, $0xb8;
	[tilespmem:$0x1FC00] =	vst v63  }
0x1f9: {  	_ =	swait.ge [sflag:s31], $0x4000  }
0x1fa: {  	[sflag:s31] =	ssyncset.done $0x0  }
0x1fb: {  	s20 =	sadd.s32 $0x1480, s9;
	[sflag:s31] =	ssyncadd.s32 $0xFFFFC000  }
0x1fc: {  	[spmem:s2] =	stream.indirect.scatter.add.f32 [tilespmem:s29], [sflag:$0x3], $0x80, s20, s25, $0xb8;
	[tilespmem:$0x1FC00] =	vst v63  }
0x1fd: {  	_ =	swait.ge [sflag:s23], $0x4000  }
0x1fe: {  	[sflag:s23] =	ssyncset.done $0x0  }
0x1ff: {  	[sflag:s23] =	ssyncadd.s32 $0xFFFFC000  }
0x200: {  	[tilespmem:s29], [sflag:$0x2] =	stream.indirect.gather [hbm4b:s4+s25], $0x80, s1, s25, $0xb8;
	[tilespmem:$0x1FC00] =	vst v63  }
0x201: {  	_ =	swait.ge [sflag:s30], $0x4000  }
0x202: {  	[sflag:s30] =	ssyncset.done $0x0  }
0x203: {  	[sflag:s30] =	ssyncadd.s32 $0xFFFFC000  }
0x204: {  	[spmem:s2] =	stream.indirect.scatter.add.f32 [tilespmem:s28], [sflag:$0x3], $0x80, s24, s25, $0xb8;
	[tilespmem:$0x1FC00] =	vst v63  }
0x205: {  	_ =	swait.ge [sflag:s23], $0x4000  }
0x206: {  	[sflag:s23] =	ssyncset.done $0x0  }
0x207: {  	[sflag:s23] =	ssyncadd.s32 $0xFFFFC000  }
0x208: {  	_ =	swait.ge [sflag:s31], $0x4000  }
0x209: {  	[sflag:s31] =	ssyncset.done $0x0  }
0x20a: {  	[sflag:s31] =	ssyncadd.s32 $0xFFFFC000  }
0x20b: {  	[spmem:s2] =	stream.indirect.scatter.add.f32 [tilespmem:s29], [sflag:$0x3], $0x80, s0, s25, $0xb8;
	[tilespmem:$0x1FC00] =	vst v63  }
0x20c: {  	_ =	swait.ge [sflag:s23], $0x4000  }
0x20d: {  	[sflag:s23] =	ssyncset.done $0x0  }
0x20e: {  	[sflag:s23] =	ssyncadd.s32 $0xFFFFC000  }
0x20f: {  	[bflag:$0x0] =	sbarrier.arrive $0xFFFF  }
0x210: {  	s21 =	rddreg [dreg:$0x8]  }
0x211: {  	[hbm:s21], [sflag:s6] =	dma.local [spmem:s7], $0x2800  }
0x212: {  	_ =	swait.ge [sflag:s23], $0x2800  }
0x213: {  	s3 =	sadd.s32 $0x1, s3;
	s22 =	rddreg [dreg:$0x9]  }
0x214: {  	p0 =	sne.s32 s3, s22  }
.Ltmp8:
0x215: {  	_ = 	snop;
	(pc) =	sbr.rel @p0 .LBB2_1-.Ltmp8, $3  }
0x216: {  	_ =	sdelay $0x1  }
0x217: {  	[sflag:s23] =	ssyncset.done $0x0  }
0x218: {  	[sflag:s23] =	ssyncadd.s32 $0xFFFFD800  }
0x219: {  	_ =	sfence.sel $0x180000  }
0x21a: {  	[bflag:$0x0] =	sbarrier.arrive $0xFFFF  }
0x21b: {  	_ =	strace $0x9000004D  }
0x21c: {  	s0 =	stileid.u32;
	[bflag:$0x2] =	sbarrier.arrive $0xFFFF  }
0x21d: {  	p0 =	sne.s32 s0, $0x0;
	s0 =	rddreg [dreg:$0x2]  }
0x21e: {  	s0 =	sadd.s32 @!p0 $0x100000, s0  }
0x21f: {  	[sflag:s0] =	ssyncadd.tile.s32 @!p0 $0x1;
	_ =	shalt  }
.Lfunc_end2:
_tile_overlayer_lowered:
.L_overlay_start_2:
0x220: {  	(tag) =	ssettag $0x2  }
0x221: {  	s0 =	rddreg [dreg:$0x0];
	s2 =	stileid.u32  }
0x222: {  	s1 =	rddreg [dreg:$0x1];
	p0 =	sne.s32 s2, $0x0  }
0x223: {  	s3 =	rddreg [dreg:$0x2];
	[bflag:$0x3] =	sbarrier.arrive $0xFFFF;
	s2 =	simm.s32 @!p0 $0x1C03  }
0x224: {  	[timem:s3], [sflag:s2] =	dma.local @!p0 [hbm:s0], s1  }
0x225: {  	s0 =	simm.s32 @!p0 $0x3  }
0x226: {  	_ =	swait.ge @!p0 [sflag:s0], s1  }
0x227: {  	s1 =	ssub.s32 @!p0 $0x0, s1;
	[sflag:s0] =	ssyncset.done @!p0 $0x0  }
0x228: {  	[sflag:s0] =	ssyncadd.s32 @!p0 s1  }
0x229: {  	[bflag:$0x3] =	sbarrier.arrive $0xFFFF  }
0x22a: {  	_ =	shalt  }

// kernel: kernel.7.cloned.1.call-start
scs
__scs_entry_jumppad:
0x0: {  	(pc) =	sbr.rel $0x88, $3  }
0x1: {  	(tag) =	ssettag $0x0;
	lr =	simm.s32 $0x1  }
0x2: {  	[smem:$0x3F8D] =	sst lr;
	_ =	strace $0xD0000000  }
0x3: {  	_ = 	snop  }
0x4: {  	_ = 	snop  }
0x5: {  	_ = 	snop  }
0x6: {  	_ = 	snop  }
0x7: {  	_ = 	snop  }
__scs_overlays_trampoline_lowered:
0x8: {  	[smem:$0x3F9C] =	sst s0  }
0x9: {  	[smem:$0x3F9D] =	sst s1  }
0xa: {  	[smem:$0x3F9E] =	sst s2  }
0xb: {  	[smem:$0x3F9F] =	sst s3  }
0xc: {  	[smem:$0x3FA0] =	sst s4  }
0xd: {  	[smem:$0x3FA1] =	sst s5  }
0xe: {  	[smem:$0x3FA2] =	sst s6  }
0xf: {  	[smem:$0x3FA3] =	sst s7  }
0x10: {  	[smem:$0x3FA4] =	sst s8  }
0x11: {  	[smem:$0x3FA5] =	sst s9;
	s0 =	simm.s32 @!p0 $0x0  }
0x12: {  	s1 =	sld [smem:$0x3F8B];
	s0 =	simm.s32 @p0 $0x1  }
0x13: {  	[smem:$0x3FA6] =	sst s0;
	s0 =	simm.s32 @!p1 $0x0  }
0x14: {  	s2 =	sld [smem:$0x3F8A];
	s0 =	simm.s32 @p1 $0x1  }
0x15: {  	[smem:$0x3FA7] =	sst s0;
	s0 =	simm.s32 @!p2 $0x0  }
0x16: {  	s3 =	sld [smem:$0x3FDB];
	s0 =	simm.s32 @p2 $0x1  }
0x17: {  	s4 =	simm.s32 $0x1BF5;
	[smem:$0x3FA9] =	sst s0  }
0x18: {  	s0 =	sld [smem:$0x3F8C];
	_ =	swait.ge [sflag:s4], $0x0  }
0x19: {  	s7 =	sld [smem:$0x3F8D]  }
0x1a: {  	s8 =	sadd.s32 $0xFFFFE003, lr  }
0x1b: {  	s9 =	sadd.s32 $0xFFFFFEF7, lr;
	s5 =	simm.s32 $0xFFFFFFFF;
	p2 =	slt.u32 s8, $0xFFFFF086  }
0x1c: {  	p1 =	slt.u32 s9, $0xF7A;
	s5 =	simm.s32 @!p2 $0x0  }
0x1d: {  	s5 =	simm.s32 @p1 $0x1;
	p0 =	seq.s32 s7, s2  }
0x1e: {  	s7 =	smul.u32 @!p0 $0xF7A, s2;
	p2 =	seq.s32 @!p0 s5, $0x0  }
0x1f: {  	s9 =	smul.u32 $0xF7A, s1;
	s8 =	simm.s32 @!p0 $0x1BF5;
	p2 =	por !p2, p0  }
0x20: {  	[sflag:s8] =	ssyncset.s32 @!p0 $0xFFFFF086;
	s6 =	sadd.s32 @!p0 s3, s7;
	s7 =	simm.s32 @!p0 $0x108  }
0x21: {  	s3 =	sadd.s32 s3, s9;
	s6 =	sadd.s32 @!p0 $0x88, s6;
	s7 =	simm.s32 @p2 $0x1082  }
0x22: {  	[simem:s7], [sflag:s8] =	dma.local @!p0 [hbm:s6], $0xF7A  }
0x23: {  	s9 =	sor.u32 $0xD0000000, s2;
	s6 =	simm.s32 $0x108;
	_ =	swait.ge @!p0 [sflag:s8], $0x0  }
0x24: {  	s3 =	sadd.s32 $0x88, s3;
	s6 =	simm.s32 @!p1 $0x1082;
	[sflag:s4] =	ssyncset.s32 $0xFFFFF086  }
0x25: {  	[simem:s6], [sflag:s4] =	dma.local [hbm:s3], $0xF7A  }
0x26: {  	[smem:$0x3F8D] =	sst s1;
	(tag) =	ssettag s2;
	_ =	strace s9  }
0x27: {  	s1 =	sld [smem:$0x3F9D]  }
0x28: {  	s2 =	sld [smem:$0x3F9E]  }
0x29: {  	s4 =	sld [smem:$0x3FA0]  }
0x2a: {  	p0 =	seq.s32 s5, $0x0;
	s5 =	sld [smem:$0x3FA1]  }
0x2b: {  	s6 =	sld [smem:$0x3FA2]  }
0x2c: {  	s7 =	sld [smem:$0x3FA3]  }
0x2d: {  	s3 =	simm.s32 $0x108;
	s8 =	sld [smem:$0x3FA4]  }
0x2e: {  	s3 =	simm.s32 @!p0 $0x1082;
	s9 =	sld [smem:$0x3FA5]  }
0x2f: {  	lr =	sadd.s32 s0, s3;
	s0 =	sld [smem:$0x3F9C]  }
0x30: {  	s3 =	sld [smem:$0x3F9F]  }
0x31: {  	[smem:$0x3FA8] =	sst s10  }
0x32: {  	s10 =	sld [smem:$0x3FA6];
	_ =	sdelay $0x3  }
0x33: {  	p0 =	seq.s32 s10, $0x1;
	s10 =	sld [smem:$0x3FA8];
	_ =	sdelay $0x3  }
0x34: {  	[smem:$0x3FA8] =	sst s10  }
0x35: {  	s10 =	sld [smem:$0x3FA7];
	_ =	sdelay $0x3  }
0x36: {  	p1 =	seq.s32 s10, $0x1;
	s10 =	sld [smem:$0x3FA8];
	_ =	sdelay $0x3  }
0x37: {  	[smem:$0x3FA8] =	sst s10  }
0x38: {  	s10 =	sld [smem:$0x3FA9]  }
0x39: {  	_ = 	snop;
	(pc) =	sbr.ind lr, $3  }
0x3a: {  	_ = 	snop  }
0x3b: {  	_ = 	snop  }
0x3c: {  	p2 =	seq.s32 s10, $0x1;
	s10 =	sld [smem:$0x3FA8]  }
0x3d: {  	_ =	shalt  }
0x3e: {  	_ =	shalt  }
0x3f: {  	_ =	shalt  }
0x40: {  	_ =	shalt  }
0x41: {  	_ =	shalt  }
0x42: {  	_ =	shalt  }
0x43: {  	_ =	shalt  }
0x44: {  	_ =	shalt  }
0x45: {  	_ =	shalt  }
0x46: {  	_ =	shalt  }
0x47: {  	_ =	shalt  }
0x48: {  	_ =	shalt  }
0x49: {  	_ =	shalt  }
0x4a: {  	_ =	shalt  }
0x4b: {  	_ =	shalt  }
0x4c: {  	_ =	shalt  }
0x4d: {  	_ =	shalt  }
0x4e: {  	_ =	shalt  }
0x4f: {  	_ =	shalt  }
0x50: {  	_ =	shalt  }
0x51: {  	_ =	shalt  }
0x52: {  	_ =	shalt  }
0x53: {  	_ =	shalt  }
0x54: {  	_ =	shalt  }
0x55: {  	_ =	shalt  }
0x56: {  	_ =	shalt  }
0x57: {  	_ =	shalt  }
0x58: {  	_ =	shalt  }
0x59: {  	_ =	shalt  }
0x5a: {  	_ =	shalt  }
0x5b: {  	_ =	shalt  }
0x5c: {  	_ =	shalt  }
0x5d: {  	_ =	shalt  }
0x5e: {  	_ =	shalt  }
0x5f: {  	_ =	shalt  }
0x60: {  	_ =	shalt  }
0x61: {  	_ =	shalt  }
0x62: {  	_ =	shalt  }
0x63: {  	_ =	shalt  }
0x64: {  	_ =	shalt  }
0x65: {  	_ =	shalt  }
0x66: {  	_ =	shalt  }
0x67: {  	_ =	shalt  }
0x68: {  	_ =	shalt  }
0x69: {  	_ =	shalt  }
0x6a: {  	_ =	shalt  }
0x6b: {  	_ =	shalt  }
0x6c: {  	_ =	shalt  }
0x6d: {  	_ =	shalt  }
0x6e: {  	_ =	shalt  }
0x6f: {  	_ =	shalt  }
0x70: {  	_ =	shalt  }
0x71: {  	_ =	shalt  }
0x72: {  	_ =	shalt  }
0x73: {  	_ =	shalt  }
0x74: {  	_ =	shalt  }
0x75: {  	_ =	shalt  }
0x76: {  	_ =	shalt  }
0x77: {  	_ =	shalt  }
0x78: {  	_ =	shalt  }
0x79: {  	_ =	shalt  }
0x7a: {  	_ =	shalt  }
0x7b: {  	_ =	shalt  }
0x7c: {  	_ =	shalt  }
0x7d: {  	_ =	shalt  }
0x7e: {  	_ =	shalt  }
0x7f: {  	_ =	shalt  }
0x80: {  	_ =	shalt  }
0x81: {  	_ =	shalt  }
0x82: {  	_ =	shalt  }
0x83: {  	_ =	shalt  }
0x84: {  	_ =	shalt  }
0x85: {  	_ =	shalt  }
0x86: {  	_ =	shalt  }
0x87: {  	_ =	shalt  }
.Lfunc_end0:
.L_simem_size_0:
called_computation_lowered:
.L_overlay_start_0:
0x88: {  	s2 =	sld [smem:$0x3FD9]  }
0x89: {  	s3 =	sld [smem:$0x3FFE];
	_ =	sdelay $0x1  }
0x8a: {  	s1 =	srdreg.scid  }
0x8b: {  	s0 =	sand.u32 $0x1, s1  }
0x8c: {  	s16 =	sshll.u32 s0, $0xA;
	s2 =	sadd.s32 s3, s2  }
0x8d: {  	s2 =	sadd.s32 s2, s16  }
0x8e: {  	[smem:$0x3FB4] =	sst s2  }
0x8f: {  	_ = 	snop  }
0x90: {  	(tm) =	ssettm $0x1  }
0x91: {  	s17 =	sld [smem:$0x3FFB];
	_ =	sdelay $0x3  }
0x92: {  	_ =	strace s17  }
0x93: {  	s2 =	sld [smem:$0x3FFC];
	_ =	sdelay $0x3  }
0x94: {  	_ =	strace s2  }
0x95: {  	s2 =	sld [smem:$0x3FFD];
	_ =	sdelay $0x3  }
0x96: {  	_ =	strace s2  }
0x97: {  	_ =	strace $0x8FFFFFFF  }
0x98: {  	s18 =	sld [smem:$0x3FDB];
	_ =	sdelay $0x1  }
0x99: {  	s19 =	simm.s32 $_scs_section_size  }
0x9a: {  	s4 =	simm.s32 $_size__tile_overlayer_lowered;
	s5 =	simm.s32 $_tile_overlayer_lowered  }
0x9b: {  	s22 =	simm.s32 $0x1BFF;
	s21 =	sshll.u32 s5, $0x1;
	s2 =	sadd.s32 s19, s18  }
0x9c: {  	s6 =	simm.s32 $0x0;
	s20 =	sshll.u32 s4, $0x1;
	s4 =	sadd.s32 s21, s2  }
0x9d: {  	[timem:s6], [sflag:s22] =	dma.local [hbm:s4], s20  }
0x9e: {  	_ =	swait.ge [sflag:s22], s20  }
0x9f: {  	s3 =	ssub.s32 $0x0, s20;
	[sflag:s22] =	ssyncset.done $0x0  }
0xa0: {  	[sflag:s22] =	ssyncadd.s32 s3;
	_ =	sdelay $0x1  }
0xa1: {  	s23 =	simm.s32 $0x1B8B  }
0xa2: {  	_ =	swait.ge [sflag:s23], $0x1  }
0xa3: {  	[sflag:s23] =	ssyncset.done $0x0  }
0xa4: {  	s25 =	simm.s32 $0x1B8E;
	s24 =	sld [smem:$0x3FFE];
	[sflag:s23] =	ssyncadd.s32 $0xFFFFFFFF  }
0xa5: {  	s26 =	simm.s32 $execute0_lowered;
	[smem:$0x3FD2] =	sst s25  }
0xa6: {  	s4 =	sshll.u32 s26, $0x1;
	_ =	strace $0x80000046;
	[dreg:$0x1] =	wrdreg $0xFFFFFFFF  }
0xa7: {  	s28 =	simm.s32 $_size_execute0_lowered;
	s2 =	sadd.s32 s2, s4;
	[dreg:$0x0] =	wrdreg $0x0  }
0xa8: {  	s4 =	sshll.u32 s28, $0x1;
	[dreg:$0x2] =	wrdreg s2  }
0xa9: {  	[dreg:$0x3] =	wrdreg s4  }
0xaa: {  	[dreg:$0x4] =	wrdreg $0xC0  }
0xab: {  	_ =	task [dreg:s6], $0x5FFFF  }
0xac: {  	[dreg:$0x1] =	wrdreg $0xFFFFFFFF  }
0xad: {  	[dreg:$0x0] =	wrdreg $0x60  }
0xae: {  	[dreg:$0x2] =	wrdreg s24  }
0xaf: {  	[dreg:$0x3] =	wrdreg $0x114000  }
0xb0: {  	[dreg:$0x4] =	wrdreg $0x74000  }
0xb1: {  	[dreg:$0x5] =	wrdreg $0x9  }
0xb2: {  	_ =	task.clear_ibuf [dreg:s6], $0x6FFFF;
	_ =	strace $0x90000046  }
0xb3: {  	s29 =	simm.s32 $0x9;
	_ =	strace $0x80000048  }
0xb4: {  	_ =	swait.ge [sflag:s29], $0x1  }
0xb5: {  	[sflag:s29] =	ssyncadd.s32 $0xFFFFFFFF  }
0xb6: {  	_ =	strace $0x90000048  }
0xb7: {  	_ =	sfence  }
0xb8: {  	s30 =	sld [smem:$0x0];
	_ =	sdelay $0x2  }
0xb9: {  	s31 =	sshll.u32 s1, $0xD;
	s1 =	sshrl.u32 s1, $0x2  }
0xba: {  	s3 =	sand.u32 $0x4000, s31;
	s1 =	sadd.s32 s1, s30  }
0xbb: {  	s0 =	sor.u32 s3, s0;
	s1 =	sshll.u32 s1, $0x11  }
0xbc: {  	s0 =	sor.u32 s1, s0  }
0xbd: {  	s0 =	sadd.s32 $0x8F2B, s0  }
0xbe: {  	[sflag:s0] =	ssyncadd.remote.s32 $0x1  }
0xbf: {  	_ =	sfence.sel $0xFFFF  }
0xc0: {  	[dreg:$0x0] =	wrdreg $0xFFFFFFFF;
	(pc) =	sbr.abs _section_cstart, $3  }
0xc1: {  	[dreg:$0x1] =	wrdreg $0xFFFFFFFF  }
0xc2: {  	_ =	task.clear_ibuf [dreg:s6], $0x2FFFF;
	_ =	strace $0x9FFFFFFF  }
0xc3: {  	(tm) =	ssettm $0x7FFFFFFF  }
tec
execute0_lowered:
.L_overlay_start_1:
0x0: {  	(tag) =	ssettag $0x1  }
0x1: {  	s0 =	srdreg.scid;
	s28 =	stileid.u32  }
0x2: {  	s2 =	rddreg [dreg:$0x0];
	s4 =	smul.u32 $0x500, s28  }
0x3: {  	s1 =	simm.s32 $0x0;
	s3 =	sand.u32 $0x1, s0;
	s0 =	smul.u32 $0xA000, s28  }
0x4: {  	s7 =	smul.u32 $0x14000, s28;
	[smem:$0x7FF] =	sst s1  }
0x5: {  	s26 =	sadd.s32 $0x13400, s2;
	s5 =	ssub.s32 $0x2, s3;
	s10 =	sshll.u32 s3, $0x7  }
0x6: {  	s11 =	sshll.u32 s3, $0x4;
	s6 =	sshrl.u32 s5, $0x1;
	s13 =	sor.u32 s10, s4  }
0x7: {  	s12 =	sor.u32 s10, s7;
	s4 =	sor.u32 $0x1000, s0;
	s7 =	sadd.s32 $0x4000, s0  }
0x8: {  	s22 =	sadd.s32 $0x7000, s0;
	s23 =	sadd.s32 $0x8000, s0;
	s24 =	sadd.s32 $0x9000, s0  }
0x9: {  	s11 =	sor.u32 s28, s11;
	s3 =	ssub.s32 s5, s6;
	s5 =	sadd.s32 $0x2000, s0  }
0xa: {  	s30 =	sshll.u32 s4, $0x1;
	s6 =	sadd.s32 $0x3000, s0;
	s17 =	sshll.u32 s7, $0x1  }
0xb: {  	s20 =	sshll.u32 s22, $0x1;
	s21 =	sshll.u32 s23, $0x1;
	s25 =	sshll.u32 s24, $0x1  }
0xc: {  	s11 =	smul.u32 $0x280, s11;
	s12 =	sshrl.u32 s12, $0x3;
	s13 =	sshrl.u32 s13, $0x3  }
0xd: {  	s8 =	sshll.u32 s5, $0x1;
	s14 =	sor.u32 s10, s30;
	s9 =	sshll.u32 s6, $0x1  }
0xe: {  	s17 =	sor.u32 s10, s17;
	s20 =	sor.u32 s10, s20;
	s21 =	sor.u32 s10, s21  }
0xf: {  	s25 =	sor.u32 s10, s25;
	s13 =	sadd.s32 s13, s2;
	s15 =	sor.u32 s10, s8  }
0x10: {  	s16 =	sor.u32 s10, s9;
	s8 =	sadd.s32 $0x5000, s0;
	s9 =	sadd.s32 $0x6000, s0  }
0x11: {  	s29 =	sshrl.u32 s14, $0x3;
	s11 =	sadd.s32 s11, s2;
	s18 =	sshll.u32 s8, $0x1  }
0x12: {  	s19 =	sshll.u32 s9, $0x1;
	s30 =	sshrl.u32 s15, $0x3;
	s14 =	sshrl.u32 s16, $0x3  }
0x13: {  	s18 =	sor.u32 s10, s18;
	s19 =	sor.u32 s10, s19;
	s10 =	sadd.s32 s26, s12  }
0x14: {  	s15 =	sshrl.u32 s17, $0x3;
	s12 =	sadd.s32 s26, s30;
	[dreg:$0x4] =	wrdreg s10  }
0x15: {  	s10 =	sadd.s32 s26, s29;
	[dreg:$0x6] =	wrdreg s12;
	s16 =	sshrl.u32 s18, $0x3  }
0x16: {  	s18 =	sshrl.u32 s19, $0x3;
	[dreg:$0x5] =	wrdreg s10;
	s10 =	sadd.s32 s26, s14  }
0x17: {  	s19 =	sshrl.u32 s20, $0x3;
	s17 =	sadd.s32 s26, s16;
	[dreg:$0x7] =	wrdreg s10  }
0x18: {  	s30 =	sadd.s32 $0x3B400, s13;
	s12 =	sadd.s32 s26, s19;
	[dreg:$0x9] =	wrdreg s17  }
0x19: {  	s20 =	sshrl.u32 s21, $0x3;
	s21 =	sshrl.u32 s25, $0x3;
	[dreg:$0xb] =	wrdreg s12  }
0x1a: {  	s25 =	smul.u32 $0xA00, s28;
	s14 =	sadd.s32 s26, s20;
	s12 =	rddreg [dreg:$0x2]  }
0x1b: {  	s29 =	sadd.s32 $0xE200, s11;
	s10 =	sadd.s32 s26, s15;
	[dreg:$0xc] =	wrdreg s14  }
0x1c: {  	s14 =	sadd.s32 s26, s21;
	s15 =	sadd.s32 $0x8C00, s2;
	[dreg:$0x8] =	wrdreg s10  }
0x1d: {  	s2 =	sadd.s32 $0x13200, s2;
	s10 =	sadd.s32 s26, s18;
	[dreg:$0xd] =	wrdreg s14  }
0x1e: {  	s26 =	smul.u32 $0x28000, s28;
	s14 =	sshrl.u32 s25, $0x2;
	s28 =	sadd.s32 $0x9200, s11  }
0x1f: {  	s11 =	sadd.s32 $0x3C00, s11;
	s0 =	sadd.s32 s0, s12;
	s13 =	sadd.s32 s4, s12  }
0x20: {  	s16 =	sadd.s32 s6, s12;
	s17 =	sadd.s32 s7, s12;
	[dreg:$0xa] =	wrdreg s10  }
0x21: {  	s18 =	sadd.s32 s8, s12;
	s19 =	sadd.s32 s9, s12;
	s10 =	rddreg [dreg:$0x1]  }
0x22: {  	s22 =	sadd.s32 s22, s12;
	_ =	strace $0x80000047;
	[dreg:$0xe] =	wrdreg s2  }
0x23: {  	s23 =	sadd.s32 s23, s12;
	s24 =	sadd.s32 s24, s12;
	[dreg:$0xf] =	wrdreg s28  }
0x24: {  	s0 =	sshrl.u32 s0, $0x3;
	s25 =	sshrl.u32 s13, $0x3;
	[dreg:$0x10] =	wrdreg s29  }
0x25: {  	s31 =	sshrl.u32 s19, $0x3;
	s9 =	sshrl.u32 s22, $0x3;
	[dreg:$0x11] =	wrdreg s11  }
0x26: {  	s19 =	simm.s32 $0x1;
	s22 =	simm.s32 $0x2;
	[dreg:$0x12] =	wrdreg s30  }
0x27: {  	s20 =	sadd.s32 s14, s10;
	s2 =	sshrl.u32 s26, $0x2;
	[dreg:$0x14] =	wrdreg s0  }
0x28: {  	s11 =	smax.u32 s3, $0x1;
	s14 =	sadd.s32 s5, s12;
	[dreg:$0x15] =	wrdreg s25  }
0x29: {  	s28 =	sshrl.u32 s16, $0x3;
	s29 =	sshrl.u32 s17, $0x3;
	s30 =	sshrl.u32 s18, $0x3  }
0x2a: {  	s0 =	sshrl.u32 s23, $0x3;
	s16 =	simm.s32 $0x3;
	[dreg:$0x13] =	wrdreg s11  }
0x2b: {  	s17 =	simm.s32 $0x6400;
	s18 =	simm.s32 $0x80;
	[dreg:$0x17] =	wrdreg s28  }
0x2c: {  	s23 =	simm.s32 $0x20;
	s25 =	simm.s32 $0x0;
	[dreg:$0x18] =	wrdreg s29  }
0x2d: {  	s21 =	sadd.s32 s2, s12;
	s26 =	sshrl.u32 s14, $0x3;
	[dreg:$0x19] =	wrdreg s30  }
0x2e: {  	s2 =	sshrl.u32 s24, $0x3;
	s24 =	simm.s32 $0x10;
	[dreg:$0x16] =	wrdreg s26  }
0x2f: {  	s3 =	sadd.s32 $0x1000, s21;
	s4 =	sadd.s32 $0x2000, s21;
	s5 =	sadd.s32 $0x3000, s21  }
0x30: {  	s6 =	sadd.s32 $0x4000, s21;
	s7 =	sadd.s32 $0x5000, s21;
	s8 =	sadd.s32 $0x6000, s21  }
0x31: {  	s11 =	sadd.s32 $0x7000, s21;
	s13 =	sadd.s32 $0x8000, s21;
	s14 =	sadd.s32 $0x9000, s21  }
.LBB2_1:
0x32: {  	s26 =	rddreg [dreg:$0xf]  }
0x33: {  	[tilespmem:s1], [sflag:$0x3] =	stream.linear.gather [hbm4b:s26+s1], $0x1400, $0x38;
	[tilespmem:$0x11680] =	vst v63  }
0x34: {  	_ =	swait.ge [sflag:s16], $0x1400  }
0x35: {  	[sflag:s16] =	ssyncset.done $0x0  }
0x36: {  	s28 =	simm.s32 $0x1400;
	s29 =	rddreg [dreg:$0x10];
	[sflag:s16] =	ssyncadd.s32 $0xFFFFEC00  }
0x37: {  	[tilespmem:s28], [sflag:$0x3] =	stream.linear.gather [hbm4b:s29+s1], $0x1400, $0x38;
	[tilespmem:$0x11680] =	vst v63  }
0x38: {  	_ =	swait.ge [sflag:s16], $0x1400  }
0x39: {  	[sflag:s16] =	ssyncset.done $0x0  }
0x3a: {  	s29 =	simm.s32 $0x2800;
	s30 =	rddreg [dreg:$0x11];
	[sflag:s16] =	ssyncadd.s32 $0xFFFFEC00  }
0x3b: {  	[tilespmem:s29], [sflag:$0x3] =	stream.linear.gather [hbm4b:s30+s1], $0x1400, $0x38;
	[tilespmem:$0x11680] =	vst v63  }
0x3c: {  	_ =	swait.ge [sflag:s16], $0x1400  }
0x3d: {  	[sflag:s16] =	ssyncset.done $0x0  }
0x3e: {  	s30 =	rddreg [dreg:$0xe];
	[sflag:s16] =	ssyncadd.s32 $0xFFFFEC00  }
0x3f: {  	[tilespmem:s17], [sflag:$0x3] =	stream.linear.gather [hbm4b:s30+s1], $0x1000, $0x38;
	[tilespmem:$0x11680] =	vst v63  }
0x40: {  	_ =	swait.ge [sflag:s16], $0x1000  }
0x41: {  	[sflag:s16] =	ssyncset.done $0x0  }
0x42: {  	s26 =	simm.s32 $0x0;
	[sflag:s16] =	ssyncadd.s32 $0xFFFFF000  }
.LBB2_2:
0x43: {  	p0 =	sne.s32 s26, $0x4E00  }
.Ltmp0:
0x44: {  	_ = 	snop;
	(pc) =	sbr.rel @p0 .LBB2_2-.Ltmp0, $4  }
0x45: {  	_ = 	snop  }
0x46: {  	s28 =	sshra.s32 s26, $0x2  }
0x47: {  	s26 =	sadd.s32 $0x200, s26;
	s29 =	sadd.s32 $0x5000, s28;
	s28 =	sadd.s32 $0x1400, s28  }
0x48: {  	[tilespmem:s29], [sflag:$0x1] =	stream.indirect.gather [hbm4b:s15+s18], $0x1, s28, s18, $0xb8;
	[tilespmem:$0x11680] =	vst v63  }
0x49: {  	s26 =	simm.s32 $0x28  }
.LBB2_4:
0x4a: {  	p0 =	sne.s32 s26, $0x1  }
.Ltmp1:
0x4b: {  	_ = 	snop;
	(pc) =	sbr.rel @p0 .LBB2_4-.Ltmp1, $4  }
0x4c: {  	_ = 	snop  }
0x4d: {  	_ =	swait.ge [sflag:s19], $0x80  }
0x4e: {  	[sflag:s19] =	ssyncset.done $0x0  }
0x4f: {  	s26 =	sadd.s32 $0xFFFFFFFF, s26;
	[sflag:s19] =	ssyncadd.s32 $0xFFFFFF80  }
0x50: {  	s26 =	simm.s32 $0x0  }
0x51: {  	v0 =	vld [tilespmem:s26+$0x5000]  }
0x52: {  	s28 =	simm.s32 $0x40;
	v1 =	vld [tilespmem:s26+$0x0]  }
.LBB2_6:
0x53: {  	_ = 	snop  }
0x54: {  	p0 =	sne.s32 s28, $0x4FC0  }
.Ltmp2:
0x55: {  	_ = 	snop;
	(pc) =	sbr.rel @p0 .LBB2_6-.Ltmp2, $4  }
0x56: {  	v2 =	vmul.u32 $0x2800, v0  }
0x57: {  	s29 =	sshra.s32 s28, $0x2  }
0x58: {  	v0 =	vld [tilespmem:s29+$0x5000];
	v2 =	vadd.s32 v1, v2  }
0x59: {  	s28 =	sadd.s32 $0x40, s28;
	v1 =	vld [tilespmem:s29+$0x0];
	[tilespmem:s26+$0x3C00] =	vst v2;
	s26 =	smov.u32 s29  }
0x5a: {  	_ =	sdelay $0x2  }
0x5b: {  	v0 =	vmul.u32 $0x2800, v0;
	_ =	sdelay $0x1  }
0x5c: {  	v0 =	vadd.s32 v1, v0  }
0x5d: {  	[tilespmem:s26+$0x3C00] =	vst v0  }
0x5e: {  	[spmem:s20] =	stream.linear.scatter [tilespmem:s17], [sflag:$0x3], $0x280, $0x38;
	[tilespmem:$0x11680] =	vst v63  }
0x5f: {  	_ =	swait.ge [sflag:s16], $0x280  }
0x60: {  	[sflag:s16] =	ssyncset.done $0x0  }
0x61: {  	[sflag:s16] =	ssyncadd.s32 $0xFFFFFD80  }
0x62: {  	[spmem:s21] =	stream.linear.scatter [tilespmem:s17], [sflag:$0x3], $0x1000, $0x38;
	[tilespmem:$0x11680] =	vst v63  }
0x63: {  	_ =	swait.ge [sflag:s16], $0x1000  }
0x64: {  	[sflag:s16] =	ssyncset.done $0x0  }
0x65: {  	[sflag:s16] =	ssyncadd.s32 $0xFFFFF000  }
0x66: {  	[spmem:s3] =	stream.linear.scatter [tilespmem:s17], [sflag:$0x3], $0x1000, $0x38;
	[tilespmem:$0x11680] =	vst v63  }
0x67: {  	_ =	swait.ge [sflag:s16], $0x1000  }
0x68: {  	[sflag:s16] =	ssyncset.done $0x0  }
0x69: {  	[sflag:s16] =	ssyncadd.s32 $0xFFFFF000  }
0x6a: {  	[spmem:s4] =	stream.linear.scatter [tilespmem:s17], [sflag:$0x3], $0x1000, $0x38;
	[tilespmem:$0x11680] =	vst v63  }
0x6b: {  	_ =	swait.ge [sflag:s16], $0x1000  }
0x6c: {  	[sflag:s16] =	ssyncset.done $0x0  }
0x6d: {  	[sflag:s16] =	ssyncadd.s32 $0xFFFFF000  }
0x6e: {  	[spmem:s5] =	stream.linear.scatter [tilespmem:s17], [sflag:$0x3], $0x1000, $0x38;
	[tilespmem:$0x11680] =	vst v63  }
0x6f: {  	_ =	swait.ge [sflag:s16], $0x1000  }
0x70: {  	[sflag:s16] =	ssyncset.done $0x0  }
0x71: {  	[sflag:s16] =	ssyncadd.s32 $0xFFFFF000  }
0x72: {  	[spmem:s6] =	stream.linear.scatter [tilespmem:s17], [sflag:$0x3], $0x1000, $0x38;
	[tilespmem:$0x11680] =	vst v63  }
0x73: {  	_ =	swait.ge [sflag:s16], $0x1000  }
0x74: {  	[sflag:s16] =	ssyncset.done $0x0  }
0x75: {  	[sflag:s16] =	ssyncadd.s32 $0xFFFFF000  }
0x76: {  	[spmem:s7] =	stream.linear.scatter [tilespmem:s17], [sflag:$0x3], $0x1000, $0x38;
	[tilespmem:$0x11680] =	vst v63  }
0x77: {  	_ =	swait.ge [sflag:s16], $0x1000  }
0x78: {  	[sflag:s16] =	ssyncset.done $0x0  }
0x79: {  	[sflag:s16] =	ssyncadd.s32 $0xFFFFF000  }
0x7a: {  	[spmem:s8] =	stream.linear.scatter [tilespmem:s17], [sflag:$0x3], $0x1000, $0x38;
	[tilespmem:$0x11680] =	vst v63  }
0x7b: {  	_ =	swait.ge [sflag:s16], $0x1000  }
0x7c: {  	[sflag:s16] =	ssyncset.done $0x0  }
0x7d: {  	[sflag:s16] =	ssyncadd.s32 $0xFFFFF000  }
0x7e: {  	[spmem:s11] =	stream.linear.scatter [tilespmem:s17], [sflag:$0x3], $0x1000, $0x38;
	[tilespmem:$0x11680] =	vst v63  }
0x7f: {  	_ =	swait.ge [sflag:s16], $0x1000  }
0x80: {  	[sflag:s16] =	ssyncset.done $0x0  }
0x81: {  	[sflag:s16] =	ssyncadd.s32 $0xFFFFF000  }
0x82: {  	[spmem:s13] =	stream.linear.scatter [tilespmem:s17], [sflag:$0x3], $0x1000, $0x38;
	[tilespmem:$0x11680] =	vst v63  }
0x83: {  	_ =	swait.ge [sflag:s16], $0x1000  }
0x84: {  	[sflag:s16] =	ssyncset.done $0x0  }
0x85: {  	[sflag:s16] =	ssyncadd.s32 $0xFFFFF000  }
0x86: {  	[spmem:s14] =	stream.linear.scatter [tilespmem:s17], [sflag:$0x3], $0x1000, $0x38;
	[tilespmem:$0x11680] =	vst v63  }
0x87: {  	_ =	swait.ge [sflag:s16], $0x1000  }
0x88: {  	[sflag:s16] =	ssyncset.done $0x0  }
0x89: {  	s28 =	simm.s32 $0x2800;
	s30 =	simm.s32 $0x1400;
	[sflag:s16] =	ssyncadd.s32 $0xFFFFF000  }
0x8a: {  	s29 =	simm.s32 $0x3C00;
	s26 =	simm.s32 $0x200;
	[bflag:$0x0] =	sbarrier.arrive $0xFFFF  }
0x8b: {  	[spmem:s10] =	stream.indirect.scatter.add.f32 [tilespmem:s28], [sflag:$0x1], $0x1, s30, s18, $0xb8;
	[tilespmem:$0x11680] =	vst v63  }
.LBB2_8:
0x8c: {  	[spmem:s12] =	stream.indirect.scatter.add.f32 [tilespmem:s28], [sflag:$0x2], $0x1, s29, s18, $0xb8;
	[tilespmem:$0x11680] =	vst v63  }
0x8d: {  	s28 =	smov.u32 s26;
	p0 =	sne.s32 s26, $0x4E00  }
.Ltmp3:
0x8e: {  	s26 =	sadd.s32 $0x200, s26;
	(pc) =	sbr.rel @p0 .LBB2_8-.Ltmp3, $4  }
0x8f: {  	s29 =	sshra.s32 s28, $0x2  }
0x90: {  	s28 =	sadd.s32 $0x2800, s29;
	s30 =	sadd.s32 $0x1400, s29  }
0x91: {  	[spmem:s10] =	stream.indirect.scatter.add.f32 [tilespmem:s28], [sflag:$0x1], $0x1, s30, s18, $0xb8;
	[tilespmem:$0x11680] =	vst v63  }
0x92: {  	s29 =	sadd.s32 $0x3C00, s29  }
0x93: {  	[spmem:s12] =	stream.indirect.scatter.add.f32 [tilespmem:s28], [sflag:$0x2], $0x1, s29, s18, $0xb8;
	[tilespmem:$0x11680] =	vst v63  }
0x94: {  	_ =	swait.ge [sflag:s19], $0x80  }
0x95: {  	[sflag:s19] =	ssyncset.done $0x0  }
0x96: {  	[sflag:s19] =	ssyncadd.s32 $0xFFFFFF80  }
0x97: {  	_ =	swait.ge [sflag:s22], $0x80  }
0x98: {  	s26 =	simm.s32 $0x27;
	[sflag:s22] =	ssyncset.done $0x0  }
.LBB2_10:
0x99: {  	p0 =	sne.s32 s26, $0x1;
	s26 =	sadd.s32 $0xFFFFFFFF, s26;
	[sflag:s22] =	ssyncadd.s32 $0xFFFFFF80  }
.Ltmp4:
0x9a: {  	_ =	swait.ge [sflag:s19], $0x80;
	(pc) =	sbr.rel @p0 .LBB2_10-.Ltmp4, $4  }
0x9b: {  	[sflag:s19] =	ssyncset.done $0x0  }
0x9c: {  	[sflag:s19] =	ssyncadd.s32 $0xFFFFFF80  }
0x9d: {  	_ =	swait.ge [sflag:s22], $0x80  }
0x9e: {  	[sflag:s22] =	ssyncset.done $0x0  }
0x9f: {  	[sflag:s22] =	ssyncadd.s32 $0xFFFFFF80;
	s26 =	stileid.u32  }
0xa0: {  	s26 =	sshll.u32 s26, $0x6;
	[bflag:$0x0] =	sbarrier.arrive $0xFFFF  }
0xa1: {  	s28 =	sshrl.u32 s20, $0x3;
	s26 =	sor.u32 $0x1C03, s26;
	s29 =	rddreg [dreg:$0x12]  }
0xa2: {  	[hbm:s29@s23], [sflag:s26] =	dma.strided [spmem:s28@s24], $0x50, s19, $0x10   }
0xa3: {  	_ =	swait.ge [sflag:s16], $0x50  }
0xa4: {  	[sflag:s16] =	ssyncset.done $0x0;
	s28 =	rddreg [dreg:$0x4]  }
0xa5: {  	s30 =	rddreg [dreg:$0x14];
	[sflag:s16] =	ssyncadd.s32 $0xFFFFFFB0  }
0xa6: {  	[hbm:s28@s23], [sflag:s26] =	dma.strided [spmem:s30@s24], $0x200, s19, $0x10   }
0xa7: {  	_ =	swait.ge [sflag:s16], $0x200  }
0xa8: {  	[sflag:s16] =	ssyncset.done $0x0;
	s28 =	rddreg [dreg:$0x5]  }
0xa9: {  	s30 =	rddreg [dreg:$0x15];
	[sflag:s16] =	ssyncadd.s32 $0xFFFFFE00  }
0xaa: {  	[hbm:s28@s23], [sflag:s26] =	dma.strided [spmem:s30@s24], $0x200, s19, $0x10   }
0xab: {  	_ =	swait.ge [sflag:s16], $0x200  }
0xac: {  	[sflag:s16] =	ssyncset.done $0x0;
	s28 =	rddreg [dreg:$0x6]  }
0xad: {  	s30 =	rddreg [dreg:$0x16];
	[sflag:s16] =	ssyncadd.s32 $0xFFFFFE00  }
0xae: {  	[hbm:s28@s23], [sflag:s26] =	dma.strided [spmem:s30@s24], $0x200, s19, $0x10   }
0xaf: {  	_ =	swait.ge [sflag:s16], $0x200  }
0xb0: {  	[sflag:s16] =	ssyncset.done $0x0;
	s28 =	rddreg [dreg:$0x7]  }
0xb1: {  	s30 =	rddreg [dreg:$0x17];
	[sflag:s16] =	ssyncadd.s32 $0xFFFFFE00  }
0xb2: {  	[hbm:s28@s23], [sflag:s26] =	dma.strided [spmem:s30@s24], $0x200, s19, $0x10   }
0xb3: {  	_ =	swait.ge [sflag:s16], $0x200  }
0xb4: {  	[sflag:s16] =	ssyncset.done $0x0;
	s28 =	rddreg [dreg:$0x8]  }
0xb5: {  	s30 =	rddreg [dreg:$0x18];
	[sflag:s16] =	ssyncadd.s32 $0xFFFFFE00  }
0xb6: {  	[hbm:s28@s23], [sflag:s26] =	dma.strided [spmem:s30@s24], $0x200, s19, $0x10   }
0xb7: {  	_ =	swait.ge [sflag:s16], $0x200  }
0xb8: {  	[sflag:s16] =	ssyncset.done $0x0;
	s28 =	rddreg [dreg:$0x9]  }
0xb9: {  	s30 =	rddreg [dreg:$0x19];
	[sflag:s16] =	ssyncadd.s32 $0xFFFFFE00  }
0xba: {  	[hbm:s28@s23], [sflag:s26] =	dma.strided [spmem:s30@s24], $0x200, s19, $0x10   }
0xbb: {  	_ =	swait.ge [sflag:s16], $0x200  }
0xbc: {  	[sflag:s16] =	ssyncset.done $0x0  }
0xbd: {  	s30 =	rddreg [dreg:$0xa];
	[sflag:s16] =	ssyncadd.s32 $0xFFFFFE00  }
0xbe: {  	[hbm:s30@s23], [sflag:s26] =	dma.strided [spmem:s31@s24], $0x200, s19, $0x10   }
0xbf: {  	_ =	swait.ge [sflag:s16], $0x200  }
0xc0: {  	[sflag:s16] =	ssyncset.done $0x0  }
0xc1: {  	s29 =	rddreg [dreg:$0xb];
	[sflag:s16] =	ssyncadd.s32 $0xFFFFFE00  }
0xc2: {  	[hbm:s29@s23], [sflag:s26] =	dma.strided [spmem:s9@s24], $0x200, s19, $0x10   }
0xc3: {  	_ =	swait.ge [sflag:s16], $0x200  }
0xc4: {  	[sflag:s16] =	ssyncset.done $0x0  }
0xc5: {  	s30 =	rddreg [dreg:$0xc];
	[sflag:s16] =	ssyncadd.s32 $0xFFFFFE00  }
0xc6: {  	[hbm:s30@s23], [sflag:s26] =	dma.strided [spmem:s0@s24], $0x200, s19, $0x10   }
0xc7: {  	_ =	swait.ge [sflag:s16], $0x200  }
0xc8: {  	[sflag:s16] =	ssyncset.done $0x0  }
0xc9: {  	s29 =	rddreg [dreg:$0xd];
	[sflag:s16] =	ssyncadd.s32 $0xFFFFFE00  }
0xca: {  	[hbm:s29@s23], [sflag:s26] =	dma.strided [spmem:s2@s24], $0x200, s19, $0x10   }
0xcb: {  	_ =	swait.ge [sflag:s16], $0x200  }
0xcc: {  	s25 =	sadd.s32 $0x1, s25;
	s30 =	rddreg [dreg:$0x13]  }
0xcd: {  	p0 =	sne.s32 s25, s30  }
.Ltmp5:
0xce: {  	_ = 	snop;
	(pc) =	sbr.rel @p0 .LBB2_1-.Ltmp5, $3  }
0xcf: {  	_ =	sdelay $0x1  }
0xd0: {  	[sflag:s16] =	ssyncset.done $0x0  }
0xd1: {  	[sflag:s16] =	ssyncadd.s32 $0xFFFFFE00  }
0xd2: {  	_ =	sfence.sel $0x180000  }
0xd3: {  	[bflag:$0x0] =	sbarrier.arrive $0xFFFF  }
0xd4: {  	_ =	strace $0x90000047  }
0xd5: {  	s0 =	stileid.u32;
	[bflag:$0x2] =	sbarrier.arrive $0xFFFF  }
0xd6: {  	p0 =	sne.s32 s0, $0x0;
	s0 =	rddreg [dreg:$0x3]  }
0xd7: {  	s0 =	sadd.s32 @!p0 $0x100000, s0  }
0xd8: {  	[sflag:s0] =	ssyncadd.tile.s32 @!p0 $0x1;
	_ =	shalt  }
.Lfunc_end2:
_tile_overlayer_lowered:
.L_overlay_start_2:
0xd9: {  	(tag) =	ssettag $0x2  }
0xda: {  	s0 =	rddreg [dreg:$0x0];
	s2 =	stileid.u32  }
0xdb: {  	s1 =	rddreg [dreg:$0x1];
	p0 =	sne.s32 s2, $0x0  }
0xdc: {  	s3 =	rddreg [dreg:$0x2];
	[bflag:$0x3] =	sbarrier.arrive $0xFFFF;
	s2 =	simm.s32 @!p0 $0x1C03  }
0xdd: {  	[timem:s3], [sflag:s2] =	dma.local @!p0 [hbm:s0], s1  }
0xde: {  	s0 =	simm.s32 @!p0 $0x3  }
0xdf: {  	_ =	swait.ge @!p0 [sflag:s0], s1  }
0xe0: {  	s1 =	ssub.s32 @!p0 $0x0, s1;
	[sflag:s0] =	ssyncset.done @!p0 $0x0  }
0xe1: {  	[sflag:s0] =	ssyncadd.s32 @!p0 s1  }
0xe2: {  	[bflag:$0x3] =	sbarrier.arrive $0xFFFF  }
0xe3: {  	_ =	shalt  }

</sc_bundles>
